<compile_context>
chip_gen: v7x
topology: tpu7x:2x2x1
jax: 0.10.2.dev20260603
libtpu: 0.0.44.dev20260713+nightly
codegen_flags: <defaults>
</compile_context>

<pallas_src>
import functools

import jax
import jax.numpy as jnp
from jax import lax
from jax.experimental import pallas as pl
from jax.experimental.pallas import tpu as pltpu
from jax.experimental.pallas import tpu_sc as plsc

N = 2048
D = 768
E = 8
TOPK = 4
HID = 768
SHID = 2 * 768

TILE = 256
GT = 256
NPAD = N * TOPK + E * GT
NT_G = NPAD // GT
NT_G_PAD = ((NT_G + 15) // 16) * 16
ML = 2 * NT_G_PAD + 16

NC = 2
NS = 16
NW = NC * NS
TPW = N // NW
CPW = TPW // 16
NCHUNK = N // 16


def _silu(v):
    return v * jax.nn.sigmoid(v)


def _pre_body(x_ref, W0_ref, b0_ref, Wsg0_ref, bsg0_ref, Wg_ref,
              h_ref, comb_ref, hp_ref):
    x = x_ref[...]
    t0 = jnp.dot(x, W0_ref[...], preferred_element_type=jnp.float32) + b0_ref[...]
    z = jnp.dot(t0, Wsg0_ref[...], preferred_element_type=jnp.float32) + bsg0_ref[...]
    h = z[:, :D] * _silu(z[:, D:])
    h_ref[...] = h
    hp_ref[...] = pltpu.pack_elementwise([h[:, :D // 2], h[:, D // 2:]],
                                         packed_dtype=jnp.bfloat16)

    logits = jnp.dot(h, Wg_ref[...], preferred_element_type=jnp.float32)
    m = jnp.max(logits, axis=-1, keepdims=True)
    p = jnp.exp(logits - m)
    s = p / jnp.sum(p, axis=-1, keepdims=True)
    col = lax.broadcasted_iota(jnp.int32, (TILE, E), 1)
    rank = jnp.zeros((TILE, E), jnp.int32)
    for j in range(E):
        sj = s[:, j:j + 1]
        rank = rank + (sj > s).astype(jnp.int32) \
                    + ((sj == s) & (j < col)).astype(jnp.int32)
    comb_ref[...] = jnp.where(rank < TOPK, s, 0.0)


def _shared_body(h_ref, Ws1_ref, Ws3_ref, Ws2_ref, S_ref):
    h = h_ref[...]
    z1 = jnp.dot(h, Ws1_ref[...], preferred_element_type=jnp.float32)
    z3 = jnp.dot(h, Ws3_ref[...], preferred_element_type=jnp.float32)
    S_ref[...] = jnp.dot(_silu(z1) * z3, Ws2_ref[...],
                         preferred_element_type=jnp.float32)


def _sc_dispatch_body(comb_hbm, h_hbm,
                      hs_hbm, posT_hbm, wT_hbm, texp_hbm,
                      comb_v, pos_v, w_v, texp_v, h_v, sem):
    wid = lax.axis_index("s") * NC + lax.axis_index("c")
    base = wid * TPW
    lanes = lax.iota(jnp.int32, 16)
    zeros_i = jnp.zeros((16,), jnp.int32)

    pltpu.sync_copy(comb_hbm, comb_v)

    my_c0 = wid * CPW

    def scan_body(c, carry):
        vsum, vpre = carry
        tok = c * 16 + lanes
        on = (c < my_c0).astype(jnp.int32)
        new_sum = []
        new_pre = []
        for e in range(E):
            v = plsc.load_gather(comb_v, [tok * E + e])
            sel = (v > 0.0).astype(jnp.int32)
            new_sum.append(vsum[e] + sel)
            new_pre.append(vpre[e] + sel * on)
        return tuple(new_sum), tuple(new_pre)

    vsum0 = tuple(zeros_i for _ in range(E))
    vpre0 = tuple(zeros_i for _ in range(E))
    vsum, vpre = lax.fori_loop(0, NCHUNK, scan_body, (vsum0, vpre0))

    totals = [jnp.sum(vsum[e]) for e in range(E)]
    prefix = [jnp.sum(vpre[e]) for e in range(E)]

    off = []
    acc = jnp.int32(0)
    for e in range(E):
        off.append(acc)
        padded = ((totals[e] + (GT - 1)) // GT) * GT
        acc = acc + padded
    my_base = [off[e] + prefix[e] for e in range(E)]

    @pl.when(wid == 0)
    def _write_texp():
        nonempty = [(totals[e] > 0).astype(jnp.int32) for e in range(E)]
        for cidx in range(NT_G_PAD // 16):
            tvec = lanes + 16 * cidx
            cnt = jnp.zeros((16,), jnp.int32)
            gcnt = jnp.zeros((16,), jnp.int32)
            for e in range(E):
                hit = (tvec >= (off[e] // GT)).astype(jnp.int32)
                cnt = cnt + hit
                gcnt = gcnt + hit * nonempty[e]
            texp_v[pl.ds(cidx * 16, 16)] = jnp.minimum(cnt - 1, E - 1)
            texp_v[pl.ds(NT_G_PAD + cidx * 16, 16)] = jnp.maximum(gcnt - 1, 0)
        eord = jnp.zeros((16,), jnp.int32)
        ordc = jnp.int32(0)
        for e in range(E):
            eord = eord + e * ((lanes == ordc) & (nonempty[e] > 0)).astype(jnp.int32)
            ordc = ordc + nonempty[e]
        texp_v[pl.ds(2 * NT_G_PAD, 16)] = eord
        pltpu.sync_copy(texp_v, texp_hbm)

    for k in range(TOPK):
        for cc in range(CPW):
            pos_v[k, pl.ds(cc * 16, 16)] = jnp.full((16,), NPAD - 1, jnp.int32)
            w_v[k, pl.ds(cc * 16, 16)] = jnp.zeros((16,), jnp.float32)

    cur = list(my_base)
    for c in range(CPW):
        tok_local = c * 16 + lanes
        tok = base + tok_local
        kcount = zeros_i
        for e in range(E):
            v = plsc.load_gather(comb_v, [tok * E + e])
            sel = v > 0.0
            seli = sel.astype(jnp.int32)
            incl = plsc.cumsum(seli)
            dest = cur[e] + (incl - seli)
            plsc.store_scatter(pos_v, [kcount, tok_local], dest, mask=sel)
            plsc.store_scatter(w_v, [kcount, tok_local], v, mask=sel)
            kcount = kcount + seli
            cur[e] = cur[e] + jnp.sum(seli)

    for k in range(TOPK):
        pltpu.sync_copy(pos_v.at[k], posT_hbm.at[k, pl.ds(base, TPW)])
        pltpu.sync_copy(w_v.at[k], wT_hbm.at[k, pl.ds(base, TPW)])

    pltpu.sync_copy(h_hbm.at[pl.ds(base, TPW)], h_v)
    copies = [pltpu.async_copy(h_v, hs_hbm.at[pos_v.at[k]], sem)
              for k in range(TOPK)]
    for cp in copies:
        cp.wait()


def _sc_combine_body(eo_hbm, posT_hbm, g_hbm, idx_v, buf_v, sem):
    wid = lax.axis_index("s") * NC + lax.axis_index("c")
    base = wid * TPW
    for k in range(TOPK):
        pltpu.sync_copy(posT_hbm.at[k, pl.ds(base, TPW)], idx_v.at[k])
    for k in range(TOPK):
        pltpu.async_copy(eo_hbm.at[idx_v.at[k]], buf_v, sem).wait()
        pltpu.sync_copy(buf_v, g_hbm.at[k, pl.ds(base, TPW)])


def _group_body(meta_ref, hs_ref, We1_hbm, We3_hbm, We2_hbm, eo_ref,
                w1b, w3b, w2b, sems):
    t = pl.program_id(0)
    g = meta_ref[NT_G_PAD + t]
    slot = lax.rem(g, 2)
    gprev = meta_ref[NT_G_PAD + jnp.maximum(t - 1, 0)]
    first = g != gprev

    def _copies(o, s):
        eidx = meta_ref[2 * NT_G_PAD + jnp.minimum(o, 15)]
        return [pltpu.make_async_copy(We1_hbm.at[eidx], w1b.at[s], sems.at[0, s]),
                pltpu.make_async_copy(We3_hbm.at[eidx], w3b.at[s], sems.at[1, s]),
                pltpu.make_async_copy(We2_hbm.at[eidx], w2b.at[s], sems.at[2, s])]

    @pl.when(t == 0)
    def _prime():
        for cp in _copies(0, 0):
            cp.start()
        for cp in _copies(1, 1):
            cp.start()
        for cp in _copies(0, 0):
            cp.wait()

    @pl.when(jnp.logical_and(first, t > 0))
    def _advance():
        for cp in _copies(g, slot):
            cp.wait()
        for cp in _copies(g + 1, 1 - slot):
            cp.start()

    hsp = hs_ref[...]
    lo = pltpu.unpack_elementwise(hsp, index=0, packed_dtype=jnp.bfloat16,
                                  unpacked_dtype=jnp.float32)
    hi = pltpu.unpack_elementwise(hsp, index=1, packed_dtype=jnp.bfloat16,
                                  unpacked_dtype=jnp.float32)
    hs = jnp.concatenate([lo, hi], axis=1)
    h1 = jnp.dot(hs, w1b[slot], preferred_element_type=jnp.float32)
    h3 = jnp.dot(hs, w3b[slot], preferred_element_type=jnp.float32)
    r = jnp.dot(_silu(h1) * h3, w2b[slot], preferred_element_type=jnp.float32)
    eo_ref[...] = pltpu.pack_elementwise([r[:, :D // 2], r[:, D // 2:]],
                                         packed_dtype=jnp.bfloat16)

    @pl.when(t == NT_G - 1)
    def _drain():
        for cp in _copies(g + 1, 1 - slot):
            cp.wait()


def _post_body(g_ref, wT_ref, Sa_ref, Sb_ref, W1_ref, b1_ref, Wsg1_ref,
               bsg1_ref, W2_ref, b2_ref, Wsg2_ref, bsg2_ref, out_ref):
    y = Sa_ref[...] + Sb_ref[...]
    wcols = jnp.transpose(wT_ref[...])
    for k in range(TOPK):
        wk = wcols[:, k:k + 1]
        gp = g_ref[k]
        gk = jnp.concatenate(
            [pltpu.unpack_elementwise(gp, index=0, packed_dtype=jnp.bfloat16,
                                      unpacked_dtype=jnp.float32),
             pltpu.unpack_elementwise(gp, index=1, packed_dtype=jnp.bfloat16,
                                      unpacked_dtype=jnp.float32)], axis=1)
        y = y + jnp.where(wk > 0.0, wk * gk, 0.0)
    t1 = jnp.dot(y, W1_ref[...], preferred_element_type=jnp.float32) + b1_ref[...]
    z1 = jnp.dot(t1, Wsg1_ref[...], preferred_element_type=jnp.float32) + bsg1_ref[...]
    y1 = z1[:, :D] * _silu(z1[:, D:])
    t2 = jnp.dot(y1, W2_ref[...], preferred_element_type=jnp.float32) + b2_ref[...]
    z2 = jnp.dot(t2, Wsg2_ref[...], preferred_element_type=jnp.float32) + bsg2_ref[...]
    out_ref[...] = z2[:, :D] * _silu(z2[:, D:])


def kernel(x, W0, b0, Wsg0, bsg0, Wg, We1, We3, We2, Ws1, Ws3, Ws2,
           W1, b1, Wsg1, bsg1, W2, b2, Wsg2, bsg2):
    n_tiles = N // TILE
    full = lambda shape: pl.BlockSpec(shape, lambda t: (0,) * len(shape))
    row_tile = pl.BlockSpec((TILE, D), lambda t: (t, 0))

    h, comb, hp = pl.pallas_call(
        _pre_body,
        grid=(n_tiles,),
        in_specs=[row_tile,
                  full((D, D)), full((D,)), full((D, 2 * D)), full((2 * D,)),
                  full((D, E))],
        out_specs=[row_tile, pl.BlockSpec((TILE, E), lambda t: (t, 0)),
                   pl.BlockSpec((TILE, D // 2), lambda t: (t, 0))],
        out_shape=[jax.ShapeDtypeStruct((N, D), jnp.float32),
                   jax.ShapeDtypeStruct((N, E), jnp.float32),
                   jax.ShapeDtypeStruct((N, D // 2), jnp.int32)],
        compiler_params=pltpu.CompilerParams(
            dimension_semantics=("parallel",)),
    )(x, W0, b0, Wsg0, bsg0, Wg)

    sc_dispatch = functools.partial(
        pl.kernel,
        out_type=[jax.ShapeDtypeStruct((NPAD, D // 2), jnp.int32),
                  jax.ShapeDtypeStruct((TOPK, N), jnp.int32),
                  jax.ShapeDtypeStruct((TOPK, N), jnp.float32),
                  jax.ShapeDtypeStruct((ML,), jnp.int32)],
        mesh=plsc.VectorSubcoreMesh(core_axis_name="c", subcore_axis_name="s"),
        scratch_types=[pltpu.VMEM((N * E,), jnp.float32),
                       pltpu.VMEM((TOPK, TPW), jnp.int32),
                       pltpu.VMEM((TOPK, TPW), jnp.float32),
                       pltpu.VMEM((ML,), jnp.int32),
                       pltpu.VMEM((TPW, D // 2), jnp.int32),
                       pltpu.SemaphoreType.DMA],
        compiler_params=pltpu.CompilerParams(needs_layout_passes=False),
    )(_sc_dispatch_body)
    hs, posT, wT, meta = sc_dispatch(comb.reshape(N * E), hp)

    SH = SHID // 2

    def shared_call(half):
        return pl.pallas_call(
            _shared_body,
            grid=(n_tiles,),
            in_specs=[row_tile,
                      pl.BlockSpec((D, SH), lambda t: (0, half)),
                      pl.BlockSpec((D, SH), lambda t: (0, half)),
                      pl.BlockSpec((SH, D), lambda t: (half, 0))],
            out_specs=row_tile,
            out_shape=jax.ShapeDtypeStruct((N, D), jnp.float32),
            compiler_params=pltpu.CompilerParams(
                dimension_semantics=("parallel",)),
        )(h, Ws1, Ws3, Ws2)

    S_a = shared_call(0)
    S_b = shared_call(1)
    S_a, hs = lax.optimization_barrier((S_a, hs))


    eo = pl.pallas_call(
        _group_body,
        grid_spec=pltpu.PrefetchScalarGridSpec(
            num_scalar_prefetch=1,
            grid=(NT_G,),
            in_specs=[
                pl.BlockSpec((GT, D // 2), lambda t, m: (t, 0)),
                pl.BlockSpec(memory_space=pl.ANY),
                pl.BlockSpec(memory_space=pl.ANY),
                pl.BlockSpec(memory_space=pl.ANY),
            ],
            out_specs=pl.BlockSpec((GT, D // 2), lambda t, m: (t, 0)),
            scratch_shapes=[
                pltpu.VMEM((2, D, HID), jnp.float32),
                pltpu.VMEM((2, D, HID), jnp.float32),
                pltpu.VMEM((2, HID, D), jnp.float32),
                pltpu.SemaphoreType.DMA((3, 2)),
            ],
        ),
        out_shape=jax.ShapeDtypeStruct((NPAD, D // 2), jnp.int32),
        compiler_params=pltpu.CompilerParams(
            dimension_semantics=("parallel",)),
    )(meta, hs, We1, We3, We2)

    sc_combine = functools.partial(
        pl.kernel,
        out_type=jax.ShapeDtypeStruct((TOPK, N, D // 2), jnp.int32),
        mesh=plsc.VectorSubcoreMesh(core_axis_name="c", subcore_axis_name="s"),
        scratch_types=[pltpu.VMEM((TOPK, TPW), jnp.int32),
                       pltpu.VMEM((TPW, D // 2), jnp.int32),
                       pltpu.SemaphoreType.DMA],
        compiler_params=pltpu.CompilerParams(needs_layout_passes=False),
    )(_sc_combine_body)
    g = sc_combine(eo, posT)

    out = pl.pallas_call(
        _post_body,
        grid=(n_tiles,),
        in_specs=[pl.BlockSpec((TOPK, TILE, D // 2), lambda t: (0, t, 0)),
                  pl.BlockSpec((TOPK, TILE), lambda t: (0, t)),
                  row_tile, row_tile,
                  full((D, D)), full((D,)), full((D, 2 * D)), full((2 * D,)),
                  full((D, D)), full((D,)), full((D, 2 * D)), full((2 * D,))],
        out_specs=row_tile,
        out_shape=jax.ShapeDtypeStruct((N, D), jnp.float32),
        compiler_params=pltpu.CompilerParams(
            dimension_semantics=("parallel",)),
    )(g, wT, S_a, S_b, W1, b1, Wsg1, bsg1, W2, b2, Wsg2, bsg2)

    return out

# --- scband reference (transcript-rebuilt; emitter-appended) ---
"""Pipeline reference for scband-unet-tff-7404523618552 (READ-ONLY COPY).

The authoritative reference and input builder live on the scoring server;
editing this copy changes nothing except your own understanding.
"""

import jax, jax.numpy as jnp
import numpy as np

D = 768      # bottleneck_dim / feature dim
E = 8        # n_routed_experts
TOPK = 4     # num_experts_per_tok (hardcoded in MoEFF)
HID = 768    # routed expert hidden (hidden_dim=None -> dim)
SHID = 2 * 768  # shared experts: n_shared_experts(2) * hidden
N = 2048     # tokens


def _swiglu(x, W, b):
    z = x @ W + b
    a, g = jnp.split(z, 2, axis=-1)
    return a * jax.nn.silu(g)


def _moe(x, Wg, We1, We3, We2, Ws1, Ws3, Ws2):
    scores = jax.nn.softmax(x @ Wg, axis=-1)
    tw, ti = jax.lax.top_k(scores, TOPK)  # greedy top-k routing
    comb = jnp.sum(jax.nn.one_hot(ti, E, dtype=x.dtype) * tw[..., None], axis=1)  # [N, E]
    h1 = jnp.einsum('nd,edh->neh', x, We1)
    h3 = jnp.einsum('nd,edh->neh', x, We3)
    eo = jnp.einsum('neh,ehd->ned', jax.nn.silu(h1) * h3, We2)
    routed = jnp.einsum('ne,ned->nd', comb, eo) * 1.0  # routed_scaling_factor = 1
    shared = (jax.nn.silu(x @ Ws1) * (x @ Ws3)) @ Ws2
    return routed + shared


def setup_inputs(seed: int = 0):
    key = jax.random.key(seed)
    ks = jax.random.split(key, 24)
    s = 1.0 / np.sqrt(D)
    inp = {}
    inp['x'] = jax.random.normal(ks[0], (N, D), dtype=jnp.float32)
    # MoEFF(bottleneck): Linear(D,D) -> SwiGLU(D) -> MoE -> 2x [Linear(D,D) -> SwiGLU(D)]
    inp['W0'] = jax.random.normal(ks[1], (D, D), dtype=jnp.float32) * s
    inp['b0'] = jnp.zeros((D,), dtype=jnp.float32)
    inp['Wsg0'] = jax.random.normal(ks[2], (D, 2 * D), dtype=jnp.float32) * s
    inp['bsg0'] = jnp.zeros((2 * D,), dtype=jnp.float32)
    inp['Wg'] = jax.random.normal(ks[3], (D, E), dtype=jnp.float32) * s
    inp['We1'] = jax.random.normal(ks[4], (E, D, HID), dtype=jnp.float32) * s
    inp['We3'] = jax.random.normal(ks[5], (E, D, HID), dtype=jnp.float32) * s
    inp['We2'] = jax.random.normal(ks[6], (E, HID, D), dtype=jnp.float32) * (1.0 / np.sqrt(HID))
    inp['Ws1'] = jax.random.normal(ks[7], (D, SHID), dtype=jnp.float32) * s
    inp['Ws3'] = jax.random.normal(ks[8], (D, SHID), dtype=jnp.float32) * s
    inp['Ws2'] = jax.random.normal(ks[9], (SHID, D), dtype=jnp.float32) * (1.0 / np.sqrt(SHID))
    inp['W1'] = jax.random.normal(ks[10], (D, D), dtype=jnp.float32) * s
    inp['b1'] = jnp.zeros((D,), dtype=jnp.float32)
    inp['Wsg1'] = jax.random.normal(ks[11], (D, 2 * D), dtype=jnp.float32) * s
    inp['bsg1'] = jnp.zeros((2 * D,), dtype=jnp.float32)
    inp['W2'] = jax.random.normal(ks[12], (D, D), dtype=jnp.float32) * s
    inp['b2'] = jnp.zeros((D,), dtype=jnp.float32)
    inp['Wsg2'] = jax.random.normal(ks[13], (D, 2 * D), dtype=jnp.float32) * s
    inp['bsg2'] = jnp.zeros((2 * D,), dtype=jnp.float32)
    return inp


def reference(x, W0, b0, Wsg0, bsg0, Wg, We1, We3, We2, Ws1, Ws3, Ws2, W1, b1, Wsg1, bsg1, W2, b2, Wsg2, bsg2):
    # UNetTFF with num_funnel=0: encoder/decoder empty, forward is just the bottleneck MoEFF
    h = x @ W0 + b0
    h = _swiglu(h, Wsg0, bsg0)
    h = _moe(h, Wg, We1, We3, We2, Ws1, Ws3, Ws2)
    h = h @ W1 + b1
    h = _swiglu(h, Wsg1, bsg1)
    h = h @ W2 + b2
    h = _swiglu(h, Wsg2, bsg2)
    return h

if __name__ == "__main__":
    import jax
    _d = setup_inputs()
    print(jax.jit(kernel)(*tuple(_d.values())))

</pallas_src>

<mosaic_0001>
#map = affine_map<(d0, d1) -> (0)>
#map1 = affine_map<(d0, d1) -> (0, 0)>
module attributes {stable_mosaic.version = 14 : i64} {
  func.func @_sc_dispatch_body(%arg0: i32, %arg1: i32, %arg2: memref<16384xf32, #tpu.memory_space<hbm>>, %arg3: memref<2048x384xi32, #tpu.memory_space<hbm>>, %arg4: memref<10240x384xi32, #tpu.memory_space<hbm>>, %arg5: memref<4x2048xi32, #tpu.memory_space<hbm>>, %arg6: memref<4x2048xf32, #tpu.memory_space<hbm>>, %arg7: memref<112xi32, #tpu.memory_space<hbm>>, %arg8: memref<16384xf32, #tpu.memory_space<vmem>>, %arg9: memref<4x64xi32, #tpu.memory_space<vmem>>, %arg10: memref<4x64xf32, #tpu.memory_space<vmem>>, %arg11: memref<112xi32, #tpu.memory_space<vmem>>, %arg12: memref<64x384xi32, #tpu.memory_space<vmem>>, %arg13: memref<!tpu.dma_semaphore, #tpu.memory_space<semaphore_mem>>) attributes {dimension_semantics = [#tpu.dimension_semantics<core_parallel>, #tpu.dimension_semantics<subcore_parallel>], iteration_bounds = array<i64: 2, 16>, scalar_prefetch = 0 : i64, scratch_operands = 6 : i64, tpu.core_type = #tpu.core_type<sc_vector_subcore>, window_params = [{transform_indices = #map}, {transform_indices = #map1}, {transform_indices = #map1}, {transform_indices = #map1}, {transform_indices = #map1}, {transform_indices = #map}]} {
    %mul3A = arith.constant 2 : i32
    %mul3A_0 = arith.muli %arg1, %mul3A : i32
    %add3A = arith.addi %mul3A_0, %arg0 : i32
    %mul3A_1 = arith.constant 64 : i32
    %mul3A_2 = arith.muli %add3A, %mul3A_1 : i32
    %iota3A = tpu.iota {dimensions = array<i32: 0>} : vector<16xi32>
    %broadcast_in_dim3A = arith.constant 0 : i32
    %broadcast_in_dim3A_3 = vector.broadcast %broadcast_in_dim3A : i32 to vector<16xi32>
    "tpu.region"() ({
      %run_scoped3A_1324 = tpu.sem_alloc : memref<!tpu.dma_semaphore, #tpu.memory_space<semaphore_mem>>
      tpu.enqueue_dma source(%arg2 : memref<16384xf32, #tpu.memory_space<hbm>>) target(%arg8 : memref<16384xf32, #tpu.memory_space<vmem>>) target_semaphore(%run_scoped3A_1324 : memref<!tpu.dma_semaphore, #tpu.memory_space<semaphore_mem>>)
      tpu.wait_dma2 semaphore(%run_scoped3A_1324 : memref<!tpu.dma_semaphore, #tpu.memory_space<semaphore_mem>>) src(%arg2 : memref<16384xf32, #tpu.memory_space<hbm>>) dst(%arg8 : memref<16384xf32, #tpu.memory_space<vmem>>)
      tpu.yield
    }) : () -> ()
    %mul3A_4 = arith.constant 4 : i32
    %mul3A_5 = arith.muli %add3A, %mul3A_4 : i32
    %scan3A = arith.constant 0 : i32
    %scan3A_6 = arith.constant 128 : i32
    %scan3A_7 = arith.addi %scan3A, %scan3A_6 : i32
    %scan3A_8 = arith.constant 1 : i32
    %scan3A_9:16 = scf.for %scan3A_1324 = %scan3A to %scan3A_7 step %scan3A_8 iter_args(%scan3A_1325 = %broadcast_in_dim3A_3, %scan3A_1326 = %broadcast_in_dim3A_3, %scan3A_1327 = %broadcast_in_dim3A_3, %scan3A_1328 = %broadcast_in_dim3A_3, %scan3A_1329 = %broadcast_in_dim3A_3, %scan3A_1330 = %broadcast_in_dim3A_3, %scan3A_1331 = %broadcast_in_dim3A_3, %scan3A_1332 = %broadcast_in_dim3A_3, %scan3A_1333 = %broadcast_in_dim3A_3, %scan3A_1334 = %broadcast_in_dim3A_3, %scan3A_1335 = %broadcast_in_dim3A_3, %scan3A_1336 = %broadcast_in_dim3A_3, %scan3A_1337 = %broadcast_in_dim3A_3, %scan3A_1338 = %broadcast_in_dim3A_3, %scan3A_1339 = %broadcast_in_dim3A_3, %scan3A_1340 = %broadcast_in_dim3A_3) -> (vector<16xi32>, vector<16xi32>, vector<16xi32>, vector<16xi32>, vector<16xi32>, vector<16xi32>, vector<16xi32>, vector<16xi32>, vector<16xi32>, vector<16xi32>, vector<16xi32>, vector<16xi32>, vector<16xi32>, vector<16xi32>, vector<16xi32>, vector<16xi32>)  : i32 {
      %mul3A_1341 = arith.constant 16 : i32
      %mul3A_1342 = arith.muli %scan3A_1324, %mul3A_1341 : i32
      %add3A_1343 = vector.broadcast %mul3A_1342 : i32 to vector<16xi32>
      %add3A_1344 = arith.addi %add3A_1343, %iota3A : vector<16xi32>
      %lt3A = arith.cmpi slt, %scan3A_1324, %mul3A_5 : i32
      %convert_element_type3A_1345 = arith.extui %lt3A : i1 to i32
      %mul3A_1346 = arith.constant 8 : i32
      %mul3A_1347 = vector.broadcast %mul3A_1346 : i32 to vector<16xi32>
      %mul3A_1348 = arith.muli %add3A_1344, %mul3A_1347 : vector<16xi32>
      %add3A_1349 = arith.constant 0 : i32
      %add3A_1350 = vector.broadcast %add3A_1349 : i32 to vector<16xi32>
      %add3A_1351 = arith.addi %mul3A_1348, %add3A_1350 : vector<16xi32>
      %gather3A_1352 = tpu.vector_load_idx %arg8[%add3A_1351] : memref<16384xf32, #tpu.memory_space<vmem>>[vector<16xi32>], vector<16xf32>,
      %gt3A_1353 = arith.constant 0.000000e+00 : f32
      %gt3A_1354 = vector.broadcast %gt3A_1353 : f32 to vector<16xf32>
      %gt3A_1355 = arith.cmpf ogt, %gather3A_1352, %gt3A_1354 : vector<16xf32>
      %convert_element_type3A_1356 = arith.extui %gt3A_1355 : vector<16xi1> to vector<16xi32>
      %add3A_1357 = arith.addi %scan3A_1325, %convert_element_type3A_1356 : vector<16xi32>
      %mul3A_1358 = vector.broadcast %convert_element_type3A_1345 : i32 to vector<16xi32>
      %mul3A_1359 = arith.muli %convert_element_type3A_1356, %mul3A_1358 : vector<16xi32>
      %add3A_1360 = arith.addi %scan3A_1333, %mul3A_1359 : vector<16xi32>
      %mul3A_1361 = arith.constant 8 : i32
      %mul3A_1362 = vector.broadcast %mul3A_1361 : i32 to vector<16xi32>
      %mul3A_1363 = arith.muli %add3A_1344, %mul3A_1362 : vector<16xi32>
      %add3A_1364 = arith.constant 1 : i32
      %add3A_1365 = vector.broadcast %add3A_1364 : i32 to vector<16xi32>
      %add3A_1366 = arith.addi %mul3A_1363, %add3A_1365 : vector<16xi32>
      %gather3A_1367 = tpu.vector_load_idx %arg8[%add3A_1366] : memref<16384xf32, #tpu.memory_space<vmem>>[vector<16xi32>], vector<16xf32>,
      %gt3A_1368 = arith.constant 0.000000e+00 : f32
      %gt3A_1369 = vector.broadcast %gt3A_1368 : f32 to vector<16xf32>
      %gt3A_1370 = arith.cmpf ogt, %gather3A_1367, %gt3A_1369 : vector<16xf32>
      %convert_element_type3A_1371 = arith.extui %gt3A_1370 : vector<16xi1> to vector<16xi32>
      %add3A_1372 = arith.addi %scan3A_1326, %convert_element_type3A_1371 : vector<16xi32>
      %mul3A_1373 = vector.broadcast %convert_element_type3A_1345 : i32 to vector<16xi32>
      %mul3A_1374 = arith.muli %convert_element_type3A_1371, %mul3A_1373 : vector<16xi32>
      %add3A_1375 = arith.addi %scan3A_1334, %mul3A_1374 : vector<16xi32>
      %mul3A_1376 = arith.constant 8 : i32
      %mul3A_1377 = vector.broadcast %mul3A_1376 : i32 to vector<16xi32>
      %mul3A_1378 = arith.muli %add3A_1344, %mul3A_1377 : vector<16xi32>
      %add3A_1379 = arith.constant 2 : i32
      %add3A_1380 = vector.broadcast %add3A_1379 : i32 to vector<16xi32>
      %add3A_1381 = arith.addi %mul3A_1378, %add3A_1380 : vector<16xi32>
      %gather3A_1382 = tpu.vector_load_idx %arg8[%add3A_1381] : memref<16384xf32, #tpu.memory_space<vmem>>[vector<16xi32>], vector<16xf32>,
      %gt3A_1383 = arith.constant 0.000000e+00 : f32
      %gt3A_1384 = vector.broadcast %gt3A_1383 : f32 to vector<16xf32>
      %gt3A_1385 = arith.cmpf ogt, %gather3A_1382, %gt3A_1384 : vector<16xf32>
      %convert_element_type3A_1386 = arith.extui %gt3A_1385 : vector<16xi1> to vector<16xi32>
      %add3A_1387 = arith.addi %scan3A_1327, %convert_element_type3A_1386 : vector<16xi32>
      %mul3A_1388 = vector.broadcast %convert_element_type3A_1345 : i32 to vector<16xi32>
      %mul3A_1389 = arith.muli %convert_element_type3A_1386, %mul3A_1388 : vector<16xi32>
      %add3A_1390 = arith.addi %scan3A_1335, %mul3A_1389 : vector<16xi32>
      %mul3A_1391 = arith.constant 8 : i32
      %mul3A_1392 = vector.broadcast %mul3A_1391 : i32 to vector<16xi32>
      %mul3A_1393 = arith.muli %add3A_1344, %mul3A_1392 : vector<16xi32>
      %add3A_1394 = arith.constant 3 : i32
      %add3A_1395 = vector.broadcast %add3A_1394 : i32 to vector<16xi32>
      %add3A_1396 = arith.addi %mul3A_1393, %add3A_1395 : vector<16xi32>
      %gather3A_1397 = tpu.vector_load_idx %arg8[%add3A_1396] : memref<16384xf32, #tpu.memory_space<vmem>>[vector<16xi32>], vector<16xf32>,
      %gt3A_1398 = arith.constant 0.000000e+00 : f32
      %gt3A_1399 = vector.broadcast %gt3A_1398 : f32 to vector<16xf32>
      %gt3A_1400 = arith.cmpf ogt, %gather3A_1397, %gt3A_1399 : vector<16xf32>
      %convert_element_type3A_1401 = arith.extui %gt3A_1400 : vector<16xi1> to vector<16xi32>
      %add3A_1402 = arith.addi %scan3A_1328, %convert_element_type3A_1401 : vector<16xi32>
      %mul3A_1403 = vector.broadcast %convert_element_type3A_1345 : i32 to vector<16xi32>
      %mul3A_1404 = arith.muli %convert_element_type3A_1401, %mul3A_1403 : vector<16xi32>
      %add3A_1405 = arith.addi %scan3A_1336, %mul3A_1404 : vector<16xi32>
      %mul3A_1406 = arith.constant 8 : i32
      %mul3A_1407 = vector.broadcast %mul3A_1406 : i32 to vector<16xi32>
      %mul3A_1408 = arith.muli %add3A_1344, %mul3A_1407 : vector<16xi32>
      %add3A_1409 = arith.constant 4 : i32
      %add3A_1410 = vector.broadcast %add3A_1409 : i32 to vector<16xi32>
      %add3A_1411 = arith.addi %mul3A_1408, %add3A_1410 : vector<16xi32>
      %gather3A_1412 = tpu.vector_load_idx %arg8[%add3A_1411] : memref<16384xf32, #tpu.memory_space<vmem>>[vector<16xi32>], vector<16xf32>,
      %gt3A_1413 = arith.constant 0.000000e+00 : f32
      %gt3A_1414 = vector.broadcast %gt3A_1413 : f32 to vector<16xf32>
      %gt3A_1415 = arith.cmpf ogt, %gather3A_1412, %gt3A_1414 : vector<16xf32>
      %convert_element_type3A_1416 = arith.extui %gt3A_1415 : vector<16xi1> to vector<16xi32>
      %add3A_1417 = arith.addi %scan3A_1329, %convert_element_type3A_1416 : vector<16xi32>
      %mul3A_1418 = vector.broadcast %convert_element_type3A_1345 : i32 to vector<16xi32>
      %mul3A_1419 = arith.muli %convert_element_type3A_1416, %mul3A_1418 : vector<16xi32>
      %add3A_1420 = arith.addi %scan3A_1337, %mul3A_1419 : vector<16xi32>
      %mul3A_1421 = arith.constant 8 : i32
      %mul3A_1422 = vector.broadcast %mul3A_1421 : i32 to vector<16xi32>
      %mul3A_1423 = arith.muli %add3A_1344, %mul3A_1422 : vector<16xi32>
      %add3A_1424 = arith.constant 5 : i32
      %add3A_1425 = vector.broadcast %add3A_1424 : i32 to vector<16xi32>
      %add3A_1426 = arith.addi %mul3A_1423, %add3A_1425 : vector<16xi32>
      %gather3A_1427 = tpu.vector_load_idx %arg8[%add3A_1426] : memref<16384xf32, #tpu.memory_space<vmem>>[vector<16xi32>], vector<16xf32>,
      %gt3A_1428 = arith.constant 0.000000e+00 : f32
      %gt3A_1429 = vector.broadcast %gt3A_1428 : f32 to vector<16xf32>
      %gt3A_1430 = arith.cmpf ogt, %gather3A_1427, %gt3A_1429 : vector<16xf32>
      %convert_element_type3A_1431 = arith.extui %gt3A_1430 : vector<16xi1> to vector<16xi32>
      %add3A_1432 = arith.addi %scan3A_1330, %convert_element_type3A_1431 : vector<16xi32>
      %mul3A_1433 = vector.broadcast %convert_element_type3A_1345 : i32 to vector<16xi32>
      %mul3A_1434 = arith.muli %convert_element_type3A_1431, %mul3A_1433 : vector<16xi32>
      %add3A_1435 = arith.addi %scan3A_1338, %mul3A_1434 : vector<16xi32>
      %mul3A_1436 = arith.constant 8 : i32
      %mul3A_1437 = vector.broadcast %mul3A_1436 : i32 to vector<16xi32>
      %mul3A_1438 = arith.muli %add3A_1344, %mul3A_1437 : vector<16xi32>
      %add3A_1439 = arith.constant 6 : i32
      %add3A_1440 = vector.broadcast %add3A_1439 : i32 to vector<16xi32>
      %add3A_1441 = arith.addi %mul3A_1438, %add3A_1440 : vector<16xi32>
      %gather3A_1442 = tpu.vector_load_idx %arg8[%add3A_1441] : memref<16384xf32, #tpu.memory_space<vmem>>[vector<16xi32>], vector<16xf32>,
      %gt3A_1443 = arith.constant 0.000000e+00 : f32
      %gt3A_1444 = vector.broadcast %gt3A_1443 : f32 to vector<16xf32>
      %gt3A_1445 = arith.cmpf ogt, %gather3A_1442, %gt3A_1444 : vector<16xf32>
      %convert_element_type3A_1446 = arith.extui %gt3A_1445 : vector<16xi1> to vector<16xi32>
      %add3A_1447 = arith.addi %scan3A_1331, %convert_element_type3A_1446 : vector<16xi32>
      %mul3A_1448 = vector.broadcast %convert_element_type3A_1345 : i32 to vector<16xi32>
      %mul3A_1449 = arith.muli %convert_element_type3A_1446, %mul3A_1448 : vector<16xi32>
      %add3A_1450 = arith.addi %scan3A_1339, %mul3A_1449 : vector<16xi32>
      %mul3A_1451 = arith.constant 8 : i32
      %mul3A_1452 = vector.broadcast %mul3A_1451 : i32 to vector<16xi32>
      %mul3A_1453 = arith.muli %add3A_1344, %mul3A_1452 : vector<16xi32>
      %add3A_1454 = arith.constant 7 : i32
      %add3A_1455 = vector.broadcast %add3A_1454 : i32 to vector<16xi32>
      %add3A_1456 = arith.addi %mul3A_1453, %add3A_1455 : vector<16xi32>
      %gather3A_1457 = tpu.vector_load_idx %arg8[%add3A_1456] : memref<16384xf32, #tpu.memory_space<vmem>>[vector<16xi32>], vector<16xf32>,
      %gt3A_1458 = arith.constant 0.000000e+00 : f32
      %gt3A_1459 = vector.broadcast %gt3A_1458 : f32 to vector<16xf32>
      %gt3A_1460 = arith.cmpf ogt, %gather3A_1457, %gt3A_1459 : vector<16xf32>
      %convert_element_type3A_1461 = arith.extui %gt3A_1460 : vector<16xi1> to vector<16xi32>
      %add3A_1462 = arith.addi %scan3A_1332, %convert_element_type3A_1461 : vector<16xi32>
      %mul3A_1463 = vector.broadcast %convert_element_type3A_1345 : i32 to vector<16xi32>
      %mul3A_1464 = arith.muli %convert_element_type3A_1461, %mul3A_1463 : vector<16xi32>
      %add3A_1465 = arith.addi %scan3A_1340, %mul3A_1464 : vector<16xi32>
      scf.yield %add3A_1357, %add3A_1372, %add3A_1387, %add3A_1402, %add3A_1417, %add3A_1432, %add3A_1447, %add3A_1462, %add3A_1360, %add3A_1375, %add3A_1390, %add3A_1405, %add3A_1420, %add3A_1435, %add3A_1450, %add3A_1465 : vector<16xi32>, vector<16xi32>, vector<16xi32>, vector<16xi32>, vector<16xi32>, vector<16xi32>, vector<16xi32>, vector<16xi32>, vector<16xi32>, vector<16xi32>, vector<16xi32>, vector<16xi32>, vector<16xi32>, vector<16xi32>, vector<16xi32>, vector<16xi32>
    }
    %scan3A_10 = arith.constant 128 : i32
    %reduce_sum3A = arith.constant true
    %reduce_sum3A_11 = vector.broadcast %reduce_sum3A : i1 to vector<16xi1>
    %reduce_sum3A_12 = tpu.scan <sum>, %scan3A_9#0 masked %reduce_sum3A_11 : vector<16xi32>, vector<16xi1> -> vector<16xi32>
    %reduce_sum3A_13 = vector.extract %reduce_sum3A_12[15] : i32 from vector<16xi32>
    %reduce_sum3A_14 = arith.constant true
    %reduce_sum3A_15 = vector.broadcast %reduce_sum3A_14 : i1 to vector<16xi1>
    %reduce_sum3A_16 = tpu.scan <sum>, %scan3A_9#1 masked %reduce_sum3A_15 : vector<16xi32>, vector<16xi1> -> vector<16xi32>
    %reduce_sum3A_17 = vector.extract %reduce_sum3A_16[15] : i32 from vector<16xi32>
    %reduce_sum3A_18 = arith.constant true
    %reduce_sum3A_19 = vector.broadcast %reduce_sum3A_18 : i1 to vector<16xi1>
    %reduce_sum3A_20 = tpu.scan <sum>, %scan3A_9#2 masked %reduce_sum3A_19 : vector<16xi32>, vector<16xi1> -> vector<16xi32>
    %reduce_sum3A_21 = vector.extract %reduce_sum3A_20[15] : i32 from vector<16xi32>
    %reduce_sum3A_22 = arith.constant true
    %reduce_sum3A_23 = vector.broadcast %reduce_sum3A_22 : i1 to vector<16xi1>
    %reduce_sum3A_24 = tpu.scan <sum>, %scan3A_9#3 masked %reduce_sum3A_23 : vector<16xi32>, vector<16xi1> -> vector<16xi32>
    %reduce_sum3A_25 = vector.extract %reduce_sum3A_24[15] : i32 from vector<16xi32>
    %reduce_sum3A_26 = arith.constant true
    %reduce_sum3A_27 = vector.broadcast %reduce_sum3A_26 : i1 to vector<16xi1>
    %reduce_sum3A_28 = tpu.scan <sum>, %scan3A_9#4 masked %reduce_sum3A_27 : vector<16xi32>, vector<16xi1> -> vector<16xi32>
    %reduce_sum3A_29 = vector.extract %reduce_sum3A_28[15] : i32 from vector<16xi32>
    %reduce_sum3A_30 = arith.constant true
    %reduce_sum3A_31 = vector.broadcast %reduce_sum3A_30 : i1 to vector<16xi1>
    %reduce_sum3A_32 = tpu.scan <sum>, %scan3A_9#5 masked %reduce_sum3A_31 : vector<16xi32>, vector<16xi1> -> vector<16xi32>
    %reduce_sum3A_33 = vector.extract %reduce_sum3A_32[15] : i32 from vector<16xi32>
    %reduce_sum3A_34 = arith.constant true
    %reduce_sum3A_35 = vector.broadcast %reduce_sum3A_34 : i1 to vector<16xi1>
    %reduce_sum3A_36 = tpu.scan <sum>, %scan3A_9#6 masked %reduce_sum3A_35 : vector<16xi32>, vector<16xi1> -> vector<16xi32>
    %reduce_sum3A_37 = vector.extract %reduce_sum3A_36[15] : i32 from vector<16xi32>
    %reduce_sum3A_38 = arith.constant true
    %reduce_sum3A_39 = vector.broadcast %reduce_sum3A_38 : i1 to vector<16xi1>
    %reduce_sum3A_40 = tpu.scan <sum>, %scan3A_9#7 masked %reduce_sum3A_39 : vector<16xi32>, vector<16xi1> -> vector<16xi32>
    %reduce_sum3A_41 = vector.extract %reduce_sum3A_40[15] : i32 from vector<16xi32>
    %reduce_sum3A_42 = arith.constant true
    %reduce_sum3A_43 = vector.broadcast %reduce_sum3A_42 : i1 to vector<16xi1>
    %reduce_sum3A_44 = tpu.scan <sum>, %scan3A_9#8 masked %reduce_sum3A_43 : vector<16xi32>, vector<16xi1> -> vector<16xi32>
    %reduce_sum3A_45 = vector.extract %reduce_sum3A_44[15] : i32 from vector<16xi32>
    %reduce_sum3A_46 = arith.constant true
    %reduce_sum3A_47 = vector.broadcast %reduce_sum3A_46 : i1 to vector<16xi1>
    %reduce_sum3A_48 = tpu.scan <sum>, %scan3A_9#9 masked %reduce_sum3A_47 : vector<16xi32>, vector<16xi1> -> vector<16xi32>
    %reduce_sum3A_49 = vector.extract %reduce_sum3A_48[15] : i32 from vector<16xi32>
    %reduce_sum3A_50 = arith.constant true
    %reduce_sum3A_51 = vector.broadcast %reduce_sum3A_50 : i1 to vector<16xi1>
    %reduce_sum3A_52 = tpu.scan <sum>, %scan3A_9#10 masked %reduce_sum3A_51 : vector<16xi32>, vector<16xi1> -> vector<16xi32>
    %reduce_sum3A_53 = vector.extract %reduce_sum3A_52[15] : i32 from vector<16xi32>
    %reduce_sum3A_54 = arith.constant true
    %reduce_sum3A_55 = vector.broadcast %reduce_sum3A_54 : i1 to vector<16xi1>
    %reduce_sum3A_56 = tpu.scan <sum>, %scan3A_9#11 masked %reduce_sum3A_55 : vector<16xi32>, vector<16xi1> -> vector<16xi32>
    %reduce_sum3A_57 = vector.extract %reduce_sum3A_56[15] : i32 from vector<16xi32>
    %reduce_sum3A_58 = arith.constant true
    %reduce_sum3A_59 = vector.broadcast %reduce_sum3A_58 : i1 to vector<16xi1>
    %reduce_sum3A_60 = tpu.scan <sum>, %scan3A_9#12 masked %reduce_sum3A_59 : vector<16xi32>, vector<16xi1> -> vector<16xi32>
    %reduce_sum3A_61 = vector.extract %reduce_sum3A_60[15] : i32 from vector<16xi32>
    %reduce_sum3A_62 = arith.constant true
    %reduce_sum3A_63 = vector.broadcast %reduce_sum3A_62 : i1 to vector<16xi1>
    %reduce_sum3A_64 = tpu.scan <sum>, %scan3A_9#13 masked %reduce_sum3A_63 : vector<16xi32>, vector<16xi1> -> vector<16xi32>
    %reduce_sum3A_65 = vector.extract %reduce_sum3A_64[15] : i32 from vector<16xi32>
    %reduce_sum3A_66 = arith.constant true
    %reduce_sum3A_67 = vector.broadcast %reduce_sum3A_66 : i1 to vector<16xi1>
    %reduce_sum3A_68 = tpu.scan <sum>, %scan3A_9#14 masked %reduce_sum3A_67 : vector<16xi32>, vector<16xi1> -> vector<16xi32>
    %reduce_sum3A_69 = vector.extract %reduce_sum3A_68[15] : i32 from vector<16xi32>
    %reduce_sum3A_70 = arith.constant true
    %reduce_sum3A_71 = vector.broadcast %reduce_sum3A_70 : i1 to vector<16xi1>
    %reduce_sum3A_72 = tpu.scan <sum>, %scan3A_9#15 masked %reduce_sum3A_71 : vector<16xi32>, vector<16xi1> -> vector<16xi32>
    %reduce_sum3A_73 = vector.extract %reduce_sum3A_72[15] : i32 from vector<16xi32>
    %add3A_74 = arith.constant 255 : i32
    %add3A_75 = arith.addi %reduce_sum3A_13, %add3A_74 : i32
    %jit3A = arith.constant 256 : i32
    %div3A = arith.divsi %add3A_75, %jit3A : i32
    %sign3A = arith.constant 0 : i32
    %sign3A_76 = arith.cmpi sgt, %add3A_75, %sign3A : i32
    %sign3A_77 = arith.extui %sign3A_76 : i1 to i32
    %sign3A_78 = arith.constant 0 : i32
    %sign3A_79 = arith.cmpi slt, %add3A_75, %sign3A_78 : i32
    %sign3A_80 = arith.extui %sign3A_79 : i1 to i32
    %sign3A_81 = arith.subi %sign3A_77, %sign3A_80 : i32
    %sign3A_82 = arith.constant 0 : i32
    %sign3A_83 = arith.cmpi sgt, %jit3A, %sign3A_82 : i32
    %sign3A_84 = arith.extui %sign3A_83 : i1 to i32
    %sign3A_85 = arith.constant 0 : i32
    %sign3A_86 = arith.cmpi slt, %jit3A, %sign3A_85 : i32
    %sign3A_87 = arith.extui %sign3A_86 : i1 to i32
    %sign3A_88 = arith.subi %sign3A_84, %sign3A_87 : i32
    %ne3A = arith.cmpi ne, %sign3A_81, %sign3A_88 : i32
    %rem3A = arith.remsi %add3A_75, %jit3A : i32
    %ne3A_89 = arith.constant 0 : i32
    %ne3A_90 = arith.cmpi ne, %rem3A, %ne3A_89 : i32
    %and3A = arith.andi %ne3A, %ne3A_90 : i1
    %sub3A = arith.constant 1 : i32
    %sub3A_91 = arith.subi %div3A, %sub3A : i32
    %select_n3A = arith.select %and3A, %sub3A_91, %div3A : i32
    %mul3A_92 = arith.constant 256 : i32
    %mul3A_93 = arith.muli %select_n3A, %mul3A_92 : i32
    %add3A_94 = arith.constant 0 : i32
    %add3A_95 = arith.addi %add3A_94, %mul3A_93 : i32
    %add3A_96 = arith.constant 255 : i32
    %add3A_97 = arith.addi %reduce_sum3A_17, %add3A_96 : i32
    %jit3A_98 = arith.constant 256 : i32
    %div3A_99 = arith.divsi %add3A_97, %jit3A_98 : i32
    %sign3A_100 = arith.constant 0 : i32
    %sign3A_101 = arith.cmpi sgt, %add3A_97, %sign3A_100 : i32
    %sign3A_102 = arith.extui %sign3A_101 : i1 to i32
    %sign3A_103 = arith.constant 0 : i32
    %sign3A_104 = arith.cmpi slt, %add3A_97, %sign3A_103 : i32
    %sign3A_105 = arith.extui %sign3A_104 : i1 to i32
    %sign3A_106 = arith.subi %sign3A_102, %sign3A_105 : i32
    %sign3A_107 = arith.constant 0 : i32
    %sign3A_108 = arith.cmpi sgt, %jit3A_98, %sign3A_107 : i32
    %sign3A_109 = arith.extui %sign3A_108 : i1 to i32
    %sign3A_110 = arith.constant 0 : i32
    %sign3A_111 = arith.cmpi slt, %jit3A_98, %sign3A_110 : i32
    %sign3A_112 = arith.extui %sign3A_111 : i1 to i32
    %sign3A_113 = arith.subi %sign3A_109, %sign3A_112 : i32
    %ne3A_114 = arith.cmpi ne, %sign3A_106, %sign3A_113 : i32
    %rem3A_115 = arith.remsi %add3A_97, %jit3A_98 : i32
    %ne3A_116 = arith.constant 0 : i32
    %ne3A_117 = arith.cmpi ne, %rem3A_115, %ne3A_116 : i32
    %and3A_118 = arith.andi %ne3A_114, %ne3A_117 : i1
    %sub3A_119 = arith.constant 1 : i32
    %sub3A_120 = arith.subi %div3A_99, %sub3A_119 : i32
    %select_n3A_121 = arith.select %and3A_118, %sub3A_120, %div3A_99 : i32
    %mul3A_122 = arith.constant 256 : i32
    %mul3A_123 = arith.muli %select_n3A_121, %mul3A_122 : i32
    %add3A_124 = arith.addi %add3A_95, %mul3A_123 : i32
    %add3A_125 = arith.constant 255 : i32
    %add3A_126 = arith.addi %reduce_sum3A_21, %add3A_125 : i32
    %jit3A_127 = arith.constant 256 : i32
    %div3A_128 = arith.divsi %add3A_126, %jit3A_127 : i32
    %sign3A_129 = arith.constant 0 : i32
    %sign3A_130 = arith.cmpi sgt, %add3A_126, %sign3A_129 : i32
    %sign3A_131 = arith.extui %sign3A_130 : i1 to i32
    %sign3A_132 = arith.constant 0 : i32
    %sign3A_133 = arith.cmpi slt, %add3A_126, %sign3A_132 : i32
    %sign3A_134 = arith.extui %sign3A_133 : i1 to i32
    %sign3A_135 = arith.subi %sign3A_131, %sign3A_134 : i32
    %sign3A_136 = arith.constant 0 : i32
    %sign3A_137 = arith.cmpi sgt, %jit3A_127, %sign3A_136 : i32
    %sign3A_138 = arith.extui %sign3A_137 : i1 to i32
    %sign3A_139 = arith.constant 0 : i32
    %sign3A_140 = arith.cmpi slt, %jit3A_127, %sign3A_139 : i32
    %sign3A_141 = arith.extui %sign3A_140 : i1 to i32
    %sign3A_142 = arith.subi %sign3A_138, %sign3A_141 : i32
    %ne3A_143 = arith.cmpi ne, %sign3A_135, %sign3A_142 : i32
    %rem3A_144 = arith.remsi %add3A_126, %jit3A_127 : i32
    %ne3A_145 = arith.constant 0 : i32
    %ne3A_146 = arith.cmpi ne, %rem3A_144, %ne3A_145 : i32
    %and3A_147 = arith.andi %ne3A_143, %ne3A_146 : i1
    %sub3A_148 = arith.constant 1 : i32
    %sub3A_149 = arith.subi %div3A_128, %sub3A_148 : i32
    %select_n3A_150 = arith.select %and3A_147, %sub3A_149, %div3A_128 : i32
    %mul3A_151 = arith.constant 256 : i32
    %mul3A_152 = arith.muli %select_n3A_150, %mul3A_151 : i32
    %add3A_153 = arith.addi %add3A_124, %mul3A_152 : i32
    %add3A_154 = arith.constant 255 : i32
    %add3A_155 = arith.addi %reduce_sum3A_25, %add3A_154 : i32
    %jit3A_156 = arith.constant 256 : i32
    %div3A_157 = arith.divsi %add3A_155, %jit3A_156 : i32
    %sign3A_158 = arith.constant 0 : i32
    %sign3A_159 = arith.cmpi sgt, %add3A_155, %sign3A_158 : i32
    %sign3A_160 = arith.extui %sign3A_159 : i1 to i32
    %sign3A_161 = arith.constant 0 : i32
    %sign3A_162 = arith.cmpi slt, %add3A_155, %sign3A_161 : i32
    %sign3A_163 = arith.extui %sign3A_162 : i1 to i32
    %sign3A_164 = arith.subi %sign3A_160, %sign3A_163 : i32
    %sign3A_165 = arith.constant 0 : i32
    %sign3A_166 = arith.cmpi sgt, %jit3A_156, %sign3A_165 : i32
    %sign3A_167 = arith.extui %sign3A_166 : i1 to i32
    %sign3A_168 = arith.constant 0 : i32
    %sign3A_169 = arith.cmpi slt, %jit3A_156, %sign3A_168 : i32
    %sign3A_170 = arith.extui %sign3A_169 : i1 to i32
    %sign3A_171 = arith.subi %sign3A_167, %sign3A_170 : i32
    %ne3A_172 = arith.cmpi ne, %sign3A_164, %sign3A_171 : i32
    %rem3A_173 = arith.remsi %add3A_155, %jit3A_156 : i32
    %ne3A_174 = arith.constant 0 : i32
    %ne3A_175 = arith.cmpi ne, %rem3A_173, %ne3A_174 : i32
    %and3A_176 = arith.andi %ne3A_172, %ne3A_175 : i1
    %sub3A_177 = arith.constant 1 : i32
    %sub3A_178 = arith.subi %div3A_157, %sub3A_177 : i32
    %select_n3A_179 = arith.select %and3A_176, %sub3A_178, %div3A_157 : i32
    %mul3A_180 = arith.constant 256 : i32
    %mul3A_181 = arith.muli %select_n3A_179, %mul3A_180 : i32
    %add3A_182 = arith.addi %add3A_153, %mul3A_181 : i32
    %add3A_183 = arith.constant 255 : i32
    %add3A_184 = arith.addi %reduce_sum3A_29, %add3A_183 : i32
    %jit3A_185 = arith.constant 256 : i32
    %div3A_186 = arith.divsi %add3A_184, %jit3A_185 : i32
    %sign3A_187 = arith.constant 0 : i32
    %sign3A_188 = arith.cmpi sgt, %add3A_184, %sign3A_187 : i32
    %sign3A_189 = arith.extui %sign3A_188 : i1 to i32
    %sign3A_190 = arith.constant 0 : i32
    %sign3A_191 = arith.cmpi slt, %add3A_184, %sign3A_190 : i32
    %sign3A_192 = arith.extui %sign3A_191 : i1 to i32
    %sign3A_193 = arith.subi %sign3A_189, %sign3A_192 : i32
    %sign3A_194 = arith.constant 0 : i32
    %sign3A_195 = arith.cmpi sgt, %jit3A_185, %sign3A_194 : i32
    %sign3A_196 = arith.extui %sign3A_195 : i1 to i32
    %sign3A_197 = arith.constant 0 : i32
    %sign3A_198 = arith.cmpi slt, %jit3A_185, %sign3A_197 : i32
    %sign3A_199 = arith.extui %sign3A_198 : i1 to i32
    %sign3A_200 = arith.subi %sign3A_196, %sign3A_199 : i32
    %ne3A_201 = arith.cmpi ne, %sign3A_193, %sign3A_200 : i32
    %rem3A_202 = arith.remsi %add3A_184, %jit3A_185 : i32
    %ne3A_203 = arith.constant 0 : i32
    %ne3A_204 = arith.cmpi ne, %rem3A_202, %ne3A_203 : i32
    %and3A_205 = arith.andi %ne3A_201, %ne3A_204 : i1
    %sub3A_206 = arith.constant 1 : i32
    %sub3A_207 = arith.subi %div3A_186, %sub3A_206 : i32
    %select_n3A_208 = arith.select %and3A_205, %sub3A_207, %div3A_186 : i32
    %mul3A_209 = arith.constant 256 : i32
    %mul3A_210 = arith.muli %select_n3A_208, %mul3A_209 : i32
    %add3A_211 = arith.addi %add3A_182, %mul3A_210 : i32
    %add3A_212 = arith.constant 255 : i32
    %add3A_213 = arith.addi %reduce_sum3A_33, %add3A_212 : i32
    %jit3A_214 = arith.constant 256 : i32
    %div3A_215 = arith.divsi %add3A_213, %jit3A_214 : i32
    %sign3A_216 = arith.constant 0 : i32
    %sign3A_217 = arith.cmpi sgt, %add3A_213, %sign3A_216 : i32
    %sign3A_218 = arith.extui %sign3A_217 : i1 to i32
    %sign3A_219 = arith.constant 0 : i32
    %sign3A_220 = arith.cmpi slt, %add3A_213, %sign3A_219 : i32
    %sign3A_221 = arith.extui %sign3A_220 : i1 to i32
    %sign3A_222 = arith.subi %sign3A_218, %sign3A_221 : i32
    %sign3A_223 = arith.constant 0 : i32
    %sign3A_224 = arith.cmpi sgt, %jit3A_214, %sign3A_223 : i32
    %sign3A_225 = arith.extui %sign3A_224 : i1 to i32
    %sign3A_226 = arith.constant 0 : i32
    %sign3A_227 = arith.cmpi slt, %jit3A_214, %sign3A_226 : i32
    %sign3A_228 = arith.extui %sign3A_227 : i1 to i32
    %sign3A_229 = arith.subi %sign3A_225, %sign3A_228 : i32
    %ne3A_230 = arith.cmpi ne, %sign3A_222, %sign3A_229 : i32
    %rem3A_231 = arith.remsi %add3A_213, %jit3A_214 : i32
    %ne3A_232 = arith.constant 0 : i32
    %ne3A_233 = arith.cmpi ne, %rem3A_231, %ne3A_232 : i32
    %and3A_234 = arith.andi %ne3A_230, %ne3A_233 : i1
    %sub3A_235 = arith.constant 1 : i32
    %sub3A_236 = arith.subi %div3A_215, %sub3A_235 : i32
    %select_n3A_237 = arith.select %and3A_234, %sub3A_236, %div3A_215 : i32
    %mul3A_238 = arith.constant 256 : i32
    %mul3A_239 = arith.muli %select_n3A_237, %mul3A_238 : i32
    %add3A_240 = arith.addi %add3A_211, %mul3A_239 : i32
    %add3A_241 = arith.constant 255 : i32
    %add3A_242 = arith.addi %reduce_sum3A_37, %add3A_241 : i32
    %jit3A_243 = arith.constant 256 : i32
    %div3A_244 = arith.divsi %add3A_242, %jit3A_243 : i32
    %sign3A_245 = arith.constant 0 : i32
    %sign3A_246 = arith.cmpi sgt, %add3A_242, %sign3A_245 : i32
    %sign3A_247 = arith.extui %sign3A_246 : i1 to i32
    %sign3A_248 = arith.constant 0 : i32
    %sign3A_249 = arith.cmpi slt, %add3A_242, %sign3A_248 : i32
    %sign3A_250 = arith.extui %sign3A_249 : i1 to i32
    %sign3A_251 = arith.subi %sign3A_247, %sign3A_250 : i32
    %sign3A_252 = arith.constant 0 : i32
    %sign3A_253 = arith.cmpi sgt, %jit3A_243, %sign3A_252 : i32
    %sign3A_254 = arith.extui %sign3A_253 : i1 to i32
    %sign3A_255 = arith.constant 0 : i32
    %sign3A_256 = arith.cmpi slt, %jit3A_243, %sign3A_255 : i32
    %sign3A_257 = arith.extui %sign3A_256 : i1 to i32
    %sign3A_258 = arith.subi %sign3A_254, %sign3A_257 : i32
    %ne3A_259 = arith.cmpi ne, %sign3A_251, %sign3A_258 : i32
    %rem3A_260 = arith.remsi %add3A_242, %jit3A_243 : i32
    %ne3A_261 = arith.constant 0 : i32
    %ne3A_262 = arith.cmpi ne, %rem3A_260, %ne3A_261 : i32
    %and3A_263 = arith.andi %ne3A_259, %ne3A_262 : i1
    %sub3A_264 = arith.constant 1 : i32
    %sub3A_265 = arith.subi %div3A_244, %sub3A_264 : i32
    %select_n3A_266 = arith.select %and3A_263, %sub3A_265, %div3A_244 : i32
    %mul3A_267 = arith.constant 256 : i32
    %mul3A_268 = arith.muli %select_n3A_266, %mul3A_267 : i32
    %add3A_269 = arith.addi %add3A_240, %mul3A_268 : i32
    %add3A_270 = arith.constant 255 : i32
    %add3A_271 = arith.addi %reduce_sum3A_41, %add3A_270 : i32
    %jit3A_272 = arith.constant 256 : i32
    %div3A_273 = arith.divsi %add3A_271, %jit3A_272 : i32
    %sign3A_274 = arith.constant 0 : i32
    %sign3A_275 = arith.cmpi sgt, %add3A_271, %sign3A_274 : i32
    %sign3A_276 = arith.extui %sign3A_275 : i1 to i32
    %sign3A_277 = arith.constant 0 : i32
    %sign3A_278 = arith.cmpi slt, %add3A_271, %sign3A_277 : i32
    %sign3A_279 = arith.extui %sign3A_278 : i1 to i32
    %sign3A_280 = arith.subi %sign3A_276, %sign3A_279 : i32
    %sign3A_281 = arith.constant 0 : i32
    %sign3A_282 = arith.cmpi sgt, %jit3A_272, %sign3A_281 : i32
    %sign3A_283 = arith.extui %sign3A_282 : i1 to i32
    %sign3A_284 = arith.constant 0 : i32
    %sign3A_285 = arith.cmpi slt, %jit3A_272, %sign3A_284 : i32
    %sign3A_286 = arith.extui %sign3A_285 : i1 to i32
    %sign3A_287 = arith.subi %sign3A_283, %sign3A_286 : i32
    %ne3A_288 = arith.cmpi ne, %sign3A_280, %sign3A_287 : i32
    %rem3A_289 = arith.remsi %add3A_271, %jit3A_272 : i32
    %ne3A_290 = arith.constant 0 : i32
    %ne3A_291 = arith.cmpi ne, %rem3A_289, %ne3A_290 : i32
    %and3A_292 = arith.andi %ne3A_288, %ne3A_291 : i1
    %sub3A_293 = arith.constant 1 : i32
    %sub3A_294 = arith.subi %div3A_273, %sub3A_293 : i32
    %select_n3A_295 = arith.select %and3A_292, %sub3A_294, %div3A_273 : i32
    %mul3A_296 = arith.constant 256 : i32
    %mul3A_297 = arith.muli %select_n3A_295, %mul3A_296 : i32
    %add3A_298 = arith.addi %add3A_269, %mul3A_297 : i32
    %add3A_299 = arith.constant 0 : i32
    %add3A_300 = arith.addi %add3A_299, %reduce_sum3A_45 : i32
    %add3A_301 = arith.addi %add3A_95, %reduce_sum3A_49 : i32
    %add3A_302 = arith.addi %add3A_124, %reduce_sum3A_53 : i32
    %add3A_303 = arith.addi %add3A_153, %reduce_sum3A_57 : i32
    %add3A_304 = arith.addi %add3A_182, %reduce_sum3A_61 : i32
    %add3A_305 = arith.addi %add3A_211, %reduce_sum3A_65 : i32
    %add3A_306 = arith.addi %add3A_240, %reduce_sum3A_69 : i32
    %add3A_307 = arith.addi %add3A_269, %reduce_sum3A_73 : i32
    %eq3A = arith.constant 0 : i32
    %eq3A_308 = arith.cmpi eq, %add3A, %eq3A : i32
    %convert_element_type3A = arith.extui %eq3A_308 : i1 to i32
    %cond3A = arith.constant 0 : i32
    %cond3A_309 = arith.constant 0 : i32
    %cond3A_310 = arith.cmpi ne, %convert_element_type3A, %cond3A_309 : i32
    scf.if %cond3A_310 {
      %gt3A_1324 = arith.constant 0 : i32
      %gt3A_1325 = arith.cmpi sgt, %reduce_sum3A_13, %gt3A_1324 : i32
      %convert_element_type3A_1326 = arith.extui %gt3A_1325 : i1 to i32
      %gt3A_1327 = arith.constant 0 : i32
      %gt3A_1328 = arith.cmpi sgt, %reduce_sum3A_17, %gt3A_1327 : i32
      %convert_element_type3A_1329 = arith.extui %gt3A_1328 : i1 to i32
      %gt3A_1330 = arith.constant 0 : i32
      %gt3A_1331 = arith.cmpi sgt, %reduce_sum3A_21, %gt3A_1330 : i32
      %convert_element_type3A_1332 = arith.extui %gt3A_1331 : i1 to i32
      %gt3A_1333 = arith.constant 0 : i32
      %gt3A_1334 = arith.cmpi sgt, %reduce_sum3A_25, %gt3A_1333 : i32
      %convert_element_type3A_1335 = arith.extui %gt3A_1334 : i1 to i32
      %gt3A_1336 = arith.constant 0 : i32
      %gt3A_1337 = arith.cmpi sgt, %reduce_sum3A_29, %gt3A_1336 : i32
      %convert_element_type3A_1338 = arith.extui %gt3A_1337 : i1 to i32
      %gt3A_1339 = arith.constant 0 : i32
      %gt3A_1340 = arith.cmpi sgt, %reduce_sum3A_33, %gt3A_1339 : i32
      %convert_element_type3A_1341 = arith.extui %gt3A_1340 : i1 to i32
      %gt3A_1342 = arith.constant 0 : i32
      %gt3A_1343 = arith.cmpi sgt, %reduce_sum3A_37, %gt3A_1342 : i32
      %convert_element_type3A_1344 = arith.extui %gt3A_1343 : i1 to i32
      %gt3A_1345 = arith.constant 0 : i32
      %gt3A_1346 = arith.cmpi sgt, %reduce_sum3A_41, %gt3A_1345 : i32
      %convert_element_type3A_1347 = arith.extui %gt3A_1346 : i1 to i32
      %add3A_1348 = arith.constant 0 : i32
      %add3A_1349 = vector.broadcast %add3A_1348 : i32 to vector<16xi32>
      %add3A_1350 = arith.addi %iota3A, %add3A_1349 : vector<16xi32>
      %broadcast_in_dim3A_1351 = arith.constant 0 : i32
      %broadcast_in_dim3A_1352 = vector.broadcast %broadcast_in_dim3A_1351 : i32 to vector<16xi32>
      %broadcast_in_dim3A_1353 = arith.constant 0 : i32
      %broadcast_in_dim3A_1354 = vector.broadcast %broadcast_in_dim3A_1353 : i32 to vector<16xi32>
      %jit3A_1355 = arith.constant 256 : i32
      %div3A_1356 = arith.divsi %cond3A, %jit3A_1355 : i32
      %sign3A_1357 = arith.constant 0 : i32
      %sign3A_1358 = arith.cmpi sgt, %cond3A, %sign3A_1357 : i32
      %sign3A_1359 = arith.extui %sign3A_1358 : i1 to i32
      %sign3A_1360 = arith.constant 0 : i32
      %sign3A_1361 = arith.cmpi slt, %cond3A, %sign3A_1360 : i32
      %sign3A_1362 = arith.extui %sign3A_1361 : i1 to i32
      %sign3A_1363 = arith.subi %sign3A_1359, %sign3A_1362 : i32
      %sign3A_1364 = arith.constant 0 : i32
      %sign3A_1365 = arith.cmpi sgt, %jit3A_1355, %sign3A_1364 : i32
      %sign3A_1366 = arith.extui %sign3A_1365 : i1 to i32
      %sign3A_1367 = arith.constant 0 : i32
      %sign3A_1368 = arith.cmpi slt, %jit3A_1355, %sign3A_1367 : i32
      %sign3A_1369 = arith.extui %sign3A_1368 : i1 to i32
      %sign3A_1370 = arith.subi %sign3A_1366, %sign3A_1369 : i32
      %ne3A_1371 = arith.cmpi ne, %sign3A_1363, %sign3A_1370 : i32
      %rem3A_1372 = arith.remsi %cond3A, %jit3A_1355 : i32
      %ne3A_1373 = arith.constant 0 : i32
      %ne3A_1374 = arith.cmpi ne, %rem3A_1372, %ne3A_1373 : i32
      %and3A_1375 = arith.andi %ne3A_1371, %ne3A_1374 : i1
      %sub3A_1376 = arith.constant 1 : i32
      %sub3A_1377 = arith.subi %div3A_1356, %sub3A_1376 : i32
      %select_n3A_1378 = arith.select %and3A_1375, %sub3A_1377, %div3A_1356 : i32
      %ge3A = vector.broadcast %select_n3A_1378 : i32 to vector<16xi32>
      %ge3A_1379 = arith.cmpi sge, %add3A_1350, %ge3A : vector<16xi32>
      %convert_element_type3A_1380 = arith.extui %ge3A_1379 : vector<16xi1> to vector<16xi32>
      %add3A_1381 = arith.addi %broadcast_in_dim3A_1352, %convert_element_type3A_1380 : vector<16xi32>
      %mul3A_1382 = vector.broadcast %convert_element_type3A_1326 : i32 to vector<16xi32>
      %mul3A_1383 = arith.muli %convert_element_type3A_1380, %mul3A_1382 : vector<16xi32>
      %add3A_1384 = arith.addi %broadcast_in_dim3A_1354, %mul3A_1383 : vector<16xi32>
      %jit3A_1385 = arith.constant 256 : i32
      %div3A_1386 = arith.divsi %add3A_95, %jit3A_1385 : i32
      %sign3A_1387 = arith.constant 0 : i32
      %sign3A_1388 = arith.cmpi sgt, %add3A_95, %sign3A_1387 : i32
      %sign3A_1389 = arith.extui %sign3A_1388 : i1 to i32
      %sign3A_1390 = arith.constant 0 : i32
      %sign3A_1391 = arith.cmpi slt, %add3A_95, %sign3A_1390 : i32
      %sign3A_1392 = arith.extui %sign3A_1391 : i1 to i32
      %sign3A_1393 = arith.subi %sign3A_1389, %sign3A_1392 : i32
      %sign3A_1394 = arith.constant 0 : i32
      %sign3A_1395 = arith.cmpi sgt, %jit3A_1385, %sign3A_1394 : i32
      %sign3A_1396 = arith.extui %sign3A_1395 : i1 to i32
      %sign3A_1397 = arith.constant 0 : i32
      %sign3A_1398 = arith.cmpi slt, %jit3A_1385, %sign3A_1397 : i32
      %sign3A_1399 = arith.extui %sign3A_1398 : i1 to i32
      %sign3A_1400 = arith.subi %sign3A_1396, %sign3A_1399 : i32
      %ne3A_1401 = arith.cmpi ne, %sign3A_1393, %sign3A_1400 : i32
      %rem3A_1402 = arith.remsi %add3A_95, %jit3A_1385 : i32
      %ne3A_1403 = arith.constant 0 : i32
      %ne3A_1404 = arith.cmpi ne, %rem3A_1402, %ne3A_1403 : i32
      %and3A_1405 = arith.andi %ne3A_1401, %ne3A_1404 : i1
      %sub3A_1406 = arith.constant 1 : i32
      %sub3A_1407 = arith.subi %div3A_1386, %sub3A_1406 : i32
      %select_n3A_1408 = arith.select %and3A_1405, %sub3A_1407, %div3A_1386 : i32
      %ge3A_1409 = vector.broadcast %select_n3A_1408 : i32 to vector<16xi32>
      %ge3A_1410 = arith.cmpi sge, %add3A_1350, %ge3A_1409 : vector<16xi32>
      %convert_element_type3A_1411 = arith.extui %ge3A_1410 : vector<16xi1> to vector<16xi32>
      %add3A_1412 = arith.addi %add3A_1381, %convert_element_type3A_1411 : vector<16xi32>
      %mul3A_1413 = vector.broadcast %convert_element_type3A_1329 : i32 to vector<16xi32>
      %mul3A_1414 = arith.muli %convert_element_type3A_1411, %mul3A_1413 : vector<16xi32>
      %add3A_1415 = arith.addi %add3A_1384, %mul3A_1414 : vector<16xi32>
      %jit3A_1416 = arith.constant 256 : i32
      %div3A_1417 = arith.divsi %add3A_124, %jit3A_1416 : i32
      %sign3A_1418 = arith.constant 0 : i32
      %sign3A_1419 = arith.cmpi sgt, %add3A_124, %sign3A_1418 : i32
      %sign3A_1420 = arith.extui %sign3A_1419 : i1 to i32
      %sign3A_1421 = arith.constant 0 : i32
      %sign3A_1422 = arith.cmpi slt, %add3A_124, %sign3A_1421 : i32
      %sign3A_1423 = arith.extui %sign3A_1422 : i1 to i32
      %sign3A_1424 = arith.subi %sign3A_1420, %sign3A_1423 : i32
      %sign3A_1425 = arith.constant 0 : i32
      %sign3A_1426 = arith.cmpi sgt, %jit3A_1416, %sign3A_1425 : i32
      %sign3A_1427 = arith.extui %sign3A_1426 : i1 to i32
      %sign3A_1428 = arith.constant 0 : i32
      %sign3A_1429 = arith.cmpi slt, %jit3A_1416, %sign3A_1428 : i32
      %sign3A_1430 = arith.extui %sign3A_1429 : i1 to i32
      %sign3A_1431 = arith.subi %sign3A_1427, %sign3A_1430 : i32
      %ne3A_1432 = arith.cmpi ne, %sign3A_1424, %sign3A_1431 : i32
      %rem3A_1433 = arith.remsi %add3A_124, %jit3A_1416 : i32
      %ne3A_1434 = arith.constant 0 : i32
      %ne3A_1435 = arith.cmpi ne, %rem3A_1433, %ne3A_1434 : i32
      %and3A_1436 = arith.andi %ne3A_1432, %ne3A_1435 : i1
      %sub3A_1437 = arith.constant 1 : i32
      %sub3A_1438 = arith.subi %div3A_1417, %sub3A_1437 : i32
      %select_n3A_1439 = arith.select %and3A_1436, %sub3A_1438, %div3A_1417 : i32
      %ge3A_1440 = vector.broadcast %select_n3A_1439 : i32 to vector<16xi32>
      %ge3A_1441 = arith.cmpi sge, %add3A_1350, %ge3A_1440 : vector<16xi32>
      %convert_element_type3A_1442 = arith.extui %ge3A_1441 : vector<16xi1> to vector<16xi32>
      %add3A_1443 = arith.addi %add3A_1412, %convert_element_type3A_1442 : vector<16xi32>
      %mul3A_1444 = vector.broadcast %convert_element_type3A_1332 : i32 to vector<16xi32>
      %mul3A_1445 = arith.muli %convert_element_type3A_1442, %mul3A_1444 : vector<16xi32>
      %add3A_1446 = arith.addi %add3A_1415, %mul3A_1445 : vector<16xi32>
      %jit3A_1447 = arith.constant 256 : i32
      %div3A_1448 = arith.divsi %add3A_153, %jit3A_1447 : i32
      %sign3A_1449 = arith.constant 0 : i32
      %sign3A_1450 = arith.cmpi sgt, %add3A_153, %sign3A_1449 : i32
      %sign3A_1451 = arith.extui %sign3A_1450 : i1 to i32
      %sign3A_1452 = arith.constant 0 : i32
      %sign3A_1453 = arith.cmpi slt, %add3A_153, %sign3A_1452 : i32
      %sign3A_1454 = arith.extui %sign3A_1453 : i1 to i32
      %sign3A_1455 = arith.subi %sign3A_1451, %sign3A_1454 : i32
      %sign3A_1456 = arith.constant 0 : i32
      %sign3A_1457 = arith.cmpi sgt, %jit3A_1447, %sign3A_1456 : i32
      %sign3A_1458 = arith.extui %sign3A_1457 : i1 to i32
      %sign3A_1459 = arith.constant 0 : i32
      %sign3A_1460 = arith.cmpi slt, %jit3A_1447, %sign3A_1459 : i32
      %sign3A_1461 = arith.extui %sign3A_1460 : i1 to i32
      %sign3A_1462 = arith.subi %sign3A_1458, %sign3A_1461 : i32
      %ne3A_1463 = arith.cmpi ne, %sign3A_1455, %sign3A_1462 : i32
      %rem3A_1464 = arith.remsi %add3A_153, %jit3A_1447 : i32
      %ne3A_1465 = arith.constant 0 : i32
      %ne3A_1466 = arith.cmpi ne, %rem3A_1464, %ne3A_1465 : i32
      %and3A_1467 = arith.andi %ne3A_1463, %ne3A_1466 : i1
      %sub3A_1468 = arith.constant 1 : i32
      %sub3A_1469 = arith.subi %div3A_1448, %sub3A_1468 : i32
      %select_n3A_1470 = arith.select %and3A_1467, %sub3A_1469, %div3A_1448 : i32
      %ge3A_1471 = vector.broadcast %select_n3A_1470 : i32 to vector<16xi32>
      %ge3A_1472 = arith.cmpi sge, %add3A_1350, %ge3A_1471 : vector<16xi32>
      %convert_element_type3A_1473 = arith.extui %ge3A_1472 : vector<16xi1> to vector<16xi32>
      %add3A_1474 = arith.addi %add3A_1443, %convert_element_type3A_1473 : vector<16xi32>
      %mul3A_1475 = vector.broadcast %convert_element_type3A_1335 : i32 to vector<16xi32>
      %mul3A_1476 = arith.muli %convert_element_type3A_1473, %mul3A_1475 : vector<16xi32>
      %add3A_1477 = arith.addi %add3A_1446, %mul3A_1476 : vector<16xi32>
      %jit3A_1478 = arith.constant 256 : i32
      %div3A_1479 = arith.divsi %add3A_182, %jit3A_1478 : i32
      %sign3A_1480 = arith.constant 0 : i32
      %sign3A_1481 = arith.cmpi sgt, %add3A_182, %sign3A_1480 : i32
      %sign3A_1482 = arith.extui %sign3A_1481 : i1 to i32
      %sign3A_1483 = arith.constant 0 : i32
      %sign3A_1484 = arith.cmpi slt, %add3A_182, %sign3A_1483 : i32
      %sign3A_1485 = arith.extui %sign3A_1484 : i1 to i32
      %sign3A_1486 = arith.subi %sign3A_1482, %sign3A_1485 : i32
      %sign3A_1487 = arith.constant 0 : i32
      %sign3A_1488 = arith.cmpi sgt, %jit3A_1478, %sign3A_1487 : i32
      %sign3A_1489 = arith.extui %sign3A_1488 : i1 to i32
      %sign3A_1490 = arith.constant 0 : i32
      %sign3A_1491 = arith.cmpi slt, %jit3A_1478, %sign3A_1490 : i32
      %sign3A_1492 = arith.extui %sign3A_1491 : i1 to i32
      %sign3A_1493 = arith.subi %sign3A_1489, %sign3A_1492 : i32
      %ne3A_1494 = arith.cmpi ne, %sign3A_1486, %sign3A_1493 : i32
      %rem3A_1495 = arith.remsi %add3A_182, %jit3A_1478 : i32
      %ne3A_1496 = arith.constant 0 : i32
      %ne3A_1497 = arith.cmpi ne, %rem3A_1495, %ne3A_1496 : i32
      %and3A_1498 = arith.andi %ne3A_1494, %ne3A_1497 : i1
      %sub3A_1499 = arith.constant 1 : i32
      %sub3A_1500 = arith.subi %div3A_1479, %sub3A_1499 : i32
      %select_n3A_1501 = arith.select %and3A_1498, %sub3A_1500, %div3A_1479 : i32
      %ge3A_1502 = vector.broadcast %select_n3A_1501 : i32 to vector<16xi32>
      %ge3A_1503 = arith.cmpi sge, %add3A_1350, %ge3A_1502 : vector<16xi32>
      %convert_element_type3A_1504 = arith.extui %ge3A_1503 : vector<16xi1> to vector<16xi32>
      %add3A_1505 = arith.addi %add3A_1474, %convert_element_type3A_1504 : vector<16xi32>
      %mul3A_1506 = vector.broadcast %convert_element_type3A_1338 : i32 to vector<16xi32>
      %mul3A_1507 = arith.muli %convert_element_type3A_1504, %mul3A_1506 : vector<16xi32>
      %add3A_1508 = arith.addi %add3A_1477, %mul3A_1507 : vector<16xi32>
      %jit3A_1509 = arith.constant 256 : i32
      %div3A_1510 = arith.divsi %add3A_211, %jit3A_1509 : i32
      %sign3A_1511 = arith.constant 0 : i32
      %sign3A_1512 = arith.cmpi sgt, %add3A_211, %sign3A_1511 : i32
      %sign3A_1513 = arith.extui %sign3A_1512 : i1 to i32
      %sign3A_1514 = arith.constant 0 : i32
      %sign3A_1515 = arith.cmpi slt, %add3A_211, %sign3A_1514 : i32
      %sign3A_1516 = arith.extui %sign3A_1515 : i1 to i32
      %sign3A_1517 = arith.subi %sign3A_1513, %sign3A_1516 : i32
      %sign3A_1518 = arith.constant 0 : i32
      %sign3A_1519 = arith.cmpi sgt, %jit3A_1509, %sign3A_1518 : i32
      %sign3A_1520 = arith.extui %sign3A_1519 : i1 to i32
      %sign3A_1521 = arith.constant 0 : i32
      %sign3A_1522 = arith.cmpi slt, %jit3A_1509, %sign3A_1521 : i32
      %sign3A_1523 = arith.extui %sign3A_1522 : i1 to i32
      %sign3A_1524 = arith.subi %sign3A_1520, %sign3A_1523 : i32
      %ne3A_1525 = arith.cmpi ne, %sign3A_1517, %sign3A_1524 : i32
      %rem3A_1526 = arith.remsi %add3A_211, %jit3A_1509 : i32
      %ne3A_1527 = arith.constant 0 : i32
      %ne3A_1528 = arith.cmpi ne, %rem3A_1526, %ne3A_1527 : i32
      %and3A_1529 = arith.andi %ne3A_1525, %ne3A_1528 : i1
      %sub3A_1530 = arith.constant 1 : i32
      %sub3A_1531 = arith.subi %div3A_1510, %sub3A_1530 : i32
      %select_n3A_1532 = arith.select %and3A_1529, %sub3A_1531, %div3A_1510 : i32
      %ge3A_1533 = vector.broadcast %select_n3A_1532 : i32 to vector<16xi32>
      %ge3A_1534 = arith.cmpi sge, %add3A_1350, %ge3A_1533 : vector<16xi32>
      %convert_element_type3A_1535 = arith.extui %ge3A_1534 : vector<16xi1> to vector<16xi32>
      %add3A_1536 = arith.addi %add3A_1505, %convert_element_type3A_1535 : vector<16xi32>
      %mul3A_1537 = vector.broadcast %convert_element_type3A_1341 : i32 to vector<16xi32>
      %mul3A_1538 = arith.muli %convert_element_type3A_1535, %mul3A_1537 : vector<16xi32>
      %add3A_1539 = arith.addi %add3A_1508, %mul3A_1538 : vector<16xi32>
      %jit3A_1540 = arith.constant 256 : i32
      %div3A_1541 = arith.divsi %add3A_240, %jit3A_1540 : i32
      %sign3A_1542 = arith.constant 0 : i32
      %sign3A_1543 = arith.cmpi sgt, %add3A_240, %sign3A_1542 : i32
      %sign3A_1544 = arith.extui %sign3A_1543 : i1 to i32
      %sign3A_1545 = arith.constant 0 : i32
      %sign3A_1546 = arith.cmpi slt, %add3A_240, %sign3A_1545 : i32
      %sign3A_1547 = arith.extui %sign3A_1546 : i1 to i32
      %sign3A_1548 = arith.subi %sign3A_1544, %sign3A_1547 : i32
      %sign3A_1549 = arith.constant 0 : i32
      %sign3A_1550 = arith.cmpi sgt, %jit3A_1540, %sign3A_1549 : i32
      %sign3A_1551 = arith.extui %sign3A_1550 : i1 to i32
      %sign3A_1552 = arith.constant 0 : i32
      %sign3A_1553 = arith.cmpi slt, %jit3A_1540, %sign3A_1552 : i32
      %sign3A_1554 = arith.extui %sign3A_1553 : i1 to i32
      %sign3A_1555 = arith.subi %sign3A_1551, %sign3A_1554 : i32
      %ne3A_1556 = arith.cmpi ne, %sign3A_1548, %sign3A_1555 : i32
      %rem3A_1557 = arith.remsi %add3A_240, %jit3A_1540 : i32
      %ne3A_1558 = arith.constant 0 : i32
      %ne3A_1559 = arith.cmpi ne, %rem3A_1557, %ne3A_1558 : i32
      %and3A_1560 = arith.andi %ne3A_1556, %ne3A_1559 : i1
      %sub3A_1561 = arith.constant 1 : i32
      %sub3A_1562 = arith.subi %div3A_1541, %sub3A_1561 : i32
      %select_n3A_1563 = arith.select %and3A_1560, %sub3A_1562, %div3A_1541 : i32
      %ge3A_1564 = vector.broadcast %select_n3A_1563 : i32 to vector<16xi32>
      %ge3A_1565 = arith.cmpi sge, %add3A_1350, %ge3A_1564 : vector<16xi32>
      %convert_element_type3A_1566 = arith.extui %ge3A_1565 : vector<16xi1> to vector<16xi32>
      %add3A_1567 = arith.addi %add3A_1536, %convert_element_type3A_1566 : vector<16xi32>
      %mul3A_1568 = vector.broadcast %convert_element_type3A_1344 : i32 to vector<16xi32>
      %mul3A_1569 = arith.muli %convert_element_type3A_1566, %mul3A_1568 : vector<16xi32>
      %add3A_1570 = arith.addi %add3A_1539, %mul3A_1569 : vector<16xi32>
      %jit3A_1571 = arith.constant 256 : i32
      %div3A_1572 = arith.divsi %add3A_269, %jit3A_1571 : i32
      %sign3A_1573 = arith.constant 0 : i32
      %sign3A_1574 = arith.cmpi sgt, %add3A_269, %sign3A_1573 : i32
      %sign3A_1575 = arith.extui %sign3A_1574 : i1 to i32
      %sign3A_1576 = arith.constant 0 : i32
      %sign3A_1577 = arith.cmpi slt, %add3A_269, %sign3A_1576 : i32
      %sign3A_1578 = arith.extui %sign3A_1577 : i1 to i32
      %sign3A_1579 = arith.subi %sign3A_1575, %sign3A_1578 : i32
      %sign3A_1580 = arith.constant 0 : i32
      %sign3A_1581 = arith.cmpi sgt, %jit3A_1571, %sign3A_1580 : i32
      %sign3A_1582 = arith.extui %sign3A_1581 : i1 to i32
      %sign3A_1583 = arith.constant 0 : i32
      %sign3A_1584 = arith.cmpi slt, %jit3A_1571, %sign3A_1583 : i32
      %sign3A_1585 = arith.extui %sign3A_1584 : i1 to i32
      %sign3A_1586 = arith.subi %sign3A_1582, %sign3A_1585 : i32
      %ne3A_1587 = arith.cmpi ne, %sign3A_1579, %sign3A_1586 : i32
      %rem3A_1588 = arith.remsi %add3A_269, %jit3A_1571 : i32
      %ne3A_1589 = arith.constant 0 : i32
      %ne3A_1590 = arith.cmpi ne, %rem3A_1588, %ne3A_1589 : i32
      %and3A_1591 = arith.andi %ne3A_1587, %ne3A_1590 : i1
      %sub3A_1592 = arith.constant 1 : i32
      %sub3A_1593 = arith.subi %div3A_1572, %sub3A_1592 : i32
      %select_n3A_1594 = arith.select %and3A_1591, %sub3A_1593, %div3A_1572 : i32
      %ge3A_1595 = vector.broadcast %select_n3A_1594 : i32 to vector<16xi32>
      %ge3A_1596 = arith.cmpi sge, %add3A_1350, %ge3A_1595 : vector<16xi32>
      %convert_element_type3A_1597 = arith.extui %ge3A_1596 : vector<16xi1> to vector<16xi32>
      %add3A_1598 = arith.addi %add3A_1567, %convert_element_type3A_1597 : vector<16xi32>
      %mul3A_1599 = vector.broadcast %convert_element_type3A_1347 : i32 to vector<16xi32>
      %mul3A_1600 = arith.muli %convert_element_type3A_1597, %mul3A_1599 : vector<16xi32>
      %add3A_1601 = arith.addi %add3A_1570, %mul3A_1600 : vector<16xi32>
      %sub3A_1602 = arith.constant 1 : i32
      %sub3A_1603 = vector.broadcast %sub3A_1602 : i32 to vector<16xi32>
      %sub3A_1604 = arith.subi %add3A_1598, %sub3A_1603 : vector<16xi32>
      %min3A = arith.constant 7 : i32
      %min3A_1605 = vector.broadcast %min3A : i32 to vector<16xi32>
      %min3A_1606 = arith.minsi %sub3A_1604, %min3A_1605 : vector<16xi32>
      %swap3A_1607 = arith.constant 0 : index
      %swap3A_1608 = tpu.vector_load %arg11[%swap3A_1607] {strides = array<i32>} : memref<112xi32, #tpu.memory_space<vmem>>, vector<16xi32>,
      tpu.vector_store %arg11[%swap3A_1607], %min3A_1606 {strides = array<i32>} : memref<112xi32, #tpu.memory_space<vmem>>, vector<16xi32>,
      %sub3A_1609 = arith.constant 1 : i32
      %sub3A_1610 = vector.broadcast %sub3A_1609 : i32 to vector<16xi32>
      %sub3A_1611 = arith.subi %add3A_1601, %sub3A_1610 : vector<16xi32>
      %max3A = arith.constant 0 : i32
      %max3A_1612 = vector.broadcast %max3A : i32 to vector<16xi32>
      %max3A_1613 = arith.maxsi %sub3A_1611, %max3A_1612 : vector<16xi32>
      %swap3A_1614 = arith.constant 48 : index
      %swap3A_1615 = tpu.vector_load %arg11[%swap3A_1614] {strides = array<i32>} : memref<112xi32, #tpu.memory_space<vmem>>, vector<16xi32>,
      tpu.vector_store %arg11[%swap3A_1614], %max3A_1613 {strides = array<i32>} : memref<112xi32, #tpu.memory_space<vmem>>, vector<16xi32>,
      %add3A_1616 = arith.constant 16 : i32
      %add3A_1617 = vector.broadcast %add3A_1616 : i32 to vector<16xi32>
      %add3A_1618 = arith.addi %iota3A, %add3A_1617 : vector<16xi32>
      %broadcast_in_dim3A_1619 = arith.constant 0 : i32
      %broadcast_in_dim3A_1620 = vector.broadcast %broadcast_in_dim3A_1619 : i32 to vector<16xi32>
      %broadcast_in_dim3A_1621 = arith.constant 0 : i32
      %broadcast_in_dim3A_1622 = vector.broadcast %broadcast_in_dim3A_1621 : i32 to vector<16xi32>
      %jit3A_1623 = arith.constant 256 : i32
      %div3A_1624 = arith.divsi %cond3A, %jit3A_1623 : i32
      %sign3A_1625 = arith.constant 0 : i32
      %sign3A_1626 = arith.cmpi sgt, %cond3A, %sign3A_1625 : i32
      %sign3A_1627 = arith.extui %sign3A_1626 : i1 to i32
      %sign3A_1628 = arith.constant 0 : i32
      %sign3A_1629 = arith.cmpi slt, %cond3A, %sign3A_1628 : i32
      %sign3A_1630 = arith.extui %sign3A_1629 : i1 to i32
      %sign3A_1631 = arith.subi %sign3A_1627, %sign3A_1630 : i32
      %sign3A_1632 = arith.constant 0 : i32
      %sign3A_1633 = arith.cmpi sgt, %jit3A_1623, %sign3A_1632 : i32
      %sign3A_1634 = arith.extui %sign3A_1633 : i1 to i32
      %sign3A_1635 = arith.constant 0 : i32
      %sign3A_1636 = arith.cmpi slt, %jit3A_1623, %sign3A_1635 : i32
      %sign3A_1637 = arith.extui %sign3A_1636 : i1 to i32
      %sign3A_1638 = arith.subi %sign3A_1634, %sign3A_1637 : i32
      %ne3A_1639 = arith.cmpi ne, %sign3A_1631, %sign3A_1638 : i32
      %rem3A_1640 = arith.remsi %cond3A, %jit3A_1623 : i32
      %ne3A_1641 = arith.constant 0 : i32
      %ne3A_1642 = arith.cmpi ne, %rem3A_1640, %ne3A_1641 : i32
      %and3A_1643 = arith.andi %ne3A_1639, %ne3A_1642 : i1
      %sub3A_1644 = arith.constant 1 : i32
      %sub3A_1645 = arith.subi %div3A_1624, %sub3A_1644 : i32
      %select_n3A_1646 = arith.select %and3A_1643, %sub3A_1645, %div3A_1624 : i32
      %ge3A_1647 = vector.broadcast %select_n3A_1646 : i32 to vector<16xi32>
      %ge3A_1648 = arith.cmpi sge, %add3A_1618, %ge3A_1647 : vector<16xi32>
      %convert_element_type3A_1649 = arith.extui %ge3A_1648 : vector<16xi1> to vector<16xi32>
      %add3A_1650 = arith.addi %broadcast_in_dim3A_1620, %convert_element_type3A_1649 : vector<16xi32>
      %mul3A_1651 = vector.broadcast %convert_element_type3A_1326 : i32 to vector<16xi32>
      %mul3A_1652 = arith.muli %convert_element_type3A_1649, %mul3A_1651 : vector<16xi32>
      %add3A_1653 = arith.addi %broadcast_in_dim3A_1622, %mul3A_1652 : vector<16xi32>
      %jit3A_1654 = arith.constant 256 : i32
      %div3A_1655 = arith.divsi %add3A_95, %jit3A_1654 : i32
      %sign3A_1656 = arith.constant 0 : i32
      %sign3A_1657 = arith.cmpi sgt, %add3A_95, %sign3A_1656 : i32
      %sign3A_1658 = arith.extui %sign3A_1657 : i1 to i32
      %sign3A_1659 = arith.constant 0 : i32
      %sign3A_1660 = arith.cmpi slt, %add3A_95, %sign3A_1659 : i32
      %sign3A_1661 = arith.extui %sign3A_1660 : i1 to i32
      %sign3A_1662 = arith.subi %sign3A_1658, %sign3A_1661 : i32
      %sign3A_1663 = arith.constant 0 : i32
      %sign3A_1664 = arith.cmpi sgt, %jit3A_1654, %sign3A_1663 : i32
      %sign3A_1665 = arith.extui %sign3A_1664 : i1 to i32
      %sign3A_1666 = arith.constant 0 : i32
      %sign3A_1667 = arith.cmpi slt, %jit3A_1654, %sign3A_1666 : i32
      %sign3A_1668 = arith.extui %sign3A_1667 : i1 to i32
      %sign3A_1669 = arith.subi %sign3A_1665, %sign3A_1668 : i32
      %ne3A_1670 = arith.cmpi ne, %sign3A_1662, %sign3A_1669 : i32
      %rem3A_1671 = arith.remsi %add3A_95, %jit3A_1654 : i32
      %ne3A_1672 = arith.constant 0 : i32
      %ne3A_1673 = arith.cmpi ne, %rem3A_1671, %ne3A_1672 : i32
      %and3A_1674 = arith.andi %ne3A_1670, %ne3A_1673 : i1
      %sub3A_1675 = arith.constant 1 : i32
      %sub3A_1676 = arith.subi %div3A_1655, %sub3A_1675 : i32
      %select_n3A_1677 = arith.select %and3A_1674, %sub3A_1676, %div3A_1655 : i32
      %ge3A_1678 = vector.broadcast %select_n3A_1677 : i32 to vector<16xi32>
      %ge3A_1679 = arith.cmpi sge, %add3A_1618, %ge3A_1678 : vector<16xi32>
      %convert_element_type3A_1680 = arith.extui %ge3A_1679 : vector<16xi1> to vector<16xi32>
      %add3A_1681 = arith.addi %add3A_1650, %convert_element_type3A_1680 : vector<16xi32>
      %mul3A_1682 = vector.broadcast %convert_element_type3A_1329 : i32 to vector<16xi32>
      %mul3A_1683 = arith.muli %convert_element_type3A_1680, %mul3A_1682 : vector<16xi32>
      %add3A_1684 = arith.addi %add3A_1653, %mul3A_1683 : vector<16xi32>
      %jit3A_1685 = arith.constant 256 : i32
      %div3A_1686 = arith.divsi %add3A_124, %jit3A_1685 : i32
      %sign3A_1687 = arith.constant 0 : i32
      %sign3A_1688 = arith.cmpi sgt, %add3A_124, %sign3A_1687 : i32
      %sign3A_1689 = arith.extui %sign3A_1688 : i1 to i32
      %sign3A_1690 = arith.constant 0 : i32
      %sign3A_1691 = arith.cmpi slt, %add3A_124, %sign3A_1690 : i32
      %sign3A_1692 = arith.extui %sign3A_1691 : i1 to i32
      %sign3A_1693 = arith.subi %sign3A_1689, %sign3A_1692 : i32
      %sign3A_1694 = arith.constant 0 : i32
      %sign3A_1695 = arith.cmpi sgt, %jit3A_1685, %sign3A_1694 : i32
      %sign3A_1696 = arith.extui %sign3A_1695 : i1 to i32
      %sign3A_1697 = arith.constant 0 : i32
      %sign3A_1698 = arith.cmpi slt, %jit3A_1685, %sign3A_1697 : i32
      %sign3A_1699 = arith.extui %sign3A_1698 : i1 to i32
      %sign3A_1700 = arith.subi %sign3A_1696, %sign3A_1699 : i32
      %ne3A_1701 = arith.cmpi ne, %sign3A_1693, %sign3A_1700 : i32
      %rem3A_1702 = arith.remsi %add3A_124, %jit3A_1685 : i32
      %ne3A_1703 = arith.constant 0 : i32
      %ne3A_1704 = arith.cmpi ne, %rem3A_1702, %ne3A_1703 : i32
      %and3A_1705 = arith.andi %ne3A_1701, %ne3A_1704 : i1
      %sub3A_1706 = arith.constant 1 : i32
      %sub3A_1707 = arith.subi %div3A_1686, %sub3A_1706 : i32
      %select_n3A_1708 = arith.select %and3A_1705, %sub3A_1707, %div3A_1686 : i32
      %ge3A_1709 = vector.broadcast %select_n3A_1708 : i32 to vector<16xi32>
      %ge3A_1710 = arith.cmpi sge, %add3A_1618, %ge3A_1709 : vector<16xi32>
      %convert_element_type3A_1711 = arith.extui %ge3A_1710 : vector<16xi1> to vector<16xi32>
      %add3A_1712 = arith.addi %add3A_1681, %convert_element_type3A_1711 : vector<16xi32>
      %mul3A_1713 = vector.broadcast %convert_element_type3A_1332 : i32 to vector<16xi32>
      %mul3A_1714 = arith.muli %convert_element_type3A_1711, %mul3A_1713 : vector<16xi32>
      %add3A_1715 = arith.addi %add3A_1684, %mul3A_1714 : vector<16xi32>
      %jit3A_1716 = arith.constant 256 : i32
      %div3A_1717 = arith.divsi %add3A_153, %jit3A_1716 : i32
      %sign3A_1718 = arith.constant 0 : i32
      %sign3A_1719 = arith.cmpi sgt, %add3A_153, %sign3A_1718 : i32
      %sign3A_1720 = arith.extui %sign3A_1719 : i1 to i32
      %sign3A_1721 = arith.constant 0 : i32
      %sign3A_1722 = arith.cmpi slt, %add3A_153, %sign3A_1721 : i32
      %sign3A_1723 = arith.extui %sign3A_1722 : i1 to i32
      %sign3A_1724 = arith.subi %sign3A_1720, %sign3A_1723 : i32
      %sign3A_1725 = arith.constant 0 : i32
      %sign3A_1726 = arith.cmpi sgt, %jit3A_1716, %sign3A_1725 : i32
      %sign3A_1727 = arith.extui %sign3A_1726 : i1 to i32
      %sign3A_1728 = arith.constant 0 : i32
      %sign3A_1729 = arith.cmpi slt, %jit3A_1716, %sign3A_1728 : i32
      %sign3A_1730 = arith.extui %sign3A_1729 : i1 to i32
      %sign3A_1731 = arith.subi %sign3A_1727, %sign3A_1730 : i32
      %ne3A_1732 = arith.cmpi ne, %sign3A_1724, %sign3A_1731 : i32
      %rem3A_1733 = arith.remsi %add3A_153, %jit3A_1716 : i32
      %ne3A_1734 = arith.constant 0 : i32
      %ne3A_1735 = arith.cmpi ne, %rem3A_1733, %ne3A_1734 : i32
      %and3A_1736 = arith.andi %ne3A_1732, %ne3A_1735 : i1
      %sub3A_1737 = arith.constant 1 : i32
      %sub3A_1738 = arith.subi %div3A_1717, %sub3A_1737 : i32
      %select_n3A_1739 = arith.select %and3A_1736, %sub3A_1738, %div3A_1717 : i32
      %ge3A_1740 = vector.broadcast %select_n3A_1739 : i32 to vector<16xi32>
      %ge3A_1741 = arith.cmpi sge, %add3A_1618, %ge3A_1740 : vector<16xi32>
      %convert_element_type3A_1742 = arith.extui %ge3A_1741 : vector<16xi1> to vector<16xi32>
      %add3A_1743 = arith.addi %add3A_1712, %convert_element_type3A_1742 : vector<16xi32>
      %mul3A_1744 = vector.broadcast %convert_element_type3A_1335 : i32 to vector<16xi32>
      %mul3A_1745 = arith.muli %convert_element_type3A_1742, %mul3A_1744 : vector<16xi32>
      %add3A_1746 = arith.addi %add3A_1715, %mul3A_1745 : vector<16xi32>
      %jit3A_1747 = arith.constant 256 : i32
      %div3A_1748 = arith.divsi %add3A_182, %jit3A_1747 : i32
      %sign3A_1749 = arith.constant 0 : i32
      %sign3A_1750 = arith.cmpi sgt, %add3A_182, %sign3A_1749 : i32
      %sign3A_1751 = arith.extui %sign3A_1750 : i1 to i32
      %sign3A_1752 = arith.constant 0 : i32
      %sign3A_1753 = arith.cmpi slt, %add3A_182, %sign3A_1752 : i32
      %sign3A_1754 = arith.extui %sign3A_1753 : i1 to i32
      %sign3A_1755 = arith.subi %sign3A_1751, %sign3A_1754 : i32
      %sign3A_1756 = arith.constant 0 : i32
      %sign3A_1757 = arith.cmpi sgt, %jit3A_1747, %sign3A_1756 : i32
      %sign3A_1758 = arith.extui %sign3A_1757 : i1 to i32
      %sign3A_1759 = arith.constant 0 : i32
      %sign3A_1760 = arith.cmpi slt, %jit3A_1747, %sign3A_1759 : i32
      %sign3A_1761 = arith.extui %sign3A_1760 : i1 to i32
      %sign3A_1762 = arith.subi %sign3A_1758, %sign3A_1761 : i32
      %ne3A_1763 = arith.cmpi ne, %sign3A_1755, %sign3A_1762 : i32
      %rem3A_1764 = arith.remsi %add3A_182, %jit3A_1747 : i32
      %ne3A_1765 = arith.constant 0 : i32
      %ne3A_1766 = arith.cmpi ne, %rem3A_1764, %ne3A_1765 : i32
      %and3A_1767 = arith.andi %ne3A_1763, %ne3A_1766 : i1
      %sub3A_1768 = arith.constant 1 : i32
      %sub3A_1769 = arith.subi %div3A_1748, %sub3A_1768 : i32
      %select_n3A_1770 = arith.select %and3A_1767, %sub3A_1769, %div3A_1748 : i32
      %ge3A_1771 = vector.broadcast %select_n3A_1770 : i32 to vector<16xi32>
      %ge3A_1772 = arith.cmpi sge, %add3A_1618, %ge3A_1771 : vector<16xi32>
      %convert_element_type3A_1773 = arith.extui %ge3A_1772 : vector<16xi1> to vector<16xi32>
      %add3A_1774 = arith.addi %add3A_1743, %convert_element_type3A_1773 : vector<16xi32>
      %mul3A_1775 = vector.broadcast %convert_element_type3A_1338 : i32 to vector<16xi32>
      %mul3A_1776 = arith.muli %convert_element_type3A_1773, %mul3A_1775 : vector<16xi32>
      %add3A_1777 = arith.addi %add3A_1746, %mul3A_1776 : vector<16xi32>
      %jit3A_1778 = arith.constant 256 : i32
      %div3A_1779 = arith.divsi %add3A_211, %jit3A_1778 : i32
      %sign3A_1780 = arith.constant 0 : i32
      %sign3A_1781 = arith.cmpi sgt, %add3A_211, %sign3A_1780 : i32
      %sign3A_1782 = arith.extui %sign3A_1781 : i1 to i32
      %sign3A_1783 = arith.constant 0 : i32
      %sign3A_1784 = arith.cmpi slt, %add3A_211, %sign3A_1783 : i32
      %sign3A_1785 = arith.extui %sign3A_1784 : i1 to i32
      %sign3A_1786 = arith.subi %sign3A_1782, %sign3A_1785 : i32
      %sign3A_1787 = arith.constant 0 : i32
      %sign3A_1788 = arith.cmpi sgt, %jit3A_1778, %sign3A_1787 : i32
      %sign3A_1789 = arith.extui %sign3A_1788 : i1 to i32
      %sign3A_1790 = arith.constant 0 : i32
      %sign3A_1791 = arith.cmpi slt, %jit3A_1778, %sign3A_1790 : i32
      %sign3A_1792 = arith.extui %sign3A_1791 : i1 to i32
      %sign3A_1793 = arith.subi %sign3A_1789, %sign3A_1792 : i32
      %ne3A_1794 = arith.cmpi ne, %sign3A_1786, %sign3A_1793 : i32
      %rem3A_1795 = arith.remsi %add3A_211, %jit3A_1778 : i32
      %ne3A_1796 = arith.constant 0 : i32
      %ne3A_1797 = arith.cmpi ne, %rem3A_1795, %ne3A_1796 : i32
      %and3A_1798 = arith.andi %ne3A_1794, %ne3A_1797 : i1
      %sub3A_1799 = arith.constant 1 : i32
      %sub3A_1800 = arith.subi %div3A_1779, %sub3A_1799 : i32
      %select_n3A_1801 = arith.select %and3A_1798, %sub3A_1800, %div3A_1779 : i32
      %ge3A_1802 = vector.broadcast %select_n3A_1801 : i32 to vector<16xi32>
      %ge3A_1803 = arith.cmpi sge, %add3A_1618, %ge3A_1802 : vector<16xi32>
      %convert_element_type3A_1804 = arith.extui %ge3A_1803 : vector<16xi1> to vector<16xi32>
      %add3A_1805 = arith.addi %add3A_1774, %convert_element_type3A_1804 : vector<16xi32>
      %mul3A_1806 = vector.broadcast %convert_element_type3A_1341 : i32 to vector<16xi32>
      %mul3A_1807 = arith.muli %convert_element_type3A_1804, %mul3A_1806 : vector<16xi32>
      %add3A_1808 = arith.addi %add3A_1777, %mul3A_1807 : vector<16xi32>
      %jit3A_1809 = arith.constant 256 : i32
      %div3A_1810 = arith.divsi %add3A_240, %jit3A_1809 : i32
      %sign3A_1811 = arith.constant 0 : i32
      %sign3A_1812 = arith.cmpi sgt, %add3A_240, %sign3A_1811 : i32
      %sign3A_1813 = arith.extui %sign3A_1812 : i1 to i32
      %sign3A_1814 = arith.constant 0 : i32
      %sign3A_1815 = arith.cmpi slt, %add3A_240, %sign3A_1814 : i32
      %sign3A_1816 = arith.extui %sign3A_1815 : i1 to i32
      %sign3A_1817 = arith.subi %sign3A_1813, %sign3A_1816 : i32
      %sign3A_1818 = arith.constant 0 : i32
      %sign3A_1819 = arith.cmpi sgt, %jit3A_1809, %sign3A_1818 : i32
      %sign3A_1820 = arith.extui %sign3A_1819 : i1 to i32
      %sign3A_1821 = arith.constant 0 : i32
      %sign3A_1822 = arith.cmpi slt, %jit3A_1809, %sign3A_1821 : i32
      %sign3A_1823 = arith.extui %sign3A_1822 : i1 to i32
      %sign3A_1824 = arith.subi %sign3A_1820, %sign3A_1823 : i32
      %ne3A_1825 = arith.cmpi ne, %sign3A_1817, %sign3A_1824 : i32
      %rem3A_1826 = arith.remsi %add3A_240, %jit3A_1809 : i32
      %ne3A_1827 = arith.constant 0 : i32
      %ne3A_1828 = arith.cmpi ne, %rem3A_1826, %ne3A_1827 : i32
      %and3A_1829 = arith.andi %ne3A_1825, %ne3A_1828 : i1
      %sub3A_1830 = arith.constant 1 : i32
      %sub3A_1831 = arith.subi %div3A_1810, %sub3A_1830 : i32
      %select_n3A_1832 = arith.select %and3A_1829, %sub3A_1831, %div3A_1810 : i32
      %ge3A_1833 = vector.broadcast %select_n3A_1832 : i32 to vector<16xi32>
      %ge3A_1834 = arith.cmpi sge, %add3A_1618, %ge3A_1833 : vector<16xi32>
      %convert_element_type3A_1835 = arith.extui %ge3A_1834 : vector<16xi1> to vector<16xi32>
      %add3A_1836 = arith.addi %add3A_1805, %convert_element_type3A_1835 : vector<16xi32>
      %mul3A_1837 = vector.broadcast %convert_element_type3A_1344 : i32 to vector<16xi32>
      %mul3A_1838 = arith.muli %convert_element_type3A_1835, %mul3A_1837 : vector<16xi32>
      %add3A_1839 = arith.addi %add3A_1808, %mul3A_1838 : vector<16xi32>
      %jit3A_1840 = arith.constant 256 : i32
      %div3A_1841 = arith.divsi %add3A_269, %jit3A_1840 : i32
      %sign3A_1842 = arith.constant 0 : i32
      %sign3A_1843 = arith.cmpi sgt, %add3A_269, %sign3A_1842 : i32
      %sign3A_1844 = arith.extui %sign3A_1843 : i1 to i32
      %sign3A_1845 = arith.constant 0 : i32
      %sign3A_1846 = arith.cmpi slt, %add3A_269, %sign3A_1845 : i32
      %sign3A_1847 = arith.extui %sign3A_1846 : i1 to i32
      %sign3A_1848 = arith.subi %sign3A_1844, %sign3A_1847 : i32
      %sign3A_1849 = arith.constant 0 : i32
      %sign3A_1850 = arith.cmpi sgt, %jit3A_1840, %sign3A_1849 : i32
      %sign3A_1851 = arith.extui %sign3A_1850 : i1 to i32
      %sign3A_1852 = arith.constant 0 : i32
      %sign3A_1853 = arith.cmpi slt, %jit3A_1840, %sign3A_1852 : i32
      %sign3A_1854 = arith.extui %sign3A_1853 : i1 to i32
      %sign3A_1855 = arith.subi %sign3A_1851, %sign3A_1854 : i32
      %ne3A_1856 = arith.cmpi ne, %sign3A_1848, %sign3A_1855 : i32
      %rem3A_1857 = arith.remsi %add3A_269, %jit3A_1840 : i32
      %ne3A_1858 = arith.constant 0 : i32
      %ne3A_1859 = arith.cmpi ne, %rem3A_1857, %ne3A_1858 : i32
      %and3A_1860 = arith.andi %ne3A_1856, %ne3A_1859 : i1
      %sub3A_1861 = arith.constant 1 : i32
      %sub3A_1862 = arith.subi %div3A_1841, %sub3A_1861 : i32
      %select_n3A_1863 = arith.select %and3A_1860, %sub3A_1862, %div3A_1841 : i32
      %ge3A_1864 = vector.broadcast %select_n3A_1863 : i32 to vector<16xi32>
      %ge3A_1865 = arith.cmpi sge, %add3A_1618, %ge3A_1864 : vector<16xi32>
      %convert_element_type3A_1866 = arith.extui %ge3A_1865 : vector<16xi1> to vector<16xi32>
      %add3A_1867 = arith.addi %add3A_1836, %convert_element_type3A_1866 : vector<16xi32>
      %mul3A_1868 = vector.broadcast %convert_element_type3A_1347 : i32 to vector<16xi32>
      %mul3A_1869 = arith.muli %convert_element_type3A_1866, %mul3A_1868 : vector<16xi32>
      %add3A_1870 = arith.addi %add3A_1839, %mul3A_1869 : vector<16xi32>
      %sub3A_1871 = arith.constant 1 : i32
      %sub3A_1872 = vector.broadcast %sub3A_1871 : i32 to vector<16xi32>
      %sub3A_1873 = arith.subi %add3A_1867, %sub3A_1872 : vector<16xi32>
      %min3A_1874 = arith.constant 7 : i32
      %min3A_1875 = vector.broadcast %min3A_1874 : i32 to vector<16xi32>
      %min3A_1876 = arith.minsi %sub3A_1873, %min3A_1875 : vector<16xi32>
      %swap3A_1877 = arith.constant 16 : index
      %swap3A_1878 = tpu.vector_load %arg11[%swap3A_1877] {strides = array<i32>} : memref<112xi32, #tpu.memory_space<vmem>>, vector<16xi32>,
      tpu.vector_store %arg11[%swap3A_1877], %min3A_1876 {strides = array<i32>} : memref<112xi32, #tpu.memory_space<vmem>>, vector<16xi32>,
      %sub3A_1879 = arith.constant 1 : i32
      %sub3A_1880 = vector.broadcast %sub3A_1879 : i32 to vector<16xi32>
      %sub3A_1881 = arith.subi %add3A_1870, %sub3A_1880 : vector<16xi32>
      %max3A_1882 = arith.constant 0 : i32
      %max3A_1883 = vector.broadcast %max3A_1882 : i32 to vector<16xi32>
      %max3A_1884 = arith.maxsi %sub3A_1881, %max3A_1883 : vector<16xi32>
      %swap3A_1885 = arith.constant 64 : index
      %swap3A_1886 = tpu.vector_load %arg11[%swap3A_1885] {strides = array<i32>} : memref<112xi32, #tpu.memory_space<vmem>>, vector<16xi32>,
      tpu.vector_store %arg11[%swap3A_1885], %max3A_1884 {strides = array<i32>} : memref<112xi32, #tpu.memory_space<vmem>>, vector<16xi32>,
      %add3A_1887 = arith.constant 32 : i32
      %add3A_1888 = vector.broadcast %add3A_1887 : i32 to vector<16xi32>
      %add3A_1889 = arith.addi %iota3A, %add3A_1888 : vector<16xi32>
      %broadcast_in_dim3A_1890 = arith.constant 0 : i32
      %broadcast_in_dim3A_1891 = vector.broadcast %broadcast_in_dim3A_1890 : i32 to vector<16xi32>
      %broadcast_in_dim3A_1892 = arith.constant 0 : i32
      %broadcast_in_dim3A_1893 = vector.broadcast %broadcast_in_dim3A_1892 : i32 to vector<16xi32>
      %jit3A_1894 = arith.constant 256 : i32
      %div3A_1895 = arith.divsi %cond3A, %jit3A_1894 : i32
      %sign3A_1896 = arith.constant 0 : i32
      %sign3A_1897 = arith.cmpi sgt, %cond3A, %sign3A_1896 : i32
      %sign3A_1898 = arith.extui %sign3A_1897 : i1 to i32
      %sign3A_1899 = arith.constant 0 : i32
      %sign3A_1900 = arith.cmpi slt, %cond3A, %sign3A_1899 : i32
      %sign3A_1901 = arith.extui %sign3A_1900 : i1 to i32
      %sign3A_1902 = arith.subi %sign3A_1898, %sign3A_1901 : i32
      %sign3A_1903 = arith.constant 0 : i32
      %sign3A_1904 = arith.cmpi sgt, %jit3A_1894, %sign3A_1903 : i32
      %sign3A_1905 = arith.extui %sign3A_1904 : i1 to i32
      %sign3A_1906 = arith.constant 0 : i32
      %sign3A_1907 = arith.cmpi slt, %jit3A_1894, %sign3A_1906 : i32
      %sign3A_1908 = arith.extui %sign3A_1907 : i1 to i32
      %sign3A_1909 = arith.subi %sign3A_1905, %sign3A_1908 : i32
      %ne3A_1910 = arith.cmpi ne, %sign3A_1902, %sign3A_1909 : i32
      %rem3A_1911 = arith.remsi %cond3A, %jit3A_1894 : i32
      %ne3A_1912 = arith.constant 0 : i32
      %ne3A_1913 = arith.cmpi ne, %rem3A_1911, %ne3A_1912 : i32
      %and3A_1914 = arith.andi %ne3A_1910, %ne3A_1913 : i1
      %sub3A_1915 = arith.constant 1 : i32
      %sub3A_1916 = arith.subi %div3A_1895, %sub3A_1915 : i32
      %select_n3A_1917 = arith.select %and3A_1914, %sub3A_1916, %div3A_1895 : i32
      %ge3A_1918 = vector.broadcast %select_n3A_1917 : i32 to vector<16xi32>
      %ge3A_1919 = arith.cmpi sge, %add3A_1889, %ge3A_1918 : vector<16xi32>
      %convert_element_type3A_1920 = arith.extui %ge3A_1919 : vector<16xi1> to vector<16xi32>
      %add3A_1921 = arith.addi %broadcast_in_dim3A_1891, %convert_element_type3A_1920 : vector<16xi32>
      %mul3A_1922 = vector.broadcast %convert_element_type3A_1326 : i32 to vector<16xi32>
      %mul3A_1923 = arith.muli %convert_element_type3A_1920, %mul3A_1922 : vector<16xi32>
      %add3A_1924 = arith.addi %broadcast_in_dim3A_1893, %mul3A_1923 : vector<16xi32>
      %jit3A_1925 = arith.constant 256 : i32
      %div3A_1926 = arith.divsi %add3A_95, %jit3A_1925 : i32
      %sign3A_1927 = arith.constant 0 : i32
      %sign3A_1928 = arith.cmpi sgt, %add3A_95, %sign3A_1927 : i32
      %sign3A_1929 = arith.extui %sign3A_1928 : i1 to i32
      %sign3A_1930 = arith.constant 0 : i32
      %sign3A_1931 = arith.cmpi slt, %add3A_95, %sign3A_1930 : i32
      %sign3A_1932 = arith.extui %sign3A_1931 : i1 to i32
      %sign3A_1933 = arith.subi %sign3A_1929, %sign3A_1932 : i32
      %sign3A_1934 = arith.constant 0 : i32
      %sign3A_1935 = arith.cmpi sgt, %jit3A_1925, %sign3A_1934 : i32
      %sign3A_1936 = arith.extui %sign3A_1935 : i1 to i32
      %sign3A_1937 = arith.constant 0 : i32
      %sign3A_1938 = arith.cmpi slt, %jit3A_1925, %sign3A_1937 : i32
      %sign3A_1939 = arith.extui %sign3A_1938 : i1 to i32
      %sign3A_1940 = arith.subi %sign3A_1936, %sign3A_1939 : i32
      %ne3A_1941 = arith.cmpi ne, %sign3A_1933, %sign3A_1940 : i32
      %rem3A_1942 = arith.remsi %add3A_95, %jit3A_1925 : i32
      %ne3A_1943 = arith.constant 0 : i32
      %ne3A_1944 = arith.cmpi ne, %rem3A_1942, %ne3A_1943 : i32
      %and3A_1945 = arith.andi %ne3A_1941, %ne3A_1944 : i1
      %sub3A_1946 = arith.constant 1 : i32
      %sub3A_1947 = arith.subi %div3A_1926, %sub3A_1946 : i32
      %select_n3A_1948 = arith.select %and3A_1945, %sub3A_1947, %div3A_1926 : i32
      %ge3A_1949 = vector.broadcast %select_n3A_1948 : i32 to vector<16xi32>
      %ge3A_1950 = arith.cmpi sge, %add3A_1889, %ge3A_1949 : vector<16xi32>
      %convert_element_type3A_1951 = arith.extui %ge3A_1950 : vector<16xi1> to vector<16xi32>
      %add3A_1952 = arith.addi %add3A_1921, %convert_element_type3A_1951 : vector<16xi32>
      %mul3A_1953 = vector.broadcast %convert_element_type3A_1329 : i32 to vector<16xi32>
      %mul3A_1954 = arith.muli %convert_element_type3A_1951, %mul3A_1953 : vector<16xi32>
      %add3A_1955 = arith.addi %add3A_1924, %mul3A_1954 : vector<16xi32>
      %jit3A_1956 = arith.constant 256 : i32
      %div3A_1957 = arith.divsi %add3A_124, %jit3A_1956 : i32
      %sign3A_1958 = arith.constant 0 : i32
      %sign3A_1959 = arith.cmpi sgt, %add3A_124, %sign3A_1958 : i32
      %sign3A_1960 = arith.extui %sign3A_1959 : i1 to i32
      %sign3A_1961 = arith.constant 0 : i32
      %sign3A_1962 = arith.cmpi slt, %add3A_124, %sign3A_1961 : i32
      %sign3A_1963 = arith.extui %sign3A_1962 : i1 to i32
      %sign3A_1964 = arith.subi %sign3A_1960, %sign3A_1963 : i32
      %sign3A_1965 = arith.constant 0 : i32
      %sign3A_1966 = arith.cmpi sgt, %jit3A_1956, %sign3A_1965 : i32
      %sign3A_1967 = arith.extui %sign3A_1966 : i1 to i32
      %sign3A_1968 = arith.constant 0 : i32
      %sign3A_1969 = arith.cmpi slt, %jit3A_1956, %sign3A_1968 : i32
      %sign3A_1970 = arith.extui %sign3A_1969 : i1 to i32
      %sign3A_1971 = arith.subi %sign3A_1967, %sign3A_1970 : i32
      %ne3A_1972 = arith.cmpi ne, %sign3A_1964, %sign3A_1971 : i32
      %rem3A_1973 = arith.remsi %add3A_124, %jit3A_1956 : i32
      %ne3A_1974 = arith.constant 0 : i32
      %ne3A_1975 = arith.cmpi ne, %rem3A_1973, %ne3A_1974 : i32
      %and3A_1976 = arith.andi %ne3A_1972, %ne3A_1975 : i1
      %sub3A_1977 = arith.constant 1 : i32
      %sub3A_1978 = arith.subi %div3A_1957, %sub3A_1977 : i32
      %select_n3A_1979 = arith.select %and3A_1976, %sub3A_1978, %div3A_1957 : i32
      %ge3A_1980 = vector.broadcast %select_n3A_1979 : i32 to vector<16xi32>
      %ge3A_1981 = arith.cmpi sge, %add3A_1889, %ge3A_1980 : vector<16xi32>
      %convert_element_type3A_1982 = arith.extui %ge3A_1981 : vector<16xi1> to vector<16xi32>
      %add3A_1983 = arith.addi %add3A_1952, %convert_element_type3A_1982 : vector<16xi32>
      %mul3A_1984 = vector.broadcast %convert_element_type3A_1332 : i32 to vector<16xi32>
      %mul3A_1985 = arith.muli %convert_element_type3A_1982, %mul3A_1984 : vector<16xi32>
      %add3A_1986 = arith.addi %add3A_1955, %mul3A_1985 : vector<16xi32>
      %jit3A_1987 = arith.constant 256 : i32
      %div3A_1988 = arith.divsi %add3A_153, %jit3A_1987 : i32
      %sign3A_1989 = arith.constant 0 : i32
      %sign3A_1990 = arith.cmpi sgt, %add3A_153, %sign3A_1989 : i32
      %sign3A_1991 = arith.extui %sign3A_1990 : i1 to i32
      %sign3A_1992 = arith.constant 0 : i32
      %sign3A_1993 = arith.cmpi slt, %add3A_153, %sign3A_1992 : i32
      %sign3A_1994 = arith.extui %sign3A_1993 : i1 to i32
      %sign3A_1995 = arith.subi %sign3A_1991, %sign3A_1994 : i32
      %sign3A_1996 = arith.constant 0 : i32
      %sign3A_1997 = arith.cmpi sgt, %jit3A_1987, %sign3A_1996 : i32
      %sign3A_1998 = arith.extui %sign3A_1997 : i1 to i32
      %sign3A_1999 = arith.constant 0 : i32
      %sign3A_2000 = arith.cmpi slt, %jit3A_1987, %sign3A_1999 : i32
      %sign3A_2001 = arith.extui %sign3A_2000 : i1 to i32
      %sign3A_2002 = arith.subi %sign3A_1998, %sign3A_2001 : i32
      %ne3A_2003 = arith.cmpi ne, %sign3A_1995, %sign3A_2002 : i32
      %rem3A_2004 = arith.remsi %add3A_153, %jit3A_1987 : i32
      %ne3A_2005 = arith.constant 0 : i32
      %ne3A_2006 = arith.cmpi ne, %rem3A_2004, %ne3A_2005 : i32
      %and3A_2007 = arith.andi %ne3A_2003, %ne3A_2006 : i1
      %sub3A_2008 = arith.constant 1 : i32
      %sub3A_2009 = arith.subi %div3A_1988, %sub3A_2008 : i32
      %select_n3A_2010 = arith.select %and3A_2007, %sub3A_2009, %div3A_1988 : i32
      %ge3A_2011 = vector.broadcast %select_n3A_2010 : i32 to vector<16xi32>
      %ge3A_2012 = arith.cmpi sge, %add3A_1889, %ge3A_2011 : vector<16xi32>
      %convert_element_type3A_2013 = arith.extui %ge3A_2012 : vector<16xi1> to vector<16xi32>
      %add3A_2014 = arith.addi %add3A_1983, %convert_element_type3A_2013 : vector<16xi32>
      %mul3A_2015 = vector.broadcast %convert_element_type3A_1335 : i32 to vector<16xi32>
      %mul3A_2016 = arith.muli %convert_element_type3A_2013, %mul3A_2015 : vector<16xi32>
      %add3A_2017 = arith.addi %add3A_1986, %mul3A_2016 : vector<16xi32>
      %jit3A_2018 = arith.constant 256 : i32
      %div3A_2019 = arith.divsi %add3A_182, %jit3A_2018 : i32
      %sign3A_2020 = arith.constant 0 : i32
      %sign3A_2021 = arith.cmpi sgt, %add3A_182, %sign3A_2020 : i32
      %sign3A_2022 = arith.extui %sign3A_2021 : i1 to i32
      %sign3A_2023 = arith.constant 0 : i32
      %sign3A_2024 = arith.cmpi slt, %add3A_182, %sign3A_2023 : i32
      %sign3A_2025 = arith.extui %sign3A_2024 : i1 to i32
      %sign3A_2026 = arith.subi %sign3A_2022, %sign3A_2025 : i32
      %sign3A_2027 = arith.constant 0 : i32
      %sign3A_2028 = arith.cmpi sgt, %jit3A_2018, %sign3A_2027 : i32
      %sign3A_2029 = arith.extui %sign3A_2028 : i1 to i32
      %sign3A_2030 = arith.constant 0 : i32
      %sign3A_2031 = arith.cmpi slt, %jit3A_2018, %sign3A_2030 : i32
      %sign3A_2032 = arith.extui %sign3A_2031 : i1 to i32
      %sign3A_2033 = arith.subi %sign3A_2029, %sign3A_2032 : i32
      %ne3A_2034 = arith.cmpi ne, %sign3A_2026, %sign3A_2033 : i32
      %rem3A_2035 = arith.remsi %add3A_182, %jit3A_2018 : i32
      %ne3A_2036 = arith.constant 0 : i32
      %ne3A_2037 = arith.cmpi ne, %rem3A_2035, %ne3A_2036 : i32
      %and3A_2038 = arith.andi %ne3A_2034, %ne3A_2037 : i1
      %sub3A_2039 = arith.constant 1 : i32
      %sub3A_2040 = arith.subi %div3A_2019, %sub3A_2039 : i32
      %select_n3A_2041 = arith.select %and3A_2038, %sub3A_2040, %div3A_2019 : i32
      %ge3A_2042 = vector.broadcast %select_n3A_2041 : i32 to vector<16xi32>
      %ge3A_2043 = arith.cmpi sge, %add3A_1889, %ge3A_2042 : vector<16xi32>
      %convert_element_type3A_2044 = arith.extui %ge3A_2043 : vector<16xi1> to vector<16xi32>
      %add3A_2045 = arith.addi %add3A_2014, %convert_element_type3A_2044 : vector<16xi32>
      %mul3A_2046 = vector.broadcast %convert_element_type3A_1338 : i32 to vector<16xi32>
      %mul3A_2047 = arith.muli %convert_element_type3A_2044, %mul3A_2046 : vector<16xi32>
      %add3A_2048 = arith.addi %add3A_2017, %mul3A_2047 : vector<16xi32>
      %jit3A_2049 = arith.constant 256 : i32
      %div3A_2050 = arith.divsi %add3A_211, %jit3A_2049 : i32
      %sign3A_2051 = arith.constant 0 : i32
      %sign3A_2052 = arith.cmpi sgt, %add3A_211, %sign3A_2051 : i32
      %sign3A_2053 = arith.extui %sign3A_2052 : i1 to i32
      %sign3A_2054 = arith.constant 0 : i32
      %sign3A_2055 = arith.cmpi slt, %add3A_211, %sign3A_2054 : i32
      %sign3A_2056 = arith.extui %sign3A_2055 : i1 to i32
      %sign3A_2057 = arith.subi %sign3A_2053, %sign3A_2056 : i32
      %sign3A_2058 = arith.constant 0 : i32
      %sign3A_2059 = arith.cmpi sgt, %jit3A_2049, %sign3A_2058 : i32
      %sign3A_2060 = arith.extui %sign3A_2059 : i1 to i32
      %sign3A_2061 = arith.constant 0 : i32
      %sign3A_2062 = arith.cmpi slt, %jit3A_2049, %sign3A_2061 : i32
      %sign3A_2063 = arith.extui %sign3A_2062 : i1 to i32
      %sign3A_2064 = arith.subi %sign3A_2060, %sign3A_2063 : i32
      %ne3A_2065 = arith.cmpi ne, %sign3A_2057, %sign3A_2064 : i32
      %rem3A_2066 = arith.remsi %add3A_211, %jit3A_2049 : i32
      %ne3A_2067 = arith.constant 0 : i32
      %ne3A_2068 = arith.cmpi ne, %rem3A_2066, %ne3A_2067 : i32
      %and3A_2069 = arith.andi %ne3A_2065, %ne3A_2068 : i1
      %sub3A_2070 = arith.constant 1 : i32
      %sub3A_2071 = arith.subi %div3A_2050, %sub3A_2070 : i32
      %select_n3A_2072 = arith.select %and3A_2069, %sub3A_2071, %div3A_2050 : i32
      %ge3A_2073 = vector.broadcast %select_n3A_2072 : i32 to vector<16xi32>
      %ge3A_2074 = arith.cmpi sge, %add3A_1889, %ge3A_2073 : vector<16xi32>
      %convert_element_type3A_2075 = arith.extui %ge3A_2074 : vector<16xi1> to vector<16xi32>
      %add3A_2076 = arith.addi %add3A_2045, %convert_element_type3A_2075 : vector<16xi32>
      %mul3A_2077 = vector.broadcast %convert_element_type3A_1341 : i32 to vector<16xi32>
      %mul3A_2078 = arith.muli %convert_element_type3A_2075, %mul3A_2077 : vector<16xi32>
      %add3A_2079 = arith.addi %add3A_2048, %mul3A_2078 : vector<16xi32>
      %jit3A_2080 = arith.constant 256 : i32
      %div3A_2081 = arith.divsi %add3A_240, %jit3A_2080 : i32
      %sign3A_2082 = arith.constant 0 : i32
      %sign3A_2083 = arith.cmpi sgt, %add3A_240, %sign3A_2082 : i32
      %sign3A_2084 = arith.extui %sign3A_2083 : i1 to i32
      %sign3A_2085 = arith.constant 0 : i32
      %sign3A_2086 = arith.cmpi slt, %add3A_240, %sign3A_2085 : i32
      %sign3A_2087 = arith.extui %sign3A_2086 : i1 to i32
      %sign3A_2088 = arith.subi %sign3A_2084, %sign3A_2087 : i32
      %sign3A_2089 = arith.constant 0 : i32
      %sign3A_2090 = arith.cmpi sgt, %jit3A_2080, %sign3A_2089 : i32
      %sign3A_2091 = arith.extui %sign3A_2090 : i1 to i32
      %sign3A_2092 = arith.constant 0 : i32
      %sign3A_2093 = arith.cmpi slt, %jit3A_2080, %sign3A_2092 : i32
      %sign3A_2094 = arith.extui %sign3A_2093 : i1 to i32
      %sign3A_2095 = arith.subi %sign3A_2091, %sign3A_2094 : i32
      %ne3A_2096 = arith.cmpi ne, %sign3A_2088, %sign3A_2095 : i32
      %rem3A_2097 = arith.remsi %add3A_240, %jit3A_2080 : i32
      %ne3A_2098 = arith.constant 0 : i32
      %ne3A_2099 = arith.cmpi ne, %rem3A_2097, %ne3A_2098 : i32
      %and3A_2100 = arith.andi %ne3A_2096, %ne3A_2099 : i1
      %sub3A_2101 = arith.constant 1 : i32
      %sub3A_2102 = arith.subi %div3A_2081, %sub3A_2101 : i32
      %select_n3A_2103 = arith.select %and3A_2100, %sub3A_2102, %div3A_2081 : i32
      %ge3A_2104 = vector.broadcast %select_n3A_2103 : i32 to vector<16xi32>
      %ge3A_2105 = arith.cmpi sge, %add3A_1889, %ge3A_2104 : vector<16xi32>
      %convert_element_type3A_2106 = arith.extui %ge3A_2105 : vector<16xi1> to vector<16xi32>
      %add3A_2107 = arith.addi %add3A_2076, %convert_element_type3A_2106 : vector<16xi32>
      %mul3A_2108 = vector.broadcast %convert_element_type3A_1344 : i32 to vector<16xi32>
      %mul3A_2109 = arith.muli %convert_element_type3A_2106, %mul3A_2108 : vector<16xi32>
      %add3A_2110 = arith.addi %add3A_2079, %mul3A_2109 : vector<16xi32>
      %jit3A_2111 = arith.constant 256 : i32
      %div3A_2112 = arith.divsi %add3A_269, %jit3A_2111 : i32
      %sign3A_2113 = arith.constant 0 : i32
      %sign3A_2114 = arith.cmpi sgt, %add3A_269, %sign3A_2113 : i32
      %sign3A_2115 = arith.extui %sign3A_2114 : i1 to i32
      %sign3A_2116 = arith.constant 0 : i32
      %sign3A_2117 = arith.cmpi slt, %add3A_269, %sign3A_2116 : i32
      %sign3A_2118 = arith.extui %sign3A_2117 : i1 to i32
      %sign3A_2119 = arith.subi %sign3A_2115, %sign3A_2118 : i32
      %sign3A_2120 = arith.constant 0 : i32
      %sign3A_2121 = arith.cmpi sgt, %jit3A_2111, %sign3A_2120 : i32
      %sign3A_2122 = arith.extui %sign3A_2121 : i1 to i32
      %sign3A_2123 = arith.constant 0 : i32
      %sign3A_2124 = arith.cmpi slt, %jit3A_2111, %sign3A_2123 : i32
      %sign3A_2125 = arith.extui %sign3A_2124 : i1 to i32
      %sign3A_2126 = arith.subi %sign3A_2122, %sign3A_2125 : i32
      %ne3A_2127 = arith.cmpi ne, %sign3A_2119, %sign3A_2126 : i32
      %rem3A_2128 = arith.remsi %add3A_269, %jit3A_2111 : i32
      %ne3A_2129 = arith.constant 0 : i32
      %ne3A_2130 = arith.cmpi ne, %rem3A_2128, %ne3A_2129 : i32
      %and3A_2131 = arith.andi %ne3A_2127, %ne3A_2130 : i1
      %sub3A_2132 = arith.constant 1 : i32
      %sub3A_2133 = arith.subi %div3A_2112, %sub3A_2132 : i32
      %select_n3A_2134 = arith.select %and3A_2131, %sub3A_2133, %div3A_2112 : i32
      %ge3A_2135 = vector.broadcast %select_n3A_2134 : i32 to vector<16xi32>
      %ge3A_2136 = arith.cmpi sge, %add3A_1889, %ge3A_2135 : vector<16xi32>
      %convert_element_type3A_2137 = arith.extui %ge3A_2136 : vector<16xi1> to vector<16xi32>
      %add3A_2138 = arith.addi %add3A_2107, %convert_element_type3A_2137 : vector<16xi32>
      %mul3A_2139 = vector.broadcast %convert_element_type3A_1347 : i32 to vector<16xi32>
      %mul3A_2140 = arith.muli %convert_element_type3A_2137, %mul3A_2139 : vector<16xi32>
      %add3A_2141 = arith.addi %add3A_2110, %mul3A_2140 : vector<16xi32>
      %sub3A_2142 = arith.constant 1 : i32
      %sub3A_2143 = vector.broadcast %sub3A_2142 : i32 to vector<16xi32>
      %sub3A_2144 = arith.subi %add3A_2138, %sub3A_2143 : vector<16xi32>
      %min3A_2145 = arith.constant 7 : i32
      %min3A_2146 = vector.broadcast %min3A_2145 : i32 to vector<16xi32>
      %min3A_2147 = arith.minsi %sub3A_2144, %min3A_2146 : vector<16xi32>
      %swap3A_2148 = arith.constant 32 : index
      %swap3A_2149 = tpu.vector_load %arg11[%swap3A_2148] {strides = array<i32>} : memref<112xi32, #tpu.memory_space<vmem>>, vector<16xi32>,
      tpu.vector_store %arg11[%swap3A_2148], %min3A_2147 {strides = array<i32>} : memref<112xi32, #tpu.memory_space<vmem>>, vector<16xi32>,
      %sub3A_2150 = arith.constant 1 : i32
      %sub3A_2151 = vector.broadcast %sub3A_2150 : i32 to vector<16xi32>
      %sub3A_2152 = arith.subi %add3A_2141, %sub3A_2151 : vector<16xi32>
      %max3A_2153 = arith.constant 0 : i32
      %max3A_2154 = vector.broadcast %max3A_2153 : i32 to vector<16xi32>
      %max3A_2155 = arith.maxsi %sub3A_2152, %max3A_2154 : vector<16xi32>
      %swap3A_2156 = arith.constant 80 : index
      %swap3A_2157 = tpu.vector_load %arg11[%swap3A_2156] {strides = array<i32>} : memref<112xi32, #tpu.memory_space<vmem>>, vector<16xi32>,
      tpu.vector_store %arg11[%swap3A_2156], %max3A_2155 {strides = array<i32>} : memref<112xi32, #tpu.memory_space<vmem>>, vector<16xi32>,
      %broadcast_in_dim3A_2158 = arith.constant 0 : i32
      %broadcast_in_dim3A_2159 = vector.broadcast %broadcast_in_dim3A_2158 : i32 to vector<16xi32>
      %eq3A_2160 = arith.constant 0 : i32
      %eq3A_2161 = vector.broadcast %eq3A_2160 : i32 to vector<16xi32>
      %eq3A_2162 = arith.cmpi eq, %iota3A, %eq3A_2161 : vector<16xi32>
      %gt3A_2163 = arith.constant 0 : i32
      %gt3A_2164 = arith.cmpi sgt, %convert_element_type3A_1326, %gt3A_2163 : i32
      %and3A_2165 = vector.broadcast %gt3A_2164 : i1 to vector<16xi1>
      %and3A_2166 = arith.andi %eq3A_2162, %and3A_2165 : vector<16xi1>
      %convert_element_type3A_2167 = arith.extui %and3A_2166 : vector<16xi1> to vector<16xi32>
      %mul3A_2168 = arith.constant 0 : i32
      %mul3A_2169 = vector.broadcast %mul3A_2168 : i32 to vector<16xi32>
      %mul3A_2170 = arith.muli %mul3A_2169, %convert_element_type3A_2167 : vector<16xi32>
      %add3A_2171 = arith.addi %broadcast_in_dim3A_2159, %mul3A_2170 : vector<16xi32>
      %add3A_2172 = arith.constant 0 : i32
      %add3A_2173 = arith.addi %add3A_2172, %convert_element_type3A_1326 : i32
      %eq3A_2174 = vector.broadcast %add3A_2173 : i32 to vector<16xi32>
      %eq3A_2175 = arith.cmpi eq, %iota3A, %eq3A_2174 : vector<16xi32>
      %gt3A_2176 = arith.constant 0 : i32
      %gt3A_2177 = arith.cmpi sgt, %convert_element_type3A_1329, %gt3A_2176 : i32
      %and3A_2178 = vector.broadcast %gt3A_2177 : i1 to vector<16xi1>
      %and3A_2179 = arith.andi %eq3A_2175, %and3A_2178 : vector<16xi1>
      %convert_element_type3A_2180 = arith.extui %and3A_2179 : vector<16xi1> to vector<16xi32>
      %mul3A_2181 = arith.constant 1 : i32
      %mul3A_2182 = vector.broadcast %mul3A_2181 : i32 to vector<16xi32>
      %mul3A_2183 = arith.muli %mul3A_2182, %convert_element_type3A_2180 : vector<16xi32>
      %add3A_2184 = arith.addi %add3A_2171, %mul3A_2183 : vector<16xi32>
      %add3A_2185 = arith.addi %add3A_2173, %convert_element_type3A_1329 : i32
      %eq3A_2186 = vector.broadcast %add3A_2185 : i32 to vector<16xi32>
      %eq3A_2187 = arith.cmpi eq, %iota3A, %eq3A_2186 : vector<16xi32>
      %gt3A_2188 = arith.constant 0 : i32
      %gt3A_2189 = arith.cmpi sgt, %convert_element_type3A_1332, %gt3A_2188 : i32
      %and3A_2190 = vector.broadcast %gt3A_2189 : i1 to vector<16xi1>
      %and3A_2191 = arith.andi %eq3A_2187, %and3A_2190 : vector<16xi1>
      %convert_element_type3A_2192 = arith.extui %and3A_2191 : vector<16xi1> to vector<16xi32>
      %mul3A_2193 = arith.constant 2 : i32
      %mul3A_2194 = vector.broadcast %mul3A_2193 : i32 to vector<16xi32>
      %mul3A_2195 = arith.muli %mul3A_2194, %convert_element_type3A_2192 : vector<16xi32>
      %add3A_2196 = arith.addi %add3A_2184, %mul3A_2195 : vector<16xi32>
      %add3A_2197 = arith.addi %add3A_2185, %convert_element_type3A_1332 : i32
      %eq3A_2198 = vector.broadcast %add3A_2197 : i32 to vector<16xi32>
      %eq3A_2199 = arith.cmpi eq, %iota3A, %eq3A_2198 : vector<16xi32>
      %gt3A_2200 = arith.constant 0 : i32
      %gt3A_2201 = arith.cmpi sgt, %convert_element_type3A_1335, %gt3A_2200 : i32
      %and3A_2202 = vector.broadcast %gt3A_2201 : i1 to vector<16xi1>
      %and3A_2203 = arith.andi %eq3A_2199, %and3A_2202 : vector<16xi1>
      %convert_element_type3A_2204 = arith.extui %and3A_2203 : vector<16xi1> to vector<16xi32>
      %mul3A_2205 = arith.constant 3 : i32
      %mul3A_2206 = vector.broadcast %mul3A_2205 : i32 to vector<16xi32>
      %mul3A_2207 = arith.muli %mul3A_2206, %convert_element_type3A_2204 : vector<16xi32>
      %add3A_2208 = arith.addi %add3A_2196, %mul3A_2207 : vector<16xi32>
      %add3A_2209 = arith.addi %add3A_2197, %convert_element_type3A_1335 : i32
      %eq3A_2210 = vector.broadcast %add3A_2209 : i32 to vector<16xi32>
      %eq3A_2211 = arith.cmpi eq, %iota3A, %eq3A_2210 : vector<16xi32>
      %gt3A_2212 = arith.constant 0 : i32
      %gt3A_2213 = arith.cmpi sgt, %convert_element_type3A_1338, %gt3A_2212 : i32
      %and3A_2214 = vector.broadcast %gt3A_2213 : i1 to vector<16xi1>
      %and3A_2215 = arith.andi %eq3A_2211, %and3A_2214 : vector<16xi1>
      %convert_element_type3A_2216 = arith.extui %and3A_2215 : vector<16xi1> to vector<16xi32>
      %mul3A_2217 = arith.constant 4 : i32
      %mul3A_2218 = vector.broadcast %mul3A_2217 : i32 to vector<16xi32>
      %mul3A_2219 = arith.muli %mul3A_2218, %convert_element_type3A_2216 : vector<16xi32>
      %add3A_2220 = arith.addi %add3A_2208, %mul3A_2219 : vector<16xi32>
      %add3A_2221 = arith.addi %add3A_2209, %convert_element_type3A_1338 : i32
      %eq3A_2222 = vector.broadcast %add3A_2221 : i32 to vector<16xi32>
      %eq3A_2223 = arith.cmpi eq, %iota3A, %eq3A_2222 : vector<16xi32>
      %gt3A_2224 = arith.constant 0 : i32
      %gt3A_2225 = arith.cmpi sgt, %convert_element_type3A_1341, %gt3A_2224 : i32
      %and3A_2226 = vector.broadcast %gt3A_2225 : i1 to vector<16xi1>
      %and3A_2227 = arith.andi %eq3A_2223, %and3A_2226 : vector<16xi1>
      %convert_element_type3A_2228 = arith.extui %and3A_2227 : vector<16xi1> to vector<16xi32>
      %mul3A_2229 = arith.constant 5 : i32
      %mul3A_2230 = vector.broadcast %mul3A_2229 : i32 to vector<16xi32>
      %mul3A_2231 = arith.muli %mul3A_2230, %convert_element_type3A_2228 : vector<16xi32>
      %add3A_2232 = arith.addi %add3A_2220, %mul3A_2231 : vector<16xi32>
      %add3A_2233 = arith.addi %add3A_2221, %convert_element_type3A_1341 : i32
      %eq3A_2234 = vector.broadcast %add3A_2233 : i32 to vector<16xi32>
      %eq3A_2235 = arith.cmpi eq, %iota3A, %eq3A_2234 : vector<16xi32>
      %gt3A_2236 = arith.constant 0 : i32
      %gt3A_2237 = arith.cmpi sgt, %convert_element_type3A_1344, %gt3A_2236 : i32
      %and3A_2238 = vector.broadcast %gt3A_2237 : i1 to vector<16xi1>
      %and3A_2239 = arith.andi %eq3A_2235, %and3A_2238 : vector<16xi1>
      %convert_element_type3A_2240 = arith.extui %and3A_2239 : vector<16xi1> to vector<16xi32>
      %mul3A_2241 = arith.constant 6 : i32
      %mul3A_2242 = vector.broadcast %mul3A_2241 : i32 to vector<16xi32>
      %mul3A_2243 = arith.muli %mul3A_2242, %convert_element_type3A_2240 : vector<16xi32>
      %add3A_2244 = arith.addi %add3A_2232, %mul3A_2243 : vector<16xi32>
      %add3A_2245 = arith.addi %add3A_2233, %convert_element_type3A_1344 : i32
      %eq3A_2246 = vector.broadcast %add3A_2245 : i32 to vector<16xi32>
      %eq3A_2247 = arith.cmpi eq, %iota3A, %eq3A_2246 : vector<16xi32>
      %gt3A_2248 = arith.constant 0 : i32
      %gt3A_2249 = arith.cmpi sgt, %convert_element_type3A_1347, %gt3A_2248 : i32
      %and3A_2250 = vector.broadcast %gt3A_2249 : i1 to vector<16xi1>
      %and3A_2251 = arith.andi %eq3A_2247, %and3A_2250 : vector<16xi1>
      %convert_element_type3A_2252 = arith.extui %and3A_2251 : vector<16xi1> to vector<16xi32>
      %mul3A_2253 = arith.constant 7 : i32
      %mul3A_2254 = vector.broadcast %mul3A_2253 : i32 to vector<16xi32>
      %mul3A_2255 = arith.muli %mul3A_2254, %convert_element_type3A_2252 : vector<16xi32>
      %add3A_2256 = arith.addi %add3A_2244, %mul3A_2255 : vector<16xi32>
      %add3A_2257 = arith.addi %add3A_2245, %convert_element_type3A_1347 : i32
      %swap3A_2258 = arith.constant 96 : index
      %swap3A_2259 = tpu.vector_load %arg11[%swap3A_2258] {strides = array<i32>} : memref<112xi32, #tpu.memory_space<vmem>>, vector<16xi32>,
      tpu.vector_store %arg11[%swap3A_2258], %add3A_2256 {strides = array<i32>} : memref<112xi32, #tpu.memory_space<vmem>>, vector<16xi32>,
      "tpu.region"() ({
        %run_scoped3A_2260 = tpu.sem_alloc : memref<!tpu.dma_semaphore, #tpu.memory_space<semaphore_mem>>
        tpu.enqueue_dma source(%arg11 : memref<112xi32, #tpu.memory_space<vmem>>) target(%arg7 : memref<112xi32, #tpu.memory_space<hbm>>) target_semaphore(%run_scoped3A_2260 : memref<!tpu.dma_semaphore, #tpu.memory_space<semaphore_mem>>)
        tpu.wait_dma2 semaphore(%run_scoped3A_2260 : memref<!tpu.dma_semaphore, #tpu.memory_space<semaphore_mem>>) src(%arg11 : memref<112xi32, #tpu.memory_space<vmem>>) dst(%arg7 : memref<112xi32, #tpu.memory_space<hbm>>)
        tpu.yield
      }) : () -> ()
    } else {
    }
    %broadcast_in_dim3A_311 = arith.constant 10239 : i32
    %broadcast_in_dim3A_312 = vector.broadcast %broadcast_in_dim3A_311 : i32 to vector<16xi32>
    %swap3A = arith.constant 0 : i32
    %swap3A_313 = arith.index_cast %swap3A : i32 to index
    %swap3A_314 = arith.constant 0 : index
    %swap3A_315 = tpu.vector_load %arg9[%swap3A_313, %swap3A_314] {strides = array<i32>} : memref<4x64xi32, #tpu.memory_space<vmem>>, vector<16xi32>,
    tpu.vector_store %arg9[%swap3A_313, %swap3A_314], %broadcast_in_dim3A_312 {strides = array<i32>} : memref<4x64xi32, #tpu.memory_space<vmem>>, vector<16xi32>,
    %broadcast_in_dim3A_316 = arith.constant 0.000000e+00 : f32
    %broadcast_in_dim3A_317 = vector.broadcast %broadcast_in_dim3A_316 : f32 to vector<16xf32>
    %swap3A_318 = arith.constant 0 : i32
    %swap3A_319 = arith.index_cast %swap3A_318 : i32 to index
    %swap3A_320 = arith.constant 0 : index
    %swap3A_321 = tpu.vector_load %arg10[%swap3A_319, %swap3A_320] {strides = array<i32>} : memref<4x64xf32, #tpu.memory_space<vmem>>, vector<16xf32>,
    tpu.vector_store %arg10[%swap3A_319, %swap3A_320], %broadcast_in_dim3A_317 {strides = array<i32>} : memref<4x64xf32, #tpu.memory_space<vmem>>, vector<16xf32>,
    %broadcast_in_dim3A_322 = arith.constant 10239 : i32
    %broadcast_in_dim3A_323 = vector.broadcast %broadcast_in_dim3A_322 : i32 to vector<16xi32>
    %swap3A_324 = arith.constant 0 : i32
    %swap3A_325 = arith.index_cast %swap3A_324 : i32 to index
    %swap3A_326 = arith.constant 16 : index
    %swap3A_327 = tpu.vector_load %arg9[%swap3A_325, %swap3A_326] {strides = array<i32>} : memref<4x64xi32, #tpu.memory_space<vmem>>, vector<16xi32>,
    tpu.vector_store %arg9[%swap3A_325, %swap3A_326], %broadcast_in_dim3A_323 {strides = array<i32>} : memref<4x64xi32, #tpu.memory_space<vmem>>, vector<16xi32>,
    %broadcast_in_dim3A_328 = arith.constant 0.000000e+00 : f32
    %broadcast_in_dim3A_329 = vector.broadcast %broadcast_in_dim3A_328 : f32 to vector<16xf32>
    %swap3A_330 = arith.constant 0 : i32
    %swap3A_331 = arith.index_cast %swap3A_330 : i32 to index
    %swap3A_332 = arith.constant 16 : index
    %swap3A_333 = tpu.vector_load %arg10[%swap3A_331, %swap3A_332] {strides = array<i32>} : memref<4x64xf32, #tpu.memory_space<vmem>>, vector<16xf32>,
    tpu.vector_store %arg10[%swap3A_331, %swap3A_332], %broadcast_in_dim3A_329 {strides = array<i32>} : memref<4x64xf32, #tpu.memory_space<vmem>>, vector<16xf32>,
    %broadcast_in_dim3A_334 = arith.constant 10239 : i32
    %broadcast_in_dim3A_335 = vector.broadcast %broadcast_in_dim3A_334 : i32 to vector<16xi32>
    %swap3A_336 = arith.constant 0 : i32
    %swap3A_337 = arith.index_cast %swap3A_336 : i32 to index
    %swap3A_338 = arith.constant 32 : index
    %swap3A_339 = tpu.vector_load %arg9[%swap3A_337, %swap3A_338] {strides = array<i32>} : memref<4x64xi32, #tpu.memory_space<vmem>>, vector<16xi32>,
    tpu.vector_store %arg9[%swap3A_337, %swap3A_338], %broadcast_in_dim3A_335 {strides = array<i32>} : memref<4x64xi32, #tpu.memory_space<vmem>>, vector<16xi32>,
    %broadcast_in_dim3A_340 = arith.constant 0.000000e+00 : f32
    %broadcast_in_dim3A_341 = vector.broadcast %broadcast_in_dim3A_340 : f32 to vector<16xf32>
    %swap3A_342 = arith.constant 0 : i32
    %swap3A_343 = arith.index_cast %swap3A_342 : i32 to index
    %swap3A_344 = arith.constant 32 : index
    %swap3A_345 = tpu.vector_load %arg10[%swap3A_343, %swap3A_344] {strides = array<i32>} : memref<4x64xf32, #tpu.memory_space<vmem>>, vector<16xf32>,
    tpu.vector_store %arg10[%swap3A_343, %swap3A_344], %broadcast_in_dim3A_341 {strides = array<i32>} : memref<4x64xf32, #tpu.memory_space<vmem>>, vector<16xf32>,
    %broadcast_in_dim3A_346 = arith.constant 10239 : i32
    %broadcast_in_dim3A_347 = vector.broadcast %broadcast_in_dim3A_346 : i32 to vector<16xi32>
    %swap3A_348 = arith.constant 0 : i32
    %swap3A_349 = arith.index_cast %swap3A_348 : i32 to index
    %swap3A_350 = arith.constant 48 : index
    %swap3A_351 = tpu.vector_load %arg9[%swap3A_349, %swap3A_350] {strides = array<i32>} : memref<4x64xi32, #tpu.memory_space<vmem>>, vector<16xi32>,
    tpu.vector_store %arg9[%swap3A_349, %swap3A_350], %broadcast_in_dim3A_347 {strides = array<i32>} : memref<4x64xi32, #tpu.memory_space<vmem>>, vector<16xi32>,
    %broadcast_in_dim3A_352 = arith.constant 0.000000e+00 : f32
    %broadcast_in_dim3A_353 = vector.broadcast %broadcast_in_dim3A_352 : f32 to vector<16xf32>
    %swap3A_354 = arith.constant 0 : i32
    %swap3A_355 = arith.index_cast %swap3A_354 : i32 to index
    %swap3A_356 = arith.constant 48 : index
    %swap3A_357 = tpu.vector_load %arg10[%swap3A_355, %swap3A_356] {strides = array<i32>} : memref<4x64xf32, #tpu.memory_space<vmem>>, vector<16xf32>,
    tpu.vector_store %arg10[%swap3A_355, %swap3A_356], %broadcast_in_dim3A_353 {strides = array<i32>} : memref<4x64xf32, #tpu.memory_space<vmem>>, vector<16xf32>,
    %broadcast_in_dim3A_358 = arith.constant 10239 : i32
    %broadcast_in_dim3A_359 = vector.broadcast %broadcast_in_dim3A_358 : i32 to vector<16xi32>
    %swap3A_360 = arith.constant 1 : i32
    %swap3A_361 = arith.index_cast %swap3A_360 : i32 to index
    %swap3A_362 = arith.constant 0 : index
    %swap3A_363 = tpu.vector_load %arg9[%swap3A_361, %swap3A_362] {strides = array<i32>} : memref<4x64xi32, #tpu.memory_space<vmem>>, vector<16xi32>,
    tpu.vector_store %arg9[%swap3A_361, %swap3A_362], %broadcast_in_dim3A_359 {strides = array<i32>} : memref<4x64xi32, #tpu.memory_space<vmem>>, vector<16xi32>,
    %broadcast_in_dim3A_364 = arith.constant 0.000000e+00 : f32
    %broadcast_in_dim3A_365 = vector.broadcast %broadcast_in_dim3A_364 : f32 to vector<16xf32>
    %swap3A_366 = arith.constant 1 : i32
    %swap3A_367 = arith.index_cast %swap3A_366 : i32 to index
    %swap3A_368 = arith.constant 0 : index
    %swap3A_369 = tpu.vector_load %arg10[%swap3A_367, %swap3A_368] {strides = array<i32>} : memref<4x64xf32, #tpu.memory_space<vmem>>, vector<16xf32>,
    tpu.vector_store %arg10[%swap3A_367, %swap3A_368], %broadcast_in_dim3A_365 {strides = array<i32>} : memref<4x64xf32, #tpu.memory_space<vmem>>, vector<16xf32>,
    %broadcast_in_dim3A_370 = arith.constant 10239 : i32
    %broadcast_in_dim3A_371 = vector.broadcast %broadcast_in_dim3A_370 : i32 to vector<16xi32>
    %swap3A_372 = arith.constant 1 : i32
    %swap3A_373 = arith.index_cast %swap3A_372 : i32 to index
    %swap3A_374 = arith.constant 16 : index
    %swap3A_375 = tpu.vector_load %arg9[%swap3A_373, %swap3A_374] {strides = array<i32>} : memref<4x64xi32, #tpu.memory_space<vmem>>, vector<16xi32>,
    tpu.vector_store %arg9[%swap3A_373, %swap3A_374], %broadcast_in_dim3A_371 {strides = array<i32>} : memref<4x64xi32, #tpu.memory_space<vmem>>, vector<16xi32>,
    %broadcast_in_dim3A_376 = arith.constant 0.000000e+00 : f32
    %broadcast_in_dim3A_377 = vector.broadcast %broadcast_in_dim3A_376 : f32 to vector<16xf32>
    %swap3A_378 = arith.constant 1 : i32
    %swap3A_379 = arith.index_cast %swap3A_378 : i32 to index
    %swap3A_380 = arith.constant 16 : index
    %swap3A_381 = tpu.vector_load %arg10[%swap3A_379, %swap3A_380] {strides = array<i32>} : memref<4x64xf32, #tpu.memory_space<vmem>>, vector<16xf32>,
    tpu.vector_store %arg10[%swap3A_379, %swap3A_380], %broadcast_in_dim3A_377 {strides = array<i32>} : memref<4x64xf32, #tpu.memory_space<vmem>>, vector<16xf32>,
    %broadcast_in_dim3A_382 = arith.constant 10239 : i32
    %broadcast_in_dim3A_383 = vector.broadcast %broadcast_in_dim3A_382 : i32 to vector<16xi32>
    %swap3A_384 = arith.constant 1 : i32
    %swap3A_385 = arith.index_cast %swap3A_384 : i32 to index
    %swap3A_386 = arith.constant 32 : index
    %swap3A_387 = tpu.vector_load %arg9[%swap3A_385, %swap3A_386] {strides = array<i32>} : memref<4x64xi32, #tpu.memory_space<vmem>>, vector<16xi32>,
    tpu.vector_store %arg9[%swap3A_385, %swap3A_386], %broadcast_in_dim3A_383 {strides = array<i32>} : memref<4x64xi32, #tpu.memory_space<vmem>>, vector<16xi32>,
    %broadcast_in_dim3A_388 = arith.constant 0.000000e+00 : f32
    %broadcast_in_dim3A_389 = vector.broadcast %broadcast_in_dim3A_388 : f32 to vector<16xf32>
    %swap3A_390 = arith.constant 1 : i32
    %swap3A_391 = arith.index_cast %swap3A_390 : i32 to index
    %swap3A_392 = arith.constant 32 : index
    %swap3A_393 = tpu.vector_load %arg10[%swap3A_391, %swap3A_392] {strides = array<i32>} : memref<4x64xf32, #tpu.memory_space<vmem>>, vector<16xf32>,
    tpu.vector_store %arg10[%swap3A_391, %swap3A_392], %broadcast_in_dim3A_389 {strides = array<i32>} : memref<4x64xf32, #tpu.memory_space<vmem>>, vector<16xf32>,
    %broadcast_in_dim3A_394 = arith.constant 10239 : i32
    %broadcast_in_dim3A_395 = vector.broadcast %broadcast_in_dim3A_394 : i32 to vector<16xi32>
    %swap3A_396 = arith.constant 1 : i32
    %swap3A_397 = arith.index_cast %swap3A_396 : i32 to index
    %swap3A_398 = arith.constant 48 : index
    %swap3A_399 = tpu.vector_load %arg9[%swap3A_397, %swap3A_398] {strides = array<i32>} : memref<4x64xi32, #tpu.memory_space<vmem>>, vector<16xi32>,
    tpu.vector_store %arg9[%swap3A_397, %swap3A_398], %broadcast_in_dim3A_395 {strides = array<i32>} : memref<4x64xi32, #tpu.memory_space<vmem>>, vector<16xi32>,
    %broadcast_in_dim3A_400 = arith.constant 0.000000e+00 : f32
    %broadcast_in_dim3A_401 = vector.broadcast %broadcast_in_dim3A_400 : f32 to vector<16xf32>
    %swap3A_402 = arith.constant 1 : i32
    %swap3A_403 = arith.index_cast %swap3A_402 : i32 to index
    %swap3A_404 = arith.constant 48 : index
    %swap3A_405 = tpu.vector_load %arg10[%swap3A_403, %swap3A_404] {strides = array<i32>} : memref<4x64xf32, #tpu.memory_space<vmem>>, vector<16xf32>,
    tpu.vector_store %arg10[%swap3A_403, %swap3A_404], %broadcast_in_dim3A_401 {strides = array<i32>} : memref<4x64xf32, #tpu.memory_space<vmem>>, vector<16xf32>,
    %broadcast_in_dim3A_406 = arith.constant 10239 : i32
    %broadcast_in_dim3A_407 = vector.broadcast %broadcast_in_dim3A_406 : i32 to vector<16xi32>
    %swap3A_408 = arith.constant 2 : i32
    %swap3A_409 = arith.index_cast %swap3A_408 : i32 to index
    %swap3A_410 = arith.constant 0 : index
    %swap3A_411 = tpu.vector_load %arg9[%swap3A_409, %swap3A_410] {strides = array<i32>} : memref<4x64xi32, #tpu.memory_space<vmem>>, vector<16xi32>,
    tpu.vector_store %arg9[%swap3A_409, %swap3A_410], %broadcast_in_dim3A_407 {strides = array<i32>} : memref<4x64xi32, #tpu.memory_space<vmem>>, vector<16xi32>,
    %broadcast_in_dim3A_412 = arith.constant 0.000000e+00 : f32
    %broadcast_in_dim3A_413 = vector.broadcast %broadcast_in_dim3A_412 : f32 to vector<16xf32>
    %swap3A_414 = arith.constant 2 : i32
    %swap3A_415 = arith.index_cast %swap3A_414 : i32 to index
    %swap3A_416 = arith.constant 0 : index
    %swap3A_417 = tpu.vector_load %arg10[%swap3A_415, %swap3A_416] {strides = array<i32>} : memref<4x64xf32, #tpu.memory_space<vmem>>, vector<16xf32>,
    tpu.vector_store %arg10[%swap3A_415, %swap3A_416], %broadcast_in_dim3A_413 {strides = array<i32>} : memref<4x64xf32, #tpu.memory_space<vmem>>, vector<16xf32>,
    %broadcast_in_dim3A_418 = arith.constant 10239 : i32
    %broadcast_in_dim3A_419 = vector.broadcast %broadcast_in_dim3A_418 : i32 to vector<16xi32>
    %swap3A_420 = arith.constant 2 : i32
    %swap3A_421 = arith.index_cast %swap3A_420 : i32 to index
    %swap3A_422 = arith.constant 16 : index
    %swap3A_423 = tpu.vector_load %arg9[%swap3A_421, %swap3A_422] {strides = array<i32>} : memref<4x64xi32, #tpu.memory_space<vmem>>, vector<16xi32>,
    tpu.vector_store %arg9[%swap3A_421, %swap3A_422], %broadcast_in_dim3A_419 {strides = array<i32>} : memref<4x64xi32, #tpu.memory_space<vmem>>, vector<16xi32>,
    %broadcast_in_dim3A_424 = arith.constant 0.000000e+00 : f32
    %broadcast_in_dim3A_425 = vector.broadcast %broadcast_in_dim3A_424 : f32 to vector<16xf32>
    %swap3A_426 = arith.constant 2 : i32
    %swap3A_427 = arith.index_cast %swap3A_426 : i32 to index
    %swap3A_428 = arith.constant 16 : index
    %swap3A_429 = tpu.vector_load %arg10[%swap3A_427, %swap3A_428] {strides = array<i32>} : memref<4x64xf32, #tpu.memory_space<vmem>>, vector<16xf32>,
    tpu.vector_store %arg10[%swap3A_427, %swap3A_428], %broadcast_in_dim3A_425 {strides = array<i32>} : memref<4x64xf32, #tpu.memory_space<vmem>>, vector<16xf32>,
    %broadcast_in_dim3A_430 = arith.constant 10239 : i32
    %broadcast_in_dim3A_431 = vector.broadcast %broadcast_in_dim3A_430 : i32 to vector<16xi32>
    %swap3A_432 = arith.constant 2 : i32
    %swap3A_433 = arith.index_cast %swap3A_432 : i32 to index
    %swap3A_434 = arith.constant 32 : index
    %swap3A_435 = tpu.vector_load %arg9[%swap3A_433, %swap3A_434] {strides = array<i32>} : memref<4x64xi32, #tpu.memory_space<vmem>>, vector<16xi32>,
    tpu.vector_store %arg9[%swap3A_433, %swap3A_434], %broadcast_in_dim3A_431 {strides = array<i32>} : memref<4x64xi32, #tpu.memory_space<vmem>>, vector<16xi32>,
    %broadcast_in_dim3A_436 = arith.constant 0.000000e+00 : f32
    %broadcast_in_dim3A_437 = vector.broadcast %broadcast_in_dim3A_436 : f32 to vector<16xf32>
    %swap3A_438 = arith.constant 2 : i32
    %swap3A_439 = arith.index_cast %swap3A_438 : i32 to index
    %swap3A_440 = arith.constant 32 : index
    %swap3A_441 = tpu.vector_load %arg10[%swap3A_439, %swap3A_440] {strides = array<i32>} : memref<4x64xf32, #tpu.memory_space<vmem>>, vector<16xf32>,
    tpu.vector_store %arg10[%swap3A_439, %swap3A_440], %broadcast_in_dim3A_437 {strides = array<i32>} : memref<4x64xf32, #tpu.memory_space<vmem>>, vector<16xf32>,
    %broadcast_in_dim3A_442 = arith.constant 10239 : i32
    %broadcast_in_dim3A_443 = vector.broadcast %broadcast_in_dim3A_442 : i32 to vector<16xi32>
    %swap3A_444 = arith.constant 2 : i32
    %swap3A_445 = arith.index_cast %swap3A_444 : i32 to index
    %swap3A_446 = arith.constant 48 : index
    %swap3A_447 = tpu.vector_load %arg9[%swap3A_445, %swap3A_446] {strides = array<i32>} : memref<4x64xi32, #tpu.memory_space<vmem>>, vector<16xi32>,
    tpu.vector_store %arg9[%swap3A_445, %swap3A_446], %broadcast_in_dim3A_443 {strides = array<i32>} : memref<4x64xi32, #tpu.memory_space<vmem>>, vector<16xi32>,
    %broadcast_in_dim3A_448 = arith.constant 0.000000e+00 : f32
    %broadcast_in_dim3A_449 = vector.broadcast %broadcast_in_dim3A_448 : f32 to vector<16xf32>
    %swap3A_450 = arith.constant 2 : i32
    %swap3A_451 = arith.index_cast %swap3A_450 : i32 to index
    %swap3A_452 = arith.constant 48 : index
    %swap3A_453 = tpu.vector_load %arg10[%swap3A_451, %swap3A_452] {strides = array<i32>} : memref<4x64xf32, #tpu.memory_space<vmem>>, vector<16xf32>,
    tpu.vector_store %arg10[%swap3A_451, %swap3A_452], %broadcast_in_dim3A_449 {strides = array<i32>} : memref<4x64xf32, #tpu.memory_space<vmem>>, vector<16xf32>,
    %broadcast_in_dim3A_454 = arith.constant 10239 : i32
    %broadcast_in_dim3A_455 = vector.broadcast %broadcast_in_dim3A_454 : i32 to vector<16xi32>
    %swap3A_456 = arith.constant 3 : i32
    %swap3A_457 = arith.index_cast %swap3A_456 : i32 to index
    %swap3A_458 = arith.constant 0 : index
    %swap3A_459 = tpu.vector_load %arg9[%swap3A_457, %swap3A_458] {strides = array<i32>} : memref<4x64xi32, #tpu.memory_space<vmem>>, vector<16xi32>,
    tpu.vector_store %arg9[%swap3A_457, %swap3A_458], %broadcast_in_dim3A_455 {strides = array<i32>} : memref<4x64xi32, #tpu.memory_space<vmem>>, vector<16xi32>,
    %broadcast_in_dim3A_460 = arith.constant 0.000000e+00 : f32
    %broadcast_in_dim3A_461 = vector.broadcast %broadcast_in_dim3A_460 : f32 to vector<16xf32>
    %swap3A_462 = arith.constant 3 : i32
    %swap3A_463 = arith.index_cast %swap3A_462 : i32 to index
    %swap3A_464 = arith.constant 0 : index
    %swap3A_465 = tpu.vector_load %arg10[%swap3A_463, %swap3A_464] {strides = array<i32>} : memref<4x64xf32, #tpu.memory_space<vmem>>, vector<16xf32>,
    tpu.vector_store %arg10[%swap3A_463, %swap3A_464], %broadcast_in_dim3A_461 {strides = array<i32>} : memref<4x64xf32, #tpu.memory_space<vmem>>, vector<16xf32>,
    %broadcast_in_dim3A_466 = arith.constant 10239 : i32
    %broadcast_in_dim3A_467 = vector.broadcast %broadcast_in_dim3A_466 : i32 to vector<16xi32>
    %swap3A_468 = arith.constant 3 : i32
    %swap3A_469 = arith.index_cast %swap3A_468 : i32 to index
    %swap3A_470 = arith.constant 16 : index
    %swap3A_471 = tpu.vector_load %arg9[%swap3A_469, %swap3A_470] {strides = array<i32>} : memref<4x64xi32, #tpu.memory_space<vmem>>, vector<16xi32>,
    tpu.vector_store %arg9[%swap3A_469, %swap3A_470], %broadcast_in_dim3A_467 {strides = array<i32>} : memref<4x64xi32, #tpu.memory_space<vmem>>, vector<16xi32>,
    %broadcast_in_dim3A_472 = arith.constant 0.000000e+00 : f32
    %broadcast_in_dim3A_473 = vector.broadcast %broadcast_in_dim3A_472 : f32 to vector<16xf32>
    %swap3A_474 = arith.constant 3 : i32
    %swap3A_475 = arith.index_cast %swap3A_474 : i32 to index
    %swap3A_476 = arith.constant 16 : index
    %swap3A_477 = tpu.vector_load %arg10[%swap3A_475, %swap3A_476] {strides = array<i32>} : memref<4x64xf32, #tpu.memory_space<vmem>>, vector<16xf32>,
    tpu.vector_store %arg10[%swap3A_475, %swap3A_476], %broadcast_in_dim3A_473 {strides = array<i32>} : memref<4x64xf32, #tpu.memory_space<vmem>>, vector<16xf32>,
    %broadcast_in_dim3A_478 = arith.constant 10239 : i32
    %broadcast_in_dim3A_479 = vector.broadcast %broadcast_in_dim3A_478 : i32 to vector<16xi32>
    %swap3A_480 = arith.constant 3 : i32
    %swap3A_481 = arith.index_cast %swap3A_480 : i32 to index
    %swap3A_482 = arith.constant 32 : index
    %swap3A_483 = tpu.vector_load %arg9[%swap3A_481, %swap3A_482] {strides = array<i32>} : memref<4x64xi32, #tpu.memory_space<vmem>>, vector<16xi32>,
    tpu.vector_store %arg9[%swap3A_481, %swap3A_482], %broadcast_in_dim3A_479 {strides = array<i32>} : memref<4x64xi32, #tpu.memory_space<vmem>>, vector<16xi32>,
    %broadcast_in_dim3A_484 = arith.constant 0.000000e+00 : f32
    %broadcast_in_dim3A_485 = vector.broadcast %broadcast_in_dim3A_484 : f32 to vector<16xf32>
    %swap3A_486 = arith.constant 3 : i32
    %swap3A_487 = arith.index_cast %swap3A_486 : i32 to index
    %swap3A_488 = arith.constant 32 : index
    %swap3A_489 = tpu.vector_load %arg10[%swap3A_487, %swap3A_488] {strides = array<i32>} : memref<4x64xf32, #tpu.memory_space<vmem>>, vector<16xf32>,
    tpu.vector_store %arg10[%swap3A_487, %swap3A_488], %broadcast_in_dim3A_485 {strides = array<i32>} : memref<4x64xf32, #tpu.memory_space<vmem>>, vector<16xf32>,
    %broadcast_in_dim3A_490 = arith.constant 10239 : i32
    %broadcast_in_dim3A_491 = vector.broadcast %broadcast_in_dim3A_490 : i32 to vector<16xi32>
    %swap3A_492 = arith.constant 3 : i32
    %swap3A_493 = arith.index_cast %swap3A_492 : i32 to index
    %swap3A_494 = arith.constant 48 : index
    %swap3A_495 = tpu.vector_load %arg9[%swap3A_493, %swap3A_494] {strides = array<i32>} : memref<4x64xi32, #tpu.memory_space<vmem>>, vector<16xi32>,
    tpu.vector_store %arg9[%swap3A_493, %swap3A_494], %broadcast_in_dim3A_491 {strides = array<i32>} : memref<4x64xi32, #tpu.memory_space<vmem>>, vector<16xi32>,
    %broadcast_in_dim3A_496 = arith.constant 0.000000e+00 : f32
    %broadcast_in_dim3A_497 = vector.broadcast %broadcast_in_dim3A_496 : f32 to vector<16xf32>
    %swap3A_498 = arith.constant 3 : i32
    %swap3A_499 = arith.index_cast %swap3A_498 : i32 to index
    %swap3A_500 = arith.constant 48 : index
    %swap3A_501 = tpu.vector_load %arg10[%swap3A_499, %swap3A_500] {strides = array<i32>} : memref<4x64xf32, #tpu.memory_space<vmem>>, vector<16xf32>,
    tpu.vector_store %arg10[%swap3A_499, %swap3A_500], %broadcast_in_dim3A_497 {strides = array<i32>} : memref<4x64xf32, #tpu.memory_space<vmem>>, vector<16xf32>,
    %add3A_502 = arith.constant 0 : i32
    %add3A_503 = vector.broadcast %add3A_502 : i32 to vector<16xi32>
    %add3A_504 = arith.addi %add3A_503, %iota3A : vector<16xi32>
    %add3A_505 = vector.broadcast %mul3A_2 : i32 to vector<16xi32>
    %add3A_506 = arith.addi %add3A_505, %add3A_504 : vector<16xi32>
    %mul3A_507 = arith.constant 8 : i32
    %mul3A_508 = vector.broadcast %mul3A_507 : i32 to vector<16xi32>
    %mul3A_509 = arith.muli %add3A_506, %mul3A_508 : vector<16xi32>
    %add3A_510 = arith.constant 0 : i32
    %add3A_511 = vector.broadcast %add3A_510 : i32 to vector<16xi32>
    %add3A_512 = arith.addi %mul3A_509, %add3A_511 : vector<16xi32>
    %gather3A = tpu.vector_load_idx %arg8[%add3A_512] : memref<16384xf32, #tpu.memory_space<vmem>>[vector<16xi32>], vector<16xf32>,
    %gt3A = arith.constant 0.000000e+00 : f32
    %gt3A_513 = vector.broadcast %gt3A : f32 to vector<16xf32>
    %gt3A_514 = arith.cmpf ogt, %gather3A, %gt3A_513 : vector<16xf32>
    %convert_element_type3A_515 = arith.extui %gt3A_514 : vector<16xi1> to vector<16xi32>
    %broadcast_in_dim3A_516 = arith.constant true
    %broadcast_in_dim3A_517 = vector.broadcast %broadcast_in_dim3A_516 : i1 to vector<16xi1>
    %masked_cumsum3A = tpu.scan <sum>, %convert_element_type3A_515 masked %broadcast_in_dim3A_517 : vector<16xi32>, vector<16xi1> -> vector<16xi32>
    %sub3A_518 = arith.subi %masked_cumsum3A, %convert_element_type3A_515 : vector<16xi32>
    %add3A_519 = vector.broadcast %add3A_300 : i32 to vector<16xi32>
    %add3A_520 = arith.addi %add3A_519, %sub3A_518 : vector<16xi32>
    tpu.vector_store_idx %arg9[%broadcast_in_dim3A_3, %add3A_504], %add3A_520 masked %gt3A_514 : memref<4x64xi32, #tpu.memory_space<vmem>>[vector<16xi32>, vector<16xi32>], vector<16xi32>, vector<16xi1>
    tpu.vector_store_idx %arg10[%broadcast_in_dim3A_3, %add3A_504], %gather3A masked %gt3A_514 : memref<4x64xf32, #tpu.memory_space<vmem>>[vector<16xi32>, vector<16xi32>], vector<16xf32>, vector<16xi1>
    %add3A_521 = arith.addi %broadcast_in_dim3A_3, %convert_element_type3A_515 : vector<16xi32>
    %reduce_sum3A_522 = arith.constant true
    %reduce_sum3A_523 = vector.broadcast %reduce_sum3A_522 : i1 to vector<16xi1>
    %reduce_sum3A_524 = tpu.scan <sum>, %convert_element_type3A_515 masked %reduce_sum3A_523 : vector<16xi32>, vector<16xi1> -> vector<16xi32>
    %reduce_sum3A_525 = vector.extract %reduce_sum3A_524[15] : i32 from vector<16xi32>
    %add3A_526 = arith.addi %add3A_300, %reduce_sum3A_525 : i32
    %mul3A_527 = arith.constant 8 : i32
    %mul3A_528 = vector.broadcast %mul3A_527 : i32 to vector<16xi32>
    %mul3A_529 = arith.muli %add3A_506, %mul3A_528 : vector<16xi32>
    %add3A_530 = arith.constant 1 : i32
    %add3A_531 = vector.broadcast %add3A_530 : i32 to vector<16xi32>
    %add3A_532 = arith.addi %mul3A_529, %add3A_531 : vector<16xi32>
    %gather3A_533 = tpu.vector_load_idx %arg8[%add3A_532] : memref<16384xf32, #tpu.memory_space<vmem>>[vector<16xi32>], vector<16xf32>,
    %gt3A_534 = arith.constant 0.000000e+00 : f32
    %gt3A_535 = vector.broadcast %gt3A_534 : f32 to vector<16xf32>
    %gt3A_536 = arith.cmpf ogt, %gather3A_533, %gt3A_535 : vector<16xf32>
    %convert_element_type3A_537 = arith.extui %gt3A_536 : vector<16xi1> to vector<16xi32>
    %broadcast_in_dim3A_538 = arith.constant true
    %broadcast_in_dim3A_539 = vector.broadcast %broadcast_in_dim3A_538 : i1 to vector<16xi1>
    %masked_cumsum3A_540 = tpu.scan <sum>, %convert_element_type3A_537 masked %broadcast_in_dim3A_539 : vector<16xi32>, vector<16xi1> -> vector<16xi32>
    %sub3A_541 = arith.subi %masked_cumsum3A_540, %convert_element_type3A_537 : vector<16xi32>
    %add3A_542 = vector.broadcast %add3A_301 : i32 to vector<16xi32>
    %add3A_543 = arith.addi %add3A_542, %sub3A_541 : vector<16xi32>
    tpu.vector_store_idx %arg9[%add3A_521, %add3A_504], %add3A_543 masked %gt3A_536 : memref<4x64xi32, #tpu.memory_space<vmem>>[vector<16xi32>, vector<16xi32>], vector<16xi32>, vector<16xi1>
    tpu.vector_store_idx %arg10[%add3A_521, %add3A_504], %gather3A_533 masked %gt3A_536 : memref<4x64xf32, #tpu.memory_space<vmem>>[vector<16xi32>, vector<16xi32>], vector<16xf32>, vector<16xi1>
    %add3A_544 = arith.addi %add3A_521, %convert_element_type3A_537 : vector<16xi32>
    %reduce_sum3A_545 = arith.constant true
    %reduce_sum3A_546 = vector.broadcast %reduce_sum3A_545 : i1 to vector<16xi1>
    %reduce_sum3A_547 = tpu.scan <sum>, %convert_element_type3A_537 masked %reduce_sum3A_546 : vector<16xi32>, vector<16xi1> -> vector<16xi32>
    %reduce_sum3A_548 = vector.extract %reduce_sum3A_547[15] : i32 from vector<16xi32>
    %add3A_549 = arith.addi %add3A_301, %reduce_sum3A_548 : i32
    %mul3A_550 = arith.constant 8 : i32
    %mul3A_551 = vector.broadcast %mul3A_550 : i32 to vector<16xi32>
    %mul3A_552 = arith.muli %add3A_506, %mul3A_551 : vector<16xi32>
    %add3A_553 = arith.constant 2 : i32
    %add3A_554 = vector.broadcast %add3A_553 : i32 to vector<16xi32>
    %add3A_555 = arith.addi %mul3A_552, %add3A_554 : vector<16xi32>
    %gather3A_556 = tpu.vector_load_idx %arg8[%add3A_555] : memref<16384xf32, #tpu.memory_space<vmem>>[vector<16xi32>], vector<16xf32>,
    %gt3A_557 = arith.constant 0.000000e+00 : f32
    %gt3A_558 = vector.broadcast %gt3A_557 : f32 to vector<16xf32>
    %gt3A_559 = arith.cmpf ogt, %gather3A_556, %gt3A_558 : vector<16xf32>
    %convert_element_type3A_560 = arith.extui %gt3A_559 : vector<16xi1> to vector<16xi32>
    %broadcast_in_dim3A_561 = arith.constant true
    %broadcast_in_dim3A_562 = vector.broadcast %broadcast_in_dim3A_561 : i1 to vector<16xi1>
    %masked_cumsum3A_563 = tpu.scan <sum>, %convert_element_type3A_560 masked %broadcast_in_dim3A_562 : vector<16xi32>, vector<16xi1> -> vector<16xi32>
    %sub3A_564 = arith.subi %masked_cumsum3A_563, %convert_element_type3A_560 : vector<16xi32>
    %add3A_565 = vector.broadcast %add3A_302 : i32 to vector<16xi32>
    %add3A_566 = arith.addi %add3A_565, %sub3A_564 : vector<16xi32>
    tpu.vector_store_idx %arg9[%add3A_544, %add3A_504], %add3A_566 masked %gt3A_559 : memref<4x64xi32, #tpu.memory_space<vmem>>[vector<16xi32>, vector<16xi32>], vector<16xi32>, vector<16xi1>
    tpu.vector_store_idx %arg10[%add3A_544, %add3A_504], %gather3A_556 masked %gt3A_559 : memref<4x64xf32, #tpu.memory_space<vmem>>[vector<16xi32>, vector<16xi32>], vector<16xf32>, vector<16xi1>
    %add3A_567 = arith.addi %add3A_544, %convert_element_type3A_560 : vector<16xi32>
    %reduce_sum3A_568 = arith.constant true
    %reduce_sum3A_569 = vector.broadcast %reduce_sum3A_568 : i1 to vector<16xi1>
    %reduce_sum3A_570 = tpu.scan <sum>, %convert_element_type3A_560 masked %reduce_sum3A_569 : vector<16xi32>, vector<16xi1> -> vector<16xi32>
    %reduce_sum3A_571 = vector.extract %reduce_sum3A_570[15] : i32 from vector<16xi32>
    %add3A_572 = arith.addi %add3A_302, %reduce_sum3A_571 : i32
    %mul3A_573 = arith.constant 8 : i32
    %mul3A_574 = vector.broadcast %mul3A_573 : i32 to vector<16xi32>
    %mul3A_575 = arith.muli %add3A_506, %mul3A_574 : vector<16xi32>
    %add3A_576 = arith.constant 3 : i32
    %add3A_577 = vector.broadcast %add3A_576 : i32 to vector<16xi32>
    %add3A_578 = arith.addi %mul3A_575, %add3A_577 : vector<16xi32>
    %gather3A_579 = tpu.vector_load_idx %arg8[%add3A_578] : memref<16384xf32, #tpu.memory_space<vmem>>[vector<16xi32>], vector<16xf32>,
    %gt3A_580 = arith.constant 0.000000e+00 : f32
    %gt3A_581 = vector.broadcast %gt3A_580 : f32 to vector<16xf32>
    %gt3A_582 = arith.cmpf ogt, %gather3A_579, %gt3A_581 : vector<16xf32>
    %convert_element_type3A_583 = arith.extui %gt3A_582 : vector<16xi1> to vector<16xi32>
    %broadcast_in_dim3A_584 = arith.constant true
    %broadcast_in_dim3A_585 = vector.broadcast %broadcast_in_dim3A_584 : i1 to vector<16xi1>
    %masked_cumsum3A_586 = tpu.scan <sum>, %convert_element_type3A_583 masked %broadcast_in_dim3A_585 : vector<16xi32>, vector<16xi1> -> vector<16xi32>
    %sub3A_587 = arith.subi %masked_cumsum3A_586, %convert_element_type3A_583 : vector<16xi32>
    %add3A_588 = vector.broadcast %add3A_303 : i32 to vector<16xi32>
    %add3A_589 = arith.addi %add3A_588, %sub3A_587 : vector<16xi32>
    tpu.vector_store_idx %arg9[%add3A_567, %add3A_504], %add3A_589 masked %gt3A_582 : memref<4x64xi32, #tpu.memory_space<vmem>>[vector<16xi32>, vector<16xi32>], vector<16xi32>, vector<16xi1>
    tpu.vector_store_idx %arg10[%add3A_567, %add3A_504], %gather3A_579 masked %gt3A_582 : memref<4x64xf32, #tpu.memory_space<vmem>>[vector<16xi32>, vector<16xi32>], vector<16xf32>, vector<16xi1>
    %add3A_590 = arith.addi %add3A_567, %convert_element_type3A_583 : vector<16xi32>
    %reduce_sum3A_591 = arith.constant true
    %reduce_sum3A_592 = vector.broadcast %reduce_sum3A_591 : i1 to vector<16xi1>
    %reduce_sum3A_593 = tpu.scan <sum>, %convert_element_type3A_583 masked %reduce_sum3A_592 : vector<16xi32>, vector<16xi1> -> vector<16xi32>
    %reduce_sum3A_594 = vector.extract %reduce_sum3A_593[15] : i32 from vector<16xi32>
    %add3A_595 = arith.addi %add3A_303, %reduce_sum3A_594 : i32
    %mul3A_596 = arith.constant 8 : i32
    %mul3A_597 = vector.broadcast %mul3A_596 : i32 to vector<16xi32>
    %mul3A_598 = arith.muli %add3A_506, %mul3A_597 : vector<16xi32>
    %add3A_599 = arith.constant 4 : i32
    %add3A_600 = vector.broadcast %add3A_599 : i32 to vector<16xi32>
    %add3A_601 = arith.addi %mul3A_598, %add3A_600 : vector<16xi32>
    %gather3A_602 = tpu.vector_load_idx %arg8[%add3A_601] : memref<16384xf32, #tpu.memory_space<vmem>>[vector<16xi32>], vector<16xf32>,
    %gt3A_603 = arith.constant 0.000000e+00 : f32
    %gt3A_604 = vector.broadcast %gt3A_603 : f32 to vector<16xf32>
    %gt3A_605 = arith.cmpf ogt, %gather3A_602, %gt3A_604 : vector<16xf32>
    %convert_element_type3A_606 = arith.extui %gt3A_605 : vector<16xi1> to vector<16xi32>
    %broadcast_in_dim3A_607 = arith.constant true
    %broadcast_in_dim3A_608 = vector.broadcast %broadcast_in_dim3A_607 : i1 to vector<16xi1>
    %masked_cumsum3A_609 = tpu.scan <sum>, %convert_element_type3A_606 masked %broadcast_in_dim3A_608 : vector<16xi32>, vector<16xi1> -> vector<16xi32>
    %sub3A_610 = arith.subi %masked_cumsum3A_609, %convert_element_type3A_606 : vector<16xi32>
    %add3A_611 = vector.broadcast %add3A_304 : i32 to vector<16xi32>
    %add3A_612 = arith.addi %add3A_611, %sub3A_610 : vector<16xi32>
    tpu.vector_store_idx %arg9[%add3A_590, %add3A_504], %add3A_612 masked %gt3A_605 : memref<4x64xi32, #tpu.memory_space<vmem>>[vector<16xi32>, vector<16xi32>], vector<16xi32>, vector<16xi1>
    tpu.vector_store_idx %arg10[%add3A_590, %add3A_504], %gather3A_602 masked %gt3A_605 : memref<4x64xf32, #tpu.memory_space<vmem>>[vector<16xi32>, vector<16xi32>], vector<16xf32>, vector<16xi1>
    %add3A_613 = arith.addi %add3A_590, %convert_element_type3A_606 : vector<16xi32>
    %reduce_sum3A_614 = arith.constant true
    %reduce_sum3A_615 = vector.broadcast %reduce_sum3A_614 : i1 to vector<16xi1>
    %reduce_sum3A_616 = tpu.scan <sum>, %convert_element_type3A_606 masked %reduce_sum3A_615 : vector<16xi32>, vector<16xi1> -> vector<16xi32>
    %reduce_sum3A_617 = vector.extract %reduce_sum3A_616[15] : i32 from vector<16xi32>
    %add3A_618 = arith.addi %add3A_304, %reduce_sum3A_617 : i32
    %mul3A_619 = arith.constant 8 : i32
    %mul3A_620 = vector.broadcast %mul3A_619 : i32 to vector<16xi32>
    %mul3A_621 = arith.muli %add3A_506, %mul3A_620 : vector<16xi32>
    %add3A_622 = arith.constant 5 : i32
    %add3A_623 = vector.broadcast %add3A_622 : i32 to vector<16xi32>
    %add3A_624 = arith.addi %mul3A_621, %add3A_623 : vector<16xi32>
    %gather3A_625 = tpu.vector_load_idx %arg8[%add3A_624] : memref<16384xf32, #tpu.memory_space<vmem>>[vector<16xi32>], vector<16xf32>,
    %gt3A_626 = arith.constant 0.000000e+00 : f32
    %gt3A_627 = vector.broadcast %gt3A_626 : f32 to vector<16xf32>
    %gt3A_628 = arith.cmpf ogt, %gather3A_625, %gt3A_627 : vector<16xf32>
    %convert_element_type3A_629 = arith.extui %gt3A_628 : vector<16xi1> to vector<16xi32>
    %broadcast_in_dim3A_630 = arith.constant true
    %broadcast_in_dim3A_631 = vector.broadcast %broadcast_in_dim3A_630 : i1 to vector<16xi1>
    %masked_cumsum3A_632 = tpu.scan <sum>, %convert_element_type3A_629 masked %broadcast_in_dim3A_631 : vector<16xi32>, vector<16xi1> -> vector<16xi32>
    %sub3A_633 = arith.subi %masked_cumsum3A_632, %convert_element_type3A_629 : vector<16xi32>
    %add3A_634 = vector.broadcast %add3A_305 : i32 to vector<16xi32>
    %add3A_635 = arith.addi %add3A_634, %sub3A_633 : vector<16xi32>
    tpu.vector_store_idx %arg9[%add3A_613, %add3A_504], %add3A_635 masked %gt3A_628 : memref<4x64xi32, #tpu.memory_space<vmem>>[vector<16xi32>, vector<16xi32>], vector<16xi32>, vector<16xi1>
    tpu.vector_store_idx %arg10[%add3A_613, %add3A_504], %gather3A_625 masked %gt3A_628 : memref<4x64xf32, #tpu.memory_space<vmem>>[vector<16xi32>, vector<16xi32>], vector<16xf32>, vector<16xi1>
    %add3A_636 = arith.addi %add3A_613, %convert_element_type3A_629 : vector<16xi32>
    %reduce_sum3A_637 = arith.constant true
    %reduce_sum3A_638 = vector.broadcast %reduce_sum3A_637 : i1 to vector<16xi1>
    %reduce_sum3A_639 = tpu.scan <sum>, %convert_element_type3A_629 masked %reduce_sum3A_638 : vector<16xi32>, vector<16xi1> -> vector<16xi32>
    %reduce_sum3A_640 = vector.extract %reduce_sum3A_639[15] : i32 from vector<16xi32>
    %add3A_641 = arith.addi %add3A_305, %reduce_sum3A_640 : i32
    %mul3A_642 = arith.constant 8 : i32
    %mul3A_643 = vector.broadcast %mul3A_642 : i32 to vector<16xi32>
    %mul3A_644 = arith.muli %add3A_506, %mul3A_643 : vector<16xi32>
    %add3A_645 = arith.constant 6 : i32
    %add3A_646 = vector.broadcast %add3A_645 : i32 to vector<16xi32>
    %add3A_647 = arith.addi %mul3A_644, %add3A_646 : vector<16xi32>
    %gather3A_648 = tpu.vector_load_idx %arg8[%add3A_647] : memref<16384xf32, #tpu.memory_space<vmem>>[vector<16xi32>], vector<16xf32>,
    %gt3A_649 = arith.constant 0.000000e+00 : f32
    %gt3A_650 = vector.broadcast %gt3A_649 : f32 to vector<16xf32>
    %gt3A_651 = arith.cmpf ogt, %gather3A_648, %gt3A_650 : vector<16xf32>
    %convert_element_type3A_652 = arith.extui %gt3A_651 : vector<16xi1> to vector<16xi32>
    %broadcast_in_dim3A_653 = arith.constant true
    %broadcast_in_dim3A_654 = vector.broadcast %broadcast_in_dim3A_653 : i1 to vector<16xi1>
    %masked_cumsum3A_655 = tpu.scan <sum>, %convert_element_type3A_652 masked %broadcast_in_dim3A_654 : vector<16xi32>, vector<16xi1> -> vector<16xi32>
    %sub3A_656 = arith.subi %masked_cumsum3A_655, %convert_element_type3A_652 : vector<16xi32>
    %add3A_657 = vector.broadcast %add3A_306 : i32 to vector<16xi32>
    %add3A_658 = arith.addi %add3A_657, %sub3A_656 : vector<16xi32>
    tpu.vector_store_idx %arg9[%add3A_636, %add3A_504], %add3A_658 masked %gt3A_651 : memref<4x64xi32, #tpu.memory_space<vmem>>[vector<16xi32>, vector<16xi32>], vector<16xi32>, vector<16xi1>
    tpu.vector_store_idx %arg10[%add3A_636, %add3A_504], %gather3A_648 masked %gt3A_651 : memref<4x64xf32, #tpu.memory_space<vmem>>[vector<16xi32>, vector<16xi32>], vector<16xf32>, vector<16xi1>
    %add3A_659 = arith.addi %add3A_636, %convert_element_type3A_652 : vector<16xi32>
    %reduce_sum3A_660 = arith.constant true
    %reduce_sum3A_661 = vector.broadcast %reduce_sum3A_660 : i1 to vector<16xi1>
    %reduce_sum3A_662 = tpu.scan <sum>, %convert_element_type3A_652 masked %reduce_sum3A_661 : vector<16xi32>, vector<16xi1> -> vector<16xi32>
    %reduce_sum3A_663 = vector.extract %reduce_sum3A_662[15] : i32 from vector<16xi32>
    %add3A_664 = arith.addi %add3A_306, %reduce_sum3A_663 : i32
    %mul3A_665 = arith.constant 8 : i32
    %mul3A_666 = vector.broadcast %mul3A_665 : i32 to vector<16xi32>
    %mul3A_667 = arith.muli %add3A_506, %mul3A_666 : vector<16xi32>
    %add3A_668 = arith.constant 7 : i32
    %add3A_669 = vector.broadcast %add3A_668 : i32 to vector<16xi32>
    %add3A_670 = arith.addi %mul3A_667, %add3A_669 : vector<16xi32>
    %gather3A_671 = tpu.vector_load_idx %arg8[%add3A_670] : memref<16384xf32, #tpu.memory_space<vmem>>[vector<16xi32>], vector<16xf32>,
    %gt3A_672 = arith.constant 0.000000e+00 : f32
    %gt3A_673 = vector.broadcast %gt3A_672 : f32 to vector<16xf32>
    %gt3A_674 = arith.cmpf ogt, %gather3A_671, %gt3A_673 : vector<16xf32>
    %convert_element_type3A_675 = arith.extui %gt3A_674 : vector<16xi1> to vector<16xi32>
    %broadcast_in_dim3A_676 = arith.constant true
    %broadcast_in_dim3A_677 = vector.broadcast %broadcast_in_dim3A_676 : i1 to vector<16xi1>
    %masked_cumsum3A_678 = tpu.scan <sum>, %convert_element_type3A_675 masked %broadcast_in_dim3A_677 : vector<16xi32>, vector<16xi1> -> vector<16xi32>
    %sub3A_679 = arith.subi %masked_cumsum3A_678, %convert_element_type3A_675 : vector<16xi32>
    %add3A_680 = vector.broadcast %add3A_307 : i32 to vector<16xi32>
    %add3A_681 = arith.addi %add3A_680, %sub3A_679 : vector<16xi32>
    tpu.vector_store_idx %arg9[%add3A_659, %add3A_504], %add3A_681 masked %gt3A_674 : memref<4x64xi32, #tpu.memory_space<vmem>>[vector<16xi32>, vector<16xi32>], vector<16xi32>, vector<16xi1>
    tpu.vector_store_idx %arg10[%add3A_659, %add3A_504], %gather3A_671 masked %gt3A_674 : memref<4x64xf32, #tpu.memory_space<vmem>>[vector<16xi32>, vector<16xi32>], vector<16xf32>, vector<16xi1>
    %add3A_682 = arith.addi %add3A_659, %convert_element_type3A_675 : vector<16xi32>
    %reduce_sum3A_683 = arith.constant true
    %reduce_sum3A_684 = vector.broadcast %reduce_sum3A_683 : i1 to vector<16xi1>
    %reduce_sum3A_685 = tpu.scan <sum>, %convert_element_type3A_675 masked %reduce_sum3A_684 : vector<16xi32>, vector<16xi1> -> vector<16xi32>
    %reduce_sum3A_686 = vector.extract %reduce_sum3A_685[15] : i32 from vector<16xi32>
    %add3A_687 = arith.addi %add3A_307, %reduce_sum3A_686 : i32
    %add3A_688 = arith.constant 16 : i32
    %add3A_689 = vector.broadcast %add3A_688 : i32 to vector<16xi32>
    %add3A_690 = arith.addi %add3A_689, %iota3A : vector<16xi32>
    %add3A_691 = vector.broadcast %mul3A_2 : i32 to vector<16xi32>
    %add3A_692 = arith.addi %add3A_691, %add3A_690 : vector<16xi32>
    %mul3A_693 = arith.constant 8 : i32
    %mul3A_694 = vector.broadcast %mul3A_693 : i32 to vector<16xi32>
    %mul3A_695 = arith.muli %add3A_692, %mul3A_694 : vector<16xi32>
    %add3A_696 = arith.constant 0 : i32
    %add3A_697 = vector.broadcast %add3A_696 : i32 to vector<16xi32>
    %add3A_698 = arith.addi %mul3A_695, %add3A_697 : vector<16xi32>
    %gather3A_699 = tpu.vector_load_idx %arg8[%add3A_698] : memref<16384xf32, #tpu.memory_space<vmem>>[vector<16xi32>], vector<16xf32>,
    %gt3A_700 = arith.constant 0.000000e+00 : f32
    %gt3A_701 = vector.broadcast %gt3A_700 : f32 to vector<16xf32>
    %gt3A_702 = arith.cmpf ogt, %gather3A_699, %gt3A_701 : vector<16xf32>
    %convert_element_type3A_703 = arith.extui %gt3A_702 : vector<16xi1> to vector<16xi32>
    %broadcast_in_dim3A_704 = arith.constant true
    %broadcast_in_dim3A_705 = vector.broadcast %broadcast_in_dim3A_704 : i1 to vector<16xi1>
    %masked_cumsum3A_706 = tpu.scan <sum>, %convert_element_type3A_703 masked %broadcast_in_dim3A_705 : vector<16xi32>, vector<16xi1> -> vector<16xi32>
    %sub3A_707 = arith.subi %masked_cumsum3A_706, %convert_element_type3A_703 : vector<16xi32>
    %add3A_708 = vector.broadcast %add3A_526 : i32 to vector<16xi32>
    %add3A_709 = arith.addi %add3A_708, %sub3A_707 : vector<16xi32>
    tpu.vector_store_idx %arg9[%broadcast_in_dim3A_3, %add3A_690], %add3A_709 masked %gt3A_702 : memref<4x64xi32, #tpu.memory_space<vmem>>[vector<16xi32>, vector<16xi32>], vector<16xi32>, vector<16xi1>
    tpu.vector_store_idx %arg10[%broadcast_in_dim3A_3, %add3A_690], %gather3A_699 masked %gt3A_702 : memref<4x64xf32, #tpu.memory_space<vmem>>[vector<16xi32>, vector<16xi32>], vector<16xf32>, vector<16xi1>
    %add3A_710 = arith.addi %broadcast_in_dim3A_3, %convert_element_type3A_703 : vector<16xi32>
    %reduce_sum3A_711 = arith.constant true
    %reduce_sum3A_712 = vector.broadcast %reduce_sum3A_711 : i1 to vector<16xi1>
    %reduce_sum3A_713 = tpu.scan <sum>, %convert_element_type3A_703 masked %reduce_sum3A_712 : vector<16xi32>, vector<16xi1> -> vector<16xi32>
    %reduce_sum3A_714 = vector.extract %reduce_sum3A_713[15] : i32 from vector<16xi32>
    %add3A_715 = arith.addi %add3A_526, %reduce_sum3A_714 : i32
    %mul3A_716 = arith.constant 8 : i32
    %mul3A_717 = vector.broadcast %mul3A_716 : i32 to vector<16xi32>
    %mul3A_718 = arith.muli %add3A_692, %mul3A_717 : vector<16xi32>
    %add3A_719 = arith.constant 1 : i32
    %add3A_720 = vector.broadcast %add3A_719 : i32 to vector<16xi32>
    %add3A_721 = arith.addi %mul3A_718, %add3A_720 : vector<16xi32>
    %gather3A_722 = tpu.vector_load_idx %arg8[%add3A_721] : memref<16384xf32, #tpu.memory_space<vmem>>[vector<16xi32>], vector<16xf32>,
    %gt3A_723 = arith.constant 0.000000e+00 : f32
    %gt3A_724 = vector.broadcast %gt3A_723 : f32 to vector<16xf32>
    %gt3A_725 = arith.cmpf ogt, %gather3A_722, %gt3A_724 : vector<16xf32>
    %convert_element_type3A_726 = arith.extui %gt3A_725 : vector<16xi1> to vector<16xi32>
    %broadcast_in_dim3A_727 = arith.constant true
    %broadcast_in_dim3A_728 = vector.broadcast %broadcast_in_dim3A_727 : i1 to vector<16xi1>
    %masked_cumsum3A_729 = tpu.scan <sum>, %convert_element_type3A_726 masked %broadcast_in_dim3A_728 : vector<16xi32>, vector<16xi1> -> vector<16xi32>
    %sub3A_730 = arith.subi %masked_cumsum3A_729, %convert_element_type3A_726 : vector<16xi32>
    %add3A_731 = vector.broadcast %add3A_549 : i32 to vector<16xi32>
    %add3A_732 = arith.addi %add3A_731, %sub3A_730 : vector<16xi32>
    tpu.vector_store_idx %arg9[%add3A_710, %add3A_690], %add3A_732 masked %gt3A_725 : memref<4x64xi32, #tpu.memory_space<vmem>>[vector<16xi32>, vector<16xi32>], vector<16xi32>, vector<16xi1>
    tpu.vector_store_idx %arg10[%add3A_710, %add3A_690], %gather3A_722 masked %gt3A_725 : memref<4x64xf32, #tpu.memory_space<vmem>>[vector<16xi32>, vector<16xi32>], vector<16xf32>, vector<16xi1>
    %add3A_733 = arith.addi %add3A_710, %convert_element_type3A_726 : vector<16xi32>
    %reduce_sum3A_734 = arith.constant true
    %reduce_sum3A_735 = vector.broadcast %reduce_sum3A_734 : i1 to vector<16xi1>
    %reduce_sum3A_736 = tpu.scan <sum>, %convert_element_type3A_726 masked %reduce_sum3A_735 : vector<16xi32>, vector<16xi1> -> vector<16xi32>
    %reduce_sum3A_737 = vector.extract %reduce_sum3A_736[15] : i32 from vector<16xi32>
    %add3A_738 = arith.addi %add3A_549, %reduce_sum3A_737 : i32
    %mul3A_739 = arith.constant 8 : i32
    %mul3A_740 = vector.broadcast %mul3A_739 : i32 to vector<16xi32>
    %mul3A_741 = arith.muli %add3A_692, %mul3A_740 : vector<16xi32>
    %add3A_742 = arith.constant 2 : i32
    %add3A_743 = vector.broadcast %add3A_742 : i32 to vector<16xi32>
    %add3A_744 = arith.addi %mul3A_741, %add3A_743 : vector<16xi32>
    %gather3A_745 = tpu.vector_load_idx %arg8[%add3A_744] : memref<16384xf32, #tpu.memory_space<vmem>>[vector<16xi32>], vector<16xf32>,
    %gt3A_746 = arith.constant 0.000000e+00 : f32
    %gt3A_747 = vector.broadcast %gt3A_746 : f32 to vector<16xf32>
    %gt3A_748 = arith.cmpf ogt, %gather3A_745, %gt3A_747 : vector<16xf32>
    %convert_element_type3A_749 = arith.extui %gt3A_748 : vector<16xi1> to vector<16xi32>
    %broadcast_in_dim3A_750 = arith.constant true
    %broadcast_in_dim3A_751 = vector.broadcast %broadcast_in_dim3A_750 : i1 to vector<16xi1>
    %masked_cumsum3A_752 = tpu.scan <sum>, %convert_element_type3A_749 masked %broadcast_in_dim3A_751 : vector<16xi32>, vector<16xi1> -> vector<16xi32>
    %sub3A_753 = arith.subi %masked_cumsum3A_752, %convert_element_type3A_749 : vector<16xi32>
    %add3A_754 = vector.broadcast %add3A_572 : i32 to vector<16xi32>
    %add3A_755 = arith.addi %add3A_754, %sub3A_753 : vector<16xi32>
    tpu.vector_store_idx %arg9[%add3A_733, %add3A_690], %add3A_755 masked %gt3A_748 : memref<4x64xi32, #tpu.memory_space<vmem>>[vector<16xi32>, vector<16xi32>], vector<16xi32>, vector<16xi1>
    tpu.vector_store_idx %arg10[%add3A_733, %add3A_690], %gather3A_745 masked %gt3A_748 : memref<4x64xf32, #tpu.memory_space<vmem>>[vector<16xi32>, vector<16xi32>], vector<16xf32>, vector<16xi1>
    %add3A_756 = arith.addi %add3A_733, %convert_element_type3A_749 : vector<16xi32>
    %reduce_sum3A_757 = arith.constant true
    %reduce_sum3A_758 = vector.broadcast %reduce_sum3A_757 : i1 to vector<16xi1>
    %reduce_sum3A_759 = tpu.scan <sum>, %convert_element_type3A_749 masked %reduce_sum3A_758 : vector<16xi32>, vector<16xi1> -> vector<16xi32>
    %reduce_sum3A_760 = vector.extract %reduce_sum3A_759[15] : i32 from vector<16xi32>
    %add3A_761 = arith.addi %add3A_572, %reduce_sum3A_760 : i32
    %mul3A_762 = arith.constant 8 : i32
    %mul3A_763 = vector.broadcast %mul3A_762 : i32 to vector<16xi32>
    %mul3A_764 = arith.muli %add3A_692, %mul3A_763 : vector<16xi32>
    %add3A_765 = arith.constant 3 : i32
    %add3A_766 = vector.broadcast %add3A_765 : i32 to vector<16xi32>
    %add3A_767 = arith.addi %mul3A_764, %add3A_766 : vector<16xi32>
    %gather3A_768 = tpu.vector_load_idx %arg8[%add3A_767] : memref<16384xf32, #tpu.memory_space<vmem>>[vector<16xi32>], vector<16xf32>,
    %gt3A_769 = arith.constant 0.000000e+00 : f32
    %gt3A_770 = vector.broadcast %gt3A_769 : f32 to vector<16xf32>
    %gt3A_771 = arith.cmpf ogt, %gather3A_768, %gt3A_770 : vector<16xf32>
    %convert_element_type3A_772 = arith.extui %gt3A_771 : vector<16xi1> to vector<16xi32>
    %broadcast_in_dim3A_773 = arith.constant true
    %broadcast_in_dim3A_774 = vector.broadcast %broadcast_in_dim3A_773 : i1 to vector<16xi1>
    %masked_cumsum3A_775 = tpu.scan <sum>, %convert_element_type3A_772 masked %broadcast_in_dim3A_774 : vector<16xi32>, vector<16xi1> -> vector<16xi32>
    %sub3A_776 = arith.subi %masked_cumsum3A_775, %convert_element_type3A_772 : vector<16xi32>
    %add3A_777 = vector.broadcast %add3A_595 : i32 to vector<16xi32>
    %add3A_778 = arith.addi %add3A_777, %sub3A_776 : vector<16xi32>
    tpu.vector_store_idx %arg9[%add3A_756, %add3A_690], %add3A_778 masked %gt3A_771 : memref<4x64xi32, #tpu.memory_space<vmem>>[vector<16xi32>, vector<16xi32>], vector<16xi32>, vector<16xi1>
    tpu.vector_store_idx %arg10[%add3A_756, %add3A_690], %gather3A_768 masked %gt3A_771 : memref<4x64xf32, #tpu.memory_space<vmem>>[vector<16xi32>, vector<16xi32>], vector<16xf32>, vector<16xi1>
    %add3A_779 = arith.addi %add3A_756, %convert_element_type3A_772 : vector<16xi32>
    %reduce_sum3A_780 = arith.constant true
    %reduce_sum3A_781 = vector.broadcast %reduce_sum3A_780 : i1 to vector<16xi1>
    %reduce_sum3A_782 = tpu.scan <sum>, %convert_element_type3A_772 masked %reduce_sum3A_781 : vector<16xi32>, vector<16xi1> -> vector<16xi32>
    %reduce_sum3A_783 = vector.extract %reduce_sum3A_782[15] : i32 from vector<16xi32>
    %add3A_784 = arith.addi %add3A_595, %reduce_sum3A_783 : i32
    %mul3A_785 = arith.constant 8 : i32
    %mul3A_786 = vector.broadcast %mul3A_785 : i32 to vector<16xi32>
    %mul3A_787 = arith.muli %add3A_692, %mul3A_786 : vector<16xi32>
    %add3A_788 = arith.constant 4 : i32
    %add3A_789 = vector.broadcast %add3A_788 : i32 to vector<16xi32>
    %add3A_790 = arith.addi %mul3A_787, %add3A_789 : vector<16xi32>
    %gather3A_791 = tpu.vector_load_idx %arg8[%add3A_790] : memref<16384xf32, #tpu.memory_space<vmem>>[vector<16xi32>], vector<16xf32>,
    %gt3A_792 = arith.constant 0.000000e+00 : f32
    %gt3A_793 = vector.broadcast %gt3A_792 : f32 to vector<16xf32>
    %gt3A_794 = arith.cmpf ogt, %gather3A_791, %gt3A_793 : vector<16xf32>
    %convert_element_type3A_795 = arith.extui %gt3A_794 : vector<16xi1> to vector<16xi32>
    %broadcast_in_dim3A_796 = arith.constant true
    %broadcast_in_dim3A_797 = vector.broadcast %broadcast_in_dim3A_796 : i1 to vector<16xi1>
    %masked_cumsum3A_798 = tpu.scan <sum>, %convert_element_type3A_795 masked %broadcast_in_dim3A_797 : vector<16xi32>, vector<16xi1> -> vector<16xi32>
    %sub3A_799 = arith.subi %masked_cumsum3A_798, %convert_element_type3A_795 : vector<16xi32>
    %add3A_800 = vector.broadcast %add3A_618 : i32 to vector<16xi32>
    %add3A_801 = arith.addi %add3A_800, %sub3A_799 : vector<16xi32>
    tpu.vector_store_idx %arg9[%add3A_779, %add3A_690], %add3A_801 masked %gt3A_794 : memref<4x64xi32, #tpu.memory_space<vmem>>[vector<16xi32>, vector<16xi32>], vector<16xi32>, vector<16xi1>
    tpu.vector_store_idx %arg10[%add3A_779, %add3A_690], %gather3A_791 masked %gt3A_794 : memref<4x64xf32, #tpu.memory_space<vmem>>[vector<16xi32>, vector<16xi32>], vector<16xf32>, vector<16xi1>
    %add3A_802 = arith.addi %add3A_779, %convert_element_type3A_795 : vector<16xi32>
    %reduce_sum3A_803 = arith.constant true
    %reduce_sum3A_804 = vector.broadcast %reduce_sum3A_803 : i1 to vector<16xi1>
    %reduce_sum3A_805 = tpu.scan <sum>, %convert_element_type3A_795 masked %reduce_sum3A_804 : vector<16xi32>, vector<16xi1> -> vector<16xi32>
    %reduce_sum3A_806 = vector.extract %reduce_sum3A_805[15] : i32 from vector<16xi32>
    %add3A_807 = arith.addi %add3A_618, %reduce_sum3A_806 : i32
    %mul3A_808 = arith.constant 8 : i32
    %mul3A_809 = vector.broadcast %mul3A_808 : i32 to vector<16xi32>
    %mul3A_810 = arith.muli %add3A_692, %mul3A_809 : vector<16xi32>
    %add3A_811 = arith.constant 5 : i32
    %add3A_812 = vector.broadcast %add3A_811 : i32 to vector<16xi32>
    %add3A_813 = arith.addi %mul3A_810, %add3A_812 : vector<16xi32>
    %gather3A_814 = tpu.vector_load_idx %arg8[%add3A_813] : memref<16384xf32, #tpu.memory_space<vmem>>[vector<16xi32>], vector<16xf32>,
    %gt3A_815 = arith.constant 0.000000e+00 : f32
    %gt3A_816 = vector.broadcast %gt3A_815 : f32 to vector<16xf32>
    %gt3A_817 = arith.cmpf ogt, %gather3A_814, %gt3A_816 : vector<16xf32>
    %convert_element_type3A_818 = arith.extui %gt3A_817 : vector<16xi1> to vector<16xi32>
    %broadcast_in_dim3A_819 = arith.constant true
    %broadcast_in_dim3A_820 = vector.broadcast %broadcast_in_dim3A_819 : i1 to vector<16xi1>
    %masked_cumsum3A_821 = tpu.scan <sum>, %convert_element_type3A_818 masked %broadcast_in_dim3A_820 : vector<16xi32>, vector<16xi1> -> vector<16xi32>
    %sub3A_822 = arith.subi %masked_cumsum3A_821, %convert_element_type3A_818 : vector<16xi32>
    %add3A_823 = vector.broadcast %add3A_641 : i32 to vector<16xi32>
    %add3A_824 = arith.addi %add3A_823, %sub3A_822 : vector<16xi32>
    tpu.vector_store_idx %arg9[%add3A_802, %add3A_690], %add3A_824 masked %gt3A_817 : memref<4x64xi32, #tpu.memory_space<vmem>>[vector<16xi32>, vector<16xi32>], vector<16xi32>, vector<16xi1>
    tpu.vector_store_idx %arg10[%add3A_802, %add3A_690], %gather3A_814 masked %gt3A_817 : memref<4x64xf32, #tpu.memory_space<vmem>>[vector<16xi32>, vector<16xi32>], vector<16xf32>, vector<16xi1>
    %add3A_825 = arith.addi %add3A_802, %convert_element_type3A_818 : vector<16xi32>
    %reduce_sum3A_826 = arith.constant true
    %reduce_sum3A_827 = vector.broadcast %reduce_sum3A_826 : i1 to vector<16xi1>
    %reduce_sum3A_828 = tpu.scan <sum>, %convert_element_type3A_818 masked %reduce_sum3A_827 : vector<16xi32>, vector<16xi1> -> vector<16xi32>
    %reduce_sum3A_829 = vector.extract %reduce_sum3A_828[15] : i32 from vector<16xi32>
    %add3A_830 = arith.addi %add3A_641, %reduce_sum3A_829 : i32
    %mul3A_831 = arith.constant 8 : i32
    %mul3A_832 = vector.broadcast %mul3A_831 : i32 to vector<16xi32>
    %mul3A_833 = arith.muli %add3A_692, %mul3A_832 : vector<16xi32>
    %add3A_834 = arith.constant 6 : i32
    %add3A_835 = vector.broadcast %add3A_834 : i32 to vector<16xi32>
    %add3A_836 = arith.addi %mul3A_833, %add3A_835 : vector<16xi32>
    %gather3A_837 = tpu.vector_load_idx %arg8[%add3A_836] : memref<16384xf32, #tpu.memory_space<vmem>>[vector<16xi32>], vector<16xf32>,
    %gt3A_838 = arith.constant 0.000000e+00 : f32
    %gt3A_839 = vector.broadcast %gt3A_838 : f32 to vector<16xf32>
    %gt3A_840 = arith.cmpf ogt, %gather3A_837, %gt3A_839 : vector<16xf32>
    %convert_element_type3A_841 = arith.extui %gt3A_840 : vector<16xi1> to vector<16xi32>
    %broadcast_in_dim3A_842 = arith.constant true
    %broadcast_in_dim3A_843 = vector.broadcast %broadcast_in_dim3A_842 : i1 to vector<16xi1>
    %masked_cumsum3A_844 = tpu.scan <sum>, %convert_element_type3A_841 masked %broadcast_in_dim3A_843 : vector<16xi32>, vector<16xi1> -> vector<16xi32>
    %sub3A_845 = arith.subi %masked_cumsum3A_844, %convert_element_type3A_841 : vector<16xi32>
    %add3A_846 = vector.broadcast %add3A_664 : i32 to vector<16xi32>
    %add3A_847 = arith.addi %add3A_846, %sub3A_845 : vector<16xi32>
    tpu.vector_store_idx %arg9[%add3A_825, %add3A_690], %add3A_847 masked %gt3A_840 : memref<4x64xi32, #tpu.memory_space<vmem>>[vector<16xi32>, vector<16xi32>], vector<16xi32>, vector<16xi1>
    tpu.vector_store_idx %arg10[%add3A_825, %add3A_690], %gather3A_837 masked %gt3A_840 : memref<4x64xf32, #tpu.memory_space<vmem>>[vector<16xi32>, vector<16xi32>], vector<16xf32>, vector<16xi1>
    %add3A_848 = arith.addi %add3A_825, %convert_element_type3A_841 : vector<16xi32>
    %reduce_sum3A_849 = arith.constant true
    %reduce_sum3A_850 = vector.broadcast %reduce_sum3A_849 : i1 to vector<16xi1>
    %reduce_sum3A_851 = tpu.scan <sum>, %convert_element_type3A_841 masked %reduce_sum3A_850 : vector<16xi32>, vector<16xi1> -> vector<16xi32>
    %reduce_sum3A_852 = vector.extract %reduce_sum3A_851[15] : i32 from vector<16xi32>
    %add3A_853 = arith.addi %add3A_664, %reduce_sum3A_852 : i32
    %mul3A_854 = arith.constant 8 : i32
    %mul3A_855 = vector.broadcast %mul3A_854 : i32 to vector<16xi32>
    %mul3A_856 = arith.muli %add3A_692, %mul3A_855 : vector<16xi32>
    %add3A_857 = arith.constant 7 : i32
    %add3A_858 = vector.broadcast %add3A_857 : i32 to vector<16xi32>
    %add3A_859 = arith.addi %mul3A_856, %add3A_858 : vector<16xi32>
    %gather3A_860 = tpu.vector_load_idx %arg8[%add3A_859] : memref<16384xf32, #tpu.memory_space<vmem>>[vector<16xi32>], vector<16xf32>,
    %gt3A_861 = arith.constant 0.000000e+00 : f32
    %gt3A_862 = vector.broadcast %gt3A_861 : f32 to vector<16xf32>
    %gt3A_863 = arith.cmpf ogt, %gather3A_860, %gt3A_862 : vector<16xf32>
    %convert_element_type3A_864 = arith.extui %gt3A_863 : vector<16xi1> to vector<16xi32>
    %broadcast_in_dim3A_865 = arith.constant true
    %broadcast_in_dim3A_866 = vector.broadcast %broadcast_in_dim3A_865 : i1 to vector<16xi1>
    %masked_cumsum3A_867 = tpu.scan <sum>, %convert_element_type3A_864 masked %broadcast_in_dim3A_866 : vector<16xi32>, vector<16xi1> -> vector<16xi32>
    %sub3A_868 = arith.subi %masked_cumsum3A_867, %convert_element_type3A_864 : vector<16xi32>
    %add3A_869 = vector.broadcast %add3A_687 : i32 to vector<16xi32>
    %add3A_870 = arith.addi %add3A_869, %sub3A_868 : vector<16xi32>
    tpu.vector_store_idx %arg9[%add3A_848, %add3A_690], %add3A_870 masked %gt3A_863 : memref<4x64xi32, #tpu.memory_space<vmem>>[vector<16xi32>, vector<16xi32>], vector<16xi32>, vector<16xi1>
    tpu.vector_store_idx %arg10[%add3A_848, %add3A_690], %gather3A_860 masked %gt3A_863 : memref<4x64xf32, #tpu.memory_space<vmem>>[vector<16xi32>, vector<16xi32>], vector<16xf32>, vector<16xi1>
    %add3A_871 = arith.addi %add3A_848, %convert_element_type3A_864 : vector<16xi32>
    %reduce_sum3A_872 = arith.constant true
    %reduce_sum3A_873 = vector.broadcast %reduce_sum3A_872 : i1 to vector<16xi1>
    %reduce_sum3A_874 = tpu.scan <sum>, %convert_element_type3A_864 masked %reduce_sum3A_873 : vector<16xi32>, vector<16xi1> -> vector<16xi32>
    %reduce_sum3A_875 = vector.extract %reduce_sum3A_874[15] : i32 from vector<16xi32>
    %add3A_876 = arith.addi %add3A_687, %reduce_sum3A_875 : i32
    %add3A_877 = arith.constant 32 : i32
    %add3A_878 = vector.broadcast %add3A_877 : i32 to vector<16xi32>
    %add3A_879 = arith.addi %add3A_878, %iota3A : vector<16xi32>
    %add3A_880 = vector.broadcast %mul3A_2 : i32 to vector<16xi32>
    %add3A_881 = arith.addi %add3A_880, %add3A_879 : vector<16xi32>
    %mul3A_882 = arith.constant 8 : i32
    %mul3A_883 = vector.broadcast %mul3A_882 : i32 to vector<16xi32>
    %mul3A_884 = arith.muli %add3A_881, %mul3A_883 : vector<16xi32>
    %add3A_885 = arith.constant 0 : i32
    %add3A_886 = vector.broadcast %add3A_885 : i32 to vector<16xi32>
    %add3A_887 = arith.addi %mul3A_884, %add3A_886 : vector<16xi32>
    %gather3A_888 = tpu.vector_load_idx %arg8[%add3A_887] : memref<16384xf32, #tpu.memory_space<vmem>>[vector<16xi32>], vector<16xf32>,
    %gt3A_889 = arith.constant 0.000000e+00 : f32
    %gt3A_890 = vector.broadcast %gt3A_889 : f32 to vector<16xf32>
    %gt3A_891 = arith.cmpf ogt, %gather3A_888, %gt3A_890 : vector<16xf32>
    %convert_element_type3A_892 = arith.extui %gt3A_891 : vector<16xi1> to vector<16xi32>
    %broadcast_in_dim3A_893 = arith.constant true
    %broadcast_in_dim3A_894 = vector.broadcast %broadcast_in_dim3A_893 : i1 to vector<16xi1>
    %masked_cumsum3A_895 = tpu.scan <sum>, %convert_element_type3A_892 masked %broadcast_in_dim3A_894 : vector<16xi32>, vector<16xi1> -> vector<16xi32>
    %sub3A_896 = arith.subi %masked_cumsum3A_895, %convert_element_type3A_892 : vector<16xi32>
    %add3A_897 = vector.broadcast %add3A_715 : i32 to vector<16xi32>
    %add3A_898 = arith.addi %add3A_897, %sub3A_896 : vector<16xi32>
    tpu.vector_store_idx %arg9[%broadcast_in_dim3A_3, %add3A_879], %add3A_898 masked %gt3A_891 : memref<4x64xi32, #tpu.memory_space<vmem>>[vector<16xi32>, vector<16xi32>], vector<16xi32>, vector<16xi1>
    tpu.vector_store_idx %arg10[%broadcast_in_dim3A_3, %add3A_879], %gather3A_888 masked %gt3A_891 : memref<4x64xf32, #tpu.memory_space<vmem>>[vector<16xi32>, vector<16xi32>], vector<16xf32>, vector<16xi1>
    %add3A_899 = arith.addi %broadcast_in_dim3A_3, %convert_element_type3A_892 : vector<16xi32>
    %reduce_sum3A_900 = arith.constant true
    %reduce_sum3A_901 = vector.broadcast %reduce_sum3A_900 : i1 to vector<16xi1>
    %reduce_sum3A_902 = tpu.scan <sum>, %convert_element_type3A_892 masked %reduce_sum3A_901 : vector<16xi32>, vector<16xi1> -> vector<16xi32>
    %reduce_sum3A_903 = vector.extract %reduce_sum3A_902[15] : i32 from vector<16xi32>
    %add3A_904 = arith.addi %add3A_715, %reduce_sum3A_903 : i32
    %mul3A_905 = arith.constant 8 : i32
    %mul3A_906 = vector.broadcast %mul3A_905 : i32 to vector<16xi32>
    %mul3A_907 = arith.muli %add3A_881, %mul3A_906 : vector<16xi32>
    %add3A_908 = arith.constant 1 : i32
    %add3A_909 = vector.broadcast %add3A_908 : i32 to vector<16xi32>
    %add3A_910 = arith.addi %mul3A_907, %add3A_909 : vector<16xi32>
    %gather3A_911 = tpu.vector_load_idx %arg8[%add3A_910] : memref<16384xf32, #tpu.memory_space<vmem>>[vector<16xi32>], vector<16xf32>,
    %gt3A_912 = arith.constant 0.000000e+00 : f32
    %gt3A_913 = vector.broadcast %gt3A_912 : f32 to vector<16xf32>
    %gt3A_914 = arith.cmpf ogt, %gather3A_911, %gt3A_913 : vector<16xf32>
    %convert_element_type3A_915 = arith.extui %gt3A_914 : vector<16xi1> to vector<16xi32>
    %broadcast_in_dim3A_916 = arith.constant true
    %broadcast_in_dim3A_917 = vector.broadcast %broadcast_in_dim3A_916 : i1 to vector<16xi1>
    %masked_cumsum3A_918 = tpu.scan <sum>, %convert_element_type3A_915 masked %broadcast_in_dim3A_917 : vector<16xi32>, vector<16xi1> -> vector<16xi32>
    %sub3A_919 = arith.subi %masked_cumsum3A_918, %convert_element_type3A_915 : vector<16xi32>
    %add3A_920 = vector.broadcast %add3A_738 : i32 to vector<16xi32>
    %add3A_921 = arith.addi %add3A_920, %sub3A_919 : vector<16xi32>
    tpu.vector_store_idx %arg9[%add3A_899, %add3A_879], %add3A_921 masked %gt3A_914 : memref<4x64xi32, #tpu.memory_space<vmem>>[vector<16xi32>, vector<16xi32>], vector<16xi32>, vector<16xi1>
    tpu.vector_store_idx %arg10[%add3A_899, %add3A_879], %gather3A_911 masked %gt3A_914 : memref<4x64xf32, #tpu.memory_space<vmem>>[vector<16xi32>, vector<16xi32>], vector<16xf32>, vector<16xi1>
    %add3A_922 = arith.addi %add3A_899, %convert_element_type3A_915 : vector<16xi32>
    %reduce_sum3A_923 = arith.constant true
    %reduce_sum3A_924 = vector.broadcast %reduce_sum3A_923 : i1 to vector<16xi1>
    %reduce_sum3A_925 = tpu.scan <sum>, %convert_element_type3A_915 masked %reduce_sum3A_924 : vector<16xi32>, vector<16xi1> -> vector<16xi32>
    %reduce_sum3A_926 = vector.extract %reduce_sum3A_925[15] : i32 from vector<16xi32>
    %add3A_927 = arith.addi %add3A_738, %reduce_sum3A_926 : i32
    %mul3A_928 = arith.constant 8 : i32
    %mul3A_929 = vector.broadcast %mul3A_928 : i32 to vector<16xi32>
    %mul3A_930 = arith.muli %add3A_881, %mul3A_929 : vector<16xi32>
    %add3A_931 = arith.constant 2 : i32
    %add3A_932 = vector.broadcast %add3A_931 : i32 to vector<16xi32>
    %add3A_933 = arith.addi %mul3A_930, %add3A_932 : vector<16xi32>
    %gather3A_934 = tpu.vector_load_idx %arg8[%add3A_933] : memref<16384xf32, #tpu.memory_space<vmem>>[vector<16xi32>], vector<16xf32>,
    %gt3A_935 = arith.constant 0.000000e+00 : f32
    %gt3A_936 = vector.broadcast %gt3A_935 : f32 to vector<16xf32>
    %gt3A_937 = arith.cmpf ogt, %gather3A_934, %gt3A_936 : vector<16xf32>
    %convert_element_type3A_938 = arith.extui %gt3A_937 : vector<16xi1> to vector<16xi32>
    %broadcast_in_dim3A_939 = arith.constant true
    %broadcast_in_dim3A_940 = vector.broadcast %broadcast_in_dim3A_939 : i1 to vector<16xi1>
    %masked_cumsum3A_941 = tpu.scan <sum>, %convert_element_type3A_938 masked %broadcast_in_dim3A_940 : vector<16xi32>, vector<16xi1> -> vector<16xi32>
    %sub3A_942 = arith.subi %masked_cumsum3A_941, %convert_element_type3A_938 : vector<16xi32>
    %add3A_943 = vector.broadcast %add3A_761 : i32 to vector<16xi32>
    %add3A_944 = arith.addi %add3A_943, %sub3A_942 : vector<16xi32>
    tpu.vector_store_idx %arg9[%add3A_922, %add3A_879], %add3A_944 masked %gt3A_937 : memref<4x64xi32, #tpu.memory_space<vmem>>[vector<16xi32>, vector<16xi32>], vector<16xi32>, vector<16xi1>
    tpu.vector_store_idx %arg10[%add3A_922, %add3A_879], %gather3A_934 masked %gt3A_937 : memref<4x64xf32, #tpu.memory_space<vmem>>[vector<16xi32>, vector<16xi32>], vector<16xf32>, vector<16xi1>
    %add3A_945 = arith.addi %add3A_922, %convert_element_type3A_938 : vector<16xi32>
    %reduce_sum3A_946 = arith.constant true
    %reduce_sum3A_947 = vector.broadcast %reduce_sum3A_946 : i1 to vector<16xi1>
    %reduce_sum3A_948 = tpu.scan <sum>, %convert_element_type3A_938 masked %reduce_sum3A_947 : vector<16xi32>, vector<16xi1> -> vector<16xi32>
    %reduce_sum3A_949 = vector.extract %reduce_sum3A_948[15] : i32 from vector<16xi32>
    %add3A_950 = arith.addi %add3A_761, %reduce_sum3A_949 : i32
    %mul3A_951 = arith.constant 8 : i32
    %mul3A_952 = vector.broadcast %mul3A_951 : i32 to vector<16xi32>
    %mul3A_953 = arith.muli %add3A_881, %mul3A_952 : vector<16xi32>
    %add3A_954 = arith.constant 3 : i32
    %add3A_955 = vector.broadcast %add3A_954 : i32 to vector<16xi32>
    %add3A_956 = arith.addi %mul3A_953, %add3A_955 : vector<16xi32>
    %gather3A_957 = tpu.vector_load_idx %arg8[%add3A_956] : memref<16384xf32, #tpu.memory_space<vmem>>[vector<16xi32>], vector<16xf32>,
    %gt3A_958 = arith.constant 0.000000e+00 : f32
    %gt3A_959 = vector.broadcast %gt3A_958 : f32 to vector<16xf32>
    %gt3A_960 = arith.cmpf ogt, %gather3A_957, %gt3A_959 : vector<16xf32>
    %convert_element_type3A_961 = arith.extui %gt3A_960 : vector<16xi1> to vector<16xi32>
    %broadcast_in_dim3A_962 = arith.constant true
    %broadcast_in_dim3A_963 = vector.broadcast %broadcast_in_dim3A_962 : i1 to vector<16xi1>
    %masked_cumsum3A_964 = tpu.scan <sum>, %convert_element_type3A_961 masked %broadcast_in_dim3A_963 : vector<16xi32>, vector<16xi1> -> vector<16xi32>
    %sub3A_965 = arith.subi %masked_cumsum3A_964, %convert_element_type3A_961 : vector<16xi32>
    %add3A_966 = vector.broadcast %add3A_784 : i32 to vector<16xi32>
    %add3A_967 = arith.addi %add3A_966, %sub3A_965 : vector<16xi32>
    tpu.vector_store_idx %arg9[%add3A_945, %add3A_879], %add3A_967 masked %gt3A_960 : memref<4x64xi32, #tpu.memory_space<vmem>>[vector<16xi32>, vector<16xi32>], vector<16xi32>, vector<16xi1>
    tpu.vector_store_idx %arg10[%add3A_945, %add3A_879], %gather3A_957 masked %gt3A_960 : memref<4x64xf32, #tpu.memory_space<vmem>>[vector<16xi32>, vector<16xi32>], vector<16xf32>, vector<16xi1>
    %add3A_968 = arith.addi %add3A_945, %convert_element_type3A_961 : vector<16xi32>
    %reduce_sum3A_969 = arith.constant true
    %reduce_sum3A_970 = vector.broadcast %reduce_sum3A_969 : i1 to vector<16xi1>
    %reduce_sum3A_971 = tpu.scan <sum>, %convert_element_type3A_961 masked %reduce_sum3A_970 : vector<16xi32>, vector<16xi1> -> vector<16xi32>
    %reduce_sum3A_972 = vector.extract %reduce_sum3A_971[15] : i32 from vector<16xi32>
    %add3A_973 = arith.addi %add3A_784, %reduce_sum3A_972 : i32
    %mul3A_974 = arith.constant 8 : i32
    %mul3A_975 = vector.broadcast %mul3A_974 : i32 to vector<16xi32>
    %mul3A_976 = arith.muli %add3A_881, %mul3A_975 : vector<16xi32>
    %add3A_977 = arith.constant 4 : i32
    %add3A_978 = vector.broadcast %add3A_977 : i32 to vector<16xi32>
    %add3A_979 = arith.addi %mul3A_976, %add3A_978 : vector<16xi32>
    %gather3A_980 = tpu.vector_load_idx %arg8[%add3A_979] : memref<16384xf32, #tpu.memory_space<vmem>>[vector<16xi32>], vector<16xf32>,
    %gt3A_981 = arith.constant 0.000000e+00 : f32
    %gt3A_982 = vector.broadcast %gt3A_981 : f32 to vector<16xf32>
    %gt3A_983 = arith.cmpf ogt, %gather3A_980, %gt3A_982 : vector<16xf32>
    %convert_element_type3A_984 = arith.extui %gt3A_983 : vector<16xi1> to vector<16xi32>
    %broadcast_in_dim3A_985 = arith.constant true
    %broadcast_in_dim3A_986 = vector.broadcast %broadcast_in_dim3A_985 : i1 to vector<16xi1>
    %masked_cumsum3A_987 = tpu.scan <sum>, %convert_element_type3A_984 masked %broadcast_in_dim3A_986 : vector<16xi32>, vector<16xi1> -> vector<16xi32>
    %sub3A_988 = arith.subi %masked_cumsum3A_987, %convert_element_type3A_984 : vector<16xi32>
    %add3A_989 = vector.broadcast %add3A_807 : i32 to vector<16xi32>
    %add3A_990 = arith.addi %add3A_989, %sub3A_988 : vector<16xi32>
    tpu.vector_store_idx %arg9[%add3A_968, %add3A_879], %add3A_990 masked %gt3A_983 : memref<4x64xi32, #tpu.memory_space<vmem>>[vector<16xi32>, vector<16xi32>], vector<16xi32>, vector<16xi1>
    tpu.vector_store_idx %arg10[%add3A_968, %add3A_879], %gather3A_980 masked %gt3A_983 : memref<4x64xf32, #tpu.memory_space<vmem>>[vector<16xi32>, vector<16xi32>], vector<16xf32>, vector<16xi1>
    %add3A_991 = arith.addi %add3A_968, %convert_element_type3A_984 : vector<16xi32>
    %reduce_sum3A_992 = arith.constant true
    %reduce_sum3A_993 = vector.broadcast %reduce_sum3A_992 : i1 to vector<16xi1>
    %reduce_sum3A_994 = tpu.scan <sum>, %convert_element_type3A_984 masked %reduce_sum3A_993 : vector<16xi32>, vector<16xi1> -> vector<16xi32>
    %reduce_sum3A_995 = vector.extract %reduce_sum3A_994[15] : i32 from vector<16xi32>
    %add3A_996 = arith.addi %add3A_807, %reduce_sum3A_995 : i32
    %mul3A_997 = arith.constant 8 : i32
    %mul3A_998 = vector.broadcast %mul3A_997 : i32 to vector<16xi32>
    %mul3A_999 = arith.muli %add3A_881, %mul3A_998 : vector<16xi32>
    %add3A_1000 = arith.constant 5 : i32
    %add3A_1001 = vector.broadcast %add3A_1000 : i32 to vector<16xi32>
    %add3A_1002 = arith.addi %mul3A_999, %add3A_1001 : vector<16xi32>
    %gather3A_1003 = tpu.vector_load_idx %arg8[%add3A_1002] : memref<16384xf32, #tpu.memory_space<vmem>>[vector<16xi32>], vector<16xf32>,
    %gt3A_1004 = arith.constant 0.000000e+00 : f32
    %gt3A_1005 = vector.broadcast %gt3A_1004 : f32 to vector<16xf32>
    %gt3A_1006 = arith.cmpf ogt, %gather3A_1003, %gt3A_1005 : vector<16xf32>
    %convert_element_type3A_1007 = arith.extui %gt3A_1006 : vector<16xi1> to vector<16xi32>
    %broadcast_in_dim3A_1008 = arith.constant true
    %broadcast_in_dim3A_1009 = vector.broadcast %broadcast_in_dim3A_1008 : i1 to vector<16xi1>
    %masked_cumsum3A_1010 = tpu.scan <sum>, %convert_element_type3A_1007 masked %broadcast_in_dim3A_1009 : vector<16xi32>, vector<16xi1> -> vector<16xi32>
    %sub3A_1011 = arith.subi %masked_cumsum3A_1010, %convert_element_type3A_1007 : vector<16xi32>
    %add3A_1012 = vector.broadcast %add3A_830 : i32 to vector<16xi32>
    %add3A_1013 = arith.addi %add3A_1012, %sub3A_1011 : vector<16xi32>
    tpu.vector_store_idx %arg9[%add3A_991, %add3A_879], %add3A_1013 masked %gt3A_1006 : memref<4x64xi32, #tpu.memory_space<vmem>>[vector<16xi32>, vector<16xi32>], vector<16xi32>, vector<16xi1>
    tpu.vector_store_idx %arg10[%add3A_991, %add3A_879], %gather3A_1003 masked %gt3A_1006 : memref<4x64xf32, #tpu.memory_space<vmem>>[vector<16xi32>, vector<16xi32>], vector<16xf32>, vector<16xi1>
    %add3A_1014 = arith.addi %add3A_991, %convert_element_type3A_1007 : vector<16xi32>
    %reduce_sum3A_1015 = arith.constant true
    %reduce_sum3A_1016 = vector.broadcast %reduce_sum3A_1015 : i1 to vector<16xi1>
    %reduce_sum3A_1017 = tpu.scan <sum>, %convert_element_type3A_1007 masked %reduce_sum3A_1016 : vector<16xi32>, vector<16xi1> -> vector<16xi32>
    %reduce_sum3A_1018 = vector.extract %reduce_sum3A_1017[15] : i32 from vector<16xi32>
    %add3A_1019 = arith.addi %add3A_830, %reduce_sum3A_1018 : i32
    %mul3A_1020 = arith.constant 8 : i32
    %mul3A_1021 = vector.broadcast %mul3A_1020 : i32 to vector<16xi32>
    %mul3A_1022 = arith.muli %add3A_881, %mul3A_1021 : vector<16xi32>
    %add3A_1023 = arith.constant 6 : i32
    %add3A_1024 = vector.broadcast %add3A_1023 : i32 to vector<16xi32>
    %add3A_1025 = arith.addi %mul3A_1022, %add3A_1024 : vector<16xi32>
    %gather3A_1026 = tpu.vector_load_idx %arg8[%add3A_1025] : memref<16384xf32, #tpu.memory_space<vmem>>[vector<16xi32>], vector<16xf32>,
    %gt3A_1027 = arith.constant 0.000000e+00 : f32
    %gt3A_1028 = vector.broadcast %gt3A_1027 : f32 to vector<16xf32>
    %gt3A_1029 = arith.cmpf ogt, %gather3A_1026, %gt3A_1028 : vector<16xf32>
    %convert_element_type3A_1030 = arith.extui %gt3A_1029 : vector<16xi1> to vector<16xi32>
    %broadcast_in_dim3A_1031 = arith.constant true
    %broadcast_in_dim3A_1032 = vector.broadcast %broadcast_in_dim3A_1031 : i1 to vector<16xi1>
    %masked_cumsum3A_1033 = tpu.scan <sum>, %convert_element_type3A_1030 masked %broadcast_in_dim3A_1032 : vector<16xi32>, vector<16xi1> -> vector<16xi32>
    %sub3A_1034 = arith.subi %masked_cumsum3A_1033, %convert_element_type3A_1030 : vector<16xi32>
    %add3A_1035 = vector.broadcast %add3A_853 : i32 to vector<16xi32>
    %add3A_1036 = arith.addi %add3A_1035, %sub3A_1034 : vector<16xi32>
    tpu.vector_store_idx %arg9[%add3A_1014, %add3A_879], %add3A_1036 masked %gt3A_1029 : memref<4x64xi32, #tpu.memory_space<vmem>>[vector<16xi32>, vector<16xi32>], vector<16xi32>, vector<16xi1>
    tpu.vector_store_idx %arg10[%add3A_1014, %add3A_879], %gather3A_1026 masked %gt3A_1029 : memref<4x64xf32, #tpu.memory_space<vmem>>[vector<16xi32>, vector<16xi32>], vector<16xf32>, vector<16xi1>
    %add3A_1037 = arith.addi %add3A_1014, %convert_element_type3A_1030 : vector<16xi32>
    %reduce_sum3A_1038 = arith.constant true
    %reduce_sum3A_1039 = vector.broadcast %reduce_sum3A_1038 : i1 to vector<16xi1>
    %reduce_sum3A_1040 = tpu.scan <sum>, %convert_element_type3A_1030 masked %reduce_sum3A_1039 : vector<16xi32>, vector<16xi1> -> vector<16xi32>
    %reduce_sum3A_1041 = vector.extract %reduce_sum3A_1040[15] : i32 from vector<16xi32>
    %add3A_1042 = arith.addi %add3A_853, %reduce_sum3A_1041 : i32
    %mul3A_1043 = arith.constant 8 : i32
    %mul3A_1044 = vector.broadcast %mul3A_1043 : i32 to vector<16xi32>
    %mul3A_1045 = arith.muli %add3A_881, %mul3A_1044 : vector<16xi32>
    %add3A_1046 = arith.constant 7 : i32
    %add3A_1047 = vector.broadcast %add3A_1046 : i32 to vector<16xi32>
    %add3A_1048 = arith.addi %mul3A_1045, %add3A_1047 : vector<16xi32>
    %gather3A_1049 = tpu.vector_load_idx %arg8[%add3A_1048] : memref<16384xf32, #tpu.memory_space<vmem>>[vector<16xi32>], vector<16xf32>,
    %gt3A_1050 = arith.constant 0.000000e+00 : f32
    %gt3A_1051 = vector.broadcast %gt3A_1050 : f32 to vector<16xf32>
    %gt3A_1052 = arith.cmpf ogt, %gather3A_1049, %gt3A_1051 : vector<16xf32>
    %convert_element_type3A_1053 = arith.extui %gt3A_1052 : vector<16xi1> to vector<16xi32>
    %broadcast_in_dim3A_1054 = arith.constant true
    %broadcast_in_dim3A_1055 = vector.broadcast %broadcast_in_dim3A_1054 : i1 to vector<16xi1>
    %masked_cumsum3A_1056 = tpu.scan <sum>, %convert_element_type3A_1053 masked %broadcast_in_dim3A_1055 : vector<16xi32>, vector<16xi1> -> vector<16xi32>
    %sub3A_1057 = arith.subi %masked_cumsum3A_1056, %convert_element_type3A_1053 : vector<16xi32>
    %add3A_1058 = vector.broadcast %add3A_876 : i32 to vector<16xi32>
    %add3A_1059 = arith.addi %add3A_1058, %sub3A_1057 : vector<16xi32>
    tpu.vector_store_idx %arg9[%add3A_1037, %add3A_879], %add3A_1059 masked %gt3A_1052 : memref<4x64xi32, #tpu.memory_space<vmem>>[vector<16xi32>, vector<16xi32>], vector<16xi32>, vector<16xi1>
    tpu.vector_store_idx %arg10[%add3A_1037, %add3A_879], %gather3A_1049 masked %gt3A_1052 : memref<4x64xf32, #tpu.memory_space<vmem>>[vector<16xi32>, vector<16xi32>], vector<16xf32>, vector<16xi1>
    %add3A_1060 = arith.addi %add3A_1037, %convert_element_type3A_1053 : vector<16xi32>
    %reduce_sum3A_1061 = arith.constant true
    %reduce_sum3A_1062 = vector.broadcast %reduce_sum3A_1061 : i1 to vector<16xi1>
    %reduce_sum3A_1063 = tpu.scan <sum>, %convert_element_type3A_1053 masked %reduce_sum3A_1062 : vector<16xi32>, vector<16xi1> -> vector<16xi32>
    %reduce_sum3A_1064 = vector.extract %reduce_sum3A_1063[15] : i32 from vector<16xi32>
    %add3A_1065 = arith.addi %add3A_876, %reduce_sum3A_1064 : i32
    %add3A_1066 = arith.constant 48 : i32
    %add3A_1067 = vector.broadcast %add3A_1066 : i32 to vector<16xi32>
    %add3A_1068 = arith.addi %add3A_1067, %iota3A : vector<16xi32>
    %add3A_1069 = vector.broadcast %mul3A_2 : i32 to vector<16xi32>
    %add3A_1070 = arith.addi %add3A_1069, %add3A_1068 : vector<16xi32>
    %mul3A_1071 = arith.constant 8 : i32
    %mul3A_1072 = vector.broadcast %mul3A_1071 : i32 to vector<16xi32>
    %mul3A_1073 = arith.muli %add3A_1070, %mul3A_1072 : vector<16xi32>
    %add3A_1074 = arith.constant 0 : i32
    %add3A_1075 = vector.broadcast %add3A_1074 : i32 to vector<16xi32>
    %add3A_1076 = arith.addi %mul3A_1073, %add3A_1075 : vector<16xi32>
    %gather3A_1077 = tpu.vector_load_idx %arg8[%add3A_1076] : memref<16384xf32, #tpu.memory_space<vmem>>[vector<16xi32>], vector<16xf32>,
    %gt3A_1078 = arith.constant 0.000000e+00 : f32
    %gt3A_1079 = vector.broadcast %gt3A_1078 : f32 to vector<16xf32>
    %gt3A_1080 = arith.cmpf ogt, %gather3A_1077, %gt3A_1079 : vector<16xf32>
    %convert_element_type3A_1081 = arith.extui %gt3A_1080 : vector<16xi1> to vector<16xi32>
    %broadcast_in_dim3A_1082 = arith.constant true
    %broadcast_in_dim3A_1083 = vector.broadcast %broadcast_in_dim3A_1082 : i1 to vector<16xi1>
    %masked_cumsum3A_1084 = tpu.scan <sum>, %convert_element_type3A_1081 masked %broadcast_in_dim3A_1083 : vector<16xi32>, vector<16xi1> -> vector<16xi32>
    %sub3A_1085 = arith.subi %masked_cumsum3A_1084, %convert_element_type3A_1081 : vector<16xi32>
    %add3A_1086 = vector.broadcast %add3A_904 : i32 to vector<16xi32>
    %add3A_1087 = arith.addi %add3A_1086, %sub3A_1085 : vector<16xi32>
    tpu.vector_store_idx %arg9[%broadcast_in_dim3A_3, %add3A_1068], %add3A_1087 masked %gt3A_1080 : memref<4x64xi32, #tpu.memory_space<vmem>>[vector<16xi32>, vector<16xi32>], vector<16xi32>, vector<16xi1>
    tpu.vector_store_idx %arg10[%broadcast_in_dim3A_3, %add3A_1068], %gather3A_1077 masked %gt3A_1080 : memref<4x64xf32, #tpu.memory_space<vmem>>[vector<16xi32>, vector<16xi32>], vector<16xf32>, vector<16xi1>
    %add3A_1088 = arith.addi %broadcast_in_dim3A_3, %convert_element_type3A_1081 : vector<16xi32>
    %reduce_sum3A_1089 = arith.constant true
    %reduce_sum3A_1090 = vector.broadcast %reduce_sum3A_1089 : i1 to vector<16xi1>
    %reduce_sum3A_1091 = tpu.scan <sum>, %convert_element_type3A_1081 masked %reduce_sum3A_1090 : vector<16xi32>, vector<16xi1> -> vector<16xi32>
    %reduce_sum3A_1092 = vector.extract %reduce_sum3A_1091[15] : i32 from vector<16xi32>
    %add3A_1093 = arith.addi %add3A_904, %reduce_sum3A_1092 : i32
    %mul3A_1094 = arith.constant 8 : i32
    %mul3A_1095 = vector.broadcast %mul3A_1094 : i32 to vector<16xi32>
    %mul3A_1096 = arith.muli %add3A_1070, %mul3A_1095 : vector<16xi32>
    %add3A_1097 = arith.constant 1 : i32
    %add3A_1098 = vector.broadcast %add3A_1097 : i32 to vector<16xi32>
    %add3A_1099 = arith.addi %mul3A_1096, %add3A_1098 : vector<16xi32>
    %gather3A_1100 = tpu.vector_load_idx %arg8[%add3A_1099] : memref<16384xf32, #tpu.memory_space<vmem>>[vector<16xi32>], vector<16xf32>,
    %gt3A_1101 = arith.constant 0.000000e+00 : f32
    %gt3A_1102 = vector.broadcast %gt3A_1101 : f32 to vector<16xf32>
    %gt3A_1103 = arith.cmpf ogt, %gather3A_1100, %gt3A_1102 : vector<16xf32>
    %convert_element_type3A_1104 = arith.extui %gt3A_1103 : vector<16xi1> to vector<16xi32>
    %broadcast_in_dim3A_1105 = arith.constant true
    %broadcast_in_dim3A_1106 = vector.broadcast %broadcast_in_dim3A_1105 : i1 to vector<16xi1>
    %masked_cumsum3A_1107 = tpu.scan <sum>, %convert_element_type3A_1104 masked %broadcast_in_dim3A_1106 : vector<16xi32>, vector<16xi1> -> vector<16xi32>
    %sub3A_1108 = arith.subi %masked_cumsum3A_1107, %convert_element_type3A_1104 : vector<16xi32>
    %add3A_1109 = vector.broadcast %add3A_927 : i32 to vector<16xi32>
    %add3A_1110 = arith.addi %add3A_1109, %sub3A_1108 : vector<16xi32>
    tpu.vector_store_idx %arg9[%add3A_1088, %add3A_1068], %add3A_1110 masked %gt3A_1103 : memref<4x64xi32, #tpu.memory_space<vmem>>[vector<16xi32>, vector<16xi32>], vector<16xi32>, vector<16xi1>
    tpu.vector_store_idx %arg10[%add3A_1088, %add3A_1068], %gather3A_1100 masked %gt3A_1103 : memref<4x64xf32, #tpu.memory_space<vmem>>[vector<16xi32>, vector<16xi32>], vector<16xf32>, vector<16xi1>
    %add3A_1111 = arith.addi %add3A_1088, %convert_element_type3A_1104 : vector<16xi32>
    %reduce_sum3A_1112 = arith.constant true
    %reduce_sum3A_1113 = vector.broadcast %reduce_sum3A_1112 : i1 to vector<16xi1>
    %reduce_sum3A_1114 = tpu.scan <sum>, %convert_element_type3A_1104 masked %reduce_sum3A_1113 : vector<16xi32>, vector<16xi1> -> vector<16xi32>
    %reduce_sum3A_1115 = vector.extract %reduce_sum3A_1114[15] : i32 from vector<16xi32>
    %add3A_1116 = arith.addi %add3A_927, %reduce_sum3A_1115 : i32
    %mul3A_1117 = arith.constant 8 : i32
    %mul3A_1118 = vector.broadcast %mul3A_1117 : i32 to vector<16xi32>
    %mul3A_1119 = arith.muli %add3A_1070, %mul3A_1118 : vector<16xi32>
    %add3A_1120 = arith.constant 2 : i32
    %add3A_1121 = vector.broadcast %add3A_1120 : i32 to vector<16xi32>
    %add3A_1122 = arith.addi %mul3A_1119, %add3A_1121 : vector<16xi32>
    %gather3A_1123 = tpu.vector_load_idx %arg8[%add3A_1122] : memref<16384xf32, #tpu.memory_space<vmem>>[vector<16xi32>], vector<16xf32>,
    %gt3A_1124 = arith.constant 0.000000e+00 : f32
    %gt3A_1125 = vector.broadcast %gt3A_1124 : f32 to vector<16xf32>
    %gt3A_1126 = arith.cmpf ogt, %gather3A_1123, %gt3A_1125 : vector<16xf32>
    %convert_element_type3A_1127 = arith.extui %gt3A_1126 : vector<16xi1> to vector<16xi32>
    %broadcast_in_dim3A_1128 = arith.constant true
    %broadcast_in_dim3A_1129 = vector.broadcast %broadcast_in_dim3A_1128 : i1 to vector<16xi1>
    %masked_cumsum3A_1130 = tpu.scan <sum>, %convert_element_type3A_1127 masked %broadcast_in_dim3A_1129 : vector<16xi32>, vector<16xi1> -> vector<16xi32>
    %sub3A_1131 = arith.subi %masked_cumsum3A_1130, %convert_element_type3A_1127 : vector<16xi32>
    %add3A_1132 = vector.broadcast %add3A_950 : i32 to vector<16xi32>
    %add3A_1133 = arith.addi %add3A_1132, %sub3A_1131 : vector<16xi32>
    tpu.vector_store_idx %arg9[%add3A_1111, %add3A_1068], %add3A_1133 masked %gt3A_1126 : memref<4x64xi32, #tpu.memory_space<vmem>>[vector<16xi32>, vector<16xi32>], vector<16xi32>, vector<16xi1>
    tpu.vector_store_idx %arg10[%add3A_1111, %add3A_1068], %gather3A_1123 masked %gt3A_1126 : memref<4x64xf32, #tpu.memory_space<vmem>>[vector<16xi32>, vector<16xi32>], vector<16xf32>, vector<16xi1>
    %add3A_1134 = arith.addi %add3A_1111, %convert_element_type3A_1127 : vector<16xi32>
    %reduce_sum3A_1135 = arith.constant true
    %reduce_sum3A_1136 = vector.broadcast %reduce_sum3A_1135 : i1 to vector<16xi1>
    %reduce_sum3A_1137 = tpu.scan <sum>, %convert_element_type3A_1127 masked %reduce_sum3A_1136 : vector<16xi32>, vector<16xi1> -> vector<16xi32>
    %reduce_sum3A_1138 = vector.extract %reduce_sum3A_1137[15] : i32 from vector<16xi32>
    %add3A_1139 = arith.addi %add3A_950, %reduce_sum3A_1138 : i32
    %mul3A_1140 = arith.constant 8 : i32
    %mul3A_1141 = vector.broadcast %mul3A_1140 : i32 to vector<16xi32>
    %mul3A_1142 = arith.muli %add3A_1070, %mul3A_1141 : vector<16xi32>
    %add3A_1143 = arith.constant 3 : i32
    %add3A_1144 = vector.broadcast %add3A_1143 : i32 to vector<16xi32>
    %add3A_1145 = arith.addi %mul3A_1142, %add3A_1144 : vector<16xi32>
    %gather3A_1146 = tpu.vector_load_idx %arg8[%add3A_1145] : memref<16384xf32, #tpu.memory_space<vmem>>[vector<16xi32>], vector<16xf32>,
    %gt3A_1147 = arith.constant 0.000000e+00 : f32
    %gt3A_1148 = vector.broadcast %gt3A_1147 : f32 to vector<16xf32>
    %gt3A_1149 = arith.cmpf ogt, %gather3A_1146, %gt3A_1148 : vector<16xf32>
    %convert_element_type3A_1150 = arith.extui %gt3A_1149 : vector<16xi1> to vector<16xi32>
    %broadcast_in_dim3A_1151 = arith.constant true
    %broadcast_in_dim3A_1152 = vector.broadcast %broadcast_in_dim3A_1151 : i1 to vector<16xi1>
    %masked_cumsum3A_1153 = tpu.scan <sum>, %convert_element_type3A_1150 masked %broadcast_in_dim3A_1152 : vector<16xi32>, vector<16xi1> -> vector<16xi32>
    %sub3A_1154 = arith.subi %masked_cumsum3A_1153, %convert_element_type3A_1150 : vector<16xi32>
    %add3A_1155 = vector.broadcast %add3A_973 : i32 to vector<16xi32>
    %add3A_1156 = arith.addi %add3A_1155, %sub3A_1154 : vector<16xi32>
    tpu.vector_store_idx %arg9[%add3A_1134, %add3A_1068], %add3A_1156 masked %gt3A_1149 : memref<4x64xi32, #tpu.memory_space<vmem>>[vector<16xi32>, vector<16xi32>], vector<16xi32>, vector<16xi1>
    tpu.vector_store_idx %arg10[%add3A_1134, %add3A_1068], %gather3A_1146 masked %gt3A_1149 : memref<4x64xf32, #tpu.memory_space<vmem>>[vector<16xi32>, vector<16xi32>], vector<16xf32>, vector<16xi1>
    %add3A_1157 = arith.addi %add3A_1134, %convert_element_type3A_1150 : vector<16xi32>
    %reduce_sum3A_1158 = arith.constant true
    %reduce_sum3A_1159 = vector.broadcast %reduce_sum3A_1158 : i1 to vector<16xi1>
    %reduce_sum3A_1160 = tpu.scan <sum>, %convert_element_type3A_1150 masked %reduce_sum3A_1159 : vector<16xi32>, vector<16xi1> -> vector<16xi32>
    %reduce_sum3A_1161 = vector.extract %reduce_sum3A_1160[15] : i32 from vector<16xi32>
    %add3A_1162 = arith.addi %add3A_973, %reduce_sum3A_1161 : i32
    %mul3A_1163 = arith.constant 8 : i32
    %mul3A_1164 = vector.broadcast %mul3A_1163 : i32 to vector<16xi32>
    %mul3A_1165 = arith.muli %add3A_1070, %mul3A_1164 : vector<16xi32>
    %add3A_1166 = arith.constant 4 : i32
    %add3A_1167 = vector.broadcast %add3A_1166 : i32 to vector<16xi32>
    %add3A_1168 = arith.addi %mul3A_1165, %add3A_1167 : vector<16xi32>
    %gather3A_1169 = tpu.vector_load_idx %arg8[%add3A_1168] : memref<16384xf32, #tpu.memory_space<vmem>>[vector<16xi32>], vector<16xf32>,
    %gt3A_1170 = arith.constant 0.000000e+00 : f32
    %gt3A_1171 = vector.broadcast %gt3A_1170 : f32 to vector<16xf32>
    %gt3A_1172 = arith.cmpf ogt, %gather3A_1169, %gt3A_1171 : vector<16xf32>
    %convert_element_type3A_1173 = arith.extui %gt3A_1172 : vector<16xi1> to vector<16xi32>
    %broadcast_in_dim3A_1174 = arith.constant true
    %broadcast_in_dim3A_1175 = vector.broadcast %broadcast_in_dim3A_1174 : i1 to vector<16xi1>
    %masked_cumsum3A_1176 = tpu.scan <sum>, %convert_element_type3A_1173 masked %broadcast_in_dim3A_1175 : vector<16xi32>, vector<16xi1> -> vector<16xi32>
    %sub3A_1177 = arith.subi %masked_cumsum3A_1176, %convert_element_type3A_1173 : vector<16xi32>
    %add3A_1178 = vector.broadcast %add3A_996 : i32 to vector<16xi32>
    %add3A_1179 = arith.addi %add3A_1178, %sub3A_1177 : vector<16xi32>
    tpu.vector_store_idx %arg9[%add3A_1157, %add3A_1068], %add3A_1179 masked %gt3A_1172 : memref<4x64xi32, #tpu.memory_space<vmem>>[vector<16xi32>, vector<16xi32>], vector<16xi32>, vector<16xi1>
    tpu.vector_store_idx %arg10[%add3A_1157, %add3A_1068], %gather3A_1169 masked %gt3A_1172 : memref<4x64xf32, #tpu.memory_space<vmem>>[vector<16xi32>, vector<16xi32>], vector<16xf32>, vector<16xi1>
    %add3A_1180 = arith.addi %add3A_1157, %convert_element_type3A_1173 : vector<16xi32>
    %reduce_sum3A_1181 = arith.constant true
    %reduce_sum3A_1182 = vector.broadcast %reduce_sum3A_1181 : i1 to vector<16xi1>
    %reduce_sum3A_1183 = tpu.scan <sum>, %convert_element_type3A_1173 masked %reduce_sum3A_1182 : vector<16xi32>, vector<16xi1> -> vector<16xi32>
    %reduce_sum3A_1184 = vector.extract %reduce_sum3A_1183[15] : i32 from vector<16xi32>
    %add3A_1185 = arith.addi %add3A_996, %reduce_sum3A_1184 : i32
    %mul3A_1186 = arith.constant 8 : i32
    %mul3A_1187 = vector.broadcast %mul3A_1186 : i32 to vector<16xi32>
    %mul3A_1188 = arith.muli %add3A_1070, %mul3A_1187 : vector<16xi32>
    %add3A_1189 = arith.constant 5 : i32
    %add3A_1190 = vector.broadcast %add3A_1189 : i32 to vector<16xi32>
    %add3A_1191 = arith.addi %mul3A_1188, %add3A_1190 : vector<16xi32>
    %gather3A_1192 = tpu.vector_load_idx %arg8[%add3A_1191] : memref<16384xf32, #tpu.memory_space<vmem>>[vector<16xi32>], vector<16xf32>,
    %gt3A_1193 = arith.constant 0.000000e+00 : f32
    %gt3A_1194 = vector.broadcast %gt3A_1193 : f32 to vector<16xf32>
    %gt3A_1195 = arith.cmpf ogt, %gather3A_1192, %gt3A_1194 : vector<16xf32>
    %convert_element_type3A_1196 = arith.extui %gt3A_1195 : vector<16xi1> to vector<16xi32>
    %broadcast_in_dim3A_1197 = arith.constant true
    %broadcast_in_dim3A_1198 = vector.broadcast %broadcast_in_dim3A_1197 : i1 to vector<16xi1>
    %masked_cumsum3A_1199 = tpu.scan <sum>, %convert_element_type3A_1196 masked %broadcast_in_dim3A_1198 : vector<16xi32>, vector<16xi1> -> vector<16xi32>
    %sub3A_1200 = arith.subi %masked_cumsum3A_1199, %convert_element_type3A_1196 : vector<16xi32>
    %add3A_1201 = vector.broadcast %add3A_1019 : i32 to vector<16xi32>
    %add3A_1202 = arith.addi %add3A_1201, %sub3A_1200 : vector<16xi32>
    tpu.vector_store_idx %arg9[%add3A_1180, %add3A_1068], %add3A_1202 masked %gt3A_1195 : memref<4x64xi32, #tpu.memory_space<vmem>>[vector<16xi32>, vector<16xi32>], vector<16xi32>, vector<16xi1>
    tpu.vector_store_idx %arg10[%add3A_1180, %add3A_1068], %gather3A_1192 masked %gt3A_1195 : memref<4x64xf32, #tpu.memory_space<vmem>>[vector<16xi32>, vector<16xi32>], vector<16xf32>, vector<16xi1>
    %add3A_1203 = arith.addi %add3A_1180, %convert_element_type3A_1196 : vector<16xi32>
    %reduce_sum3A_1204 = arith.constant true
    %reduce_sum3A_1205 = vector.broadcast %reduce_sum3A_1204 : i1 to vector<16xi1>
    %reduce_sum3A_1206 = tpu.scan <sum>, %convert_element_type3A_1196 masked %reduce_sum3A_1205 : vector<16xi32>, vector<16xi1> -> vector<16xi32>
    %reduce_sum3A_1207 = vector.extract %reduce_sum3A_1206[15] : i32 from vector<16xi32>
    %add3A_1208 = arith.addi %add3A_1019, %reduce_sum3A_1207 : i32
    %mul3A_1209 = arith.constant 8 : i32
    %mul3A_1210 = vector.broadcast %mul3A_1209 : i32 to vector<16xi32>
    %mul3A_1211 = arith.muli %add3A_1070, %mul3A_1210 : vector<16xi32>
    %add3A_1212 = arith.constant 6 : i32
    %add3A_1213 = vector.broadcast %add3A_1212 : i32 to vector<16xi32>
    %add3A_1214 = arith.addi %mul3A_1211, %add3A_1213 : vector<16xi32>
    %gather3A_1215 = tpu.vector_load_idx %arg8[%add3A_1214] : memref<16384xf32, #tpu.memory_space<vmem>>[vector<16xi32>], vector<16xf32>,
    %gt3A_1216 = arith.constant 0.000000e+00 : f32
    %gt3A_1217 = vector.broadcast %gt3A_1216 : f32 to vector<16xf32>
    %gt3A_1218 = arith.cmpf ogt, %gather3A_1215, %gt3A_1217 : vector<16xf32>
    %convert_element_type3A_1219 = arith.extui %gt3A_1218 : vector<16xi1> to vector<16xi32>
    %broadcast_in_dim3A_1220 = arith.constant true
    %broadcast_in_dim3A_1221 = vector.broadcast %broadcast_in_dim3A_1220 : i1 to vector<16xi1>
    %masked_cumsum3A_1222 = tpu.scan <sum>, %convert_element_type3A_1219 masked %broadcast_in_dim3A_1221 : vector<16xi32>, vector<16xi1> -> vector<16xi32>
    %sub3A_1223 = arith.subi %masked_cumsum3A_1222, %convert_element_type3A_1219 : vector<16xi32>
    %add3A_1224 = vector.broadcast %add3A_1042 : i32 to vector<16xi32>
    %add3A_1225 = arith.addi %add3A_1224, %sub3A_1223 : vector<16xi32>
    tpu.vector_store_idx %arg9[%add3A_1203, %add3A_1068], %add3A_1225 masked %gt3A_1218 : memref<4x64xi32, #tpu.memory_space<vmem>>[vector<16xi32>, vector<16xi32>], vector<16xi32>, vector<16xi1>
    tpu.vector_store_idx %arg10[%add3A_1203, %add3A_1068], %gather3A_1215 masked %gt3A_1218 : memref<4x64xf32, #tpu.memory_space<vmem>>[vector<16xi32>, vector<16xi32>], vector<16xf32>, vector<16xi1>
    %add3A_1226 = arith.addi %add3A_1203, %convert_element_type3A_1219 : vector<16xi32>
    %reduce_sum3A_1227 = arith.constant true
    %reduce_sum3A_1228 = vector.broadcast %reduce_sum3A_1227 : i1 to vector<16xi1>
    %reduce_sum3A_1229 = tpu.scan <sum>, %convert_element_type3A_1219 masked %reduce_sum3A_1228 : vector<16xi32>, vector<16xi1> -> vector<16xi32>
    %reduce_sum3A_1230 = vector.extract %reduce_sum3A_1229[15] : i32 from vector<16xi32>
    %add3A_1231 = arith.addi %add3A_1042, %reduce_sum3A_1230 : i32
    %mul3A_1232 = arith.constant 8 : i32
    %mul3A_1233 = vector.broadcast %mul3A_1232 : i32 to vector<16xi32>
    %mul3A_1234 = arith.muli %add3A_1070, %mul3A_1233 : vector<16xi32>
    %add3A_1235 = arith.constant 7 : i32
    %add3A_1236 = vector.broadcast %add3A_1235 : i32 to vector<16xi32>
    %add3A_1237 = arith.addi %mul3A_1234, %add3A_1236 : vector<16xi32>
    %gather3A_1238 = tpu.vector_load_idx %arg8[%add3A_1237] : memref<16384xf32, #tpu.memory_space<vmem>>[vector<16xi32>], vector<16xf32>,
    %gt3A_1239 = arith.constant 0.000000e+00 : f32
    %gt3A_1240 = vector.broadcast %gt3A_1239 : f32 to vector<16xf32>
    %gt3A_1241 = arith.cmpf ogt, %gather3A_1238, %gt3A_1240 : vector<16xf32>
    %convert_element_type3A_1242 = arith.extui %gt3A_1241 : vector<16xi1> to vector<16xi32>
    %broadcast_in_dim3A_1243 = arith.constant true
    %broadcast_in_dim3A_1244 = vector.broadcast %broadcast_in_dim3A_1243 : i1 to vector<16xi1>
    %masked_cumsum3A_1245 = tpu.scan <sum>, %convert_element_type3A_1242 masked %broadcast_in_dim3A_1244 : vector<16xi32>, vector<16xi1> -> vector<16xi32>
    %sub3A_1246 = arith.subi %masked_cumsum3A_1245, %convert_element_type3A_1242 : vector<16xi32>
    %add3A_1247 = vector.broadcast %add3A_1065 : i32 to vector<16xi32>
    %add3A_1248 = arith.addi %add3A_1247, %sub3A_1246 : vector<16xi32>
    tpu.vector_store_idx %arg9[%add3A_1226, %add3A_1068], %add3A_1248 masked %gt3A_1241 : memref<4x64xi32, #tpu.memory_space<vmem>>[vector<16xi32>, vector<16xi32>], vector<16xi32>, vector<16xi1>
    tpu.vector_store_idx %arg10[%add3A_1226, %add3A_1068], %gather3A_1238 masked %gt3A_1241 : memref<4x64xf32, #tpu.memory_space<vmem>>[vector<16xi32>, vector<16xi32>], vector<16xf32>, vector<16xi1>
    %add3A_1249 = arith.addi %add3A_1226, %convert_element_type3A_1242 : vector<16xi32>
    %reduce_sum3A_1250 = arith.constant true
    %reduce_sum3A_1251 = vector.broadcast %reduce_sum3A_1250 : i1 to vector<16xi1>
    %reduce_sum3A_1252 = tpu.scan <sum>, %convert_element_type3A_1242 masked %reduce_sum3A_1251 : vector<16xi32>, vector<16xi1> -> vector<16xi32>
    %reduce_sum3A_1253 = vector.extract %reduce_sum3A_1252[15] : i32 from vector<16xi32>
    %add3A_1254 = arith.addi %add3A_1065, %reduce_sum3A_1253 : i32
    %run_scoped3A = arith.constant 0 : i32
    %run_scoped3A_1255 = arith.constant 0 : i32
    "tpu.region"() ({
      %run_scoped3A_1324 = tpu.sem_alloc : memref<!tpu.dma_semaphore, #tpu.memory_space<semaphore_mem>>
      %dma_start3A_1325 = arith.constant 0 : i32
      %dma_start3A_1326 = tpu.memref_slice %arg9[%run_scoped3A, %dma_start3A_1325] : memref<4x64xi32, #tpu.memory_space<vmem>> -> memref<1x64xi32, #tpu.memory_space<vmem>>
      %dma_start3A_1327 = tpu.memref_squeeze %dma_start3A_1326 : memref<1x64xi32, #tpu.memory_space<vmem>> -> memref<64xi32, #tpu.memory_space<vmem>>
      %dma_start3A_1328 = tpu.memref_slice %arg5[%run_scoped3A_1255, %mul3A_2] : memref<4x2048xi32, #tpu.memory_space<hbm>> -> memref<1x64xi32, #tpu.memory_space<hbm>>
      %dma_start3A_1329 = tpu.memref_squeeze %dma_start3A_1328 : memref<1x64xi32, #tpu.memory_space<hbm>> -> memref<64xi32, #tpu.memory_space<hbm>>
      %dma_start3A_1330 = tpu.memref_slice %arg5[%run_scoped3A_1255, %mul3A_2] : memref<4x2048xi32, #tpu.memory_space<hbm>> -> memref<1x64xi32, #tpu.memory_space<hbm>>
      %dma_start3A_1331 = tpu.memref_squeeze %dma_start3A_1330 : memref<1x64xi32, #tpu.memory_space<hbm>> -> memref<64xi32, #tpu.memory_space<hbm>>
      %dma_start3A_1332 = arith.constant 0 : i32
      %dma_start3A_1333 = tpu.memref_slice %arg9[%run_scoped3A, %dma_start3A_1332] : memref<4x64xi32, #tpu.memory_space<vmem>> -> memref<1x64xi32, #tpu.memory_space<vmem>>
      %dma_start3A_1334 = tpu.memref_squeeze %dma_start3A_1333 : memref<1x64xi32, #tpu.memory_space<vmem>> -> memref<64xi32, #tpu.memory_space<vmem>>
      tpu.enqueue_dma source(%dma_start3A_1334 : memref<64xi32, #tpu.memory_space<vmem>>) target(%dma_start3A_1331 : memref<64xi32, #tpu.memory_space<hbm>>) target_semaphore(%run_scoped3A_1324 : memref<!tpu.dma_semaphore, #tpu.memory_space<semaphore_mem>>)
      %dma_wait3A_1335 = arith.constant 0 : i32
      %dma_wait3A_1336 = tpu.memref_slice %arg9[%run_scoped3A, %dma_wait3A_1335] : memref<4x64xi32, #tpu.memory_space<vmem>> -> memref<1x64xi32, #tpu.memory_space<vmem>>
      %dma_wait3A_1337 = tpu.memref_squeeze %dma_wait3A_1336 : memref<1x64xi32, #tpu.memory_space<vmem>> -> memref<64xi32, #tpu.memory_space<vmem>>
      %dma_wait3A_1338 = tpu.memref_slice %arg5[%run_scoped3A_1255, %mul3A_2] : memref<4x2048xi32, #tpu.memory_space<hbm>> -> memref<1x64xi32, #tpu.memory_space<hbm>>
      %dma_wait3A_1339 = tpu.memref_squeeze %dma_wait3A_1338 : memref<1x64xi32, #tpu.memory_space<hbm>> -> memref<64xi32, #tpu.memory_space<hbm>>
      %dma_wait3A_1340 = tpu.memref_slice %arg5[%run_scoped3A_1255, %mul3A_2] : memref<4x2048xi32, #tpu.memory_space<hbm>> -> memref<1x64xi32, #tpu.memory_space<hbm>>
      %dma_wait3A_1341 = tpu.memref_squeeze %dma_wait3A_1340 : memref<1x64xi32, #tpu.memory_space<hbm>> -> memref<64xi32, #tpu.memory_space<hbm>>
      %dma_wait3A_1342 = arith.constant 0 : i32
      %dma_wait3A_1343 = tpu.memref_slice %arg9[%run_scoped3A, %dma_wait3A_1342] : memref<4x64xi32, #tpu.memory_space<vmem>> -> memref<1x64xi32, #tpu.memory_space<vmem>>
      %dma_wait3A_1344 = tpu.memref_squeeze %dma_wait3A_1343 : memref<1x64xi32, #tpu.memory_space<vmem>> -> memref<64xi32, #tpu.memory_space<vmem>>
      tpu.wait_dma2 semaphore(%run_scoped3A_1324 : memref<!tpu.dma_semaphore, #tpu.memory_space<semaphore_mem>>) src(%dma_wait3A_1344 : memref<64xi32, #tpu.memory_space<vmem>>) dst(%dma_wait3A_1341 : memref<64xi32, #tpu.memory_space<hbm>>)
      tpu.yield
    }) : () -> ()
    %run_scoped3A_1256 = arith.constant 0 : i32
    %run_scoped3A_1257 = arith.constant 0 : i32
    "tpu.region"() ({
      %run_scoped3A_1324 = tpu.sem_alloc : memref<!tpu.dma_semaphore, #tpu.memory_space<semaphore_mem>>
      %dma_start3A_1325 = arith.constant 0 : i32
      %dma_start3A_1326 = tpu.memref_slice %arg10[%run_scoped3A_1256, %dma_start3A_1325] : memref<4x64xf32, #tpu.memory_space<vmem>> -> memref<1x64xf32, #tpu.memory_space<vmem>>
      %dma_start3A_1327 = tpu.memref_squeeze %dma_start3A_1326 : memref<1x64xf32, #tpu.memory_space<vmem>> -> memref<64xf32, #tpu.memory_space<vmem>>
      %dma_start3A_1328 = tpu.memref_slice %arg6[%run_scoped3A_1257, %mul3A_2] : memref<4x2048xf32, #tpu.memory_space<hbm>> -> memref<1x64xf32, #tpu.memory_space<hbm>>
      %dma_start3A_1329 = tpu.memref_squeeze %dma_start3A_1328 : memref<1x64xf32, #tpu.memory_space<hbm>> -> memref<64xf32, #tpu.memory_space<hbm>>
      %dma_start3A_1330 = tpu.memref_slice %arg6[%run_scoped3A_1257, %mul3A_2] : memref<4x2048xf32, #tpu.memory_space<hbm>> -> memref<1x64xf32, #tpu.memory_space<hbm>>
      %dma_start3A_1331 = tpu.memref_squeeze %dma_start3A_1330 : memref<1x64xf32, #tpu.memory_space<hbm>> -> memref<64xf32, #tpu.memory_space<hbm>>
      %dma_start3A_1332 = arith.constant 0 : i32
      %dma_start3A_1333 = tpu.memref_slice %arg10[%run_scoped3A_1256, %dma_start3A_1332] : memref<4x64xf32, #tpu.memory_space<vmem>> -> memref<1x64xf32, #tpu.memory_space<vmem>>
      %dma_start3A_1334 = tpu.memref_squeeze %dma_start3A_1333 : memref<1x64xf32, #tpu.memory_space<vmem>> -> memref<64xf32, #tpu.memory_space<vmem>>
      tpu.enqueue_dma source(%dma_start3A_1334 : memref<64xf32, #tpu.memory_space<vmem>>) target(%dma_start3A_1331 : memref<64xf32, #tpu.memory_space<hbm>>) target_semaphore(%run_scoped3A_1324 : memref<!tpu.dma_semaphore, #tpu.memory_space<semaphore_mem>>)
      %dma_wait3A_1335 = arith.constant 0 : i32
      %dma_wait3A_1336 = tpu.memref_slice %arg10[%run_scoped3A_1256, %dma_wait3A_1335] : memref<4x64xf32, #tpu.memory_space<vmem>> -> memref<1x64xf32, #tpu.memory_space<vmem>>
      %dma_wait3A_1337 = tpu.memref_squeeze %dma_wait3A_1336 : memref<1x64xf32, #tpu.memory_space<vmem>> -> memref<64xf32, #tpu.memory_space<vmem>>
      %dma_wait3A_1338 = tpu.memref_slice %arg6[%run_scoped3A_1257, %mul3A_2] : memref<4x2048xf32, #tpu.memory_space<hbm>> -> memref<1x64xf32, #tpu.memory_space<hbm>>
      %dma_wait3A_1339 = tpu.memref_squeeze %dma_wait3A_1338 : memref<1x64xf32, #tpu.memory_space<hbm>> -> memref<64xf32, #tpu.memory_space<hbm>>
      %dma_wait3A_1340 = tpu.memref_slice %arg6[%run_scoped3A_1257, %mul3A_2] : memref<4x2048xf32, #tpu.memory_space<hbm>> -> memref<1x64xf32, #tpu.memory_space<hbm>>
      %dma_wait3A_1341 = tpu.memref_squeeze %dma_wait3A_1340 : memref<1x64xf32, #tpu.memory_space<hbm>> -> memref<64xf32, #tpu.memory_space<hbm>>
      %dma_wait3A_1342 = arith.constant 0 : i32
      %dma_wait3A_1343 = tpu.memref_slice %arg10[%run_scoped3A_1256, %dma_wait3A_1342] : memref<4x64xf32, #tpu.memory_space<vmem>> -> memref<1x64xf32, #tpu.memory_space<vmem>>
      %dma_wait3A_1344 = tpu.memref_squeeze %dma_wait3A_1343 : memref<1x64xf32, #tpu.memory_space<vmem>> -> memref<64xf32, #tpu.memory_space<vmem>>
      tpu.wait_dma2 semaphore(%run_scoped3A_1324 : memref<!tpu.dma_semaphore, #tpu.memory_space<semaphore_mem>>) src(%dma_wait3A_1344 : memref<64xf32, #tpu.memory_space<vmem>>) dst(%dma_wait3A_1341 : memref<64xf32, #tpu.memory_space<hbm>>)
      tpu.yield
    }) : () -> ()
    %run_scoped3A_1258 = arith.constant 1 : i32
    %run_scoped3A_1259 = arith.constant 1 : i32
    "tpu.region"() ({
      %run_scoped3A_1324 = tpu.sem_alloc : memref<!tpu.dma_semaphore, #tpu.memory_space<semaphore_mem>>
      %dma_start3A_1325 = arith.constant 0 : i32
      %dma_start3A_1326 = tpu.memref_slice %arg9[%run_scoped3A_1258, %dma_start3A_1325] : memref<4x64xi32, #tpu.memory_space<vmem>> -> memref<1x64xi32, #tpu.memory_space<vmem>>
      %dma_start3A_1327 = tpu.memref_squeeze %dma_start3A_1326 : memref<1x64xi32, #tpu.memory_space<vmem>> -> memref<64xi32, #tpu.memory_space<vmem>>
      %dma_start3A_1328 = tpu.memref_slice %arg5[%run_scoped3A_1259, %mul3A_2] : memref<4x2048xi32, #tpu.memory_space<hbm>> -> memref<1x64xi32, #tpu.memory_space<hbm>>
      %dma_start3A_1329 = tpu.memref_squeeze %dma_start3A_1328 : memref<1x64xi32, #tpu.memory_space<hbm>> -> memref<64xi32, #tpu.memory_space<hbm>>
      %dma_start3A_1330 = tpu.memref_slice %arg5[%run_scoped3A_1259, %mul3A_2] : memref<4x2048xi32, #tpu.memory_space<hbm>> -> memref<1x64xi32, #tpu.memory_space<hbm>>
      %dma_start3A_1331 = tpu.memref_squeeze %dma_start3A_1330 : memref<1x64xi32, #tpu.memory_space<hbm>> -> memref<64xi32, #tpu.memory_space<hbm>>
      %dma_start3A_1332 = arith.constant 0 : i32
      %dma_start3A_1333 = tpu.memref_slice %arg9[%run_scoped3A_1258, %dma_start3A_1332] : memref<4x64xi32, #tpu.memory_space<vmem>> -> memref<1x64xi32, #tpu.memory_space<vmem>>
      %dma_start3A_1334 = tpu.memref_squeeze %dma_start3A_1333 : memref<1x64xi32, #tpu.memory_space<vmem>> -> memref<64xi32, #tpu.memory_space<vmem>>
      tpu.enqueue_dma source(%dma_start3A_1334 : memref<64xi32, #tpu.memory_space<vmem>>) target(%dma_start3A_1331 : memref<64xi32, #tpu.memory_space<hbm>>) target_semaphore(%run_scoped3A_1324 : memref<!tpu.dma_semaphore, #tpu.memory_space<semaphore_mem>>)
      %dma_wait3A_1335 = arith.constant 0 : i32
      %dma_wait3A_1336 = tpu.memref_slice %arg9[%run_scoped3A_1258, %dma_wait3A_1335] : memref<4x64xi32, #tpu.memory_space<vmem>> -> memref<1x64xi32, #tpu.memory_space<vmem>>
      %dma_wait3A_1337 = tpu.memref_squeeze %dma_wait3A_1336 : memref<1x64xi32, #tpu.memory_space<vmem>> -> memref<64xi32, #tpu.memory_space<vmem>>
      %dma_wait3A_1338 = tpu.memref_slice %arg5[%run_scoped3A_1259, %mul3A_2] : memref<4x2048xi32, #tpu.memory_space<hbm>> -> memref<1x64xi32, #tpu.memory_space<hbm>>
      %dma_wait3A_1339 = tpu.memref_squeeze %dma_wait3A_1338 : memref<1x64xi32, #tpu.memory_space<hbm>> -> memref<64xi32, #tpu.memory_space<hbm>>
      %dma_wait3A_1340 = tpu.memref_slice %arg5[%run_scoped3A_1259, %mul3A_2] : memref<4x2048xi32, #tpu.memory_space<hbm>> -> memref<1x64xi32, #tpu.memory_space<hbm>>
      %dma_wait3A_1341 = tpu.memref_squeeze %dma_wait3A_1340 : memref<1x64xi32, #tpu.memory_space<hbm>> -> memref<64xi32, #tpu.memory_space<hbm>>
      %dma_wait3A_1342 = arith.constant 0 : i32
      %dma_wait3A_1343 = tpu.memref_slice %arg9[%run_scoped3A_1258, %dma_wait3A_1342] : memref<4x64xi32, #tpu.memory_space<vmem>> -> memref<1x64xi32, #tpu.memory_space<vmem>>
      %dma_wait3A_1344 = tpu.memref_squeeze %dma_wait3A_1343 : memref<1x64xi32, #tpu.memory_space<vmem>> -> memref<64xi32, #tpu.memory_space<vmem>>
      tpu.wait_dma2 semaphore(%run_scoped3A_1324 : memref<!tpu.dma_semaphore, #tpu.memory_space<semaphore_mem>>) src(%dma_wait3A_1344 : memref<64xi32, #tpu.memory_space<vmem>>) dst(%dma_wait3A_1341 : memref<64xi32, #tpu.memory_space<hbm>>)
      tpu.yield
    }) : () -> ()
    %run_scoped3A_1260 = arith.constant 1 : i32
    %run_scoped3A_1261 = arith.constant 1 : i32
    "tpu.region"() ({
      %run_scoped3A_1324 = tpu.sem_alloc : memref<!tpu.dma_semaphore, #tpu.memory_space<semaphore_mem>>
      %dma_start3A_1325 = arith.constant 0 : i32
      %dma_start3A_1326 = tpu.memref_slice %arg10[%run_scoped3A_1260, %dma_start3A_1325] : memref<4x64xf32, #tpu.memory_space<vmem>> -> memref<1x64xf32, #tpu.memory_space<vmem>>
      %dma_start3A_1327 = tpu.memref_squeeze %dma_start3A_1326 : memref<1x64xf32, #tpu.memory_space<vmem>> -> memref<64xf32, #tpu.memory_space<vmem>>
      %dma_start3A_1328 = tpu.memref_slice %arg6[%run_scoped3A_1261, %mul3A_2] : memref<4x2048xf32, #tpu.memory_space<hbm>> -> memref<1x64xf32, #tpu.memory_space<hbm>>
      %dma_start3A_1329 = tpu.memref_squeeze %dma_start3A_1328 : memref<1x64xf32, #tpu.memory_space<hbm>> -> memref<64xf32, #tpu.memory_space<hbm>>
      %dma_start3A_1330 = tpu.memref_slice %arg6[%run_scoped3A_1261, %mul3A_2] : memref<4x2048xf32, #tpu.memory_space<hbm>> -> memref<1x64xf32, #tpu.memory_space<hbm>>
      %dma_start3A_1331 = tpu.memref_squeeze %dma_start3A_1330 : memref<1x64xf32, #tpu.memory_space<hbm>> -> memref<64xf32, #tpu.memory_space<hbm>>
      %dma_start3A_1332 = arith.constant 0 : i32
      %dma_start3A_1333 = tpu.memref_slice %arg10[%run_scoped3A_1260, %dma_start3A_1332] : memref<4x64xf32, #tpu.memory_space<vmem>> -> memref<1x64xf32, #tpu.memory_space<vmem>>
      %dma_start3A_1334 = tpu.memref_squeeze %dma_start3A_1333 : memref<1x64xf32, #tpu.memory_space<vmem>> -> memref<64xf32, #tpu.memory_space<vmem>>
      tpu.enqueue_dma source(%dma_start3A_1334 : memref<64xf32, #tpu.memory_space<vmem>>) target(%dma_start3A_1331 : memref<64xf32, #tpu.memory_space<hbm>>) target_semaphore(%run_scoped3A_1324 : memref<!tpu.dma_semaphore, #tpu.memory_space<semaphore_mem>>)
      %dma_wait3A_1335 = arith.constant 0 : i32
      %dma_wait3A_1336 = tpu.memref_slice %arg10[%run_scoped3A_1260, %dma_wait3A_1335] : memref<4x64xf32, #tpu.memory_space<vmem>> -> memref<1x64xf32, #tpu.memory_space<vmem>>
      %dma_wait3A_1337 = tpu.memref_squeeze %dma_wait3A_1336 : memref<1x64xf32, #tpu.memory_space<vmem>> -> memref<64xf32, #tpu.memory_space<vmem>>
      %dma_wait3A_1338 = tpu.memref_slice %arg6[%run_scoped3A_1261, %mul3A_2] : memref<4x2048xf32, #tpu.memory_space<hbm>> -> memref<1x64xf32, #tpu.memory_space<hbm>>
      %dma_wait3A_1339 = tpu.memref_squeeze %dma_wait3A_1338 : memref<1x64xf32, #tpu.memory_space<hbm>> -> memref<64xf32, #tpu.memory_space<hbm>>
      %dma_wait3A_1340 = tpu.memref_slice %arg6[%run_scoped3A_1261, %mul3A_2] : memref<4x2048xf32, #tpu.memory_space<hbm>> -> memref<1x64xf32, #tpu.memory_space<hbm>>
      %dma_wait3A_1341 = tpu.memref_squeeze %dma_wait3A_1340 : memref<1x64xf32, #tpu.memory_space<hbm>> -> memref<64xf32, #tpu.memory_space<hbm>>
      %dma_wait3A_1342 = arith.constant 0 : i32
      %dma_wait3A_1343 = tpu.memref_slice %arg10[%run_scoped3A_1260, %dma_wait3A_1342] : memref<4x64xf32, #tpu.memory_space<vmem>> -> memref<1x64xf32, #tpu.memory_space<vmem>>
      %dma_wait3A_1344 = tpu.memref_squeeze %dma_wait3A_1343 : memref<1x64xf32, #tpu.memory_space<vmem>> -> memref<64xf32, #tpu.memory_space<vmem>>
      tpu.wait_dma2 semaphore(%run_scoped3A_1324 : memref<!tpu.dma_semaphore, #tpu.memory_space<semaphore_mem>>) src(%dma_wait3A_1344 : memref<64xf32, #tpu.memory_space<vmem>>) dst(%dma_wait3A_1341 : memref<64xf32, #tpu.memory_space<hbm>>)
      tpu.yield
    }) : () -> ()
    %run_scoped3A_1262 = arith.constant 2 : i32
    %run_scoped3A_1263 = arith.constant 2 : i32
    "tpu.region"() ({
      %run_scoped3A_1324 = tpu.sem_alloc : memref<!tpu.dma_semaphore, #tpu.memory_space<semaphore_mem>>
      %dma_start3A_1325 = arith.constant 0 : i32
      %dma_start3A_1326 = tpu.memref_slice %arg9[%run_scoped3A_1262, %dma_start3A_1325] : memref<4x64xi32, #tpu.memory_space<vmem>> -> memref<1x64xi32, #tpu.memory_space<vmem>>
      %dma_start3A_1327 = tpu.memref_squeeze %dma_start3A_1326 : memref<1x64xi32, #tpu.memory_space<vmem>> -> memref<64xi32, #tpu.memory_space<vmem>>
      %dma_start3A_1328 = tpu.memref_slice %arg5[%run_scoped3A_1263, %mul3A_2] : memref<4x2048xi32, #tpu.memory_space<hbm>> -> memref<1x64xi32, #tpu.memory_space<hbm>>
      %dma_start3A_1329 = tpu.memref_squeeze %dma_start3A_1328 : memref<1x64xi32, #tpu.memory_space<hbm>> -> memref<64xi32, #tpu.memory_space<hbm>>
      %dma_start3A_1330 = tpu.memref_slice %arg5[%run_scoped3A_1263, %mul3A_2] : memref<4x2048xi32, #tpu.memory_space<hbm>> -> memref<1x64xi32, #tpu.memory_space<hbm>>
      %dma_start3A_1331 = tpu.memref_squeeze %dma_start3A_1330 : memref<1x64xi32, #tpu.memory_space<hbm>> -> memref<64xi32, #tpu.memory_space<hbm>>
      %dma_start3A_1332 = arith.constant 0 : i32
      %dma_start3A_1333 = tpu.memref_slice %arg9[%run_scoped3A_1262, %dma_start3A_1332] : memref<4x64xi32, #tpu.memory_space<vmem>> -> memref<1x64xi32, #tpu.memory_space<vmem>>
      %dma_start3A_1334 = tpu.memref_squeeze %dma_start3A_1333 : memref<1x64xi32, #tpu.memory_space<vmem>> -> memref<64xi32, #tpu.memory_space<vmem>>
      tpu.enqueue_dma source(%dma_start3A_1334 : memref<64xi32, #tpu.memory_space<vmem>>) target(%dma_start3A_1331 : memref<64xi32, #tpu.memory_space<hbm>>) target_semaphore(%run_scoped3A_1324 : memref<!tpu.dma_semaphore, #tpu.memory_space<semaphore_mem>>)
      %dma_wait3A_1335 = arith.constant 0 : i32
      %dma_wait3A_1336 = tpu.memref_slice %arg9[%run_scoped3A_1262, %dma_wait3A_1335] : memref<4x64xi32, #tpu.memory_space<vmem>> -> memref<1x64xi32, #tpu.memory_space<vmem>>
      %dma_wait3A_1337 = tpu.memref_squeeze %dma_wait3A_1336 : memref<1x64xi32, #tpu.memory_space<vmem>> -> memref<64xi32, #tpu.memory_space<vmem>>
      %dma_wait3A_1338 = tpu.memref_slice %arg5[%run_scoped3A_1263, %mul3A_2] : memref<4x2048xi32, #tpu.memory_space<hbm>> -> memref<1x64xi32, #tpu.memory_space<hbm>>
      %dma_wait3A_1339 = tpu.memref_squeeze %dma_wait3A_1338 : memref<1x64xi32, #tpu.memory_space<hbm>> -> memref<64xi32, #tpu.memory_space<hbm>>
      %dma_wait3A_1340 = tpu.memref_slice %arg5[%run_scoped3A_1263, %mul3A_2] : memref<4x2048xi32, #tpu.memory_space<hbm>> -> memref<1x64xi32, #tpu.memory_space<hbm>>
      %dma_wait3A_1341 = tpu.memref_squeeze %dma_wait3A_1340 : memref<1x64xi32, #tpu.memory_space<hbm>> -> memref<64xi32, #tpu.memory_space<hbm>>
      %dma_wait3A_1342 = arith.constant 0 : i32
      %dma_wait3A_1343 = tpu.memref_slice %arg9[%run_scoped3A_1262, %dma_wait3A_1342] : memref<4x64xi32, #tpu.memory_space<vmem>> -> memref<1x64xi32, #tpu.memory_space<vmem>>
      %dma_wait3A_1344 = tpu.memref_squeeze %dma_wait3A_1343 : memref<1x64xi32, #tpu.memory_space<vmem>> -> memref<64xi32, #tpu.memory_space<vmem>>
      tpu.wait_dma2 semaphore(%run_scoped3A_1324 : memref<!tpu.dma_semaphore, #tpu.memory_space<semaphore_mem>>) src(%dma_wait3A_1344 : memref<64xi32, #tpu.memory_space<vmem>>) dst(%dma_wait3A_1341 : memref<64xi32, #tpu.memory_space<hbm>>)
      tpu.yield
    }) : () -> ()
    %run_scoped3A_1264 = arith.constant 2 : i32
    %run_scoped3A_1265 = arith.constant 2 : i32
    "tpu.region"() ({
      %run_scoped3A_1324 = tpu.sem_alloc : memref<!tpu.dma_semaphore, #tpu.memory_space<semaphore_mem>>
      %dma_start3A_1325 = arith.constant 0 : i32
      %dma_start3A_1326 = tpu.memref_slice %arg10[%run_scoped3A_1264, %dma_start3A_1325] : memref<4x64xf32, #tpu.memory_space<vmem>> -> memref<1x64xf32, #tpu.memory_space<vmem>>
      %dma_start3A_1327 = tpu.memref_squeeze %dma_start3A_1326 : memref<1x64xf32, #tpu.memory_space<vmem>> -> memref<64xf32, #tpu.memory_space<vmem>>
      %dma_start3A_1328 = tpu.memref_slice %arg6[%run_scoped3A_1265, %mul3A_2] : memref<4x2048xf32, #tpu.memory_space<hbm>> -> memref<1x64xf32, #tpu.memory_space<hbm>>
      %dma_start3A_1329 = tpu.memref_squeeze %dma_start3A_1328 : memref<1x64xf32, #tpu.memory_space<hbm>> -> memref<64xf32, #tpu.memory_space<hbm>>
      %dma_start3A_1330 = tpu.memref_slice %arg6[%run_scoped3A_1265, %mul3A_2] : memref<4x2048xf32, #tpu.memory_space<hbm>> -> memref<1x64xf32, #tpu.memory_space<hbm>>
      %dma_start3A_1331 = tpu.memref_squeeze %dma_start3A_1330 : memref<1x64xf32, #tpu.memory_space<hbm>> -> memref<64xf32, #tpu.memory_space<hbm>>
      %dma_start3A_1332 = arith.constant 0 : i32
      %dma_start3A_1333 = tpu.memref_slice %arg10[%run_scoped3A_1264, %dma_start3A_1332] : memref<4x64xf32, #tpu.memory_space<vmem>> -> memref<1x64xf32, #tpu.memory_space<vmem>>
      %dma_start3A_1334 = tpu.memref_squeeze %dma_start3A_1333 : memref<1x64xf32, #tpu.memory_space<vmem>> -> memref<64xf32, #tpu.memory_space<vmem>>
      tpu.enqueue_dma source(%dma_start3A_1334 : memref<64xf32, #tpu.memory_space<vmem>>) target(%dma_start3A_1331 : memref<64xf32, #tpu.memory_space<hbm>>) target_semaphore(%run_scoped3A_1324 : memref<!tpu.dma_semaphore, #tpu.memory_space<semaphore_mem>>)
      %dma_wait3A_1335 = arith.constant 0 : i32
      %dma_wait3A_1336 = tpu.memref_slice %arg10[%run_scoped3A_1264, %dma_wait3A_1335] : memref<4x64xf32, #tpu.memory_space<vmem>> -> memref<1x64xf32, #tpu.memory_space<vmem>>
      %dma_wait3A_1337 = tpu.memref_squeeze %dma_wait3A_1336 : memref<1x64xf32, #tpu.memory_space<vmem>> -> memref<64xf32, #tpu.memory_space<vmem>>
      %dma_wait3A_1338 = tpu.memref_slice %arg6[%run_scoped3A_1265, %mul3A_2] : memref<4x2048xf32, #tpu.memory_space<hbm>> -> memref<1x64xf32, #tpu.memory_space<hbm>>
      %dma_wait3A_1339 = tpu.memref_squeeze %dma_wait3A_1338 : memref<1x64xf32, #tpu.memory_space<hbm>> -> memref<64xf32, #tpu.memory_space<hbm>>
      %dma_wait3A_1340 = tpu.memref_slice %arg6[%run_scoped3A_1265, %mul3A_2] : memref<4x2048xf32, #tpu.memory_space<hbm>> -> memref<1x64xf32, #tpu.memory_space<hbm>>
      %dma_wait3A_1341 = tpu.memref_squeeze %dma_wait3A_1340 : memref<1x64xf32, #tpu.memory_space<hbm>> -> memref<64xf32, #tpu.memory_space<hbm>>
      %dma_wait3A_1342 = arith.constant 0 : i32
      %dma_wait3A_1343 = tpu.memref_slice %arg10[%run_scoped3A_1264, %dma_wait3A_1342] : memref<4x64xf32, #tpu.memory_space<vmem>> -> memref<1x64xf32, #tpu.memory_space<vmem>>
      %dma_wait3A_1344 = tpu.memref_squeeze %dma_wait3A_1343 : memref<1x64xf32, #tpu.memory_space<vmem>> -> memref<64xf32, #tpu.memory_space<vmem>>
      tpu.wait_dma2 semaphore(%run_scoped3A_1324 : memref<!tpu.dma_semaphore, #tpu.memory_space<semaphore_mem>>) src(%dma_wait3A_1344 : memref<64xf32, #tpu.memory_space<vmem>>) dst(%dma_wait3A_1341 : memref<64xf32, #tpu.memory_space<hbm>>)
      tpu.yield
    }) : () -> ()
    %run_scoped3A_1266 = arith.constant 3 : i32
    %run_scoped3A_1267 = arith.constant 3 : i32
    "tpu.region"() ({
      %run_scoped3A_1324 = tpu.sem_alloc : memref<!tpu.dma_semaphore, #tpu.memory_space<semaphore_mem>>
      %dma_start3A_1325 = arith.constant 0 : i32
      %dma_start3A_1326 = tpu.memref_slice %arg9[%run_scoped3A_1266, %dma_start3A_1325] : memref<4x64xi32, #tpu.memory_space<vmem>> -> memref<1x64xi32, #tpu.memory_space<vmem>>
      %dma_start3A_1327 = tpu.memref_squeeze %dma_start3A_1326 : memref<1x64xi32, #tpu.memory_space<vmem>> -> memref<64xi32, #tpu.memory_space<vmem>>
      %dma_start3A_1328 = tpu.memref_slice %arg5[%run_scoped3A_1267, %mul3A_2] : memref<4x2048xi32, #tpu.memory_space<hbm>> -> memref<1x64xi32, #tpu.memory_space<hbm>>
      %dma_start3A_1329 = tpu.memref_squeeze %dma_start3A_1328 : memref<1x64xi32, #tpu.memory_space<hbm>> -> memref<64xi32, #tpu.memory_space<hbm>>
      %dma_start3A_1330 = tpu.memref_slice %arg5[%run_scoped3A_1267, %mul3A_2] : memref<4x2048xi32, #tpu.memory_space<hbm>> -> memref<1x64xi32, #tpu.memory_space<hbm>>
      %dma_start3A_1331 = tpu.memref_squeeze %dma_start3A_1330 : memref<1x64xi32, #tpu.memory_space<hbm>> -> memref<64xi32, #tpu.memory_space<hbm>>
      %dma_start3A_1332 = arith.constant 0 : i32
      %dma_start3A_1333 = tpu.memref_slice %arg9[%run_scoped3A_1266, %dma_start3A_1332] : memref<4x64xi32, #tpu.memory_space<vmem>> -> memref<1x64xi32, #tpu.memory_space<vmem>>
      %dma_start3A_1334 = tpu.memref_squeeze %dma_start3A_1333 : memref<1x64xi32, #tpu.memory_space<vmem>> -> memref<64xi32, #tpu.memory_space<vmem>>
      tpu.enqueue_dma source(%dma_start3A_1334 : memref<64xi32, #tpu.memory_space<vmem>>) target(%dma_start3A_1331 : memref<64xi32, #tpu.memory_space<hbm>>) target_semaphore(%run_scoped3A_1324 : memref<!tpu.dma_semaphore, #tpu.memory_space<semaphore_mem>>)
      %dma_wait3A_1335 = arith.constant 0 : i32
      %dma_wait3A_1336 = tpu.memref_slice %arg9[%run_scoped3A_1266, %dma_wait3A_1335] : memref<4x64xi32, #tpu.memory_space<vmem>> -> memref<1x64xi32, #tpu.memory_space<vmem>>
      %dma_wait3A_1337 = tpu.memref_squeeze %dma_wait3A_1336 : memref<1x64xi32, #tpu.memory_space<vmem>> -> memref<64xi32, #tpu.memory_space<vmem>>
      %dma_wait3A_1338 = tpu.memref_slice %arg5[%run_scoped3A_1267, %mul3A_2] : memref<4x2048xi32, #tpu.memory_space<hbm>> -> memref<1x64xi32, #tpu.memory_space<hbm>>
      %dma_wait3A_1339 = tpu.memref_squeeze %dma_wait3A_1338 : memref<1x64xi32, #tpu.memory_space<hbm>> -> memref<64xi32, #tpu.memory_space<hbm>>
      %dma_wait3A_1340 = tpu.memref_slice %arg5[%run_scoped3A_1267, %mul3A_2] : memref<4x2048xi32, #tpu.memory_space<hbm>> -> memref<1x64xi32, #tpu.memory_space<hbm>>
      %dma_wait3A_1341 = tpu.memref_squeeze %dma_wait3A_1340 : memref<1x64xi32, #tpu.memory_space<hbm>> -> memref<64xi32, #tpu.memory_space<hbm>>
      %dma_wait3A_1342 = arith.constant 0 : i32
      %dma_wait3A_1343 = tpu.memref_slice %arg9[%run_scoped3A_1266, %dma_wait3A_1342] : memref<4x64xi32, #tpu.memory_space<vmem>> -> memref<1x64xi32, #tpu.memory_space<vmem>>
      %dma_wait3A_1344 = tpu.memref_squeeze %dma_wait3A_1343 : memref<1x64xi32, #tpu.memory_space<vmem>> -> memref<64xi32, #tpu.memory_space<vmem>>
      tpu.wait_dma2 semaphore(%run_scoped3A_1324 : memref<!tpu.dma_semaphore, #tpu.memory_space<semaphore_mem>>) src(%dma_wait3A_1344 : memref<64xi32, #tpu.memory_space<vmem>>) dst(%dma_wait3A_1341 : memref<64xi32, #tpu.memory_space<hbm>>)
      tpu.yield
    }) : () -> ()
    %run_scoped3A_1268 = arith.constant 3 : i32
    %run_scoped3A_1269 = arith.constant 3 : i32
    "tpu.region"() ({
      %run_scoped3A_1324 = tpu.sem_alloc : memref<!tpu.dma_semaphore, #tpu.memory_space<semaphore_mem>>
      %dma_start3A_1325 = arith.constant 0 : i32
      %dma_start3A_1326 = tpu.memref_slice %arg10[%run_scoped3A_1268, %dma_start3A_1325] : memref<4x64xf32, #tpu.memory_space<vmem>> -> memref<1x64xf32, #tpu.memory_space<vmem>>
      %dma_start3A_1327 = tpu.memref_squeeze %dma_start3A_1326 : memref<1x64xf32, #tpu.memory_space<vmem>> -> memref<64xf32, #tpu.memory_space<vmem>>
      %dma_start3A_1328 = tpu.memref_slice %arg6[%run_scoped3A_1269, %mul3A_2] : memref<4x2048xf32, #tpu.memory_space<hbm>> -> memref<1x64xf32, #tpu.memory_space<hbm>>
      %dma_start3A_1329 = tpu.memref_squeeze %dma_start3A_1328 : memref<1x64xf32, #tpu.memory_space<hbm>> -> memref<64xf32, #tpu.memory_space<hbm>>
      %dma_start3A_1330 = tpu.memref_slice %arg6[%run_scoped3A_1269, %mul3A_2] : memref<4x2048xf32, #tpu.memory_space<hbm>> -> memref<1x64xf32, #tpu.memory_space<hbm>>
      %dma_start3A_1331 = tpu.memref_squeeze %dma_start3A_1330 : memref<1x64xf32, #tpu.memory_space<hbm>> -> memref<64xf32, #tpu.memory_space<hbm>>
      %dma_start3A_1332 = arith.constant 0 : i32
      %dma_start3A_1333 = tpu.memref_slice %arg10[%run_scoped3A_1268, %dma_start3A_1332] : memref<4x64xf32, #tpu.memory_space<vmem>> -> memref<1x64xf32, #tpu.memory_space<vmem>>
      %dma_start3A_1334 = tpu.memref_squeeze %dma_start3A_1333 : memref<1x64xf32, #tpu.memory_space<vmem>> -> memref<64xf32, #tpu.memory_space<vmem>>
      tpu.enqueue_dma source(%dma_start3A_1334 : memref<64xf32, #tpu.memory_space<vmem>>) target(%dma_start3A_1331 : memref<64xf32, #tpu.memory_space<hbm>>) target_semaphore(%run_scoped3A_1324 : memref<!tpu.dma_semaphore, #tpu.memory_space<semaphore_mem>>)
      %dma_wait3A_1335 = arith.constant 0 : i32
      %dma_wait3A_1336 = tpu.memref_slice %arg10[%run_scoped3A_1268, %dma_wait3A_1335] : memref<4x64xf32, #tpu.memory_space<vmem>> -> memref<1x64xf32, #tpu.memory_space<vmem>>
      %dma_wait3A_1337 = tpu.memref_squeeze %dma_wait3A_1336 : memref<1x64xf32, #tpu.memory_space<vmem>> -> memref<64xf32, #tpu.memory_space<vmem>>
      %dma_wait3A_1338 = tpu.memref_slice %arg6[%run_scoped3A_1269, %mul3A_2] : memref<4x2048xf32, #tpu.memory_space<hbm>> -> memref<1x64xf32, #tpu.memory_space<hbm>>
      %dma_wait3A_1339 = tpu.memref_squeeze %dma_wait3A_1338 : memref<1x64xf32, #tpu.memory_space<hbm>> -> memref<64xf32, #tpu.memory_space<hbm>>
      %dma_wait3A_1340 = tpu.memref_slice %arg6[%run_scoped3A_1269, %mul3A_2] : memref<4x2048xf32, #tpu.memory_space<hbm>> -> memref<1x64xf32, #tpu.memory_space<hbm>>
      %dma_wait3A_1341 = tpu.memref_squeeze %dma_wait3A_1340 : memref<1x64xf32, #tpu.memory_space<hbm>> -> memref<64xf32, #tpu.memory_space<hbm>>
      %dma_wait3A_1342 = arith.constant 0 : i32
      %dma_wait3A_1343 = tpu.memref_slice %arg10[%run_scoped3A_1268, %dma_wait3A_1342] : memref<4x64xf32, #tpu.memory_space<vmem>> -> memref<1x64xf32, #tpu.memory_space<vmem>>
      %dma_wait3A_1344 = tpu.memref_squeeze %dma_wait3A_1343 : memref<1x64xf32, #tpu.memory_space<vmem>> -> memref<64xf32, #tpu.memory_space<vmem>>
      tpu.wait_dma2 semaphore(%run_scoped3A_1324 : memref<!tpu.dma_semaphore, #tpu.memory_space<semaphore_mem>>) src(%dma_wait3A_1344 : memref<64xf32, #tpu.memory_space<vmem>>) dst(%dma_wait3A_1341 : memref<64xf32, #tpu.memory_space<hbm>>)
      tpu.yield
    }) : () -> ()
    "tpu.region"() ({
      %run_scoped3A_1324 = tpu.sem_alloc : memref<!tpu.dma_semaphore, #tpu.memory_space<semaphore_mem>>
      %dma_start3A_1325 = arith.constant 0 : i32
      %dma_start3A_1326 = tpu.memref_slice %arg3[%mul3A_2, %dma_start3A_1325] : memref<2048x384xi32, #tpu.memory_space<hbm>> -> memref<64x384xi32, #tpu.memory_space<hbm>>
      %dma_start3A_1327 = arith.constant 0 : i32
      %dma_start3A_1328 = tpu.memref_slice %arg3[%mul3A_2, %dma_start3A_1327] : memref<2048x384xi32, #tpu.memory_space<hbm>> -> memref<64x384xi32, #tpu.memory_space<hbm>>
      tpu.enqueue_dma source(%dma_start3A_1328 : memref<64x384xi32, #tpu.memory_space<hbm>>) target(%arg12 : memref<64x384xi32, #tpu.memory_space<vmem>>) target_semaphore(%run_scoped3A_1324 : memref<!tpu.dma_semaphore, #tpu.memory_space<semaphore_mem>>)
      %dma_wait3A_1329 = arith.constant 0 : i32
      %dma_wait3A_1330 = tpu.memref_slice %arg3[%mul3A_2, %dma_wait3A_1329] : memref<2048x384xi32, #tpu.memory_space<hbm>> -> memref<64x384xi32, #tpu.memory_space<hbm>>
      %dma_wait3A_1331 = arith.constant 0 : i32
      %dma_wait3A_1332 = tpu.memref_slice %arg3[%mul3A_2, %dma_wait3A_1331] : memref<2048x384xi32, #tpu.memory_space<hbm>> -> memref<64x384xi32, #tpu.memory_space<hbm>>
      tpu.wait_dma2 semaphore(%run_scoped3A_1324 : memref<!tpu.dma_semaphore, #tpu.memory_space<semaphore_mem>>) src(%dma_wait3A_1332 : memref<64x384xi32, #tpu.memory_space<hbm>>) dst(%arg12 : memref<64x384xi32, #tpu.memory_space<vmem>>)
      tpu.yield
    }) : () -> ()
    %dma_start3A = arith.constant 0 : i32
    %dma_start3A_1270 = arith.constant 0 : i32
    %dma_start3A_1271 = tpu.memref_slice %arg9[%dma_start3A, %dma_start3A_1270] : memref<4x64xi32, #tpu.memory_space<vmem>> -> memref<1x64xi32, #tpu.memory_space<vmem>>
    %dma_start3A_1272 = tpu.memref_squeeze %dma_start3A_1271 : memref<1x64xi32, #tpu.memory_space<vmem>> -> memref<64xi32, #tpu.memory_space<vmem>>
    %dma_start3A_1273 = arith.constant 0 : i32
    %dma_start3A_1274 = arith.constant 0 : i32
    %dma_start3A_1275 = tpu.memref_slice %arg4[%dma_start3A_1273, %dma_start3A_1274] : memref<10240x384xi32, #tpu.memory_space<hbm>> -> memref<10240x384xi32, #tpu.memory_space<hbm>>
    tpu.enqueue_indirect_dma source(%arg12 : memref<64x384xi32, #tpu.memory_space<vmem>>) target(%dma_start3A_1275 : memref<10240x384xi32, #tpu.memory_space<hbm>>) offsets(%dma_start3A_1272 : memref<64xi32, #tpu.memory_space<vmem>>) semaphore(%arg13 : memref<!tpu.dma_semaphore, #tpu.memory_space<semaphore_mem>>)
    %dma_start3A_1276 = arith.constant 1 : i32
    %dma_start3A_1277 = arith.constant 0 : i32
    %dma_start3A_1278 = tpu.memref_slice %arg9[%dma_start3A_1276, %dma_start3A_1277] : memref<4x64xi32, #tpu.memory_space<vmem>> -> memref<1x64xi32, #tpu.memory_space<vmem>>
    %dma_start3A_1279 = tpu.memref_squeeze %dma_start3A_1278 : memref<1x64xi32, #tpu.memory_space<vmem>> -> memref<64xi32, #tpu.memory_space<vmem>>
    %dma_start3A_1280 = arith.constant 0 : i32
    %dma_start3A_1281 = arith.constant 0 : i32
    %dma_start3A_1282 = tpu.memref_slice %arg4[%dma_start3A_1280, %dma_start3A_1281] : memref<10240x384xi32, #tpu.memory_space<hbm>> -> memref<10240x384xi32, #tpu.memory_space<hbm>>
    tpu.enqueue_indirect_dma source(%arg12 : memref<64x384xi32, #tpu.memory_space<vmem>>) target(%dma_start3A_1282 : memref<10240x384xi32, #tpu.memory_space<hbm>>) offsets(%dma_start3A_1279 : memref<64xi32, #tpu.memory_space<vmem>>) semaphore(%arg13 : memref<!tpu.dma_semaphore, #tpu.memory_space<semaphore_mem>>)
    %dma_start3A_1283 = arith.constant 2 : i32
    %dma_start3A_1284 = arith.constant 0 : i32
    %dma_start3A_1285 = tpu.memref_slice %arg9[%dma_start3A_1283, %dma_start3A_1284] : memref<4x64xi32, #tpu.memory_space<vmem>> -> memref<1x64xi32, #tpu.memory_space<vmem>>
    %dma_start3A_1286 = tpu.memref_squeeze %dma_start3A_1285 : memref<1x64xi32, #tpu.memory_space<vmem>> -> memref<64xi32, #tpu.memory_space<vmem>>
    %dma_start3A_1287 = arith.constant 0 : i32
    %dma_start3A_1288 = arith.constant 0 : i32
    %dma_start3A_1289 = tpu.memref_slice %arg4[%dma_start3A_1287, %dma_start3A_1288] : memref<10240x384xi32, #tpu.memory_space<hbm>> -> memref<10240x384xi32, #tpu.memory_space<hbm>>
    tpu.enqueue_indirect_dma source(%arg12 : memref<64x384xi32, #tpu.memory_space<vmem>>) target(%dma_start3A_1289 : memref<10240x384xi32, #tpu.memory_space<hbm>>) offsets(%dma_start3A_1286 : memref<64xi32, #tpu.memory_space<vmem>>) semaphore(%arg13 : memref<!tpu.dma_semaphore, #tpu.memory_space<semaphore_mem>>)
    %dma_start3A_1290 = arith.constant 3 : i32
    %dma_start3A_1291 = arith.constant 0 : i32
    %dma_start3A_1292 = tpu.memref_slice %arg9[%dma_start3A_1290, %dma_start3A_1291] : memref<4x64xi32, #tpu.memory_space<vmem>> -> memref<1x64xi32, #tpu.memory_space<vmem>>
    %dma_start3A_1293 = tpu.memref_squeeze %dma_start3A_1292 : memref<1x64xi32, #tpu.memory_space<vmem>> -> memref<64xi32, #tpu.memory_space<vmem>>
    %dma_start3A_1294 = arith.constant 0 : i32
    %dma_start3A_1295 = arith.constant 0 : i32
    %dma_start3A_1296 = tpu.memref_slice %arg4[%dma_start3A_1294, %dma_start3A_1295] : memref<10240x384xi32, #tpu.memory_space<hbm>> -> memref<10240x384xi32, #tpu.memory_space<hbm>>
    tpu.enqueue_indirect_dma source(%arg12 : memref<64x384xi32, #tpu.memory_space<vmem>>) target(%dma_start3A_1296 : memref<10240x384xi32, #tpu.memory_space<hbm>>) offsets(%dma_start3A_1293 : memref<64xi32, #tpu.memory_space<vmem>>) semaphore(%arg13 : memref<!tpu.dma_semaphore, #tpu.memory_space<semaphore_mem>>)
    %dma_wait3A = arith.constant 0 : i32
    %dma_wait3A_1297 = arith.constant 0 : i32
    %dma_wait3A_1298 = tpu.memref_slice %arg9[%dma_wait3A, %dma_wait3A_1297] : memref<4x64xi32, #tpu.memory_space<vmem>> -> memref<1x64xi32, #tpu.memory_space<vmem>>
    %dma_wait3A_1299 = tpu.memref_squeeze %dma_wait3A_1298 : memref<1x64xi32, #tpu.memory_space<vmem>> -> memref<64xi32, #tpu.memory_space<vmem>>
    %dma_wait3A_1300 = arith.constant 0 : i32
    %dma_wait3A_1301 = arith.constant 0 : i32
    %dma_wait3A_1302 = tpu.memref_slice %arg4[%dma_wait3A_1300, %dma_wait3A_1301] : memref<10240x384xi32, #tpu.memory_space<hbm>> -> memref<10240x384xi32, #tpu.memory_space<hbm>>
    tpu.wait_indirect_dma semaphore(%arg13 : memref<!tpu.dma_semaphore, #tpu.memory_space<semaphore_mem>>) src(%arg12 : memref<64x384xi32, #tpu.memory_space<vmem>>) dst(%dma_wait3A_1302 : memref<10240x384xi32, #tpu.memory_space<hbm>>)
    %dma_wait3A_1303 = arith.constant 1 : i32
    %dma_wait3A_1304 = arith.constant 0 : i32
    %dma_wait3A_1305 = tpu.memref_slice %arg9[%dma_wait3A_1303, %dma_wait3A_1304] : memref<4x64xi32, #tpu.memory_space<vmem>> -> memref<1x64xi32, #tpu.memory_space<vmem>>
    %dma_wait3A_1306 = tpu.memref_squeeze %dma_wait3A_1305 : memref<1x64xi32, #tpu.memory_space<vmem>> -> memref<64xi32, #tpu.memory_space<vmem>>
    %dma_wait3A_1307 = arith.constant 0 : i32
    %dma_wait3A_1308 = arith.constant 0 : i32
    %dma_wait3A_1309 = tpu.memref_slice %arg4[%dma_wait3A_1307, %dma_wait3A_1308] : memref<10240x384xi32, #tpu.memory_space<hbm>> -> memref<10240x384xi32, #tpu.memory_space<hbm>>
    tpu.wait_indirect_dma semaphore(%arg13 : memref<!tpu.dma_semaphore, #tpu.memory_space<semaphore_mem>>) src(%arg12 : memref<64x384xi32, #tpu.memory_space<vmem>>) dst(%dma_wait3A_1309 : memref<10240x384xi32, #tpu.memory_space<hbm>>)
    %dma_wait3A_1310 = arith.constant 2 : i32
    %dma_wait3A_1311 = arith.constant 0 : i32
    %dma_wait3A_1312 = tpu.memref_slice %arg9[%dma_wait3A_1310, %dma_wait3A_1311] : memref<4x64xi32, #tpu.memory_space<vmem>> -> memref<1x64xi32, #tpu.memory_space<vmem>>
    %dma_wait3A_1313 = tpu.memref_squeeze %dma_wait3A_1312 : memref<1x64xi32, #tpu.memory_space<vmem>> -> memref<64xi32, #tpu.memory_space<vmem>>
    %dma_wait3A_1314 = arith.constant 0 : i32
    %dma_wait3A_1315 = arith.constant 0 : i32
    %dma_wait3A_1316 = tpu.memref_slice %arg4[%dma_wait3A_1314, %dma_wait3A_1315] : memref<10240x384xi32, #tpu.memory_space<hbm>> -> memref<10240x384xi32, #tpu.memory_space<hbm>>
    tpu.wait_indirect_dma semaphore(%arg13 : memref<!tpu.dma_semaphore, #tpu.memory_space<semaphore_mem>>) src(%arg12 : memref<64x384xi32, #tpu.memory_space<vmem>>) dst(%dma_wait3A_1316 : memref<10240x384xi32, #tpu.memory_space<hbm>>)
    %dma_wait3A_1317 = arith.constant 3 : i32
    %dma_wait3A_1318 = arith.constant 0 : i32
    %dma_wait3A_1319 = tpu.memref_slice %arg9[%dma_wait3A_1317, %dma_wait3A_1318] : memref<4x64xi32, #tpu.memory_space<vmem>> -> memref<1x64xi32, #tpu.memory_space<vmem>>
    %dma_wait3A_1320 = tpu.memref_squeeze %dma_wait3A_1319 : memref<1x64xi32, #tpu.memory_space<vmem>> -> memref<64xi32, #tpu.memory_space<vmem>>
    %dma_wait3A_1321 = arith.constant 0 : i32
    %dma_wait3A_1322 = arith.constant 0 : i32
    %dma_wait3A_1323 = tpu.memref_slice %arg4[%dma_wait3A_1321, %dma_wait3A_1322] : memref<10240x384xi32, #tpu.memory_space<hbm>> -> memref<10240x384xi32, #tpu.memory_space<hbm>>
    tpu.wait_indirect_dma semaphore(%arg13 : memref<!tpu.dma_semaphore, #tpu.memory_space<semaphore_mem>>) src(%arg12 : memref<64x384xi32, #tpu.memory_space<vmem>>) dst(%dma_wait3A_1323 : memref<10240x384xi32, #tpu.memory_space<hbm>>)
    return
  }
}

#map = affine_map<(d0, d1) -> (0, 0)>
#map1 = affine_map<(d0, d1) -> (0, 0, 0)>
module attributes {stable_mosaic.version = 14 : i64} {
  func.func @_sc_combine_body(%arg0: i32, %arg1: i32, %arg2: memref<10240x384xi32, #tpu.memory_space<hbm>>, %arg3: memref<4x2048xi32, #tpu.memory_space<hbm>>, %arg4: memref<4x2048x384xi32, #tpu.memory_space<hbm>>, %arg5: memref<4x64xi32, #tpu.memory_space<vmem>>, %arg6: memref<64x384xi32, #tpu.memory_space<vmem>>, %arg7: memref<!tpu.dma_semaphore, #tpu.memory_space<semaphore_mem>>) attributes {dimension_semantics = [#tpu.dimension_semantics<core_parallel>, #tpu.dimension_semantics<subcore_parallel>], iteration_bounds = array<i64: 2, 16>, scalar_prefetch = 0 : i64, scratch_operands = 3 : i64, tpu.core_type = #tpu.core_type<sc_vector_subcore>, window_params = [{transform_indices = #map}, {transform_indices = #map}, {transform_indices = #map1}]} {
    %mul3A = arith.constant 2 : i32
    %mul3A_0 = arith.muli %arg1, %mul3A : i32
    %add3A = arith.addi %mul3A_0, %arg0 : i32
    %mul3A_1 = arith.constant 64 : i32
    %mul3A_2 = arith.muli %add3A, %mul3A_1 : i32
    %run_scoped3A = arith.constant 0 : i32
    %run_scoped3A_3 = arith.constant 0 : i32
    "tpu.region"() ({
      %run_scoped3A_68 = tpu.sem_alloc : memref<!tpu.dma_semaphore, #tpu.memory_space<semaphore_mem>>
      %dma_start3A_69 = arith.constant 0 : i32
      %dma_start3A_70 = tpu.memref_slice %arg5[%run_scoped3A_3, %dma_start3A_69] : memref<4x64xi32, #tpu.memory_space<vmem>> -> memref<1x64xi32, #tpu.memory_space<vmem>>
      %dma_start3A_71 = tpu.memref_squeeze %dma_start3A_70 : memref<1x64xi32, #tpu.memory_space<vmem>> -> memref<64xi32, #tpu.memory_space<vmem>>
      %dma_start3A_72 = tpu.memref_slice %arg3[%run_scoped3A, %mul3A_2] : memref<4x2048xi32, #tpu.memory_space<hbm>> -> memref<1x64xi32, #tpu.memory_space<hbm>>
      %dma_start3A_73 = tpu.memref_squeeze %dma_start3A_72 : memref<1x64xi32, #tpu.memory_space<hbm>> -> memref<64xi32, #tpu.memory_space<hbm>>
      %dma_start3A_74 = arith.constant 0 : i32
      %dma_start3A_75 = tpu.memref_slice %arg5[%run_scoped3A_3, %dma_start3A_74] : memref<4x64xi32, #tpu.memory_space<vmem>> -> memref<1x64xi32, #tpu.memory_space<vmem>>
      %dma_start3A_76 = tpu.memref_squeeze %dma_start3A_75 : memref<1x64xi32, #tpu.memory_space<vmem>> -> memref<64xi32, #tpu.memory_space<vmem>>
      %dma_start3A_77 = tpu.memref_slice %arg3[%run_scoped3A, %mul3A_2] : memref<4x2048xi32, #tpu.memory_space<hbm>> -> memref<1x64xi32, #tpu.memory_space<hbm>>
      %dma_start3A_78 = tpu.memref_squeeze %dma_start3A_77 : memref<1x64xi32, #tpu.memory_space<hbm>> -> memref<64xi32, #tpu.memory_space<hbm>>
      tpu.enqueue_dma source(%dma_start3A_78 : memref<64xi32, #tpu.memory_space<hbm>>) target(%dma_start3A_76 : memref<64xi32, #tpu.memory_space<vmem>>) target_semaphore(%run_scoped3A_68 : memref<!tpu.dma_semaphore, #tpu.memory_space<semaphore_mem>>)
      %dma_wait3A_79 = arith.constant 0 : i32
      %dma_wait3A_80 = tpu.memref_slice %arg5[%run_scoped3A_3, %dma_wait3A_79] : memref<4x64xi32, #tpu.memory_space<vmem>> -> memref<1x64xi32, #tpu.memory_space<vmem>>
      %dma_wait3A_81 = tpu.memref_squeeze %dma_wait3A_80 : memref<1x64xi32, #tpu.memory_space<vmem>> -> memref<64xi32, #tpu.memory_space<vmem>>
      %dma_wait3A_82 = tpu.memref_slice %arg3[%run_scoped3A, %mul3A_2] : memref<4x2048xi32, #tpu.memory_space<hbm>> -> memref<1x64xi32, #tpu.memory_space<hbm>>
      %dma_wait3A_83 = tpu.memref_squeeze %dma_wait3A_82 : memref<1x64xi32, #tpu.memory_space<hbm>> -> memref<64xi32, #tpu.memory_space<hbm>>
      %dma_wait3A_84 = arith.constant 0 : i32
      %dma_wait3A_85 = tpu.memref_slice %arg5[%run_scoped3A_3, %dma_wait3A_84] : memref<4x64xi32, #tpu.memory_space<vmem>> -> memref<1x64xi32, #tpu.memory_space<vmem>>
      %dma_wait3A_86 = tpu.memref_squeeze %dma_wait3A_85 : memref<1x64xi32, #tpu.memory_space<vmem>> -> memref<64xi32, #tpu.memory_space<vmem>>
      %dma_wait3A_87 = tpu.memref_slice %arg3[%run_scoped3A, %mul3A_2] : memref<4x2048xi32, #tpu.memory_space<hbm>> -> memref<1x64xi32, #tpu.memory_space<hbm>>
      %dma_wait3A_88 = tpu.memref_squeeze %dma_wait3A_87 : memref<1x64xi32, #tpu.memory_space<hbm>> -> memref<64xi32, #tpu.memory_space<hbm>>
      tpu.wait_dma2 semaphore(%run_scoped3A_68 : memref<!tpu.dma_semaphore, #tpu.memory_space<semaphore_mem>>) src(%dma_wait3A_88 : memref<64xi32, #tpu.memory_space<hbm>>) dst(%dma_wait3A_86 : memref<64xi32, #tpu.memory_space<vmem>>)
      tpu.yield
    }) : () -> ()
    %run_scoped3A_4 = arith.constant 1 : i32
    %run_scoped3A_5 = arith.constant 1 : i32
    "tpu.region"() ({
      %run_scoped3A_68 = tpu.sem_alloc : memref<!tpu.dma_semaphore, #tpu.memory_space<semaphore_mem>>
      %dma_start3A_69 = arith.constant 0 : i32
      %dma_start3A_70 = tpu.memref_slice %arg5[%run_scoped3A_5, %dma_start3A_69] : memref<4x64xi32, #tpu.memory_space<vmem>> -> memref<1x64xi32, #tpu.memory_space<vmem>>
      %dma_start3A_71 = tpu.memref_squeeze %dma_start3A_70 : memref<1x64xi32, #tpu.memory_space<vmem>> -> memref<64xi32, #tpu.memory_space<vmem>>
      %dma_start3A_72 = tpu.memref_slice %arg3[%run_scoped3A_4, %mul3A_2] : memref<4x2048xi32, #tpu.memory_space<hbm>> -> memref<1x64xi32, #tpu.memory_space<hbm>>
      %dma_start3A_73 = tpu.memref_squeeze %dma_start3A_72 : memref<1x64xi32, #tpu.memory_space<hbm>> -> memref<64xi32, #tpu.memory_space<hbm>>
      %dma_start3A_74 = arith.constant 0 : i32
      %dma_start3A_75 = tpu.memref_slice %arg5[%run_scoped3A_5, %dma_start3A_74] : memref<4x64xi32, #tpu.memory_space<vmem>> -> memref<1x64xi32, #tpu.memory_space<vmem>>
      %dma_start3A_76 = tpu.memref_squeeze %dma_start3A_75 : memref<1x64xi32, #tpu.memory_space<vmem>> -> memref<64xi32, #tpu.memory_space<vmem>>
      %dma_start3A_77 = tpu.memref_slice %arg3[%run_scoped3A_4, %mul3A_2] : memref<4x2048xi32, #tpu.memory_space<hbm>> -> memref<1x64xi32, #tpu.memory_space<hbm>>
      %dma_start3A_78 = tpu.memref_squeeze %dma_start3A_77 : memref<1x64xi32, #tpu.memory_space<hbm>> -> memref<64xi32, #tpu.memory_space<hbm>>
      tpu.enqueue_dma source(%dma_start3A_78 : memref<64xi32, #tpu.memory_space<hbm>>) target(%dma_start3A_76 : memref<64xi32, #tpu.memory_space<vmem>>) target_semaphore(%run_scoped3A_68 : memref<!tpu.dma_semaphore, #tpu.memory_space<semaphore_mem>>)
      %dma_wait3A_79 = arith.constant 0 : i32
      %dma_wait3A_80 = tpu.memref_slice %arg5[%run_scoped3A_5, %dma_wait3A_79] : memref<4x64xi32, #tpu.memory_space<vmem>> -> memref<1x64xi32, #tpu.memory_space<vmem>>
      %dma_wait3A_81 = tpu.memref_squeeze %dma_wait3A_80 : memref<1x64xi32, #tpu.memory_space<vmem>> -> memref<64xi32, #tpu.memory_space<vmem>>
      %dma_wait3A_82 = tpu.memref_slice %arg3[%run_scoped3A_4, %mul3A_2] : memref<4x2048xi32, #tpu.memory_space<hbm>> -> memref<1x64xi32, #tpu.memory_space<hbm>>
      %dma_wait3A_83 = tpu.memref_squeeze %dma_wait3A_82 : memref<1x64xi32, #tpu.memory_space<hbm>> -> memref<64xi32, #tpu.memory_space<hbm>>
      %dma_wait3A_84 = arith.constant 0 : i32
      %dma_wait3A_85 = tpu.memref_slice %arg5[%run_scoped3A_5, %dma_wait3A_84] : memref<4x64xi32, #tpu.memory_space<vmem>> -> memref<1x64xi32, #tpu.memory_space<vmem>>
      %dma_wait3A_86 = tpu.memref_squeeze %dma_wait3A_85 : memref<1x64xi32, #tpu.memory_space<vmem>> -> memref<64xi32, #tpu.memory_space<vmem>>
      %dma_wait3A_87 = tpu.memref_slice %arg3[%run_scoped3A_4, %mul3A_2] : memref<4x2048xi32, #tpu.memory_space<hbm>> -> memref<1x64xi32, #tpu.memory_space<hbm>>
      %dma_wait3A_88 = tpu.memref_squeeze %dma_wait3A_87 : memref<1x64xi32, #tpu.memory_space<hbm>> -> memref<64xi32, #tpu.memory_space<hbm>>
      tpu.wait_dma2 semaphore(%run_scoped3A_68 : memref<!tpu.dma_semaphore, #tpu.memory_space<semaphore_mem>>) src(%dma_wait3A_88 : memref<64xi32, #tpu.memory_space<hbm>>) dst(%dma_wait3A_86 : memref<64xi32, #tpu.memory_space<vmem>>)
      tpu.yield
    }) : () -> ()
    %run_scoped3A_6 = arith.constant 2 : i32
    %run_scoped3A_7 = arith.constant 2 : i32
    "tpu.region"() ({
      %run_scoped3A_68 = tpu.sem_alloc : memref<!tpu.dma_semaphore, #tpu.memory_space<semaphore_mem>>
      %dma_start3A_69 = arith.constant 0 : i32
      %dma_start3A_70 = tpu.memref_slice %arg5[%run_scoped3A_7, %dma_start3A_69] : memref<4x64xi32, #tpu.memory_space<vmem>> -> memref<1x64xi32, #tpu.memory_space<vmem>>
      %dma_start3A_71 = tpu.memref_squeeze %dma_start3A_70 : memref<1x64xi32, #tpu.memory_space<vmem>> -> memref<64xi32, #tpu.memory_space<vmem>>
      %dma_start3A_72 = tpu.memref_slice %arg3[%run_scoped3A_6, %mul3A_2] : memref<4x2048xi32, #tpu.memory_space<hbm>> -> memref<1x64xi32, #tpu.memory_space<hbm>>
      %dma_start3A_73 = tpu.memref_squeeze %dma_start3A_72 : memref<1x64xi32, #tpu.memory_space<hbm>> -> memref<64xi32, #tpu.memory_space<hbm>>
      %dma_start3A_74 = arith.constant 0 : i32
      %dma_start3A_75 = tpu.memref_slice %arg5[%run_scoped3A_7, %dma_start3A_74] : memref<4x64xi32, #tpu.memory_space<vmem>> -> memref<1x64xi32, #tpu.memory_space<vmem>>
      %dma_start3A_76 = tpu.memref_squeeze %dma_start3A_75 : memref<1x64xi32, #tpu.memory_space<vmem>> -> memref<64xi32, #tpu.memory_space<vmem>>
      %dma_start3A_77 = tpu.memref_slice %arg3[%run_scoped3A_6, %mul3A_2] : memref<4x2048xi32, #tpu.memory_space<hbm>> -> memref<1x64xi32, #tpu.memory_space<hbm>>
      %dma_start3A_78 = tpu.memref_squeeze %dma_start3A_77 : memref<1x64xi32, #tpu.memory_space<hbm>> -> memref<64xi32, #tpu.memory_space<hbm>>
      tpu.enqueue_dma source(%dma_start3A_78 : memref<64xi32, #tpu.memory_space<hbm>>) target(%dma_start3A_76 : memref<64xi32, #tpu.memory_space<vmem>>) target_semaphore(%run_scoped3A_68 : memref<!tpu.dma_semaphore, #tpu.memory_space<semaphore_mem>>)
      %dma_wait3A_79 = arith.constant 0 : i32
      %dma_wait3A_80 = tpu.memref_slice %arg5[%run_scoped3A_7, %dma_wait3A_79] : memref<4x64xi32, #tpu.memory_space<vmem>> -> memref<1x64xi32, #tpu.memory_space<vmem>>
      %dma_wait3A_81 = tpu.memref_squeeze %dma_wait3A_80 : memref<1x64xi32, #tpu.memory_space<vmem>> -> memref<64xi32, #tpu.memory_space<vmem>>
      %dma_wait3A_82 = tpu.memref_slice %arg3[%run_scoped3A_6, %mul3A_2] : memref<4x2048xi32, #tpu.memory_space<hbm>> -> memref<1x64xi32, #tpu.memory_space<hbm>>
      %dma_wait3A_83 = tpu.memref_squeeze %dma_wait3A_82 : memref<1x64xi32, #tpu.memory_space<hbm>> -> memref<64xi32, #tpu.memory_space<hbm>>
      %dma_wait3A_84 = arith.constant 0 : i32
      %dma_wait3A_85 = tpu.memref_slice %arg5[%run_scoped3A_7, %dma_wait3A_84] : memref<4x64xi32, #tpu.memory_space<vmem>> -> memref<1x64xi32, #tpu.memory_space<vmem>>
      %dma_wait3A_86 = tpu.memref_squeeze %dma_wait3A_85 : memref<1x64xi32, #tpu.memory_space<vmem>> -> memref<64xi32, #tpu.memory_space<vmem>>
      %dma_wait3A_87 = tpu.memref_slice %arg3[%run_scoped3A_6, %mul3A_2] : memref<4x2048xi32, #tpu.memory_space<hbm>> -> memref<1x64xi32, #tpu.memory_space<hbm>>
      %dma_wait3A_88 = tpu.memref_squeeze %dma_wait3A_87 : memref<1x64xi32, #tpu.memory_space<hbm>> -> memref<64xi32, #tpu.memory_space<hbm>>
      tpu.wait_dma2 semaphore(%run_scoped3A_68 : memref<!tpu.dma_semaphore, #tpu.memory_space<semaphore_mem>>) src(%dma_wait3A_88 : memref<64xi32, #tpu.memory_space<hbm>>) dst(%dma_wait3A_86 : memref<64xi32, #tpu.memory_space<vmem>>)
      tpu.yield
    }) : () -> ()
    %run_scoped3A_8 = arith.constant 3 : i32
    %run_scoped3A_9 = arith.constant 3 : i32
    "tpu.region"() ({
      %run_scoped3A_68 = tpu.sem_alloc : memref<!tpu.dma_semaphore, #tpu.memory_space<semaphore_mem>>
      %dma_start3A_69 = arith.constant 0 : i32
      %dma_start3A_70 = tpu.memref_slice %arg5[%run_scoped3A_9, %dma_start3A_69] : memref<4x64xi32, #tpu.memory_space<vmem>> -> memref<1x64xi32, #tpu.memory_space<vmem>>
      %dma_start3A_71 = tpu.memref_squeeze %dma_start3A_70 : memref<1x64xi32, #tpu.memory_space<vmem>> -> memref<64xi32, #tpu.memory_space<vmem>>
      %dma_start3A_72 = tpu.memref_slice %arg3[%run_scoped3A_8, %mul3A_2] : memref<4x2048xi32, #tpu.memory_space<hbm>> -> memref<1x64xi32, #tpu.memory_space<hbm>>
      %dma_start3A_73 = tpu.memref_squeeze %dma_start3A_72 : memref<1x64xi32, #tpu.memory_space<hbm>> -> memref<64xi32, #tpu.memory_space<hbm>>
      %dma_start3A_74 = arith.constant 0 : i32
      %dma_start3A_75 = tpu.memref_slice %arg5[%run_scoped3A_9, %dma_start3A_74] : memref<4x64xi32, #tpu.memory_space<vmem>> -> memref<1x64xi32, #tpu.memory_space<vmem>>
      %dma_start3A_76 = tpu.memref_squeeze %dma_start3A_75 : memref<1x64xi32, #tpu.memory_space<vmem>> -> memref<64xi32, #tpu.memory_space<vmem>>
      %dma_start3A_77 = tpu.memref_slice %arg3[%run_scoped3A_8, %mul3A_2] : memref<4x2048xi32, #tpu.memory_space<hbm>> -> memref<1x64xi32, #tpu.memory_space<hbm>>
      %dma_start3A_78 = tpu.memref_squeeze %dma_start3A_77 : memref<1x64xi32, #tpu.memory_space<hbm>> -> memref<64xi32, #tpu.memory_space<hbm>>
      tpu.enqueue_dma source(%dma_start3A_78 : memref<64xi32, #tpu.memory_space<hbm>>) target(%dma_start3A_76 : memref<64xi32, #tpu.memory_space<vmem>>) target_semaphore(%run_scoped3A_68 : memref<!tpu.dma_semaphore, #tpu.memory_space<semaphore_mem>>)
      %dma_wait3A_79 = arith.constant 0 : i32
      %dma_wait3A_80 = tpu.memref_slice %arg5[%run_scoped3A_9, %dma_wait3A_79] : memref<4x64xi32, #tpu.memory_space<vmem>> -> memref<1x64xi32, #tpu.memory_space<vmem>>
      %dma_wait3A_81 = tpu.memref_squeeze %dma_wait3A_80 : memref<1x64xi32, #tpu.memory_space<vmem>> -> memref<64xi32, #tpu.memory_space<vmem>>
      %dma_wait3A_82 = tpu.memref_slice %arg3[%run_scoped3A_8, %mul3A_2] : memref<4x2048xi32, #tpu.memory_space<hbm>> -> memref<1x64xi32, #tpu.memory_space<hbm>>
      %dma_wait3A_83 = tpu.memref_squeeze %dma_wait3A_82 : memref<1x64xi32, #tpu.memory_space<hbm>> -> memref<64xi32, #tpu.memory_space<hbm>>
      %dma_wait3A_84 = arith.constant 0 : i32
      %dma_wait3A_85 = tpu.memref_slice %arg5[%run_scoped3A_9, %dma_wait3A_84] : memref<4x64xi32, #tpu.memory_space<vmem>> -> memref<1x64xi32, #tpu.memory_space<vmem>>
      %dma_wait3A_86 = tpu.memref_squeeze %dma_wait3A_85 : memref<1x64xi32, #tpu.memory_space<vmem>> -> memref<64xi32, #tpu.memory_space<vmem>>
      %dma_wait3A_87 = tpu.memref_slice %arg3[%run_scoped3A_8, %mul3A_2] : memref<4x2048xi32, #tpu.memory_space<hbm>> -> memref<1x64xi32, #tpu.memory_space<hbm>>
      %dma_wait3A_88 = tpu.memref_squeeze %dma_wait3A_87 : memref<1x64xi32, #tpu.memory_space<hbm>> -> memref<64xi32, #tpu.memory_space<hbm>>
      tpu.wait_dma2 semaphore(%run_scoped3A_68 : memref<!tpu.dma_semaphore, #tpu.memory_space<semaphore_mem>>) src(%dma_wait3A_88 : memref<64xi32, #tpu.memory_space<hbm>>) dst(%dma_wait3A_86 : memref<64xi32, #tpu.memory_space<vmem>>)
      tpu.yield
    }) : () -> ()
    %dma_start3A = arith.constant 0 : i32
    %dma_start3A_10 = arith.constant 0 : i32
    %dma_start3A_11 = tpu.memref_slice %arg5[%dma_start3A, %dma_start3A_10] : memref<4x64xi32, #tpu.memory_space<vmem>> -> memref<1x64xi32, #tpu.memory_space<vmem>>
    %dma_start3A_12 = tpu.memref_squeeze %dma_start3A_11 : memref<1x64xi32, #tpu.memory_space<vmem>> -> memref<64xi32, #tpu.memory_space<vmem>>
    %dma_start3A_13 = arith.constant 0 : i32
    %dma_start3A_14 = arith.constant 0 : i32
    %dma_start3A_15 = tpu.memref_slice %arg2[%dma_start3A_13, %dma_start3A_14] : memref<10240x384xi32, #tpu.memory_space<hbm>> -> memref<10240x384xi32, #tpu.memory_space<hbm>>
    tpu.enqueue_indirect_dma source(%dma_start3A_15 : memref<10240x384xi32, #tpu.memory_space<hbm>>) target(%arg6 : memref<64x384xi32, #tpu.memory_space<vmem>>) offsets(%dma_start3A_12 : memref<64xi32, #tpu.memory_space<vmem>>) semaphore(%arg7 : memref<!tpu.dma_semaphore, #tpu.memory_space<semaphore_mem>>)
    %dma_wait3A = arith.constant 0 : i32
    %dma_wait3A_16 = arith.constant 0 : i32
    %dma_wait3A_17 = tpu.memref_slice %arg5[%dma_wait3A, %dma_wait3A_16] : memref<4x64xi32, #tpu.memory_space<vmem>> -> memref<1x64xi32, #tpu.memory_space<vmem>>
    %dma_wait3A_18 = tpu.memref_squeeze %dma_wait3A_17 : memref<1x64xi32, #tpu.memory_space<vmem>> -> memref<64xi32, #tpu.memory_space<vmem>>
    %dma_wait3A_19 = arith.constant 0 : i32
    %dma_wait3A_20 = arith.constant 0 : i32
    %dma_wait3A_21 = tpu.memref_slice %arg2[%dma_wait3A_19, %dma_wait3A_20] : memref<10240x384xi32, #tpu.memory_space<hbm>> -> memref<10240x384xi32, #tpu.memory_space<hbm>>
    tpu.wait_indirect_dma semaphore(%arg7 : memref<!tpu.dma_semaphore, #tpu.memory_space<semaphore_mem>>) src(%dma_wait3A_21 : memref<10240x384xi32, #tpu.memory_space<hbm>>) dst(%arg6 : memref<64x384xi32, #tpu.memory_space<vmem>>)
    %run_scoped3A_22 = arith.constant 0 : i32
    "tpu.region"() ({
      %run_scoped3A_68 = tpu.sem_alloc : memref<!tpu.dma_semaphore, #tpu.memory_space<semaphore_mem>>
      %dma_start3A_69 = arith.constant 0 : i32
      %dma_start3A_70 = tpu.memref_slice %arg4[%run_scoped3A_22, %mul3A_2, %dma_start3A_69] : memref<4x2048x384xi32, #tpu.memory_space<hbm>> -> memref<1x64x384xi32, #tpu.memory_space<hbm>>
      %dma_start3A_71 = tpu.memref_squeeze %dma_start3A_70 : memref<1x64x384xi32, #tpu.memory_space<hbm>> -> memref<64x384xi32, #tpu.memory_space<hbm>>
      %dma_start3A_72 = arith.constant 0 : i32
      %dma_start3A_73 = tpu.memref_slice %arg4[%run_scoped3A_22, %mul3A_2, %dma_start3A_72] : memref<4x2048x384xi32, #tpu.memory_space<hbm>> -> memref<1x64x384xi32, #tpu.memory_space<hbm>>
      %dma_start3A_74 = tpu.memref_squeeze %dma_start3A_73 : memref<1x64x384xi32, #tpu.memory_space<hbm>> -> memref<64x384xi32, #tpu.memory_space<hbm>>
      tpu.enqueue_dma source(%arg6 : memref<64x384xi32, #tpu.memory_space<vmem>>) target(%dma_start3A_74 : memref<64x384xi32, #tpu.memory_space<hbm>>) target_semaphore(%run_scoped3A_68 : memref<!tpu.dma_semaphore, #tpu.memory_space<semaphore_mem>>)
      %dma_wait3A_75 = arith.constant 0 : i32
      %dma_wait3A_76 = tpu.memref_slice %arg4[%run_scoped3A_22, %mul3A_2, %dma_wait3A_75] : memref<4x2048x384xi32, #tpu.memory_space<hbm>> -> memref<1x64x384xi32, #tpu.memory_space<hbm>>
      %dma_wait3A_77 = tpu.memref_squeeze %dma_wait3A_76 : memref<1x64x384xi32, #tpu.memory_space<hbm>> -> memref<64x384xi32, #tpu.memory_space<hbm>>
      %dma_wait3A_78 = arith.constant 0 : i32
      %dma_wait3A_79 = tpu.memref_slice %arg4[%run_scoped3A_22, %mul3A_2, %dma_wait3A_78] : memref<4x2048x384xi32, #tpu.memory_space<hbm>> -> memref<1x64x384xi32, #tpu.memory_space<hbm>>
      %dma_wait3A_80 = tpu.memref_squeeze %dma_wait3A_79 : memref<1x64x384xi32, #tpu.memory_space<hbm>> -> memref<64x384xi32, #tpu.memory_space<hbm>>
      tpu.wait_dma2 semaphore(%run_scoped3A_68 : memref<!tpu.dma_semaphore, #tpu.memory_space<semaphore_mem>>) src(%arg6 : memref<64x384xi32, #tpu.memory_space<vmem>>) dst(%dma_wait3A_80 : memref<64x384xi32, #tpu.memory_space<hbm>>)
      tpu.yield
    }) : () -> ()
    %dma_start3A_23 = arith.constant 1 : i32
    %dma_start3A_24 = arith.constant 0 : i32
    %dma_start3A_25 = tpu.memref_slice %arg5[%dma_start3A_23, %dma_start3A_24] : memref<4x64xi32, #tpu.memory_space<vmem>> -> memref<1x64xi32, #tpu.memory_space<vmem>>
    %dma_start3A_26 = tpu.memref_squeeze %dma_start3A_25 : memref<1x64xi32, #tpu.memory_space<vmem>> -> memref<64xi32, #tpu.memory_space<vmem>>
    %dma_start3A_27 = arith.constant 0 : i32
    %dma_start3A_28 = arith.constant 0 : i32
    %dma_start3A_29 = tpu.memref_slice %arg2[%dma_start3A_27, %dma_start3A_28] : memref<10240x384xi32, #tpu.memory_space<hbm>> -> memref<10240x384xi32, #tpu.memory_space<hbm>>
    tpu.enqueue_indirect_dma source(%dma_start3A_29 : memref<10240x384xi32, #tpu.memory_space<hbm>>) target(%arg6 : memref<64x384xi32, #tpu.memory_space<vmem>>) offsets(%dma_start3A_26 : memref<64xi32, #tpu.memory_space<vmem>>) semaphore(%arg7 : memref<!tpu.dma_semaphore, #tpu.memory_space<semaphore_mem>>)
    %dma_wait3A_30 = arith.constant 1 : i32
    %dma_wait3A_31 = arith.constant 0 : i32
    %dma_wait3A_32 = tpu.memref_slice %arg5[%dma_wait3A_30, %dma_wait3A_31] : memref<4x64xi32, #tpu.memory_space<vmem>> -> memref<1x64xi32, #tpu.memory_space<vmem>>
    %dma_wait3A_33 = tpu.memref_squeeze %dma_wait3A_32 : memref<1x64xi32, #tpu.memory_space<vmem>> -> memref<64xi32, #tpu.memory_space<vmem>>
    %dma_wait3A_34 = arith.constant 0 : i32
    %dma_wait3A_35 = arith.constant 0 : i32
    %dma_wait3A_36 = tpu.memref_slice %arg2[%dma_wait3A_34, %dma_wait3A_35] : memref<10240x384xi32, #tpu.memory_space<hbm>> -> memref<10240x384xi32, #tpu.memory_space<hbm>>
    tpu.wait_indirect_dma semaphore(%arg7 : memref<!tpu.dma_semaphore, #tpu.memory_space<semaphore_mem>>) src(%dma_wait3A_36 : memref<10240x384xi32, #tpu.memory_space<hbm>>) dst(%arg6 : memref<64x384xi32, #tpu.memory_space<vmem>>)
    %run_scoped3A_37 = arith.constant 1 : i32
    "tpu.region"() ({
      %run_scoped3A_68 = tpu.sem_alloc : memref<!tpu.dma_semaphore, #tpu.memory_space<semaphore_mem>>
      %dma_start3A_69 = arith.constant 0 : i32
      %dma_start3A_70 = tpu.memref_slice %arg4[%run_scoped3A_37, %mul3A_2, %dma_start3A_69] : memref<4x2048x384xi32, #tpu.memory_space<hbm>> -> memref<1x64x384xi32, #tpu.memory_space<hbm>>
      %dma_start3A_71 = tpu.memref_squeeze %dma_start3A_70 : memref<1x64x384xi32, #tpu.memory_space<hbm>> -> memref<64x384xi32, #tpu.memory_space<hbm>>
      %dma_start3A_72 = arith.constant 0 : i32
      %dma_start3A_73 = tpu.memref_slice %arg4[%run_scoped3A_37, %mul3A_2, %dma_start3A_72] : memref<4x2048x384xi32, #tpu.memory_space<hbm>> -> memref<1x64x384xi32, #tpu.memory_space<hbm>>
      %dma_start3A_74 = tpu.memref_squeeze %dma_start3A_73 : memref<1x64x384xi32, #tpu.memory_space<hbm>> -> memref<64x384xi32, #tpu.memory_space<hbm>>
      tpu.enqueue_dma source(%arg6 : memref<64x384xi32, #tpu.memory_space<vmem>>) target(%dma_start3A_74 : memref<64x384xi32, #tpu.memory_space<hbm>>) target_semaphore(%run_scoped3A_68 : memref<!tpu.dma_semaphore, #tpu.memory_space<semaphore_mem>>)
      %dma_wait3A_75 = arith.constant 0 : i32
      %dma_wait3A_76 = tpu.memref_slice %arg4[%run_scoped3A_37, %mul3A_2, %dma_wait3A_75] : memref<4x2048x384xi32, #tpu.memory_space<hbm>> -> memref<1x64x384xi32, #tpu.memory_space<hbm>>
      %dma_wait3A_77 = tpu.memref_squeeze %dma_wait3A_76 : memref<1x64x384xi32, #tpu.memory_space<hbm>> -> memref<64x384xi32, #tpu.memory_space<hbm>>
      %dma_wait3A_78 = arith.constant 0 : i32
      %dma_wait3A_79 = tpu.memref_slice %arg4[%run_scoped3A_37, %mul3A_2, %dma_wait3A_78] : memref<4x2048x384xi32, #tpu.memory_space<hbm>> -> memref<1x64x384xi32, #tpu.memory_space<hbm>>
      %dma_wait3A_80 = tpu.memref_squeeze %dma_wait3A_79 : memref<1x64x384xi32, #tpu.memory_space<hbm>> -> memref<64x384xi32, #tpu.memory_space<hbm>>
      tpu.wait_dma2 semaphore(%run_scoped3A_68 : memref<!tpu.dma_semaphore, #tpu.memory_space<semaphore_mem>>) src(%arg6 : memref<64x384xi32, #tpu.memory_space<vmem>>) dst(%dma_wait3A_80 : memref<64x384xi32, #tpu.memory_space<hbm>>)
      tpu.yield
    }) : () -> ()
    %dma_start3A_38 = arith.constant 2 : i32
    %dma_start3A_39 = arith.constant 0 : i32
    %dma_start3A_40 = tpu.memref_slice %arg5[%dma_start3A_38, %dma_start3A_39] : memref<4x64xi32, #tpu.memory_space<vmem>> -> memref<1x64xi32, #tpu.memory_space<vmem>>
    %dma_start3A_41 = tpu.memref_squeeze %dma_start3A_40 : memref<1x64xi32, #tpu.memory_space<vmem>> -> memref<64xi32, #tpu.memory_space<vmem>>
    %dma_start3A_42 = arith.constant 0 : i32
    %dma_start3A_43 = arith.constant 0 : i32
    %dma_start3A_44 = tpu.memref_slice %arg2[%dma_start3A_42, %dma_start3A_43] : memref<10240x384xi32, #tpu.memory_space<hbm>> -> memref<10240x384xi32, #tpu.memory_space<hbm>>
    tpu.enqueue_indirect_dma source(%dma_start3A_44 : memref<10240x384xi32, #tpu.memory_space<hbm>>) target(%arg6 : memref<64x384xi32, #tpu.memory_space<vmem>>) offsets(%dma_start3A_41 : memref<64xi32, #tpu.memory_space<vmem>>) semaphore(%arg7 : memref<!tpu.dma_semaphore, #tpu.memory_space<semaphore_mem>>)
    %dma_wait3A_45 = arith.constant 2 : i32
    %dma_wait3A_46 = arith.constant 0 : i32
    %dma_wait3A_47 = tpu.memref_slice %arg5[%dma_wait3A_45, %dma_wait3A_46] : memref<4x64xi32, #tpu.memory_space<vmem>> -> memref<1x64xi32, #tpu.memory_space<vmem>>
    %dma_wait3A_48 = tpu.memref_squeeze %dma_wait3A_47 : memref<1x64xi32, #tpu.memory_space<vmem>> -> memref<64xi32, #tpu.memory_space<vmem>>
    %dma_wait3A_49 = arith.constant 0 : i32
    %dma_wait3A_50 = arith.constant 0 : i32
    %dma_wait3A_51 = tpu.memref_slice %arg2[%dma_wait3A_49, %dma_wait3A_50] : memref<10240x384xi32, #tpu.memory_space<hbm>> -> memref<10240x384xi32, #tpu.memory_space<hbm>>
    tpu.wait_indirect_dma semaphore(%arg7 : memref<!tpu.dma_semaphore, #tpu.memory_space<semaphore_mem>>) src(%dma_wait3A_51 : memref<10240x384xi32, #tpu.memory_space<hbm>>) dst(%arg6 : memref<64x384xi32, #tpu.memory_space<vmem>>)
    %run_scoped3A_52 = arith.constant 2 : i32
    "tpu.region"() ({
      %run_scoped3A_68 = tpu.sem_alloc : memref<!tpu.dma_semaphore, #tpu.memory_space<semaphore_mem>>
      %dma_start3A_69 = arith.constant 0 : i32
      %dma_start3A_70 = tpu.memref_slice %arg4[%run_scoped3A_52, %mul3A_2, %dma_start3A_69] : memref<4x2048x384xi32, #tpu.memory_space<hbm>> -> memref<1x64x384xi32, #tpu.memory_space<hbm>>
      %dma_start3A_71 = tpu.memref_squeeze %dma_start3A_70 : memref<1x64x384xi32, #tpu.memory_space<hbm>> -> memref<64x384xi32, #tpu.memory_space<hbm>>
      %dma_start3A_72 = arith.constant 0 : i32
      %dma_start3A_73 = tpu.memref_slice %arg4[%run_scoped3A_52, %mul3A_2, %dma_start3A_72] : memref<4x2048x384xi32, #tpu.memory_space<hbm>> -> memref<1x64x384xi32, #tpu.memory_space<hbm>>
      %dma_start3A_74 = tpu.memref_squeeze %dma_start3A_73 : memref<1x64x384xi32, #tpu.memory_space<hbm>> -> memref<64x384xi32, #tpu.memory_space<hbm>>
      tpu.enqueue_dma source(%arg6 : memref<64x384xi32, #tpu.memory_space<vmem>>) target(%dma_start3A_74 : memref<64x384xi32, #tpu.memory_space<hbm>>) target_semaphore(%run_scoped3A_68 : memref<!tpu.dma_semaphore, #tpu.memory_space<semaphore_mem>>)
      %dma_wait3A_75 = arith.constant 0 : i32
      %dma_wait3A_76 = tpu.memref_slice %arg4[%run_scoped3A_52, %mul3A_2, %dma_wait3A_75] : memref<4x2048x384xi32, #tpu.memory_space<hbm>> -> memref<1x64x384xi32, #tpu.memory_space<hbm>>
      %dma_wait3A_77 = tpu.memref_squeeze %dma_wait3A_76 : memref<1x64x384xi32, #tpu.memory_space<hbm>> -> memref<64x384xi32, #tpu.memory_space<hbm>>
      %dma_wait3A_78 = arith.constant 0 : i32
      %dma_wait3A_79 = tpu.memref_slice %arg4[%run_scoped3A_52, %mul3A_2, %dma_wait3A_78] : memref<4x2048x384xi32, #tpu.memory_space<hbm>> -> memref<1x64x384xi32, #tpu.memory_space<hbm>>
      %dma_wait3A_80 = tpu.memref_squeeze %dma_wait3A_79 : memref<1x64x384xi32, #tpu.memory_space<hbm>> -> memref<64x384xi32, #tpu.memory_space<hbm>>
      tpu.wait_dma2 semaphore(%run_scoped3A_68 : memref<!tpu.dma_semaphore, #tpu.memory_space<semaphore_mem>>) src(%arg6 : memref<64x384xi32, #tpu.memory_space<vmem>>) dst(%dma_wait3A_80 : memref<64x384xi32, #tpu.memory_space<hbm>>)
      tpu.yield
    }) : () -> ()
    %dma_start3A_53 = arith.constant 3 : i32
    %dma_start3A_54 = arith.constant 0 : i32
    %dma_start3A_55 = tpu.memref_slice %arg5[%dma_start3A_53, %dma_start3A_54] : memref<4x64xi32, #tpu.memory_space<vmem>> -> memref<1x64xi32, #tpu.memory_space<vmem>>
    %dma_start3A_56 = tpu.memref_squeeze %dma_start3A_55 : memref<1x64xi32, #tpu.memory_space<vmem>> -> memref<64xi32, #tpu.memory_space<vmem>>
    %dma_start3A_57 = arith.constant 0 : i32
    %dma_start3A_58 = arith.constant 0 : i32
    %dma_start3A_59 = tpu.memref_slice %arg2[%dma_start3A_57, %dma_start3A_58] : memref<10240x384xi32, #tpu.memory_space<hbm>> -> memref<10240x384xi32, #tpu.memory_space<hbm>>
    tpu.enqueue_indirect_dma source(%dma_start3A_59 : memref<10240x384xi32, #tpu.memory_space<hbm>>) target(%arg6 : memref<64x384xi32, #tpu.memory_space<vmem>>) offsets(%dma_start3A_56 : memref<64xi32, #tpu.memory_space<vmem>>) semaphore(%arg7 : memref<!tpu.dma_semaphore, #tpu.memory_space<semaphore_mem>>)
    %dma_wait3A_60 = arith.constant 3 : i32
    %dma_wait3A_61 = arith.constant 0 : i32
    %dma_wait3A_62 = tpu.memref_slice %arg5[%dma_wait3A_60, %dma_wait3A_61] : memref<4x64xi32, #tpu.memory_space<vmem>> -> memref<1x64xi32, #tpu.memory_space<vmem>>
    %dma_wait3A_63 = tpu.memref_squeeze %dma_wait3A_62 : memref<1x64xi32, #tpu.memory_space<vmem>> -> memref<64xi32, #tpu.memory_space<vmem>>
    %dma_wait3A_64 = arith.constant 0 : i32
    %dma_wait3A_65 = arith.constant 0 : i32
    %dma_wait3A_66 = tpu.memref_slice %arg2[%dma_wait3A_64, %dma_wait3A_65] : memref<10240x384xi32, #tpu.memory_space<hbm>> -> memref<10240x384xi32, #tpu.memory_space<hbm>>
    tpu.wait_indirect_dma semaphore(%arg7 : memref<!tpu.dma_semaphore, #tpu.memory_space<semaphore_mem>>) src(%dma_wait3A_66 : memref<10240x384xi32, #tpu.memory_space<hbm>>) dst(%arg6 : memref<64x384xi32, #tpu.memory_space<vmem>>)
    %run_scoped3A_67 = arith.constant 3 : i32
    "tpu.region"() ({
      %run_scoped3A_68 = tpu.sem_alloc : memref<!tpu.dma_semaphore, #tpu.memory_space<semaphore_mem>>
      %dma_start3A_69 = arith.constant 0 : i32
      %dma_start3A_70 = tpu.memref_slice %arg4[%run_scoped3A_67, %mul3A_2, %dma_start3A_69] : memref<4x2048x384xi32, #tpu.memory_space<hbm>> -> memref<1x64x384xi32, #tpu.memory_space<hbm>>
      %dma_start3A_71 = tpu.memref_squeeze %dma_start3A_70 : memref<1x64x384xi32, #tpu.memory_space<hbm>> -> memref<64x384xi32, #tpu.memory_space<hbm>>
      %dma_start3A_72 = arith.constant 0 : i32
      %dma_start3A_73 = tpu.memref_slice %arg4[%run_scoped3A_67, %mul3A_2, %dma_start3A_72] : memref<4x2048x384xi32, #tpu.memory_space<hbm>> -> memref<1x64x384xi32, #tpu.memory_space<hbm>>
      %dma_start3A_74 = tpu.memref_squeeze %dma_start3A_73 : memref<1x64x384xi32, #tpu.memory_space<hbm>> -> memref<64x384xi32, #tpu.memory_space<hbm>>
      tpu.enqueue_dma source(%arg6 : memref<64x384xi32, #tpu.memory_space<vmem>>) target(%dma_start3A_74 : memref<64x384xi32, #tpu.memory_space<hbm>>) target_semaphore(%run_scoped3A_68 : memref<!tpu.dma_semaphore, #tpu.memory_space<semaphore_mem>>)
      %dma_wait3A_75 = arith.constant 0 : i32
      %dma_wait3A_76 = tpu.memref_slice %arg4[%run_scoped3A_67, %mul3A_2, %dma_wait3A_75] : memref<4x2048x384xi32, #tpu.memory_space<hbm>> -> memref<1x64x384xi32, #tpu.memory_space<hbm>>
      %dma_wait3A_77 = tpu.memref_squeeze %dma_wait3A_76 : memref<1x64x384xi32, #tpu.memory_space<hbm>> -> memref<64x384xi32, #tpu.memory_space<hbm>>
      %dma_wait3A_78 = arith.constant 0 : i32
      %dma_wait3A_79 = tpu.memref_slice %arg4[%run_scoped3A_67, %mul3A_2, %dma_wait3A_78] : memref<4x2048x384xi32, #tpu.memory_space<hbm>> -> memref<1x64x384xi32, #tpu.memory_space<hbm>>
      %dma_wait3A_80 = tpu.memref_squeeze %dma_wait3A_79 : memref<1x64x384xi32, #tpu.memory_space<hbm>> -> memref<64x384xi32, #tpu.memory_space<hbm>>
      tpu.wait_dma2 semaphore(%run_scoped3A_68 : memref<!tpu.dma_semaphore, #tpu.memory_space<semaphore_mem>>) src(%arg6 : memref<64x384xi32, #tpu.memory_space<vmem>>) dst(%dma_wait3A_80 : memref<64x384xi32, #tpu.memory_space<hbm>>)
      tpu.yield
    }) : () -> ()
    return
  }
}

module attributes {stable_mosaic.version = 14 : i64} {
  func.func @_pre_body(%arg0: i32, %arg1: memref<256x768xf32, #tpu.memory_space<vmem>>, %arg2: memref<768x768xf32, #tpu.memory_space<vmem>>, %arg3: memref<768xf32, #tpu.memory_space<vmem>>, %arg4: memref<768x1536xf32, #tpu.memory_space<vmem>>, %arg5: memref<1536xf32, #tpu.memory_space<vmem>>, %arg6: memref<768x8xf32, #tpu.memory_space<vmem>>, %arg7: memref<256x768xf32, #tpu.memory_space<vmem>>, %arg8: memref<256x8xf32, #tpu.memory_space<vmem>>, %arg9: memref<256x384xi32, #tpu.memory_space<vmem>>) attributes {dimension_semantics = [#tpu.dimension_semantics<parallel>], iteration_bounds = array<i64: 8>, scalar_prefetch = 0 : i64, scratch_operands = 0 : i64, tpu.core_type = #tpu.core_type<tc>, window_params = [{transform_indices = @transform_0, window_bounds = array<i64: 256, 768>}, {pipeline_mode = #tpu.pipeline_mode<synchronous>, transform_indices = @transform_1, window_bounds = array<i64: 768, 768>}, {pipeline_mode = #tpu.pipeline_mode<synchronous>, transform_indices = @transform_2, window_bounds = array<i64: 768>}, {pipeline_mode = #tpu.pipeline_mode<synchronous>, transform_indices = @transform_3, window_bounds = array<i64: 768, 1536>}, {pipeline_mode = #tpu.pipeline_mode<synchronous>, transform_indices = @transform_4, window_bounds = array<i64: 1536>}, {pipeline_mode = #tpu.pipeline_mode<synchronous>, transform_indices = @transform_5, window_bounds = array<i64: 768, 8>}, {transform_indices = @transform_6, window_bounds = array<i64: 256, 768>}, {transform_indices = @transform_7, window_bounds = array<i64: 256, 8>}, {transform_indices = @transform_8, window_bounds = array<i64: 256, 384>}]} {
    %get3A = arith.constant 0 : index
    %get3A_0 = arith.constant 0 : index
    %get3A_1 = vector.load %arg1[%get3A, %get3A_0] : memref<256x768xf32, #tpu.memory_space<vmem>>, vector<256x768xf32>
    %get3A_2 = arith.constant 0 : index
    %get3A_3 = arith.constant 0 : index
    %get3A_4 = vector.load %arg2[%get3A_2, %get3A_3] : memref<768x768xf32, #tpu.memory_space<vmem>>, vector<768x768xf32>
    %dot_general3A = arith.constant dense<0.000000e+00> : vector<256x768xf32>
    %dot_general3A_5 = tpu.matmul %get3A_1, %get3A_4, %dot_general3A {dimension_numbers = #tpu.dot_dimension_numbers<[1], [0], [0], [1], [0, 0, 1, 1], [], []>, transpose_lhs_hint = false} : vector<256x768xf32>, vector<768x768xf32>, vector<256x768xf32> -> vector<256x768xf32>
    %get3A_6 = arith.constant 0 : index
    %get3A_7 = vector.load %arg3[%get3A_6] : memref<768xf32, #tpu.memory_space<vmem>>, vector<768xf32>
    %broadcast_in_dim3A = vector.shape_cast %get3A_7 : vector<768xf32> to vector<1x768xf32>
    %add3A = vector.broadcast %broadcast_in_dim3A : vector<1x768xf32> to vector<256x768xf32>
    %add3A_8 = arith.addf %dot_general3A_5, %add3A : vector<256x768xf32>
    %get3A_9 = arith.constant 0 : index
    %get3A_10 = arith.constant 0 : index
    %get3A_11 = vector.load %arg4[%get3A_9, %get3A_10] : memref<768x1536xf32, #tpu.memory_space<vmem>>, vector<768x1536xf32>
    %dot_general3A_12 = arith.constant dense<0.000000e+00> : vector<256x1536xf32>
    %dot_general3A_13 = tpu.matmul %add3A_8, %get3A_11, %dot_general3A_12 {dimension_numbers = #tpu.dot_dimension_numbers<[1], [0], [0], [1], [0, 0, 1, 1], [], []>, transpose_lhs_hint = false} : vector<256x768xf32>, vector<768x1536xf32>, vector<256x1536xf32> -> vector<256x1536xf32>
    %get3A_14 = arith.constant 0 : index
    %get3A_15 = vector.load %arg5[%get3A_14] : memref<1536xf32, #tpu.memory_space<vmem>>, vector<1536xf32>
    %broadcast_in_dim3A_16 = vector.shape_cast %get3A_15 : vector<1536xf32> to vector<1x1536xf32>
    %add3A_17 = vector.broadcast %broadcast_in_dim3A_16 : vector<1x1536xf32> to vector<256x1536xf32>
    %add3A_18 = arith.addf %dot_general3A_13, %add3A_17 : vector<256x1536xf32>
    %slice3A = vector.extract_strided_slice %add3A_18 {offsets = [0, 0], sizes = [256, 768], strides = [1, 1]} : vector<256x1536xf32> to vector<256x768xf32>
    %slice3A_19 = vector.extract_strided_slice %add3A_18 {offsets = [0, 768], sizes = [256, 768], strides = [1, 1]} : vector<256x1536xf32> to vector<256x768xf32>
    %logistic3A = arith.negf %slice3A_19 : vector<256x768xf32>
    %logistic3A_20 = math.exp %logistic3A : vector<256x768xf32>
    %logistic3A_21 = arith.constant 1.000000e+00 : f32
    %logistic3A_22 = vector.broadcast %logistic3A_21 : f32 to vector<256x768xf32>
    %logistic3A_23 = arith.addf %logistic3A_22, %logistic3A_20 : vector<256x768xf32>
    %logistic3A_24 = arith.divf %logistic3A_22, %logistic3A_23 : vector<256x768xf32>
    %mul3A = arith.mulf %slice3A_19, %logistic3A_24 : vector<256x768xf32>
    %mul3A_25 = arith.mulf %slice3A, %mul3A : vector<256x768xf32>
    %swap3A = arith.constant 0 : index
    %swap3A_26 = arith.constant 0 : index
    %swap3A_27 = vector.load %arg7[%swap3A, %swap3A_26] : memref<256x768xf32, #tpu.memory_space<vmem>>, vector<256x768xf32>
    tpu.vector_store %arg7[%swap3A, %swap3A_26], %mul3A_25 {strides = array<i32>} : memref<256x768xf32, #tpu.memory_space<vmem>>, vector<256x768xf32>,
    %slice3A_28 = vector.extract_strided_slice %mul3A_25 {offsets = [0, 0], sizes = [256, 384], strides = [1, 1]} : vector<256x768xf32> to vector<256x384xf32>
    %slice3A_29 = vector.extract_strided_slice %mul3A_25 {offsets = [0, 384], sizes = [256, 384], strides = [1, 1]} : vector<256x768xf32> to vector<256x384xf32>
    %pack_elementwise3A = tpu.pack_elementwise %slice3A_28, %slice3A_29 {target_type = bf16} : vector<256x384xf32>, vector<256x384xf32> -> vector<256x384xi32>
    %swap3A_30 = arith.constant 0 : index
    %swap3A_31 = arith.constant 0 : index
    %swap3A_32 = vector.load %arg9[%swap3A_30, %swap3A_31] : memref<256x384xi32, #tpu.memory_space<vmem>>, vector<256x384xi32>
    tpu.vector_store %arg9[%swap3A_30, %swap3A_31], %pack_elementwise3A {strides = array<i32>} : memref<256x384xi32, #tpu.memory_space<vmem>>, vector<256x384xi32>,
    %get3A_33 = arith.constant 0 : index
    %get3A_34 = arith.constant 0 : index
    %get3A_35 = vector.load %arg6[%get3A_33, %get3A_34] : memref<768x8xf32, #tpu.memory_space<vmem>>, vector<768x8xf32>
    %dot_general3A_36 = arith.constant dense<0.000000e+00> : vector<256x8xf32>
    %dot_general3A_37 = tpu.matmul %mul3A_25, %get3A_35, %dot_general3A_36 {dimension_numbers = #tpu.dot_dimension_numbers<[1], [0], [0], [1], [0, 0, 1, 1], [], []>, transpose_lhs_hint = false} : vector<256x768xf32>, vector<768x8xf32>, vector<256x8xf32> -> vector<256x8xf32>
    %reduce_max3A = arith.constant dense<0xFF800000> : vector<256xf32>
    %reduce_max3A_38 = vector.multi_reduction <maximumf>, %dot_general3A_37, %reduce_max3A [1] : vector<256x8xf32> to vector<256xf32>
    %broadcast_in_dim3A_39 = vector.shape_cast %reduce_max3A_38 : vector<256xf32> to vector<256x1xf32>
    %sub3A = vector.broadcast %broadcast_in_dim3A_39 : vector<256x1xf32> to vector<256x8xf32>
    %sub3A_40 = arith.subf %dot_general3A_37, %sub3A : vector<256x8xf32>
    %exp3A = math.exp %sub3A_40 : vector<256x8xf32>
    %reduce_sum3A = arith.constant dense<0.000000e+00> : vector<256xf32>
    %reduce_sum3A_41 = vector.multi_reduction <add>, %exp3A, %reduce_sum3A [1] : vector<256x8xf32> to vector<256xf32>
    %broadcast_in_dim3A_42 = vector.shape_cast %reduce_sum3A_41 : vector<256xf32> to vector<256x1xf32>
    %div3A = vector.broadcast %broadcast_in_dim3A_42 : vector<256x1xf32> to vector<256x8xf32>
    %div3A_43 = arith.divf %exp3A, %div3A : vector<256x8xf32>
    %iota3A = tpu.iota {dimensions = array<i32: 1>} : vector<256x8xi32>
    %broadcast_in_dim3A_44 = arith.constant 0 : i32
    %broadcast_in_dim3A_45 = vector.broadcast %broadcast_in_dim3A_44 : i32 to vector<256x8xi32>
    %slice3A_46 = vector.extract_strided_slice %div3A_43 {offsets = [0, 0], sizes = [256, 1], strides = [1, 1]} : vector<256x8xf32> to vector<256x1xf32>
    %gt3A = vector.broadcast %slice3A_46 : vector<256x1xf32> to vector<256x8xf32>
    %gt3A_47 = arith.cmpf ogt, %gt3A, %div3A_43 : vector<256x8xf32>
    %convert_element_type3A = arith.extui %gt3A_47 : vector<256x8xi1> to vector<256x8xi32>
    %add3A_48 = arith.addi %broadcast_in_dim3A_45, %convert_element_type3A : vector<256x8xi32>
    %eq3A = vector.broadcast %slice3A_46 : vector<256x1xf32> to vector<256x8xf32>
    %eq3A_49 = arith.cmpf oeq, %eq3A, %div3A_43 : vector<256x8xf32>
    %gt3A_50 = arith.constant 0 : i32
    %gt3A_51 = vector.broadcast %gt3A_50 : i32 to vector<256x8xi32>
    %gt3A_52 = arith.cmpi sgt, %iota3A, %gt3A_51 : vector<256x8xi32>
    %and3A = arith.andi %eq3A_49, %gt3A_52 : vector<256x8xi1>
    %convert_element_type3A_53 = arith.extui %and3A : vector<256x8xi1> to vector<256x8xi32>
    %add3A_54 = arith.addi %add3A_48, %convert_element_type3A_53 : vector<256x8xi32>
    %slice3A_55 = vector.extract_strided_slice %div3A_43 {offsets = [0, 1], sizes = [256, 1], strides = [1, 1]} : vector<256x8xf32> to vector<256x1xf32>
    %gt3A_56 = vector.broadcast %slice3A_55 : vector<256x1xf32> to vector<256x8xf32>
    %gt3A_57 = arith.cmpf ogt, %gt3A_56, %div3A_43 : vector<256x8xf32>
    %convert_element_type3A_58 = arith.extui %gt3A_57 : vector<256x8xi1> to vector<256x8xi32>
    %add3A_59 = arith.addi %add3A_54, %convert_element_type3A_58 : vector<256x8xi32>
    %eq3A_60 = vector.broadcast %slice3A_55 : vector<256x1xf32> to vector<256x8xf32>
    %eq3A_61 = arith.cmpf oeq, %eq3A_60, %div3A_43 : vector<256x8xf32>
    %gt3A_62 = arith.constant 1 : i32
    %gt3A_63 = vector.broadcast %gt3A_62 : i32 to vector<256x8xi32>
    %gt3A_64 = arith.cmpi sgt, %iota3A, %gt3A_63 : vector<256x8xi32>
    %and3A_65 = arith.andi %eq3A_61, %gt3A_64 : vector<256x8xi1>
    %convert_element_type3A_66 = arith.extui %and3A_65 : vector<256x8xi1> to vector<256x8xi32>
    %add3A_67 = arith.addi %add3A_59, %convert_element_type3A_66 : vector<256x8xi32>
    %slice3A_68 = vector.extract_strided_slice %div3A_43 {offsets = [0, 2], sizes = [256, 1], strides = [1, 1]} : vector<256x8xf32> to vector<256x1xf32>
    %gt3A_69 = vector.broadcast %slice3A_68 : vector<256x1xf32> to vector<256x8xf32>
    %gt3A_70 = arith.cmpf ogt, %gt3A_69, %div3A_43 : vector<256x8xf32>
    %convert_element_type3A_71 = arith.extui %gt3A_70 : vector<256x8xi1> to vector<256x8xi32>
    %add3A_72 = arith.addi %add3A_67, %convert_element_type3A_71 : vector<256x8xi32>
    %eq3A_73 = vector.broadcast %slice3A_68 : vector<256x1xf32> to vector<256x8xf32>
    %eq3A_74 = arith.cmpf oeq, %eq3A_73, %div3A_43 : vector<256x8xf32>
    %gt3A_75 = arith.constant 2 : i32
    %gt3A_76 = vector.broadcast %gt3A_75 : i32 to vector<256x8xi32>
    %gt3A_77 = arith.cmpi sgt, %iota3A, %gt3A_76 : vector<256x8xi32>
    %and3A_78 = arith.andi %eq3A_74, %gt3A_77 : vector<256x8xi1>
    %convert_element_type3A_79 = arith.extui %and3A_78 : vector<256x8xi1> to vector<256x8xi32>
    %add3A_80 = arith.addi %add3A_72, %convert_element_type3A_79 : vector<256x8xi32>
    %slice3A_81 = vector.extract_strided_slice %div3A_43 {offsets = [0, 3], sizes = [256, 1], strides = [1, 1]} : vector<256x8xf32> to vector<256x1xf32>
    %gt3A_82 = vector.broadcast %slice3A_81 : vector<256x1xf32> to vector<256x8xf32>
    %gt3A_83 = arith.cmpf ogt, %gt3A_82, %div3A_43 : vector<256x8xf32>
    %convert_element_type3A_84 = arith.extui %gt3A_83 : vector<256x8xi1> to vector<256x8xi32>
    %add3A_85 = arith.addi %add3A_80, %convert_element_type3A_84 : vector<256x8xi32>
    %eq3A_86 = vector.broadcast %slice3A_81 : vector<256x1xf32> to vector<256x8xf32>
    %eq3A_87 = arith.cmpf oeq, %eq3A_86, %div3A_43 : vector<256x8xf32>
    %gt3A_88 = arith.constant 3 : i32
    %gt3A_89 = vector.broadcast %gt3A_88 : i32 to vector<256x8xi32>
    %gt3A_90 = arith.cmpi sgt, %iota3A, %gt3A_89 : vector<256x8xi32>
    %and3A_91 = arith.andi %eq3A_87, %gt3A_90 : vector<256x8xi1>
    %convert_element_type3A_92 = arith.extui %and3A_91 : vector<256x8xi1> to vector<256x8xi32>
    %add3A_93 = arith.addi %add3A_85, %convert_element_type3A_92 : vector<256x8xi32>
    %slice3A_94 = vector.extract_strided_slice %div3A_43 {offsets = [0, 4], sizes = [256, 1], strides = [1, 1]} : vector<256x8xf32> to vector<256x1xf32>
    %gt3A_95 = vector.broadcast %slice3A_94 : vector<256x1xf32> to vector<256x8xf32>
    %gt3A_96 = arith.cmpf ogt, %gt3A_95, %div3A_43 : vector<256x8xf32>
    %convert_element_type3A_97 = arith.extui %gt3A_96 : vector<256x8xi1> to vector<256x8xi32>
    %add3A_98 = arith.addi %add3A_93, %convert_element_type3A_97 : vector<256x8xi32>
    %eq3A_99 = vector.broadcast %slice3A_94 : vector<256x1xf32> to vector<256x8xf32>
    %eq3A_100 = arith.cmpf oeq, %eq3A_99, %div3A_43 : vector<256x8xf32>
    %gt3A_101 = arith.constant 4 : i32
    %gt3A_102 = vector.broadcast %gt3A_101 : i32 to vector<256x8xi32>
    %gt3A_103 = arith.cmpi sgt, %iota3A, %gt3A_102 : vector<256x8xi32>
    %and3A_104 = arith.andi %eq3A_100, %gt3A_103 : vector<256x8xi1>
    %convert_element_type3A_105 = arith.extui %and3A_104 : vector<256x8xi1> to vector<256x8xi32>
    %add3A_106 = arith.addi %add3A_98, %convert_element_type3A_105 : vector<256x8xi32>
    %slice3A_107 = vector.extract_strided_slice %div3A_43 {offsets = [0, 5], sizes = [256, 1], strides = [1, 1]} : vector<256x8xf32> to vector<256x1xf32>
    %gt3A_108 = vector.broadcast %slice3A_107 : vector<256x1xf32> to vector<256x8xf32>
    %gt3A_109 = arith.cmpf ogt, %gt3A_108, %div3A_43 : vector<256x8xf32>
    %convert_element_type3A_110 = arith.extui %gt3A_109 : vector<256x8xi1> to vector<256x8xi32>
    %add3A_111 = arith.addi %add3A_106, %convert_element_type3A_110 : vector<256x8xi32>
    %eq3A_112 = vector.broadcast %slice3A_107 : vector<256x1xf32> to vector<256x8xf32>
    %eq3A_113 = arith.cmpf oeq, %eq3A_112, %div3A_43 : vector<256x8xf32>
    %gt3A_114 = arith.constant 5 : i32
    %gt3A_115 = vector.broadcast %gt3A_114 : i32 to vector<256x8xi32>
    %gt3A_116 = arith.cmpi sgt, %iota3A, %gt3A_115 : vector<256x8xi32>
    %and3A_117 = arith.andi %eq3A_113, %gt3A_116 : vector<256x8xi1>
    %convert_element_type3A_118 = arith.extui %and3A_117 : vector<256x8xi1> to vector<256x8xi32>
    %add3A_119 = arith.addi %add3A_111, %convert_element_type3A_118 : vector<256x8xi32>
    %slice3A_120 = vector.extract_strided_slice %div3A_43 {offsets = [0, 6], sizes = [256, 1], strides = [1, 1]} : vector<256x8xf32> to vector<256x1xf32>
    %gt3A_121 = vector.broadcast %slice3A_120 : vector<256x1xf32> to vector<256x8xf32>
    %gt3A_122 = arith.cmpf ogt, %gt3A_121, %div3A_43 : vector<256x8xf32>
    %convert_element_type3A_123 = arith.extui %gt3A_122 : vector<256x8xi1> to vector<256x8xi32>
    %add3A_124 = arith.addi %add3A_119, %convert_element_type3A_123 : vector<256x8xi32>
    %eq3A_125 = vector.broadcast %slice3A_120 : vector<256x1xf32> to vector<256x8xf32>
    %eq3A_126 = arith.cmpf oeq, %eq3A_125, %div3A_43 : vector<256x8xf32>
    %gt3A_127 = arith.constant 6 : i32
    %gt3A_128 = vector.broadcast %gt3A_127 : i32 to vector<256x8xi32>
    %gt3A_129 = arith.cmpi sgt, %iota3A, %gt3A_128 : vector<256x8xi32>
    %and3A_130 = arith.andi %eq3A_126, %gt3A_129 : vector<256x8xi1>
    %convert_element_type3A_131 = arith.extui %and3A_130 : vector<256x8xi1> to vector<256x8xi32>
    %add3A_132 = arith.addi %add3A_124, %convert_element_type3A_131 : vector<256x8xi32>
    %slice3A_133 = vector.extract_strided_slice %div3A_43 {offsets = [0, 7], sizes = [256, 1], strides = [1, 1]} : vector<256x8xf32> to vector<256x1xf32>
    %gt3A_134 = vector.broadcast %slice3A_133 : vector<256x1xf32> to vector<256x8xf32>
    %gt3A_135 = arith.cmpf ogt, %gt3A_134, %div3A_43 : vector<256x8xf32>
    %convert_element_type3A_136 = arith.extui %gt3A_135 : vector<256x8xi1> to vector<256x8xi32>
    %add3A_137 = arith.addi %add3A_132, %convert_element_type3A_136 : vector<256x8xi32>
    %eq3A_138 = vector.broadcast %slice3A_133 : vector<256x1xf32> to vector<256x8xf32>
    %eq3A_139 = arith.cmpf oeq, %eq3A_138, %div3A_43 : vector<256x8xf32>
    %gt3A_140 = arith.constant 7 : i32
    %gt3A_141 = vector.broadcast %gt3A_140 : i32 to vector<256x8xi32>
    %gt3A_142 = arith.cmpi sgt, %iota3A, %gt3A_141 : vector<256x8xi32>
    %and3A_143 = arith.andi %eq3A_139, %gt3A_142 : vector<256x8xi1>
    %convert_element_type3A_144 = arith.extui %and3A_143 : vector<256x8xi1> to vector<256x8xi32>
    %add3A_145 = arith.addi %add3A_137, %convert_element_type3A_144 : vector<256x8xi32>
    %lt3A = arith.constant 4 : i32
    %lt3A_146 = vector.broadcast %lt3A : i32 to vector<256x8xi32>
    %lt3A_147 = arith.cmpi slt, %add3A_145, %lt3A_146 : vector<256x8xi32>
    %jit3A = arith.constant 0.000000e+00 : f32
    %broadcast_in_dim3A_148 = vector.broadcast %jit3A : f32 to vector<256x8xf32>
    %select_n3A = arith.select %lt3A_147, %div3A_43, %broadcast_in_dim3A_148 : vector<256x8xi1>, vector<256x8xf32>
    %swap3A_149 = arith.constant 0 : index
    %swap3A_150 = arith.constant 0 : index
    %swap3A_151 = vector.load %arg8[%swap3A_149, %swap3A_150] : memref<256x8xf32, #tpu.memory_space<vmem>>, vector<256x8xf32>
    tpu.vector_store %arg8[%swap3A_149, %swap3A_150], %select_n3A {strides = array<i32>} : memref<256x8xf32, #tpu.memory_space<vmem>>, vector<256x8xf32>,
    return
  }
  func.func @transform_0(%arg0: i32) -> (i32, i32) {
    %c0_i32 = arith.constant 0 : i32
    %c0_i32_0 = arith.constant 0 : i32
    return %arg0, %c0_i32 : i32, i32
  }
  func.func @transform_1(%arg0: i32) -> (i32, i32) {
    %c0_i32 = arith.constant 0 : i32
    %c0_i32_0 = arith.constant 0 : i32
    %c0_i32_1 = arith.constant 0 : i32
    return %c0_i32, %c0_i32_0 : i32, i32
  }
  func.func @transform_2(%arg0: i32) -> i32 {
    %c0_i32 = arith.constant 0 : i32
    %c0_i32_0 = arith.constant 0 : i32
    return %c0_i32 : i32
  }
  func.func @transform_3(%arg0: i32) -> (i32, i32) {
    %c0_i32 = arith.constant 0 : i32
    %c0_i32_0 = arith.constant 0 : i32
    %c0_i32_1 = arith.constant 0 : i32
    return %c0_i32, %c0_i32_0 : i32, i32
  }
  func.func @transform_4(%arg0: i32) -> i32 {
    %c0_i32 = arith.constant 0 : i32
    %c0_i32_0 = arith.constant 0 : i32
    return %c0_i32 : i32
  }
  func.func @transform_5(%arg0: i32) -> (i32, i32) {
    %c0_i32 = arith.constant 0 : i32
    %c0_i32_0 = arith.constant 0 : i32
    %c0_i32_1 = arith.constant 0 : i32
    return %c0_i32, %c0_i32_0 : i32, i32
  }
  func.func @transform_6(%arg0: i32) -> (i32, i32) {
    %c0_i32 = arith.constant 0 : i32
    %c0_i32_0 = arith.constant 0 : i32
    return %arg0, %c0_i32 : i32, i32
  }
  func.func @transform_7(%arg0: i32) -> (i32, i32) {
    %c0_i32 = arith.constant 0 : i32
    %c0_i32_0 = arith.constant 0 : i32
    return %arg0, %c0_i32 : i32, i32
  }
  func.func @transform_8(%arg0: i32) -> (i32, i32) {
    %c0_i32 = arith.constant 0 : i32
    %c0_i32_0 = arith.constant 0 : i32
    return %arg0, %c0_i32 : i32, i32
  }
}

module attributes {stable_mosaic.version = 14 : i64} {
  func.func @_shared_body(%arg0: i32, %arg1: memref<256x768xf32, #tpu.memory_space<vmem>>, %arg2: memref<768x768xf32, #tpu.memory_space<vmem>>, %arg3: memref<768x768xf32, #tpu.memory_space<vmem>>, %arg4: memref<768x768xf32, #tpu.memory_space<vmem>>, %arg5: memref<256x768xf32, #tpu.memory_space<vmem>>) attributes {dimension_semantics = [#tpu.dimension_semantics<parallel>], iteration_bounds = array<i64: 8>, scalar_prefetch = 0 : i64, scratch_operands = 0 : i64, tpu.core_type = #tpu.core_type<tc>, window_params = [{transform_indices = @transform_0, window_bounds = array<i64: 256, 768>}, {transform_indices = @transform_1, window_bounds = array<i64: 768, 768>}, {transform_indices = @transform_2, window_bounds = array<i64: 768, 768>}, {transform_indices = @transform_3, window_bounds = array<i64: 768, 768>}, {transform_indices = @transform_4, window_bounds = array<i64: 256, 768>}]} {
    %get3A = arith.constant 0 : index
    %get3A_0 = arith.constant 0 : index
    %get3A_1 = vector.load %arg1[%get3A, %get3A_0] : memref<256x768xf32, #tpu.memory_space<vmem>>, vector<256x768xf32>
    %get3A_2 = arith.constant 0 : index
    %get3A_3 = arith.constant 0 : index
    %get3A_4 = vector.load %arg2[%get3A_2, %get3A_3] : memref<768x768xf32, #tpu.memory_space<vmem>>, vector<768x768xf32>
    %dot_general3A = arith.constant dense<0.000000e+00> : vector<256x768xf32>
    %dot_general3A_5 = tpu.matmul %get3A_1, %get3A_4, %dot_general3A {dimension_numbers = #tpu.dot_dimension_numbers<[1], [0], [0], [1], [0, 0, 1, 1], [], []>, transpose_lhs_hint = false} : vector<256x768xf32>, vector<768x768xf32>, vector<256x768xf32> -> vector<256x768xf32>
    %get3A_6 = arith.constant 0 : index
    %get3A_7 = arith.constant 0 : index
    %get3A_8 = vector.load %arg3[%get3A_6, %get3A_7] : memref<768x768xf32, #tpu.memory_space<vmem>>, vector<768x768xf32>
    %dot_general3A_9 = arith.constant dense<0.000000e+00> : vector<256x768xf32>
    %dot_general3A_10 = tpu.matmul %get3A_1, %get3A_8, %dot_general3A_9 {dimension_numbers = #tpu.dot_dimension_numbers<[1], [0], [0], [1], [0, 0, 1, 1], [], []>, transpose_lhs_hint = false} : vector<256x768xf32>, vector<768x768xf32>, vector<256x768xf32> -> vector<256x768xf32>
    %logistic3A = arith.negf %dot_general3A_5 : vector<256x768xf32>
    %logistic3A_11 = math.exp %logistic3A : vector<256x768xf32>
    %logistic3A_12 = arith.constant 1.000000e+00 : f32
    %logistic3A_13 = vector.broadcast %logistic3A_12 : f32 to vector<256x768xf32>
    %logistic3A_14 = arith.addf %logistic3A_13, %logistic3A_11 : vector<256x768xf32>
    %logistic3A_15 = arith.divf %logistic3A_13, %logistic3A_14 : vector<256x768xf32>
    %mul3A = arith.mulf %dot_general3A_5, %logistic3A_15 : vector<256x768xf32>
    %mul3A_16 = arith.mulf %mul3A, %dot_general3A_10 : vector<256x768xf32>
    %get3A_17 = arith.constant 0 : index
    %get3A_18 = arith.constant 0 : index
    %get3A_19 = vector.load %arg4[%get3A_17, %get3A_18] : memref<768x768xf32, #tpu.memory_space<vmem>>, vector<768x768xf32>
    %dot_general3A_20 = arith.constant dense<0.000000e+00> : vector<256x768xf32>
    %dot_general3A_21 = tpu.matmul %mul3A_16, %get3A_19, %dot_general3A_20 {dimension_numbers = #tpu.dot_dimension_numbers<[1], [0], [0], [1], [0, 0, 1, 1], [], []>, transpose_lhs_hint = false} : vector<256x768xf32>, vector<768x768xf32>, vector<256x768xf32> -> vector<256x768xf32>
    %swap3A = arith.constant 0 : index
    %swap3A_22 = arith.constant 0 : index
    %swap3A_23 = vector.load %arg5[%swap3A, %swap3A_22] : memref<256x768xf32, #tpu.memory_space<vmem>>, vector<256x768xf32>
    tpu.vector_store %arg5[%swap3A, %swap3A_22], %dot_general3A_21 {strides = array<i32>} : memref<256x768xf32, #tpu.memory_space<vmem>>, vector<256x768xf32>,
    return
  }
  func.func @transform_0(%arg0: i32) -> (i32, i32) {
    %c0_i32 = arith.constant 0 : i32
    %c0_i32_0 = arith.constant 0 : i32
    return %arg0, %c0_i32 : i32, i32
  }
  func.func @transform_1(%arg0: i32) -> (i32, i32) {
    %c0_i32 = arith.constant 0 : i32
    %c0_i32_0 = arith.constant 0 : i32
    %c0_i32_1 = arith.constant 0 : i32
    return %c0_i32, %c0_i32_0 : i32, i32
  }
  func.func @transform_2(%arg0: i32) -> (i32, i32) {
    %c0_i32 = arith.constant 0 : i32
    %c0_i32_0 = arith.constant 0 : i32
    %c0_i32_1 = arith.constant 0 : i32
    return %c0_i32, %c0_i32_0 : i32, i32
  }
  func.func @transform_3(%arg0: i32) -> (i32, i32) {
    %c0_i32 = arith.constant 0 : i32
    %c0_i32_0 = arith.constant 0 : i32
    %c0_i32_1 = arith.constant 0 : i32
    return %c0_i32, %c0_i32_0 : i32, i32
  }
  func.func @transform_4(%arg0: i32) -> (i32, i32) {
    %c0_i32 = arith.constant 0 : i32
    %c0_i32_0 = arith.constant 0 : i32
    return %arg0, %c0_i32 : i32, i32
  }
}

module attributes {stable_mosaic.version = 14 : i64} {
  func.func @_group_body(%arg0: i32, %arg1: memref<112xi32, #tpu.memory_space<smem>>, %arg2: memref<256x384xi32, #tpu.memory_space<vmem>>, %arg3: memref<8x768x768xf32, #tpu.memory_space<any>>, %arg4: memref<8x768x768xf32, #tpu.memory_space<any>>, %arg5: memref<8x768x768xf32, #tpu.memory_space<any>>, %arg6: memref<256x384xi32, #tpu.memory_space<vmem>>, %arg7: memref<2x768x768xf32, #tpu.memory_space<vmem>>, %arg8: memref<2x768x768xf32, #tpu.memory_space<vmem>>, %arg9: memref<2x768x768xf32, #tpu.memory_space<vmem>>, %arg10: memref<3x2x!tpu.dma_semaphore, #tpu.memory_space<semaphore_mem>>) attributes {dimension_semantics = [#tpu.dimension_semantics<parallel>], iteration_bounds = array<i64: 40>, scalar_prefetch = 1 : i64, scratch_operands = 4 : i64, tpu.core_type = #tpu.core_type<tc>, window_params = [{transform_indices = @transform_0, window_bounds = array<i64: 256, 384>}, {}, {}, {}, {transform_indices = @transform_4, window_bounds = array<i64: 256, 384>}]} {
    %add3A = arith.constant 48 : i32
    %add3A_0 = arith.addi %add3A, %arg0 : i32
    %get3A = arith.index_cast %add3A_0 : i32 to index
    %get3A_1 = memref.load %arg1[%get3A] : memref<112xi32, #tpu.memory_space<smem>>
    %rem3A = arith.constant 2 : i32
    %rem3A_2 = arith.remsi %get3A_1, %rem3A : i32
    %sub3A = arith.constant 1 : i32
    %sub3A_3 = arith.subi %arg0, %sub3A : i32
    %max3A = arith.constant 0 : i32
    %max3A_4 = arith.maxsi %sub3A_3, %max3A : i32
    %add3A_5 = arith.constant 48 : i32
    %add3A_6 = arith.addi %add3A_5, %max3A_4 : i32
    %get3A_7 = arith.index_cast %add3A_6 : i32 to index
    %get3A_8 = memref.load %arg1[%get3A_7] : memref<112xi32, #tpu.memory_space<smem>>
    %ne3A = arith.cmpi ne, %get3A_1, %get3A_8 : i32
    %eq3A = arith.constant 0 : i32
    %eq3A_9 = arith.cmpi eq, %arg0, %eq3A : i32
    %convert_element_type3A = arith.extui %eq3A_9 : i1 to i32
    %cond3A = arith.constant 0 : i32
    %cond3A_10 = arith.cmpi ne, %convert_element_type3A, %cond3A : i32
    scf.if %cond3A_10 {
      %min3A = arith.constant 0 : i32
      %min3A_53 = arith.constant 15 : i32
      %min3A_54 = arith.minsi %min3A, %min3A_53 : i32
      %add3A_55 = arith.constant 96 : i32
      %add3A_56 = arith.addi %add3A_55, %min3A_54 : i32
      %get3A_57 = arith.index_cast %add3A_56 : i32 to index
      %get3A_58 = memref.load %arg1[%get3A_57] : memref<112xi32, #tpu.memory_space<smem>>
      %dma_start3A = arith.constant 0 : i32
      %dma_start3A_59 = arith.constant 0 : i32
      %dma_start3A_60 = arith.constant 0 : i32
      %dma_start3A_61 = tpu.memref_slice %arg10[%dma_start3A_59, %dma_start3A_60] : memref<3x2x!tpu.dma_semaphore, #tpu.memory_space<semaphore_mem>> -> memref<1x1x!tpu.dma_semaphore, #tpu.memory_space<semaphore_mem>>
      %dma_start3A_62 = tpu.memref_squeeze %dma_start3A_61 : memref<1x1x!tpu.dma_semaphore, #tpu.memory_space<semaphore_mem>> -> memref<!tpu.dma_semaphore, #tpu.memory_space<semaphore_mem>>
      %dma_start3A_63 = arith.constant 0 : i32
      %dma_start3A_64 = arith.constant 0 : i32
      %dma_start3A_65 = tpu.memref_slice %arg7[%dma_start3A, %dma_start3A_63, %dma_start3A_64] : memref<2x768x768xf32, #tpu.memory_space<vmem>> -> memref<1x768x768xf32, #tpu.memory_space<vmem>>
      %dma_start3A_66 = tpu.memref_squeeze %dma_start3A_65 : memref<1x768x768xf32, #tpu.memory_space<vmem>> -> memref<768x768xf32, #tpu.memory_space<vmem>>
      %dma_start3A_67 = arith.constant 0 : i32
      %dma_start3A_68 = arith.constant 0 : i32
      %dma_start3A_69 = tpu.memref_slice %arg3[%get3A_58, %dma_start3A_67, %dma_start3A_68] : memref<8x768x768xf32, #tpu.memory_space<any>> -> memref<1x768x768xf32, #tpu.memory_space<any>>
      %dma_start3A_70 = tpu.memref_squeeze %dma_start3A_69 : memref<1x768x768xf32, #tpu.memory_space<any>> -> memref<768x768xf32, #tpu.memory_space<any>>
      tpu.enqueue_dma source(%dma_start3A_70 : memref<768x768xf32, #tpu.memory_space<any>>) target(%dma_start3A_66 : memref<768x768xf32, #tpu.memory_space<vmem>>) target_semaphore(%dma_start3A_62 : memref<!tpu.dma_semaphore, #tpu.memory_space<semaphore_mem>>)
      %dma_start3A_71 = arith.constant 0 : i32
      %dma_start3A_72 = arith.constant 1 : i32
      %dma_start3A_73 = arith.constant 0 : i32
      %dma_start3A_74 = tpu.memref_slice %arg10[%dma_start3A_72, %dma_start3A_73] : memref<3x2x!tpu.dma_semaphore, #tpu.memory_space<semaphore_mem>> -> memref<1x1x!tpu.dma_semaphore, #tpu.memory_space<semaphore_mem>>
      %dma_start3A_75 = tpu.memref_squeeze %dma_start3A_74 : memref<1x1x!tpu.dma_semaphore, #tpu.memory_space<semaphore_mem>> -> memref<!tpu.dma_semaphore, #tpu.memory_space<semaphore_mem>>
      %dma_start3A_76 = arith.constant 0 : i32
      %dma_start3A_77 = arith.constant 0 : i32
      %dma_start3A_78 = tpu.memref_slice %arg8[%dma_start3A_71, %dma_start3A_76, %dma_start3A_77] : memref<2x768x768xf32, #tpu.memory_space<vmem>> -> memref<1x768x768xf32, #tpu.memory_space<vmem>>
      %dma_start3A_79 = tpu.memref_squeeze %dma_start3A_78 : memref<1x768x768xf32, #tpu.memory_space<vmem>> -> memref<768x768xf32, #tpu.memory_space<vmem>>
      %dma_start3A_80 = arith.constant 0 : i32
      %dma_start3A_81 = arith.constant 0 : i32
      %dma_start3A_82 = tpu.memref_slice %arg4[%get3A_58, %dma_start3A_80, %dma_start3A_81] : memref<8x768x768xf32, #tpu.memory_space<any>> -> memref<1x768x768xf32, #tpu.memory_space<any>>
      %dma_start3A_83 = tpu.memref_squeeze %dma_start3A_82 : memref<1x768x768xf32, #tpu.memory_space<any>> -> memref<768x768xf32, #tpu.memory_space<any>>
      tpu.enqueue_dma source(%dma_start3A_83 : memref<768x768xf32, #tpu.memory_space<any>>) target(%dma_start3A_79 : memref<768x768xf32, #tpu.memory_space<vmem>>) target_semaphore(%dma_start3A_75 : memref<!tpu.dma_semaphore, #tpu.memory_space<semaphore_mem>>)
      %dma_start3A_84 = arith.constant 0 : i32
      %dma_start3A_85 = arith.constant 2 : i32
      %dma_start3A_86 = arith.constant 0 : i32
      %dma_start3A_87 = tpu.memref_slice %arg10[%dma_start3A_85, %dma_start3A_86] : memref<3x2x!tpu.dma_semaphore, #tpu.memory_space<semaphore_mem>> -> memref<1x1x!tpu.dma_semaphore, #tpu.memory_space<semaphore_mem>>
      %dma_start3A_88 = tpu.memref_squeeze %dma_start3A_87 : memref<1x1x!tpu.dma_semaphore, #tpu.memory_space<semaphore_mem>> -> memref<!tpu.dma_semaphore, #tpu.memory_space<semaphore_mem>>
      %dma_start3A_89 = arith.constant 0 : i32
      %dma_start3A_90 = arith.constant 0 : i32
      %dma_start3A_91 = tpu.memref_slice %arg9[%dma_start3A_84, %dma_start3A_89, %dma_start3A_90] : memref<2x768x768xf32, #tpu.memory_space<vmem>> -> memref<1x768x768xf32, #tpu.memory_space<vmem>>
      %dma_start3A_92 = tpu.memref_squeeze %dma_start3A_91 : memref<1x768x768xf32, #tpu.memory_space<vmem>> -> memref<768x768xf32, #tpu.memory_space<vmem>>
      %dma_start3A_93 = arith.constant 0 : i32
      %dma_start3A_94 = arith.constant 0 : i32
      %dma_start3A_95 = tpu.memref_slice %arg5[%get3A_58, %dma_start3A_93, %dma_start3A_94] : memref<8x768x768xf32, #tpu.memory_space<any>> -> memref<1x768x768xf32, #tpu.memory_space<any>>
      %dma_start3A_96 = tpu.memref_squeeze %dma_start3A_95 : memref<1x768x768xf32, #tpu.memory_space<any>> -> memref<768x768xf32, #tpu.memory_space<any>>
      tpu.enqueue_dma source(%dma_start3A_96 : memref<768x768xf32, #tpu.memory_space<any>>) target(%dma_start3A_92 : memref<768x768xf32, #tpu.memory_space<vmem>>) target_semaphore(%dma_start3A_88 : memref<!tpu.dma_semaphore, #tpu.memory_space<semaphore_mem>>)
      %min3A_97 = arith.constant 1 : i32
      %min3A_98 = arith.constant 15 : i32
      %min3A_99 = arith.minsi %min3A_97, %min3A_98 : i32
      %add3A_100 = arith.constant 96 : i32
      %add3A_101 = arith.addi %add3A_100, %min3A_99 : i32
      %get3A_102 = arith.index_cast %add3A_101 : i32 to index
      %get3A_103 = memref.load %arg1[%get3A_102] : memref<112xi32, #tpu.memory_space<smem>>
      %dma_start3A_104 = arith.constant 1 : i32
      %dma_start3A_105 = arith.constant 0 : i32
      %dma_start3A_106 = arith.constant 1 : i32
      %dma_start3A_107 = tpu.memref_slice %arg10[%dma_start3A_105, %dma_start3A_106] : memref<3x2x!tpu.dma_semaphore, #tpu.memory_space<semaphore_mem>> -> memref<1x1x!tpu.dma_semaphore, #tpu.memory_space<semaphore_mem>>
      %dma_start3A_108 = tpu.memref_squeeze %dma_start3A_107 : memref<1x1x!tpu.dma_semaphore, #tpu.memory_space<semaphore_mem>> -> memref<!tpu.dma_semaphore, #tpu.memory_space<semaphore_mem>>
      %dma_start3A_109 = arith.constant 0 : i32
      %dma_start3A_110 = arith.constant 0 : i32
      %dma_start3A_111 = tpu.memref_slice %arg7[%dma_start3A_104, %dma_start3A_109, %dma_start3A_110] : memref<2x768x768xf32, #tpu.memory_space<vmem>> -> memref<1x768x768xf32, #tpu.memory_space<vmem>>
      %dma_start3A_112 = tpu.memref_squeeze %dma_start3A_111 : memref<1x768x768xf32, #tpu.memory_space<vmem>> -> memref<768x768xf32, #tpu.memory_space<vmem>>
      %dma_start3A_113 = arith.constant 0 : i32
      %dma_start3A_114 = arith.constant 0 : i32
      %dma_start3A_115 = tpu.memref_slice %arg3[%get3A_103, %dma_start3A_113, %dma_start3A_114] : memref<8x768x768xf32, #tpu.memory_space<any>> -> memref<1x768x768xf32, #tpu.memory_space<any>>
      %dma_start3A_116 = tpu.memref_squeeze %dma_start3A_115 : memref<1x768x768xf32, #tpu.memory_space<any>> -> memref<768x768xf32, #tpu.memory_space<any>>
      tpu.enqueue_dma source(%dma_start3A_116 : memref<768x768xf32, #tpu.memory_space<any>>) target(%dma_start3A_112 : memref<768x768xf32, #tpu.memory_space<vmem>>) target_semaphore(%dma_start3A_108 : memref<!tpu.dma_semaphore, #tpu.memory_space<semaphore_mem>>)
      %dma_start3A_117 = arith.constant 1 : i32
      %dma_start3A_118 = arith.constant 1 : i32
      %dma_start3A_119 = arith.constant 1 : i32
      %dma_start3A_120 = tpu.memref_slice %arg10[%dma_start3A_118, %dma_start3A_119] : memref<3x2x!tpu.dma_semaphore, #tpu.memory_space<semaphore_mem>> -> memref<1x1x!tpu.dma_semaphore, #tpu.memory_space<semaphore_mem>>
      %dma_start3A_121 = tpu.memref_squeeze %dma_start3A_120 : memref<1x1x!tpu.dma_semaphore, #tpu.memory_space<semaphore_mem>> -> memref<!tpu.dma_semaphore, #tpu.memory_space<semaphore_mem>>
      %dma_start3A_122 = arith.constant 0 : i32
      %dma_start3A_123 = arith.constant 0 : i32
      %dma_start3A_124 = tpu.memref_slice %arg8[%dma_start3A_117, %dma_start3A_122, %dma_start3A_123] : memref<2x768x768xf32, #tpu.memory_space<vmem>> -> memref<1x768x768xf32, #tpu.memory_space<vmem>>
      %dma_start3A_125 = tpu.memref_squeeze %dma_start3A_124 : memref<1x768x768xf32, #tpu.memory_space<vmem>> -> memref<768x768xf32, #tpu.memory_space<vmem>>
      %dma_start3A_126 = arith.constant 0 : i32
      %dma_start3A_127 = arith.constant 0 : i32
      %dma_start3A_128 = tpu.memref_slice %arg4[%get3A_103, %dma_start3A_126, %dma_start3A_127] : memref<8x768x768xf32, #tpu.memory_space<any>> -> memref<1x768x768xf32, #tpu.memory_space<any>>
      %dma_start3A_129 = tpu.memref_squeeze %dma_start3A_128 : memref<1x768x768xf32, #tpu.memory_space<any>> -> memref<768x768xf32, #tpu.memory_space<any>>
      tpu.enqueue_dma source(%dma_start3A_129 : memref<768x768xf32, #tpu.memory_space<any>>) target(%dma_start3A_125 : memref<768x768xf32, #tpu.memory_space<vmem>>) target_semaphore(%dma_start3A_121 : memref<!tpu.dma_semaphore, #tpu.memory_space<semaphore_mem>>)
      %dma_start3A_130 = arith.constant 1 : i32
      %dma_start3A_131 = arith.constant 2 : i32
      %dma_start3A_132 = arith.constant 1 : i32
      %dma_start3A_133 = tpu.memref_slice %arg10[%dma_start3A_131, %dma_start3A_132] : memref<3x2x!tpu.dma_semaphore, #tpu.memory_space<semaphore_mem>> -> memref<1x1x!tpu.dma_semaphore, #tpu.memory_space<semaphore_mem>>
      %dma_start3A_134 = tpu.memref_squeeze %dma_start3A_133 : memref<1x1x!tpu.dma_semaphore, #tpu.memory_space<semaphore_mem>> -> memref<!tpu.dma_semaphore, #tpu.memory_space<semaphore_mem>>
      %dma_start3A_135 = arith.constant 0 : i32
      %dma_start3A_136 = arith.constant 0 : i32
      %dma_start3A_137 = tpu.memref_slice %arg9[%dma_start3A_130, %dma_start3A_135, %dma_start3A_136] : memref<2x768x768xf32, #tpu.memory_space<vmem>> -> memref<1x768x768xf32, #tpu.memory_space<vmem>>
      %dma_start3A_138 = tpu.memref_squeeze %dma_start3A_137 : memref<1x768x768xf32, #tpu.memory_space<vmem>> -> memref<768x768xf32, #tpu.memory_space<vmem>>
      %dma_start3A_139 = arith.constant 0 : i32
      %dma_start3A_140 = arith.constant 0 : i32
      %dma_start3A_141 = tpu.memref_slice %arg5[%get3A_103, %dma_start3A_139, %dma_start3A_140] : memref<8x768x768xf32, #tpu.memory_space<any>> -> memref<1x768x768xf32, #tpu.memory_space<any>>
      %dma_start3A_142 = tpu.memref_squeeze %dma_start3A_141 : memref<1x768x768xf32, #tpu.memory_space<any>> -> memref<768x768xf32, #tpu.memory_space<any>>
      tpu.enqueue_dma source(%dma_start3A_142 : memref<768x768xf32, #tpu.memory_space<any>>) target(%dma_start3A_138 : memref<768x768xf32, #tpu.memory_space<vmem>>) target_semaphore(%dma_start3A_134 : memref<!tpu.dma_semaphore, #tpu.memory_space<semaphore_mem>>)
      %min3A_143 = arith.constant 0 : i32
      %min3A_144 = arith.constant 15 : i32
      %min3A_145 = arith.minsi %min3A_143, %min3A_144 : i32
      %add3A_146 = arith.constant 96 : i32
      %add3A_147 = arith.addi %add3A_146, %min3A_145 : i32
      %get3A_148 = arith.index_cast %add3A_147 : i32 to index
      %get3A_149 = memref.load %arg1[%get3A_148] : memref<112xi32, #tpu.memory_space<smem>>
      %dma_wait3A = arith.constant 0 : i32
      %dma_wait3A_150 = arith.constant 0 : i32
      %dma_wait3A_151 = arith.constant 0 : i32
      %dma_wait3A_152 = tpu.memref_slice %arg10[%dma_wait3A_150, %dma_wait3A_151] : memref<3x2x!tpu.dma_semaphore, #tpu.memory_space<semaphore_mem>> -> memref<1x1x!tpu.dma_semaphore, #tpu.memory_space<semaphore_mem>>
      %dma_wait3A_153 = tpu.memref_squeeze %dma_wait3A_152 : memref<1x1x!tpu.dma_semaphore, #tpu.memory_space<semaphore_mem>> -> memref<!tpu.dma_semaphore, #tpu.memory_space<semaphore_mem>>
      %dma_wait3A_154 = arith.constant 0 : i32
      %dma_wait3A_155 = arith.constant 0 : i32
      %dma_wait3A_156 = tpu.memref_slice %arg7[%dma_wait3A, %dma_wait3A_154, %dma_wait3A_155] : memref<2x768x768xf32, #tpu.memory_space<vmem>> -> memref<1x768x768xf32, #tpu.memory_space<vmem>>
      %dma_wait3A_157 = tpu.memref_squeeze %dma_wait3A_156 : memref<1x768x768xf32, #tpu.memory_space<vmem>> -> memref<768x768xf32, #tpu.memory_space<vmem>>
      %dma_wait3A_158 = arith.constant 0 : i32
      %dma_wait3A_159 = arith.constant 0 : i32
      %dma_wait3A_160 = tpu.memref_slice %arg3[%get3A_149, %dma_wait3A_158, %dma_wait3A_159] : memref<8x768x768xf32, #tpu.memory_space<any>> -> memref<1x768x768xf32, #tpu.memory_space<any>>
      %dma_wait3A_161 = tpu.memref_squeeze %dma_wait3A_160 : memref<1x768x768xf32, #tpu.memory_space<any>> -> memref<768x768xf32, #tpu.memory_space<any>>
      tpu.wait_dma2 semaphore(%dma_wait3A_153 : memref<!tpu.dma_semaphore, #tpu.memory_space<semaphore_mem>>) src(%dma_wait3A_161 : memref<768x768xf32, #tpu.memory_space<any>>) dst(%dma_wait3A_157 : memref<768x768xf32, #tpu.memory_space<vmem>>)
      %dma_wait3A_162 = arith.constant 0 : i32
      %dma_wait3A_163 = arith.constant 1 : i32
      %dma_wait3A_164 = arith.constant 0 : i32
      %dma_wait3A_165 = tpu.memref_slice %arg10[%dma_wait3A_163, %dma_wait3A_164] : memref<3x2x!tpu.dma_semaphore, #tpu.memory_space<semaphore_mem>> -> memref<1x1x!tpu.dma_semaphore, #tpu.memory_space<semaphore_mem>>
      %dma_wait3A_166 = tpu.memref_squeeze %dma_wait3A_165 : memref<1x1x!tpu.dma_semaphore, #tpu.memory_space<semaphore_mem>> -> memref<!tpu.dma_semaphore, #tpu.memory_space<semaphore_mem>>
      %dma_wait3A_167 = arith.constant 0 : i32
      %dma_wait3A_168 = arith.constant 0 : i32
      %dma_wait3A_169 = tpu.memref_slice %arg8[%dma_wait3A_162, %dma_wait3A_167, %dma_wait3A_168] : memref<2x768x768xf32, #tpu.memory_space<vmem>> -> memref<1x768x768xf32, #tpu.memory_space<vmem>>
      %dma_wait3A_170 = tpu.memref_squeeze %dma_wait3A_169 : memref<1x768x768xf32, #tpu.memory_space<vmem>> -> memref<768x768xf32, #tpu.memory_space<vmem>>
      %dma_wait3A_171 = arith.constant 0 : i32
      %dma_wait3A_172 = arith.constant 0 : i32
      %dma_wait3A_173 = tpu.memref_slice %arg4[%get3A_149, %dma_wait3A_171, %dma_wait3A_172] : memref<8x768x768xf32, #tpu.memory_space<any>> -> memref<1x768x768xf32, #tpu.memory_space<any>>
      %dma_wait3A_174 = tpu.memref_squeeze %dma_wait3A_173 : memref<1x768x768xf32, #tpu.memory_space<any>> -> memref<768x768xf32, #tpu.memory_space<any>>
      tpu.wait_dma2 semaphore(%dma_wait3A_166 : memref<!tpu.dma_semaphore, #tpu.memory_space<semaphore_mem>>) src(%dma_wait3A_174 : memref<768x768xf32, #tpu.memory_space<any>>) dst(%dma_wait3A_170 : memref<768x768xf32, #tpu.memory_space<vmem>>)
      %dma_wait3A_175 = arith.constant 0 : i32
      %dma_wait3A_176 = arith.constant 2 : i32
      %dma_wait3A_177 = arith.constant 0 : i32
      %dma_wait3A_178 = tpu.memref_slice %arg10[%dma_wait3A_176, %dma_wait3A_177] : memref<3x2x!tpu.dma_semaphore, #tpu.memory_space<semaphore_mem>> -> memref<1x1x!tpu.dma_semaphore, #tpu.memory_space<semaphore_mem>>
      %dma_wait3A_179 = tpu.memref_squeeze %dma_wait3A_178 : memref<1x1x!tpu.dma_semaphore, #tpu.memory_space<semaphore_mem>> -> memref<!tpu.dma_semaphore, #tpu.memory_space<semaphore_mem>>
      %dma_wait3A_180 = arith.constant 0 : i32
      %dma_wait3A_181 = arith.constant 0 : i32
      %dma_wait3A_182 = tpu.memref_slice %arg9[%dma_wait3A_175, %dma_wait3A_180, %dma_wait3A_181] : memref<2x768x768xf32, #tpu.memory_space<vmem>> -> memref<1x768x768xf32, #tpu.memory_space<vmem>>
      %dma_wait3A_183 = tpu.memref_squeeze %dma_wait3A_182 : memref<1x768x768xf32, #tpu.memory_space<vmem>> -> memref<768x768xf32, #tpu.memory_space<vmem>>
      %dma_wait3A_184 = arith.constant 0 : i32
      %dma_wait3A_185 = arith.constant 0 : i32
      %dma_wait3A_186 = tpu.memref_slice %arg5[%get3A_149, %dma_wait3A_184, %dma_wait3A_185] : memref<8x768x768xf32, #tpu.memory_space<any>> -> memref<1x768x768xf32, #tpu.memory_space<any>>
      %dma_wait3A_187 = tpu.memref_squeeze %dma_wait3A_186 : memref<1x768x768xf32, #tpu.memory_space<any>> -> memref<768x768xf32, #tpu.memory_space<any>>
      tpu.wait_dma2 semaphore(%dma_wait3A_179 : memref<!tpu.dma_semaphore, #tpu.memory_space<semaphore_mem>>) src(%dma_wait3A_187 : memref<768x768xf32, #tpu.memory_space<any>>) dst(%dma_wait3A_183 : memref<768x768xf32, #tpu.memory_space<vmem>>)
    } else {
    }
    %gt3A = arith.constant 0 : i32
    %gt3A_11 = arith.cmpi sgt, %arg0, %gt3A : i32
    %and3A = arith.andi %ne3A, %gt3A_11 : i1
    %convert_element_type3A_12 = arith.extui %and3A : i1 to i32
    %cond3A_13 = arith.constant 0 : i32
    %cond3A_14 = arith.cmpi ne, %convert_element_type3A_12, %cond3A_13 : i32
    scf.if %cond3A_14 {
      %min3A = arith.constant 15 : i32
      %min3A_53 = arith.minsi %get3A_1, %min3A : i32
      %add3A_54 = arith.constant 96 : i32
      %add3A_55 = arith.addi %add3A_54, %min3A_53 : i32
      %get3A_56 = arith.index_cast %add3A_55 : i32 to index
      %get3A_57 = memref.load %arg1[%get3A_56] : memref<112xi32, #tpu.memory_space<smem>>
      %dma_wait3A = arith.constant 0 : i32
      %dma_wait3A_58 = tpu.memref_slice %arg10[%dma_wait3A, %rem3A_2] : memref<3x2x!tpu.dma_semaphore, #tpu.memory_space<semaphore_mem>> -> memref<1x1x!tpu.dma_semaphore, #tpu.memory_space<semaphore_mem>>
      %dma_wait3A_59 = tpu.memref_squeeze %dma_wait3A_58 : memref<1x1x!tpu.dma_semaphore, #tpu.memory_space<semaphore_mem>> -> memref<!tpu.dma_semaphore, #tpu.memory_space<semaphore_mem>>
      %dma_wait3A_60 = arith.constant 0 : i32
      %dma_wait3A_61 = arith.constant 0 : i32
      %dma_wait3A_62 = tpu.memref_slice %arg7[%rem3A_2, %dma_wait3A_60, %dma_wait3A_61] : memref<2x768x768xf32, #tpu.memory_space<vmem>> -> memref<1x768x768xf32, #tpu.memory_space<vmem>>
      %dma_wait3A_63 = tpu.memref_squeeze %dma_wait3A_62 : memref<1x768x768xf32, #tpu.memory_space<vmem>> -> memref<768x768xf32, #tpu.memory_space<vmem>>
      %dma_wait3A_64 = arith.constant 0 : i32
      %dma_wait3A_65 = arith.constant 0 : i32
      %dma_wait3A_66 = tpu.memref_slice %arg3[%get3A_57, %dma_wait3A_64, %dma_wait3A_65] : memref<8x768x768xf32, #tpu.memory_space<any>> -> memref<1x768x768xf32, #tpu.memory_space<any>>
      %dma_wait3A_67 = tpu.memref_squeeze %dma_wait3A_66 : memref<1x768x768xf32, #tpu.memory_space<any>> -> memref<768x768xf32, #tpu.memory_space<any>>
      tpu.wait_dma2 semaphore(%dma_wait3A_59 : memref<!tpu.dma_semaphore, #tpu.memory_space<semaphore_mem>>) src(%dma_wait3A_67 : memref<768x768xf32, #tpu.memory_space<any>>) dst(%dma_wait3A_63 : memref<768x768xf32, #tpu.memory_space<vmem>>)
      %dma_wait3A_68 = arith.constant 1 : i32
      %dma_wait3A_69 = tpu.memref_slice %arg10[%dma_wait3A_68, %rem3A_2] : memref<3x2x!tpu.dma_semaphore, #tpu.memory_space<semaphore_mem>> -> memref<1x1x!tpu.dma_semaphore, #tpu.memory_space<semaphore_mem>>
      %dma_wait3A_70 = tpu.memref_squeeze %dma_wait3A_69 : memref<1x1x!tpu.dma_semaphore, #tpu.memory_space<semaphore_mem>> -> memref<!tpu.dma_semaphore, #tpu.memory_space<semaphore_mem>>
      %dma_wait3A_71 = arith.constant 0 : i32
      %dma_wait3A_72 = arith.constant 0 : i32
      %dma_wait3A_73 = tpu.memref_slice %arg8[%rem3A_2, %dma_wait3A_71, %dma_wait3A_72] : memref<2x768x768xf32, #tpu.memory_space<vmem>> -> memref<1x768x768xf32, #tpu.memory_space<vmem>>
      %dma_wait3A_74 = tpu.memref_squeeze %dma_wait3A_73 : memref<1x768x768xf32, #tpu.memory_space<vmem>> -> memref<768x768xf32, #tpu.memory_space<vmem>>
      %dma_wait3A_75 = arith.constant 0 : i32
      %dma_wait3A_76 = arith.constant 0 : i32
      %dma_wait3A_77 = tpu.memref_slice %arg4[%get3A_57, %dma_wait3A_75, %dma_wait3A_76] : memref<8x768x768xf32, #tpu.memory_space<any>> -> memref<1x768x768xf32, #tpu.memory_space<any>>
      %dma_wait3A_78 = tpu.memref_squeeze %dma_wait3A_77 : memref<1x768x768xf32, #tpu.memory_space<any>> -> memref<768x768xf32, #tpu.memory_space<any>>
      tpu.wait_dma2 semaphore(%dma_wait3A_70 : memref<!tpu.dma_semaphore, #tpu.memory_space<semaphore_mem>>) src(%dma_wait3A_78 : memref<768x768xf32, #tpu.memory_space<any>>) dst(%dma_wait3A_74 : memref<768x768xf32, #tpu.memory_space<vmem>>)
      %dma_wait3A_79 = arith.constant 2 : i32
      %dma_wait3A_80 = tpu.memref_slice %arg10[%dma_wait3A_79, %rem3A_2] : memref<3x2x!tpu.dma_semaphore, #tpu.memory_space<semaphore_mem>> -> memref<1x1x!tpu.dma_semaphore, #tpu.memory_space<semaphore_mem>>
      %dma_wait3A_81 = tpu.memref_squeeze %dma_wait3A_80 : memref<1x1x!tpu.dma_semaphore, #tpu.memory_space<semaphore_mem>> -> memref<!tpu.dma_semaphore, #tpu.memory_space<semaphore_mem>>
      %dma_wait3A_82 = arith.constant 0 : i32
      %dma_wait3A_83 = arith.constant 0 : i32
      %dma_wait3A_84 = tpu.memref_slice %arg9[%rem3A_2, %dma_wait3A_82, %dma_wait3A_83] : memref<2x768x768xf32, #tpu.memory_space<vmem>> -> memref<1x768x768xf32, #tpu.memory_space<vmem>>
      %dma_wait3A_85 = tpu.memref_squeeze %dma_wait3A_84 : memref<1x768x768xf32, #tpu.memory_space<vmem>> -> memref<768x768xf32, #tpu.memory_space<vmem>>
      %dma_wait3A_86 = arith.constant 0 : i32
      %dma_wait3A_87 = arith.constant 0 : i32
      %dma_wait3A_88 = tpu.memref_slice %arg5[%get3A_57, %dma_wait3A_86, %dma_wait3A_87] : memref<8x768x768xf32, #tpu.memory_space<any>> -> memref<1x768x768xf32, #tpu.memory_space<any>>
      %dma_wait3A_89 = tpu.memref_squeeze %dma_wait3A_88 : memref<1x768x768xf32, #tpu.memory_space<any>> -> memref<768x768xf32, #tpu.memory_space<any>>
      tpu.wait_dma2 semaphore(%dma_wait3A_81 : memref<!tpu.dma_semaphore, #tpu.memory_space<semaphore_mem>>) src(%dma_wait3A_89 : memref<768x768xf32, #tpu.memory_space<any>>) dst(%dma_wait3A_85 : memref<768x768xf32, #tpu.memory_space<vmem>>)
      %add3A_90 = arith.constant 1 : i32
      %add3A_91 = arith.addi %get3A_1, %add3A_90 : i32
      %sub3A_92 = arith.constant 1 : i32
      %sub3A_93 = arith.subi %sub3A_92, %rem3A_2 : i32
      %min3A_94 = arith.constant 15 : i32
      %min3A_95 = arith.minsi %add3A_91, %min3A_94 : i32
      %add3A_96 = arith.constant 96 : i32
      %add3A_97 = arith.addi %add3A_96, %min3A_95 : i32
      %get3A_98 = arith.index_cast %add3A_97 : i32 to index
      %get3A_99 = memref.load %arg1[%get3A_98] : memref<112xi32, #tpu.memory_space<smem>>
      %dma_start3A = arith.constant 0 : i32
      %dma_start3A_100 = tpu.memref_slice %arg10[%dma_start3A, %sub3A_93] : memref<3x2x!tpu.dma_semaphore, #tpu.memory_space<semaphore_mem>> -> memref<1x1x!tpu.dma_semaphore, #tpu.memory_space<semaphore_mem>>
      %dma_start3A_101 = tpu.memref_squeeze %dma_start3A_100 : memref<1x1x!tpu.dma_semaphore, #tpu.memory_space<semaphore_mem>> -> memref<!tpu.dma_semaphore, #tpu.memory_space<semaphore_mem>>
      %dma_start3A_102 = arith.constant 0 : i32
      %dma_start3A_103 = arith.constant 0 : i32
      %dma_start3A_104 = tpu.memref_slice %arg7[%sub3A_93, %dma_start3A_102, %dma_start3A_103] : memref<2x768x768xf32, #tpu.memory_space<vmem>> -> memref<1x768x768xf32, #tpu.memory_space<vmem>>
      %dma_start3A_105 = tpu.memref_squeeze %dma_start3A_104 : memref<1x768x768xf32, #tpu.memory_space<vmem>> -> memref<768x768xf32, #tpu.memory_space<vmem>>
      %dma_start3A_106 = arith.constant 0 : i32
      %dma_start3A_107 = arith.constant 0 : i32
      %dma_start3A_108 = tpu.memref_slice %arg3[%get3A_99, %dma_start3A_106, %dma_start3A_107] : memref<8x768x768xf32, #tpu.memory_space<any>> -> memref<1x768x768xf32, #tpu.memory_space<any>>
      %dma_start3A_109 = tpu.memref_squeeze %dma_start3A_108 : memref<1x768x768xf32, #tpu.memory_space<any>> -> memref<768x768xf32, #tpu.memory_space<any>>
      tpu.enqueue_dma source(%dma_start3A_109 : memref<768x768xf32, #tpu.memory_space<any>>) target(%dma_start3A_105 : memref<768x768xf32, #tpu.memory_space<vmem>>) target_semaphore(%dma_start3A_101 : memref<!tpu.dma_semaphore, #tpu.memory_space<semaphore_mem>>)
      %dma_start3A_110 = arith.constant 1 : i32
      %dma_start3A_111 = tpu.memref_slice %arg10[%dma_start3A_110, %sub3A_93] : memref<3x2x!tpu.dma_semaphore, #tpu.memory_space<semaphore_mem>> -> memref<1x1x!tpu.dma_semaphore, #tpu.memory_space<semaphore_mem>>
      %dma_start3A_112 = tpu.memref_squeeze %dma_start3A_111 : memref<1x1x!tpu.dma_semaphore, #tpu.memory_space<semaphore_mem>> -> memref<!tpu.dma_semaphore, #tpu.memory_space<semaphore_mem>>
      %dma_start3A_113 = arith.constant 0 : i32
      %dma_start3A_114 = arith.constant 0 : i32
      %dma_start3A_115 = tpu.memref_slice %arg8[%sub3A_93, %dma_start3A_113, %dma_start3A_114] : memref<2x768x768xf32, #tpu.memory_space<vmem>> -> memref<1x768x768xf32, #tpu.memory_space<vmem>>
      %dma_start3A_116 = tpu.memref_squeeze %dma_start3A_115 : memref<1x768x768xf32, #tpu.memory_space<vmem>> -> memref<768x768xf32, #tpu.memory_space<vmem>>
      %dma_start3A_117 = arith.constant 0 : i32
      %dma_start3A_118 = arith.constant 0 : i32
      %dma_start3A_119 = tpu.memref_slice %arg4[%get3A_99, %dma_start3A_117, %dma_start3A_118] : memref<8x768x768xf32, #tpu.memory_space<any>> -> memref<1x768x768xf32, #tpu.memory_space<any>>
      %dma_start3A_120 = tpu.memref_squeeze %dma_start3A_119 : memref<1x768x768xf32, #tpu.memory_space<any>> -> memref<768x768xf32, #tpu.memory_space<any>>
      tpu.enqueue_dma source(%dma_start3A_120 : memref<768x768xf32, #tpu.memory_space<any>>) target(%dma_start3A_116 : memref<768x768xf32, #tpu.memory_space<vmem>>) target_semaphore(%dma_start3A_112 : memref<!tpu.dma_semaphore, #tpu.memory_space<semaphore_mem>>)
      %dma_start3A_121 = arith.constant 2 : i32
      %dma_start3A_122 = tpu.memref_slice %arg10[%dma_start3A_121, %sub3A_93] : memref<3x2x!tpu.dma_semaphore, #tpu.memory_space<semaphore_mem>> -> memref<1x1x!tpu.dma_semaphore, #tpu.memory_space<semaphore_mem>>
      %dma_start3A_123 = tpu.memref_squeeze %dma_start3A_122 : memref<1x1x!tpu.dma_semaphore, #tpu.memory_space<semaphore_mem>> -> memref<!tpu.dma_semaphore, #tpu.memory_space<semaphore_mem>>
      %dma_start3A_124 = arith.constant 0 : i32
      %dma_start3A_125 = arith.constant 0 : i32
      %dma_start3A_126 = tpu.memref_slice %arg9[%sub3A_93, %dma_start3A_124, %dma_start3A_125] : memref<2x768x768xf32, #tpu.memory_space<vmem>> -> memref<1x768x768xf32, #tpu.memory_space<vmem>>
      %dma_start3A_127 = tpu.memref_squeeze %dma_start3A_126 : memref<1x768x768xf32, #tpu.memory_space<vmem>> -> memref<768x768xf32, #tpu.memory_space<vmem>>
      %dma_start3A_128 = arith.constant 0 : i32
      %dma_start3A_129 = arith.constant 0 : i32
      %dma_start3A_130 = tpu.memref_slice %arg5[%get3A_99, %dma_start3A_128, %dma_start3A_129] : memref<8x768x768xf32, #tpu.memory_space<any>> -> memref<1x768x768xf32, #tpu.memory_space<any>>
      %dma_start3A_131 = tpu.memref_squeeze %dma_start3A_130 : memref<1x768x768xf32, #tpu.memory_space<any>> -> memref<768x768xf32, #tpu.memory_space<any>>
      tpu.enqueue_dma source(%dma_start3A_131 : memref<768x768xf32, #tpu.memory_space<any>>) target(%dma_start3A_127 : memref<768x768xf32, #tpu.memory_space<vmem>>) target_semaphore(%dma_start3A_123 : memref<!tpu.dma_semaphore, #tpu.memory_space<semaphore_mem>>)
    } else {
    }
    %get3A_15 = arith.constant 0 : index
    %get3A_16 = arith.constant 0 : index
    %get3A_17 = vector.load %arg2[%get3A_15, %get3A_16] : memref<256x384xi32, #tpu.memory_space<vmem>>, vector<256x384xi32>
    %unpack_elementwise3A = tpu.unpack_elementwise %get3A_17, 0 {source_type = bf16} : vector<256x384xi32> -> vector<256x384xf32>
    %unpack_elementwise3A_18 = tpu.unpack_elementwise %get3A_17, 1 {source_type = bf16} : vector<256x384xi32> -> vector<256x384xf32>
    %concatenate3A = tpu.concatenate %unpack_elementwise3A, %unpack_elementwise3A_18 in 1 : vector<256x384xf32>, vector<256x384xf32> -> vector<256x768xf32>
    %get3A_19 = arith.index_cast %rem3A_2 : i32 to index
    %get3A_20 = arith.constant 0 : index
    %get3A_21 = arith.constant 0 : index
    %get3A_22 = vector.load %arg7[%get3A_19, %get3A_20, %get3A_21] : memref<2x768x768xf32, #tpu.memory_space<vmem>>, vector<1x768x768xf32>
    %get3A_23 = vector.shape_cast %get3A_22 : vector<1x768x768xf32> to vector<768x768xf32>
    %dot_general3A = arith.constant dense<0.000000e+00> : vector<256x768xf32>
    %dot_general3A_24 = tpu.matmul %concatenate3A, %get3A_23, %dot_general3A {dimension_numbers = #tpu.dot_dimension_numbers<[1], [0], [0], [1], [0, 0, 1, 1], [], []>, transpose_lhs_hint = false} : vector<256x768xf32>, vector<768x768xf32>, vector<256x768xf32> -> vector<256x768xf32>
    %get3A_25 = arith.index_cast %rem3A_2 : i32 to index
    %get3A_26 = arith.constant 0 : index
    %get3A_27 = arith.constant 0 : index
    %get3A_28 = vector.load %arg8[%get3A_25, %get3A_26, %get3A_27] : memref<2x768x768xf32, #tpu.memory_space<vmem>>, vector<1x768x768xf32>
    %get3A_29 = vector.shape_cast %get3A_28 : vector<1x768x768xf32> to vector<768x768xf32>
    %dot_general3A_30 = arith.constant dense<0.000000e+00> : vector<256x768xf32>
    %dot_general3A_31 = tpu.matmul %concatenate3A, %get3A_29, %dot_general3A_30 {dimension_numbers = #tpu.dot_dimension_numbers<[1], [0], [0], [1], [0, 0, 1, 1], [], []>, transpose_lhs_hint = false} : vector<256x768xf32>, vector<768x768xf32>, vector<256x768xf32> -> vector<256x768xf32>
    %logistic3A = arith.negf %dot_general3A_24 : vector<256x768xf32>
    %logistic3A_32 = math.exp %logistic3A : vector<256x768xf32>
    %logistic3A_33 = arith.constant 1.000000e+00 : f32
    %logistic3A_34 = vector.broadcast %logistic3A_33 : f32 to vector<256x768xf32>
    %logistic3A_35 = arith.addf %logistic3A_34, %logistic3A_32 : vector<256x768xf32>
    %logistic3A_36 = arith.divf %logistic3A_34, %logistic3A_35 : vector<256x768xf32>
    %mul3A = arith.mulf %dot_general3A_24, %logistic3A_36 : vector<256x768xf32>
    %mul3A_37 = arith.mulf %mul3A, %dot_general3A_31 : vector<256x768xf32>
    %get3A_38 = arith.index_cast %rem3A_2 : i32 to index
    %get3A_39 = arith.constant 0 : index
    %get3A_40 = arith.constant 0 : index
    %get3A_41 = vector.load %arg9[%get3A_38, %get3A_39, %get3A_40] : memref<2x768x768xf32, #tpu.memory_space<vmem>>, vector<1x768x768xf32>
    %get3A_42 = vector.shape_cast %get3A_41 : vector<1x768x768xf32> to vector<768x768xf32>
    %dot_general3A_43 = arith.constant dense<0.000000e+00> : vector<256x768xf32>
    %dot_general3A_44 = tpu.matmul %mul3A_37, %get3A_42, %dot_general3A_43 {dimension_numbers = #tpu.dot_dimension_numbers<[1], [0], [0], [1], [0, 0, 1, 1], [], []>, transpose_lhs_hint = false} : vector<256x768xf32>, vector<768x768xf32>, vector<256x768xf32> -> vector<256x768xf32>
    %slice3A = vector.extract_strided_slice %dot_general3A_44 {offsets = [0, 0], sizes = [256, 384], strides = [1, 1]} : vector<256x768xf32> to vector<256x384xf32>
    %slice3A_45 = vector.extract_strided_slice %dot_general3A_44 {offsets = [0, 384], sizes = [256, 384], strides = [1, 1]} : vector<256x768xf32> to vector<256x384xf32>
    %pack_elementwise3A = tpu.pack_elementwise %slice3A, %slice3A_45 {target_type = bf16} : vector<256x384xf32>, vector<256x384xf32> -> vector<256x384xi32>
    %swap3A = arith.constant 0 : index
    %swap3A_46 = arith.constant 0 : index
    %swap3A_47 = vector.load %arg6[%swap3A, %swap3A_46] : memref<256x384xi32, #tpu.memory_space<vmem>>, vector<256x384xi32>
    tpu.vector_store %arg6[%swap3A, %swap3A_46], %pack_elementwise3A {strides = array<i32>} : memref<256x384xi32, #tpu.memory_space<vmem>>, vector<256x384xi32>,
    %eq3A_48 = arith.constant 39 : i32
    %eq3A_49 = arith.cmpi eq, %arg0, %eq3A_48 : i32
    %convert_element_type3A_50 = arith.extui %eq3A_49 : i1 to i32
    %cond3A_51 = arith.constant 0 : i32
    %cond3A_52 = arith.cmpi ne, %convert_element_type3A_50, %cond3A_51 : i32
    scf.if %cond3A_52 {
      %add3A_53 = arith.constant 1 : i32
      %add3A_54 = arith.addi %get3A_1, %add3A_53 : i32
      %sub3A_55 = arith.constant 1 : i32
      %sub3A_56 = arith.subi %sub3A_55, %rem3A_2 : i32
      %min3A = arith.constant 15 : i32
      %min3A_57 = arith.minsi %add3A_54, %min3A : i32
      %add3A_58 = arith.constant 96 : i32
      %add3A_59 = arith.addi %add3A_58, %min3A_57 : i32
      %get3A_60 = arith.index_cast %add3A_59 : i32 to index
      %get3A_61 = memref.load %arg1[%get3A_60] : memref<112xi32, #tpu.memory_space<smem>>
      %dma_wait3A = arith.constant 0 : i32
      %dma_wait3A_62 = tpu.memref_slice %arg10[%dma_wait3A, %sub3A_56] : memref<3x2x!tpu.dma_semaphore, #tpu.memory_space<semaphore_mem>> -> memref<1x1x!tpu.dma_semaphore, #tpu.memory_space<semaphore_mem>>
      %dma_wait3A_63 = tpu.memref_squeeze %dma_wait3A_62 : memref<1x1x!tpu.dma_semaphore, #tpu.memory_space<semaphore_mem>> -> memref<!tpu.dma_semaphore, #tpu.memory_space<semaphore_mem>>
      %dma_wait3A_64 = arith.constant 0 : i32
      %dma_wait3A_65 = arith.constant 0 : i32
      %dma_wait3A_66 = tpu.memref_slice %arg7[%sub3A_56, %dma_wait3A_64, %dma_wait3A_65] : memref<2x768x768xf32, #tpu.memory_space<vmem>> -> memref<1x768x768xf32, #tpu.memory_space<vmem>>
      %dma_wait3A_67 = tpu.memref_squeeze %dma_wait3A_66 : memref<1x768x768xf32, #tpu.memory_space<vmem>> -> memref<768x768xf32, #tpu.memory_space<vmem>>
      %dma_wait3A_68 = arith.constant 0 : i32
      %dma_wait3A_69 = arith.constant 0 : i32
      %dma_wait3A_70 = tpu.memref_slice %arg3[%get3A_61, %dma_wait3A_68, %dma_wait3A_69] : memref<8x768x768xf32, #tpu.memory_space<any>> -> memref<1x768x768xf32, #tpu.memory_space<any>>
      %dma_wait3A_71 = tpu.memref_squeeze %dma_wait3A_70 : memref<1x768x768xf32, #tpu.memory_space<any>> -> memref<768x768xf32, #tpu.memory_space<any>>
      tpu.wait_dma2 semaphore(%dma_wait3A_63 : memref<!tpu.dma_semaphore, #tpu.memory_space<semaphore_mem>>) src(%dma_wait3A_71 : memref<768x768xf32, #tpu.memory_space<any>>) dst(%dma_wait3A_67 : memref<768x768xf32, #tpu.memory_space<vmem>>)
      %dma_wait3A_72 = arith.constant 1 : i32
      %dma_wait3A_73 = tpu.memref_slice %arg10[%dma_wait3A_72, %sub3A_56] : memref<3x2x!tpu.dma_semaphore, #tpu.memory_space<semaphore_mem>> -> memref<1x1x!tpu.dma_semaphore, #tpu.memory_space<semaphore_mem>>
      %dma_wait3A_74 = tpu.memref_squeeze %dma_wait3A_73 : memref<1x1x!tpu.dma_semaphore, #tpu.memory_space<semaphore_mem>> -> memref<!tpu.dma_semaphore, #tpu.memory_space<semaphore_mem>>
      %dma_wait3A_75 = arith.constant 0 : i32
      %dma_wait3A_76 = arith.constant 0 : i32
      %dma_wait3A_77 = tpu.memref_slice %arg8[%sub3A_56, %dma_wait3A_75, %dma_wait3A_76] : memref<2x768x768xf32, #tpu.memory_space<vmem>> -> memref<1x768x768xf32, #tpu.memory_space<vmem>>
      %dma_wait3A_78 = tpu.memref_squeeze %dma_wait3A_77 : memref<1x768x768xf32, #tpu.memory_space<vmem>> -> memref<768x768xf32, #tpu.memory_space<vmem>>
      %dma_wait3A_79 = arith.constant 0 : i32
      %dma_wait3A_80 = arith.constant 0 : i32
      %dma_wait3A_81 = tpu.memref_slice %arg4[%get3A_61, %dma_wait3A_79, %dma_wait3A_80] : memref<8x768x768xf32, #tpu.memory_space<any>> -> memref<1x768x768xf32, #tpu.memory_space<any>>
      %dma_wait3A_82 = tpu.memref_squeeze %dma_wait3A_81 : memref<1x768x768xf32, #tpu.memory_space<any>> -> memref<768x768xf32, #tpu.memory_space<any>>
      tpu.wait_dma2 semaphore(%dma_wait3A_74 : memref<!tpu.dma_semaphore, #tpu.memory_space<semaphore_mem>>) src(%dma_wait3A_82 : memref<768x768xf32, #tpu.memory_space<any>>) dst(%dma_wait3A_78 : memref<768x768xf32, #tpu.memory_space<vmem>>)
      %dma_wait3A_83 = arith.constant 2 : i32
      %dma_wait3A_84 = tpu.memref_slice %arg10[%dma_wait3A_83, %sub3A_56] : memref<3x2x!tpu.dma_semaphore, #tpu.memory_space<semaphore_mem>> -> memref<1x1x!tpu.dma_semaphore, #tpu.memory_space<semaphore_mem>>
      %dma_wait3A_85 = tpu.memref_squeeze %dma_wait3A_84 : memref<1x1x!tpu.dma_semaphore, #tpu.memory_space<semaphore_mem>> -> memref<!tpu.dma_semaphore, #tpu.memory_space<semaphore_mem>>
      %dma_wait3A_86 = arith.constant 0 : i32
      %dma_wait3A_87 = arith.constant 0 : i32
      %dma_wait3A_88 = tpu.memref_slice %arg9[%sub3A_56, %dma_wait3A_86, %dma_wait3A_87] : memref<2x768x768xf32, #tpu.memory_space<vmem>> -> memref<1x768x768xf32, #tpu.memory_space<vmem>>
      %dma_wait3A_89 = tpu.memref_squeeze %dma_wait3A_88 : memref<1x768x768xf32, #tpu.memory_space<vmem>> -> memref<768x768xf32, #tpu.memory_space<vmem>>
      %dma_wait3A_90 = arith.constant 0 : i32
      %dma_wait3A_91 = arith.constant 0 : i32
      %dma_wait3A_92 = tpu.memref_slice %arg5[%get3A_61, %dma_wait3A_90, %dma_wait3A_91] : memref<8x768x768xf32, #tpu.memory_space<any>> -> memref<1x768x768xf32, #tpu.memory_space<any>>
      %dma_wait3A_93 = tpu.memref_squeeze %dma_wait3A_92 : memref<1x768x768xf32, #tpu.memory_space<any>> -> memref<768x768xf32, #tpu.memory_space<any>>
      tpu.wait_dma2 semaphore(%dma_wait3A_85 : memref<!tpu.dma_semaphore, #tpu.memory_space<semaphore_mem>>) src(%dma_wait3A_93 : memref<768x768xf32, #tpu.memory_space<any>>) dst(%dma_wait3A_89 : memref<768x768xf32, #tpu.memory_space<vmem>>)
    } else {
    }
    return
  }
  func.func @transform_0(%arg0: i32, %arg1: memref<112xi32, #tpu.memory_space<smem>>) -> (i32, i32) {
    %c0_i32 = arith.constant 0 : i32
    %c0_i32_0 = arith.constant 0 : i32
    return %arg0, %c0_i32 : i32, i32
  }
  func.func @transform_4(%arg0: i32, %arg1: memref<112xi32, #tpu.memory_space<smem>>) -> (i32, i32) {
    %c0_i32 = arith.constant 0 : i32
    %c0_i32_0 = arith.constant 0 : i32
    return %arg0, %c0_i32 : i32, i32
  }
}

module attributes {stable_mosaic.version = 14 : i64} {
  func.func @_shared_body(%arg0: i32, %arg1: memref<256x768xf32, #tpu.memory_space<vmem>>, %arg2: memref<768x768xf32, #tpu.memory_space<vmem>>, %arg3: memref<768x768xf32, #tpu.memory_space<vmem>>, %arg4: memref<768x768xf32, #tpu.memory_space<vmem>>, %arg5: memref<256x768xf32, #tpu.memory_space<vmem>>) attributes {dimension_semantics = [#tpu.dimension_semantics<parallel>], iteration_bounds = array<i64: 8>, scalar_prefetch = 0 : i64, scratch_operands = 0 : i64, tpu.core_type = #tpu.core_type<tc>, window_params = [{transform_indices = @transform_0, window_bounds = array<i64: 256, 768>}, {transform_indices = @transform_1, window_bounds = array<i64: 768, 768>}, {transform_indices = @transform_2, window_bounds = array<i64: 768, 768>}, {transform_indices = @transform_3, window_bounds = array<i64: 768, 768>}, {transform_indices = @transform_4, window_bounds = array<i64: 256, 768>}]} {
    %get3A = arith.constant 0 : index
    %get3A_0 = arith.constant 0 : index
    %get3A_1 = vector.load %arg1[%get3A, %get3A_0] : memref<256x768xf32, #tpu.memory_space<vmem>>, vector<256x768xf32>
    %get3A_2 = arith.constant 0 : index
    %get3A_3 = arith.constant 0 : index
    %get3A_4 = vector.load %arg2[%get3A_2, %get3A_3] : memref<768x768xf32, #tpu.memory_space<vmem>>, vector<768x768xf32>
    %dot_general3A = arith.constant dense<0.000000e+00> : vector<256x768xf32>
    %dot_general3A_5 = tpu.matmul %get3A_1, %get3A_4, %dot_general3A {dimension_numbers = #tpu.dot_dimension_numbers<[1], [0], [0], [1], [0, 0, 1, 1], [], []>, transpose_lhs_hint = false} : vector<256x768xf32>, vector<768x768xf32>, vector<256x768xf32> -> vector<256x768xf32>
    %get3A_6 = arith.constant 0 : index
    %get3A_7 = arith.constant 0 : index
    %get3A_8 = vector.load %arg3[%get3A_6, %get3A_7] : memref<768x768xf32, #tpu.memory_space<vmem>>, vector<768x768xf32>
    %dot_general3A_9 = arith.constant dense<0.000000e+00> : vector<256x768xf32>
    %dot_general3A_10 = tpu.matmul %get3A_1, %get3A_8, %dot_general3A_9 {dimension_numbers = #tpu.dot_dimension_numbers<[1], [0], [0], [1], [0, 0, 1, 1], [], []>, transpose_lhs_hint = false} : vector<256x768xf32>, vector<768x768xf32>, vector<256x768xf32> -> vector<256x768xf32>
    %logistic3A = arith.negf %dot_general3A_5 : vector<256x768xf32>
    %logistic3A_11 = math.exp %logistic3A : vector<256x768xf32>
    %logistic3A_12 = arith.constant 1.000000e+00 : f32
    %logistic3A_13 = vector.broadcast %logistic3A_12 : f32 to vector<256x768xf32>
    %logistic3A_14 = arith.addf %logistic3A_13, %logistic3A_11 : vector<256x768xf32>
    %logistic3A_15 = arith.divf %logistic3A_13, %logistic3A_14 : vector<256x768xf32>
    %mul3A = arith.mulf %dot_general3A_5, %logistic3A_15 : vector<256x768xf32>
    %mul3A_16 = arith.mulf %mul3A, %dot_general3A_10 : vector<256x768xf32>
    %get3A_17 = arith.constant 0 : index
    %get3A_18 = arith.constant 0 : index
    %get3A_19 = vector.load %arg4[%get3A_17, %get3A_18] : memref<768x768xf32, #tpu.memory_space<vmem>>, vector<768x768xf32>
    %dot_general3A_20 = arith.constant dense<0.000000e+00> : vector<256x768xf32>
    %dot_general3A_21 = tpu.matmul %mul3A_16, %get3A_19, %dot_general3A_20 {dimension_numbers = #tpu.dot_dimension_numbers<[1], [0], [0], [1], [0, 0, 1, 1], [], []>, transpose_lhs_hint = false} : vector<256x768xf32>, vector<768x768xf32>, vector<256x768xf32> -> vector<256x768xf32>
    %swap3A = arith.constant 0 : index
    %swap3A_22 = arith.constant 0 : index
    %swap3A_23 = vector.load %arg5[%swap3A, %swap3A_22] : memref<256x768xf32, #tpu.memory_space<vmem>>, vector<256x768xf32>
    tpu.vector_store %arg5[%swap3A, %swap3A_22], %dot_general3A_21 {strides = array<i32>} : memref<256x768xf32, #tpu.memory_space<vmem>>, vector<256x768xf32>,
    return
  }
  func.func @transform_0(%arg0: i32) -> (i32, i32) {
    %c0_i32 = arith.constant 0 : i32
    %c0_i32_0 = arith.constant 0 : i32
    return %arg0, %c0_i32 : i32, i32
  }
  func.func @transform_1(%arg0: i32) -> (i32, i32) {
    %c0_i32 = arith.constant 0 : i32
    %c1_i32 = arith.constant 1 : i32
    %c0_i32_0 = arith.constant 0 : i32
    return %c0_i32, %c1_i32 : i32, i32
  }
  func.func @transform_2(%arg0: i32) -> (i32, i32) {
    %c0_i32 = arith.constant 0 : i32
    %c1_i32 = arith.constant 1 : i32
    %c0_i32_0 = arith.constant 0 : i32
    return %c0_i32, %c1_i32 : i32, i32
  }
  func.func @transform_3(%arg0: i32) -> (i32, i32) {
    %c1_i32 = arith.constant 1 : i32
    %c0_i32 = arith.constant 0 : i32
    %c0_i32_0 = arith.constant 0 : i32
    return %c1_i32, %c0_i32 : i32, i32
  }
  func.func @transform_4(%arg0: i32) -> (i32, i32) {
    %c0_i32 = arith.constant 0 : i32
    %c0_i32_0 = arith.constant 0 : i32
    return %arg0, %c0_i32 : i32, i32
  }
}

module attributes {stable_mosaic.version = 14 : i64} {
  func.func @_post_body(%arg0: i32, %arg1: memref<4x256x384xi32, #tpu.memory_space<vmem>>, %arg2: memref<4x256xf32, #tpu.memory_space<vmem>>, %arg3: memref<256x768xf32, #tpu.memory_space<vmem>>, %arg4: memref<256x768xf32, #tpu.memory_space<vmem>>, %arg5: memref<768x768xf32, #tpu.memory_space<vmem>>, %arg6: memref<768xf32, #tpu.memory_space<vmem>>, %arg7: memref<768x1536xf32, #tpu.memory_space<vmem>>, %arg8: memref<1536xf32, #tpu.memory_space<vmem>>, %arg9: memref<768x768xf32, #tpu.memory_space<vmem>>, %arg10: memref<768xf32, #tpu.memory_space<vmem>>, %arg11: memref<768x1536xf32, #tpu.memory_space<vmem>>, %arg12: memref<1536xf32, #tpu.memory_space<vmem>>, %arg13: memref<256x768xf32, #tpu.memory_space<vmem>>) attributes {dimension_semantics = [#tpu.dimension_semantics<parallel>], iteration_bounds = array<i64: 8>, scalar_prefetch = 0 : i64, scratch_operands = 0 : i64, tpu.core_type = #tpu.core_type<tc>, window_params = [{transform_indices = @transform_0, window_bounds = array<i64: 4, 256, 384>}, {transform_indices = @transform_1, window_bounds = array<i64: 4, 256>}, {transform_indices = @transform_2, window_bounds = array<i64: 256, 768>}, {transform_indices = @transform_3, window_bounds = array<i64: 256, 768>}, {pipeline_mode = #tpu.pipeline_mode<synchronous>, transform_indices = @transform_4, window_bounds = array<i64: 768, 768>}, {pipeline_mode = #tpu.pipeline_mode<synchronous>, transform_indices = @transform_5, window_bounds = array<i64: 768>}, {pipeline_mode = #tpu.pipeline_mode<synchronous>, transform_indices = @transform_6, window_bounds = array<i64: 768, 1536>}, {pipeline_mode = #tpu.pipeline_mode<synchronous>, transform_indices = @transform_7, window_bounds = array<i64: 1536>}, {pipeline_mode = #tpu.pipeline_mode<synchronous>, transform_indices = @transform_8, window_bounds = array<i64: 768, 768>}, {pipeline_mode = #tpu.pipeline_mode<synchronous>, transform_indices = @transform_9, window_bounds = array<i64: 768>}, {pipeline_mode = #tpu.pipeline_mode<synchronous>, transform_indices = @transform_10, window_bounds = array<i64: 768, 1536>}, {pipeline_mode = #tpu.pipeline_mode<synchronous>, transform_indices = @transform_11, window_bounds = array<i64: 1536>}, {transform_indices = @transform_12, window_bounds = array<i64: 256, 768>}]} {
    %get3A = arith.constant 0 : index
    %get3A_0 = arith.constant 0 : index
    %get3A_1 = vector.load %arg3[%get3A, %get3A_0] : memref<256x768xf32, #tpu.memory_space<vmem>>, vector<256x768xf32>
    %get3A_2 = arith.constant 0 : index
    %get3A_3 = arith.constant 0 : index
    %get3A_4 = vector.load %arg4[%get3A_2, %get3A_3] : memref<256x768xf32, #tpu.memory_space<vmem>>, vector<256x768xf32>
    %add3A = arith.addf %get3A_1, %get3A_4 : vector<256x768xf32>
    %get3A_5 = arith.constant 0 : index
    %get3A_6 = arith.constant 0 : index
    %get3A_7 = vector.load %arg2[%get3A_5, %get3A_6] : memref<4x256xf32, #tpu.memory_space<vmem>>, vector<4x256xf32>
    %transpose3A = tpu.transpose %get3A_7, [1, 0] : vector<4x256xf32> -> vector<256x4xf32>
    %slice3A = vector.extract_strided_slice %transpose3A {offsets = [0, 0], sizes = [256, 1], strides = [1, 1]} : vector<256x4xf32> to vector<256x1xf32>
    %get3A_8 = arith.constant 0 : index
    %get3A_9 = arith.constant 0 : index
    %get3A_10 = arith.constant 0 : index
    %get3A_11 = vector.load %arg1[%get3A_8, %get3A_9, %get3A_10] : memref<4x256x384xi32, #tpu.memory_space<vmem>>, vector<1x256x384xi32>
    %get3A_12 = vector.shape_cast %get3A_11 : vector<1x256x384xi32> to vector<256x384xi32>
    %unpack_elementwise3A = tpu.unpack_elementwise %get3A_12, 0 {source_type = bf16} : vector<256x384xi32> -> vector<256x384xf32>
    %unpack_elementwise3A_13 = tpu.unpack_elementwise %get3A_12, 1 {source_type = bf16} : vector<256x384xi32> -> vector<256x384xf32>
    %concatenate3A = tpu.concatenate %unpack_elementwise3A, %unpack_elementwise3A_13 in 1 : vector<256x384xf32>, vector<256x384xf32> -> vector<256x768xf32>
    %gt3A = arith.constant 0.000000e+00 : f32
    %gt3A_14 = vector.broadcast %gt3A : f32 to vector<256x1xf32>
    %gt3A_15 = arith.cmpf ogt, %slice3A, %gt3A_14 : vector<256x1xf32>
    %mul3A = vector.broadcast %slice3A : vector<256x1xf32> to vector<256x768xf32>
    %mul3A_16 = arith.mulf %mul3A, %concatenate3A : vector<256x768xf32>
    %jit3A = arith.constant 0.000000e+00 : f32
    %broadcast_in_dim3A = vector.shape_cast %gt3A_15 : vector<256x1xi1> to vector<256x1xi1>
    %broadcast_in_dim3A_17 = vector.broadcast %broadcast_in_dim3A : vector<256x1xi1> to vector<256x768xi1>
    %broadcast_in_dim3A_18 = vector.broadcast %jit3A : f32 to vector<256x768xf32>
    %select_n3A = arith.select %broadcast_in_dim3A_17, %mul3A_16, %broadcast_in_dim3A_18 : vector<256x768xi1>, vector<256x768xf32>
    %add3A_19 = arith.addf %add3A, %select_n3A : vector<256x768xf32>
    %slice3A_20 = vector.extract_strided_slice %transpose3A {offsets = [0, 1], sizes = [256, 1], strides = [1, 1]} : vector<256x4xf32> to vector<256x1xf32>
    %get3A_21 = arith.constant 1 : index
    %get3A_22 = arith.constant 0 : index
    %get3A_23 = arith.constant 0 : index
    %get3A_24 = vector.load %arg1[%get3A_21, %get3A_22, %get3A_23] : memref<4x256x384xi32, #tpu.memory_space<vmem>>, vector<1x256x384xi32>
    %get3A_25 = vector.shape_cast %get3A_24 : vector<1x256x384xi32> to vector<256x384xi32>
    %unpack_elementwise3A_26 = tpu.unpack_elementwise %get3A_25, 0 {source_type = bf16} : vector<256x384xi32> -> vector<256x384xf32>
    %unpack_elementwise3A_27 = tpu.unpack_elementwise %get3A_25, 1 {source_type = bf16} : vector<256x384xi32> -> vector<256x384xf32>
    %concatenate3A_28 = tpu.concatenate %unpack_elementwise3A_26, %unpack_elementwise3A_27 in 1 : vector<256x384xf32>, vector<256x384xf32> -> vector<256x768xf32>
    %gt3A_29 = arith.constant 0.000000e+00 : f32
    %gt3A_30 = vector.broadcast %gt3A_29 : f32 to vector<256x1xf32>
    %gt3A_31 = arith.cmpf ogt, %slice3A_20, %gt3A_30 : vector<256x1xf32>
    %mul3A_32 = vector.broadcast %slice3A_20 : vector<256x1xf32> to vector<256x768xf32>
    %mul3A_33 = arith.mulf %mul3A_32, %concatenate3A_28 : vector<256x768xf32>
    %jit3A_34 = arith.constant 0.000000e+00 : f32
    %broadcast_in_dim3A_35 = vector.shape_cast %gt3A_31 : vector<256x1xi1> to vector<256x1xi1>
    %broadcast_in_dim3A_36 = vector.broadcast %broadcast_in_dim3A_35 : vector<256x1xi1> to vector<256x768xi1>
    %broadcast_in_dim3A_37 = vector.broadcast %jit3A_34 : f32 to vector<256x768xf32>
    %select_n3A_38 = arith.select %broadcast_in_dim3A_36, %mul3A_33, %broadcast_in_dim3A_37 : vector<256x768xi1>, vector<256x768xf32>
    %add3A_39 = arith.addf %add3A_19, %select_n3A_38 : vector<256x768xf32>
    %slice3A_40 = vector.extract_strided_slice %transpose3A {offsets = [0, 2], sizes = [256, 1], strides = [1, 1]} : vector<256x4xf32> to vector<256x1xf32>
    %get3A_41 = arith.constant 2 : index
    %get3A_42 = arith.constant 0 : index
    %get3A_43 = arith.constant 0 : index
    %get3A_44 = vector.load %arg1[%get3A_41, %get3A_42, %get3A_43] : memref<4x256x384xi32, #tpu.memory_space<vmem>>, vector<1x256x384xi32>
    %get3A_45 = vector.shape_cast %get3A_44 : vector<1x256x384xi32> to vector<256x384xi32>
    %unpack_elementwise3A_46 = tpu.unpack_elementwise %get3A_45, 0 {source_type = bf16} : vector<256x384xi32> -> vector<256x384xf32>
    %unpack_elementwise3A_47 = tpu.unpack_elementwise %get3A_45, 1 {source_type = bf16} : vector<256x384xi32> -> vector<256x384xf32>
    %concatenate3A_48 = tpu.concatenate %unpack_elementwise3A_46, %unpack_elementwise3A_47 in 1 : vector<256x384xf32>, vector<256x384xf32> -> vector<256x768xf32>
    %gt3A_49 = arith.constant 0.000000e+00 : f32
    %gt3A_50 = vector.broadcast %gt3A_49 : f32 to vector<256x1xf32>
    %gt3A_51 = arith.cmpf ogt, %slice3A_40, %gt3A_50 : vector<256x1xf32>
    %mul3A_52 = vector.broadcast %slice3A_40 : vector<256x1xf32> to vector<256x768xf32>
    %mul3A_53 = arith.mulf %mul3A_52, %concatenate3A_48 : vector<256x768xf32>
    %jit3A_54 = arith.constant 0.000000e+00 : f32
    %broadcast_in_dim3A_55 = vector.shape_cast %gt3A_51 : vector<256x1xi1> to vector<256x1xi1>
    %broadcast_in_dim3A_56 = vector.broadcast %broadcast_in_dim3A_55 : vector<256x1xi1> to vector<256x768xi1>
    %broadcast_in_dim3A_57 = vector.broadcast %jit3A_54 : f32 to vector<256x768xf32>
    %select_n3A_58 = arith.select %broadcast_in_dim3A_56, %mul3A_53, %broadcast_in_dim3A_57 : vector<256x768xi1>, vector<256x768xf32>
    %add3A_59 = arith.addf %add3A_39, %select_n3A_58 : vector<256x768xf32>
    %slice3A_60 = vector.extract_strided_slice %transpose3A {offsets = [0, 3], sizes = [256, 1], strides = [1, 1]} : vector<256x4xf32> to vector<256x1xf32>
    %get3A_61 = arith.constant 3 : index
    %get3A_62 = arith.constant 0 : index
    %get3A_63 = arith.constant 0 : index
    %get3A_64 = vector.load %arg1[%get3A_61, %get3A_62, %get3A_63] : memref<4x256x384xi32, #tpu.memory_space<vmem>>, vector<1x256x384xi32>
    %get3A_65 = vector.shape_cast %get3A_64 : vector<1x256x384xi32> to vector<256x384xi32>
    %unpack_elementwise3A_66 = tpu.unpack_elementwise %get3A_65, 0 {source_type = bf16} : vector<256x384xi32> -> vector<256x384xf32>
    %unpack_elementwise3A_67 = tpu.unpack_elementwise %get3A_65, 1 {source_type = bf16} : vector<256x384xi32> -> vector<256x384xf32>
    %concatenate3A_68 = tpu.concatenate %unpack_elementwise3A_66, %unpack_elementwise3A_67 in 1 : vector<256x384xf32>, vector<256x384xf32> -> vector<256x768xf32>
    %gt3A_69 = arith.constant 0.000000e+00 : f32
    %gt3A_70 = vector.broadcast %gt3A_69 : f32 to vector<256x1xf32>
    %gt3A_71 = arith.cmpf ogt, %slice3A_60, %gt3A_70 : vector<256x1xf32>
    %mul3A_72 = vector.broadcast %slice3A_60 : vector<256x1xf32> to vector<256x768xf32>
    %mul3A_73 = arith.mulf %mul3A_72, %concatenate3A_68 : vector<256x768xf32>
    %jit3A_74 = arith.constant 0.000000e+00 : f32
    %broadcast_in_dim3A_75 = vector.shape_cast %gt3A_71 : vector<256x1xi1> to vector<256x1xi1>
    %broadcast_in_dim3A_76 = vector.broadcast %broadcast_in_dim3A_75 : vector<256x1xi1> to vector<256x768xi1>
    %broadcast_in_dim3A_77 = vector.broadcast %jit3A_74 : f32 to vector<256x768xf32>
    %select_n3A_78 = arith.select %broadcast_in_dim3A_76, %mul3A_73, %broadcast_in_dim3A_77 : vector<256x768xi1>, vector<256x768xf32>
    %add3A_79 = arith.addf %add3A_59, %select_n3A_78 : vector<256x768xf32>
    %get3A_80 = arith.constant 0 : index
    %get3A_81 = arith.constant 0 : index
    %get3A_82 = vector.load %arg5[%get3A_80, %get3A_81] : memref<768x768xf32, #tpu.memory_space<vmem>>, vector<768x768xf32>
    %dot_general3A = arith.constant dense<0.000000e+00> : vector<256x768xf32>
    %dot_general3A_83 = tpu.matmul %add3A_79, %get3A_82, %dot_general3A {dimension_numbers = #tpu.dot_dimension_numbers<[1], [0], [0], [1], [0, 0, 1, 1], [], []>, transpose_lhs_hint = false} : vector<256x768xf32>, vector<768x768xf32>, vector<256x768xf32> -> vector<256x768xf32>
    %get3A_84 = arith.constant 0 : index
    %get3A_85 = vector.load %arg6[%get3A_84] : memref<768xf32, #tpu.memory_space<vmem>>, vector<768xf32>
    %broadcast_in_dim3A_86 = vector.shape_cast %get3A_85 : vector<768xf32> to vector<1x768xf32>
    %add3A_87 = vector.broadcast %broadcast_in_dim3A_86 : vector<1x768xf32> to vector<256x768xf32>
    %add3A_88 = arith.addf %dot_general3A_83, %add3A_87 : vector<256x768xf32>
    %get3A_89 = arith.constant 0 : index
    %get3A_90 = arith.constant 0 : index
    %get3A_91 = vector.load %arg7[%get3A_89, %get3A_90] : memref<768x1536xf32, #tpu.memory_space<vmem>>, vector<768x1536xf32>
    %dot_general3A_92 = arith.constant dense<0.000000e+00> : vector<256x1536xf32>
    %dot_general3A_93 = tpu.matmul %add3A_88, %get3A_91, %dot_general3A_92 {dimension_numbers = #tpu.dot_dimension_numbers<[1], [0], [0], [1], [0, 0, 1, 1], [], []>, transpose_lhs_hint = false} : vector<256x768xf32>, vector<768x1536xf32>, vector<256x1536xf32> -> vector<256x1536xf32>
    %get3A_94 = arith.constant 0 : index
    %get3A_95 = vector.load %arg8[%get3A_94] : memref<1536xf32, #tpu.memory_space<vmem>>, vector<1536xf32>
    %broadcast_in_dim3A_96 = vector.shape_cast %get3A_95 : vector<1536xf32> to vector<1x1536xf32>
    %add3A_97 = vector.broadcast %broadcast_in_dim3A_96 : vector<1x1536xf32> to vector<256x1536xf32>
    %add3A_98 = arith.addf %dot_general3A_93, %add3A_97 : vector<256x1536xf32>
    %slice3A_99 = vector.extract_strided_slice %add3A_98 {offsets = [0, 0], sizes = [256, 768], strides = [1, 1]} : vector<256x1536xf32> to vector<256x768xf32>
    %slice3A_100 = vector.extract_strided_slice %add3A_98 {offsets = [0, 768], sizes = [256, 768], strides = [1, 1]} : vector<256x1536xf32> to vector<256x768xf32>
    %logistic3A = arith.negf %slice3A_100 : vector<256x768xf32>
    %logistic3A_101 = math.exp %logistic3A : vector<256x768xf32>
    %logistic3A_102 = arith.constant 1.000000e+00 : f32
    %logistic3A_103 = vector.broadcast %logistic3A_102 : f32 to vector<256x768xf32>
    %logistic3A_104 = arith.addf %logistic3A_103, %logistic3A_101 : vector<256x768xf32>
    %logistic3A_105 = arith.divf %logistic3A_103, %logistic3A_104 : vector<256x768xf32>
    %mul3A_106 = arith.mulf %slice3A_100, %logistic3A_105 : vector<256x768xf32>
    %mul3A_107 = arith.mulf %slice3A_99, %mul3A_106 : vector<256x768xf32>
    %get3A_108 = arith.constant 0 : index
    %get3A_109 = arith.constant 0 : index
    %get3A_110 = vector.load %arg9[%get3A_108, %get3A_109] : memref<768x768xf32, #tpu.memory_space<vmem>>, vector<768x768xf32>
    %dot_general3A_111 = arith.constant dense<0.000000e+00> : vector<256x768xf32>
    %dot_general3A_112 = tpu.matmul %mul3A_107, %get3A_110, %dot_general3A_111 {dimension_numbers = #tpu.dot_dimension_numbers<[1], [0], [0], [1], [0, 0, 1, 1], [], []>, transpose_lhs_hint = false} : vector<256x768xf32>, vector<768x768xf32>, vector<256x768xf32> -> vector<256x768xf32>
    %get3A_113 = arith.constant 0 : index
    %get3A_114 = vector.load %arg10[%get3A_113] : memref<768xf32, #tpu.memory_space<vmem>>, vector<768xf32>
    %broadcast_in_dim3A_115 = vector.shape_cast %get3A_114 : vector<768xf32> to vector<1x768xf32>
    %add3A_116 = vector.broadcast %broadcast_in_dim3A_115 : vector<1x768xf32> to vector<256x768xf32>
    %add3A_117 = arith.addf %dot_general3A_112, %add3A_116 : vector<256x768xf32>
    %get3A_118 = arith.constant 0 : index
    %get3A_119 = arith.constant 0 : index
    %get3A_120 = vector.load %arg11[%get3A_118, %get3A_119] : memref<768x1536xf32, #tpu.memory_space<vmem>>, vector<768x1536xf32>
    %dot_general3A_121 = arith.constant dense<0.000000e+00> : vector<256x1536xf32>
    %dot_general3A_122 = tpu.matmul %add3A_117, %get3A_120, %dot_general3A_121 {dimension_numbers = #tpu.dot_dimension_numbers<[1], [0], [0], [1], [0, 0, 1, 1], [], []>, transpose_lhs_hint = false} : vector<256x768xf32>, vector<768x1536xf32>, vector<256x1536xf32> -> vector<256x1536xf32>
    %get3A_123 = arith.constant 0 : index
    %get3A_124 = vector.load %arg12[%get3A_123] : memref<1536xf32, #tpu.memory_space<vmem>>, vector<1536xf32>
    %broadcast_in_dim3A_125 = vector.shape_cast %get3A_124 : vector<1536xf32> to vector<1x1536xf32>
    %add3A_126 = vector.broadcast %broadcast_in_dim3A_125 : vector<1x1536xf32> to vector<256x1536xf32>
    %add3A_127 = arith.addf %dot_general3A_122, %add3A_126 : vector<256x1536xf32>
    %slice3A_128 = vector.extract_strided_slice %add3A_127 {offsets = [0, 0], sizes = [256, 768], strides = [1, 1]} : vector<256x1536xf32> to vector<256x768xf32>
    %slice3A_129 = vector.extract_strided_slice %add3A_127 {offsets = [0, 768], sizes = [256, 768], strides = [1, 1]} : vector<256x1536xf32> to vector<256x768xf32>
    %logistic3A_130 = arith.negf %slice3A_129 : vector<256x768xf32>
    %logistic3A_131 = math.exp %logistic3A_130 : vector<256x768xf32>
    %logistic3A_132 = arith.constant 1.000000e+00 : f32
    %logistic3A_133 = vector.broadcast %logistic3A_132 : f32 to vector<256x768xf32>
    %logistic3A_134 = arith.addf %logistic3A_133, %logistic3A_131 : vector<256x768xf32>
    %logistic3A_135 = arith.divf %logistic3A_133, %logistic3A_134 : vector<256x768xf32>
    %mul3A_136 = arith.mulf %slice3A_129, %logistic3A_135 : vector<256x768xf32>
    %mul3A_137 = arith.mulf %slice3A_128, %mul3A_136 : vector<256x768xf32>
    %swap3A = arith.constant 0 : index
    %swap3A_138 = arith.constant 0 : index
    %swap3A_139 = vector.load %arg13[%swap3A, %swap3A_138] : memref<256x768xf32, #tpu.memory_space<vmem>>, vector<256x768xf32>
    tpu.vector_store %arg13[%swap3A, %swap3A_138], %mul3A_137 {strides = array<i32>} : memref<256x768xf32, #tpu.memory_space<vmem>>, vector<256x768xf32>,
    return
  }
  func.func @transform_0(%arg0: i32) -> (i32, i32, i32) {
    %c0_i32 = arith.constant 0 : i32
    %c0_i32_0 = arith.constant 0 : i32
    %c0_i32_1 = arith.constant 0 : i32
    return %c0_i32, %arg0, %c0_i32_0 : i32, i32, i32
  }
  func.func @transform_1(%arg0: i32) -> (i32, i32) {
    %c0_i32 = arith.constant 0 : i32
    %c0_i32_0 = arith.constant 0 : i32
    return %c0_i32, %arg0 : i32, i32
  }
  func.func @transform_2(%arg0: i32) -> (i32, i32) {
    %c0_i32 = arith.constant 0 : i32
    %c0_i32_0 = arith.constant 0 : i32
    return %arg0, %c0_i32 : i32, i32
  }
  func.func @transform_3(%arg0: i32) -> (i32, i32) {
    %c0_i32 = arith.constant 0 : i32
    %c0_i32_0 = arith.constant 0 : i32
    return %arg0, %c0_i32 : i32, i32
  }
  func.func @transform_4(%arg0: i32) -> (i32, i32) {
    %c0_i32 = arith.constant 0 : i32
    %c0_i32_0 = arith.constant 0 : i32
    %c0_i32_1 = arith.constant 0 : i32
    return %c0_i32, %c0_i32_0 : i32, i32
  }
  func.func @transform_5(%arg0: i32) -> i32 {
    %c0_i32 = arith.constant 0 : i32
    %c0_i32_0 = arith.constant 0 : i32
    return %c0_i32 : i32
  }
  func.func @transform_6(%arg0: i32) -> (i32, i32) {
    %c0_i32 = arith.constant 0 : i32
    %c0_i32_0 = arith.constant 0 : i32
    %c0_i32_1 = arith.constant 0 : i32
    return %c0_i32, %c0_i32_0 : i32, i32
  }
  func.func @transform_7(%arg0: i32) -> i32 {
    %c0_i32 = arith.constant 0 : i32
    %c0_i32_0 = arith.constant 0 : i32
    return %c0_i32 : i32
  }
  func.func @transform_8(%arg0: i32) -> (i32, i32) {
    %c0_i32 = arith.constant 0 : i32
    %c0_i32_0 = arith.constant 0 : i32
    %c0_i32_1 = arith.constant 0 : i32
    return %c0_i32, %c0_i32_0 : i32, i32
  }
  func.func @transform_9(%arg0: i32) -> i32 {
    %c0_i32 = arith.constant 0 : i32
    %c0_i32_0 = arith.constant 0 : i32
    return %c0_i32 : i32
  }
  func.func @transform_10(%arg0: i32) -> (i32, i32) {
    %c0_i32 = arith.constant 0 : i32
    %c0_i32_0 = arith.constant 0 : i32
    %c0_i32_1 = arith.constant 0 : i32
    return %c0_i32, %c0_i32_0 : i32, i32
  }
  func.func @transform_11(%arg0: i32) -> i32 {
    %c0_i32 = arith.constant 0 : i32
    %c0_i32_0 = arith.constant 0 : i32
    return %c0_i32 : i32
  }
  func.func @transform_12(%arg0: i32) -> (i32, i32) {
    %c0_i32 = arith.constant 0 : i32
    %c0_i32_0 = arith.constant 0 : i32
    return %arg0, %c0_i32 : i32, i32
  }
}

</mosaic_0001>

<sc_bundles>
// kernel: kernel.12.cloned.1.call-start
scs
__scs_entry_jumppad:
0x0: {  	(pc) =	sbr.rel $0x88, $3  }
0x1: {  	(tag) =	ssettag $0x0;
	lr =	simm.s32 $0x1  }
0x2: {  	[smem:$0x3F8D] =	sst lr;
	_ =	strace $0xD0000000  }
0x3: {  	_ = 	snop  }
0x4: {  	_ = 	snop  }
0x5: {  	_ = 	snop  }
0x6: {  	_ = 	snop  }
0x7: {  	_ = 	snop  }
__scs_overlays_trampoline_lowered:
0x8: {  	[smem:$0x3F9C] =	sst s0  }
0x9: {  	[smem:$0x3F9D] =	sst s1  }
0xa: {  	[smem:$0x3F9E] =	sst s2  }
0xb: {  	[smem:$0x3F9F] =	sst s3  }
0xc: {  	[smem:$0x3FA0] =	sst s4  }
0xd: {  	[smem:$0x3FA1] =	sst s5  }
0xe: {  	[smem:$0x3FA2] =	sst s6  }
0xf: {  	[smem:$0x3FA3] =	sst s7  }
0x10: {  	[smem:$0x3FA4] =	sst s8  }
0x11: {  	[smem:$0x3FA5] =	sst s9;
	s0 =	simm.s32 @!p0 $0x0  }
0x12: {  	s1 =	sld [smem:$0x3F8B];
	s0 =	simm.s32 @p0 $0x1  }
0x13: {  	[smem:$0x3FA6] =	sst s0;
	s0 =	simm.s32 @!p1 $0x0  }
0x14: {  	s2 =	sld [smem:$0x3F8A];
	s0 =	simm.s32 @p1 $0x1  }
0x15: {  	[smem:$0x3FA7] =	sst s0;
	s0 =	simm.s32 @!p2 $0x0  }
0x16: {  	s3 =	sld [smem:$0x3FDB];
	s0 =	simm.s32 @p2 $0x1  }
0x17: {  	s4 =	simm.s32 $0x1BF5;
	[smem:$0x3FA9] =	sst s0  }
0x18: {  	s0 =	sld [smem:$0x3F8C];
	_ =	swait.ge [sflag:s4], $0x0  }
0x19: {  	s7 =	sld [smem:$0x3F8D]  }
0x1a: {  	s8 =	sadd.s32 $0xFFFFE003, lr  }
0x1b: {  	s9 =	sadd.s32 $0xFFFFFEF7, lr;
	s5 =	simm.s32 $0xFFFFFFFF;
	p2 =	slt.u32 s8, $0xFFFFF086  }
0x1c: {  	p1 =	slt.u32 s9, $0xF7A;
	s5 =	simm.s32 @!p2 $0x0  }
0x1d: {  	s5 =	simm.s32 @p1 $0x1;
	p0 =	seq.s32 s7, s2  }
0x1e: {  	s7 =	smul.u32 @!p0 $0xF7A, s2;
	p2 =	seq.s32 @!p0 s5, $0x0  }
0x1f: {  	s9 =	smul.u32 $0xF7A, s1;
	s8 =	simm.s32 @!p0 $0x1BF5;
	p2 =	por !p2, p0  }
0x20: {  	[sflag:s8] =	ssyncset.s32 @!p0 $0xFFFFF086;
	s6 =	sadd.s32 @!p0 s3, s7;
	s7 =	simm.s32 @!p0 $0x108  }
0x21: {  	s3 =	sadd.s32 s3, s9;
	s6 =	sadd.s32 @!p0 $0x88, s6;
	s7 =	simm.s32 @p2 $0x1082  }
0x22: {  	[simem:s7], [sflag:s8] =	dma.local @!p0 [hbm:s6], $0xF7A  }
0x23: {  	s9 =	sor.u32 $0xD0000000, s2;
	s6 =	simm.s32 $0x108;
	_ =	swait.ge @!p0 [sflag:s8], $0x0  }
0x24: {  	s3 =	sadd.s32 $0x88, s3;
	s6 =	simm.s32 @!p1 $0x1082;
	[sflag:s4] =	ssyncset.s32 $0xFFFFF086  }
0x25: {  	[simem:s6], [sflag:s4] =	dma.local [hbm:s3], $0xF7A  }
0x26: {  	[smem:$0x3F8D] =	sst s1;
	(tag) =	ssettag s2;
	_ =	strace s9  }
0x27: {  	s1 =	sld [smem:$0x3F9D]  }
0x28: {  	s2 =	sld [smem:$0x3F9E]  }
0x29: {  	s4 =	sld [smem:$0x3FA0]  }
0x2a: {  	p0 =	seq.s32 s5, $0x0;
	s5 =	sld [smem:$0x3FA1]  }
0x2b: {  	s6 =	sld [smem:$0x3FA2]  }
0x2c: {  	s7 =	sld [smem:$0x3FA3]  }
0x2d: {  	s3 =	simm.s32 $0x108;
	s8 =	sld [smem:$0x3FA4]  }
0x2e: {  	s3 =	simm.s32 @!p0 $0x1082;
	s9 =	sld [smem:$0x3FA5]  }
0x2f: {  	lr =	sadd.s32 s0, s3;
	s0 =	sld [smem:$0x3F9C]  }
0x30: {  	s3 =	sld [smem:$0x3F9F]  }
0x31: {  	[smem:$0x3FA8] =	sst s10  }
0x32: {  	s10 =	sld [smem:$0x3FA6];
	_ =	sdelay $0x3  }
0x33: {  	p0 =	seq.s32 s10, $0x1;
	s10 =	sld [smem:$0x3FA8];
	_ =	sdelay $0x3  }
0x34: {  	[smem:$0x3FA8] =	sst s10  }
0x35: {  	s10 =	sld [smem:$0x3FA7];
	_ =	sdelay $0x3  }
0x36: {  	p1 =	seq.s32 s10, $0x1;
	s10 =	sld [smem:$0x3FA8];
	_ =	sdelay $0x3  }
0x37: {  	[smem:$0x3FA8] =	sst s10  }
0x38: {  	s10 =	sld [smem:$0x3FA9]  }
0x39: {  	_ = 	snop;
	(pc) =	sbr.ind lr, $3  }
0x3a: {  	_ = 	snop  }
0x3b: {  	_ = 	snop  }
0x3c: {  	p2 =	seq.s32 s10, $0x1;
	s10 =	sld [smem:$0x3FA8]  }
0x3d: {  	_ =	shalt  }
0x3e: {  	_ =	shalt  }
0x3f: {  	_ =	shalt  }
0x40: {  	_ =	shalt  }
0x41: {  	_ =	shalt  }
0x42: {  	_ =	shalt  }
0x43: {  	_ =	shalt  }
0x44: {  	_ =	shalt  }
0x45: {  	_ =	shalt  }
0x46: {  	_ =	shalt  }
0x47: {  	_ =	shalt  }
0x48: {  	_ =	shalt  }
0x49: {  	_ =	shalt  }
0x4a: {  	_ =	shalt  }
0x4b: {  	_ =	shalt  }
0x4c: {  	_ =	shalt  }
0x4d: {  	_ =	shalt  }
0x4e: {  	_ =	shalt  }
0x4f: {  	_ =	shalt  }
0x50: {  	_ =	shalt  }
0x51: {  	_ =	shalt  }
0x52: {  	_ =	shalt  }
0x53: {  	_ =	shalt  }
0x54: {  	_ =	shalt  }
0x55: {  	_ =	shalt  }
0x56: {  	_ =	shalt  }
0x57: {  	_ =	shalt  }
0x58: {  	_ =	shalt  }
0x59: {  	_ =	shalt  }
0x5a: {  	_ =	shalt  }
0x5b: {  	_ =	shalt  }
0x5c: {  	_ =	shalt  }
0x5d: {  	_ =	shalt  }
0x5e: {  	_ =	shalt  }
0x5f: {  	_ =	shalt  }
0x60: {  	_ =	shalt  }
0x61: {  	_ =	shalt  }
0x62: {  	_ =	shalt  }
0x63: {  	_ =	shalt  }
0x64: {  	_ =	shalt  }
0x65: {  	_ =	shalt  }
0x66: {  	_ =	shalt  }
0x67: {  	_ =	shalt  }
0x68: {  	_ =	shalt  }
0x69: {  	_ =	shalt  }
0x6a: {  	_ =	shalt  }
0x6b: {  	_ =	shalt  }
0x6c: {  	_ =	shalt  }
0x6d: {  	_ =	shalt  }
0x6e: {  	_ =	shalt  }
0x6f: {  	_ =	shalt  }
0x70: {  	_ =	shalt  }
0x71: {  	_ =	shalt  }
0x72: {  	_ =	shalt  }
0x73: {  	_ =	shalt  }
0x74: {  	_ =	shalt  }
0x75: {  	_ =	shalt  }
0x76: {  	_ =	shalt  }
0x77: {  	_ =	shalt  }
0x78: {  	_ =	shalt  }
0x79: {  	_ =	shalt  }
0x7a: {  	_ =	shalt  }
0x7b: {  	_ =	shalt  }
0x7c: {  	_ =	shalt  }
0x7d: {  	_ =	shalt  }
0x7e: {  	_ =	shalt  }
0x7f: {  	_ =	shalt  }
0x80: {  	_ =	shalt  }
0x81: {  	_ =	shalt  }
0x82: {  	_ =	shalt  }
0x83: {  	_ =	shalt  }
0x84: {  	_ =	shalt  }
0x85: {  	_ =	shalt  }
0x86: {  	_ =	shalt  }
0x87: {  	_ =	shalt  }
.Lfunc_end0:
.L_simem_size_0:
called_computation.1_lowered:
.L_overlay_start_0:
0x88: {  	s2 =	sld [smem:$0x3FD9]  }
0x89: {  	s3 =	sld [smem:$0x3FFE];
	_ =	sdelay $0x1  }
0x8a: {  	s1 =	srdreg.scid  }
0x8b: {  	s0 =	sand.u32 $0x1, s1  }
0x8c: {  	s16 =	sshll.u32 s0, $0xA;
	s2 =	sadd.s32 s3, s2  }
0x8d: {  	s2 =	sadd.s32 s2, s16  }
0x8e: {  	[smem:$0x3FB4] =	sst s2  }
0x8f: {  	_ = 	snop  }
0x90: {  	(tm) =	ssettm $0x1  }
0x91: {  	s17 =	sld [smem:$0x3FFB];
	_ =	sdelay $0x3  }
0x92: {  	_ =	strace s17  }
0x93: {  	s2 =	sld [smem:$0x3FFC];
	_ =	sdelay $0x3  }
0x94: {  	_ =	strace s2  }
0x95: {  	s2 =	sld [smem:$0x3FFD];
	_ =	sdelay $0x3  }
0x96: {  	_ =	strace s2  }
0x97: {  	_ =	strace $0x8FFFFFFF  }
0x98: {  	s18 =	sld [smem:$0x3FDB];
	_ =	sdelay $0x1  }
0x99: {  	s19 =	simm.s32 $_scs_section_size  }
0x9a: {  	s4 =	simm.s32 $_size__tile_overlayer_lowered;
	s5 =	simm.s32 $_tile_overlayer_lowered  }
0x9b: {  	s22 =	simm.s32 $0x1BFF;
	s21 =	sshll.u32 s5, $0x1;
	s2 =	sadd.s32 s19, s18  }
0x9c: {  	s6 =	simm.s32 $0x0;
	s20 =	sshll.u32 s4, $0x1;
	s4 =	sadd.s32 s21, s2  }
0x9d: {  	[timem:s6], [sflag:s22] =	dma.local [hbm:s4], s20  }
0x9e: {  	_ =	swait.ge [sflag:s22], s20  }
0x9f: {  	s3 =	ssub.s32 $0x0, s20;
	[sflag:s22] =	ssyncset.done $0x0  }
0xa0: {  	[sflag:s22] =	ssyncadd.s32 s3;
	_ =	sdelay $0x1  }
0xa1: {  	s23 =	simm.s32 $0x1B8B  }
0xa2: {  	_ =	swait.ge [sflag:s23], $0x1  }
0xa3: {  	[sflag:s23] =	ssyncset.done $0x0  }
0xa4: {  	s25 =	simm.s32 $0x1B8E;
	s24 =	sld [smem:$0x3FFE];
	[sflag:s23] =	ssyncadd.s32 $0xFFFFFFFF  }
0xa5: {  	s26 =	simm.s32 $execute0_lowered;
	[smem:$0x3FD2] =	sst s25  }
0xa6: {  	s4 =	sshll.u32 s26, $0x1;
	_ =	strace $0x80000049;
	[dreg:$0x1] =	wrdreg $0xFFFFFFFF  }
0xa7: {  	s28 =	simm.s32 $_size_execute0_lowered;
	s2 =	sadd.s32 s2, s4;
	[dreg:$0x0] =	wrdreg $0x0  }
0xa8: {  	s4 =	sshll.u32 s28, $0x1;
	[dreg:$0x2] =	wrdreg s2  }
0xa9: {  	[dreg:$0x3] =	wrdreg s4  }
0xaa: {  	[dreg:$0x4] =	wrdreg $0xC0  }
0xab: {  	_ =	task [dreg:s6], $0x5FFFF  }
0xac: {  	[dreg:$0x1] =	wrdreg $0xFFFFFFFF  }
0xad: {  	[dreg:$0x0] =	wrdreg $0x60  }
0xae: {  	[dreg:$0x2] =	wrdreg s24  }
0xaf: {  	[dreg:$0x3] =	wrdreg $0x9  }
0xb0: {  	_ =	task.clear_ibuf [dreg:s6], $0x4FFFF;
	_ =	strace $0x90000049  }
0xb1: {  	s29 =	simm.s32 $0x9;
	_ =	strace $0x8000004B  }
0xb2: {  	_ =	swait.ge [sflag:s29], $0x1  }
0xb3: {  	[sflag:s29] =	ssyncadd.s32 $0xFFFFFFFF  }
0xb4: {  	_ =	strace $0x9000004B  }
0xb5: {  	_ =	sfence  }
0xb6: {  	s30 =	sld [smem:$0x0];
	_ =	sdelay $0x2  }
0xb7: {  	s31 =	sshll.u32 s1, $0xD;
	s1 =	sshrl.u32 s1, $0x2  }
0xb8: {  	s3 =	sand.u32 $0x4000, s31;
	s1 =	sadd.s32 s1, s30  }
0xb9: {  	s0 =	sor.u32 s3, s0;
	s1 =	sshll.u32 s1, $0x11  }
0xba: {  	s0 =	sor.u32 s1, s0  }
0xbb: {  	s0 =	sadd.s32 $0x8F2B, s0  }
0xbc: {  	[sflag:s0] =	ssyncadd.remote.s32 $0x1  }
0xbd: {  	_ =	sfence.sel $0xFFFF  }
0xbe: {  	[dreg:$0x0] =	wrdreg $0xFFFFFFFF;
	(pc) =	sbr.abs _section_cstart, $3  }
0xbf: {  	[dreg:$0x1] =	wrdreg $0xFFFFFFFF  }
0xc0: {  	_ =	task.clear_ibuf [dreg:s6], $0x2FFFF;
	_ =	strace $0x9FFFFFFF  }
0xc1: {  	(tm) =	ssettm $0x7FFFFFFF  }
tec
execute0_lowered:
.L_overlay_start_1:
0x0: {  	(tag) =	ssettag $0x1  }
0x1: {  	s1 =	srdreg.scid  }
0x2: {  	s0 =	stileid.u32;
	s5 =	rddreg [dreg:$0x0];
	s2 =	simm.s32 $0x0  }
0x3: {  	s11 =	simm.s32 $0x2;
	s12 =	simm.s32 $0x80;
	s13 =	simm.s32 $0x100  }
0x4: {  	s14 =	simm.s32 $0x180;
	s15 =	simm.s32 $0x200;
	s16 =	simm.s32 $0xA00  }
0x5: {  	s17 =	simm.s32 $0xE00;
	s18 =	simm.s32 $0x1600;
	s19 =	simm.s32 $0x1A00  }
0x6: {  	s20 =	simm.s32 $0x2200;
	s21 =	simm.s32 $0x2600;
	s22 =	simm.s32 $0x2E00  }
0x7: {  	s23 =	simm.s32 $0x3200;
	s28 =	simm.s32 $0x4A00;
	s29 =	simm.s32 $0x5200  }
0x8: {  	s30 =	simm.s32 $0x5600;
	s31 =	simm.s32 $0x5E00;
	s1 =	sand.u32 $0x1, s1  }
0x9: {  	s3 =	sshll.u32 s0, $0x7;
	[smem:$0x7FF] =	sst s2;
	s4 =	sshll.u32 s1, $0x6  }
0xa: {  	s9 =	sadd.s32 $0x94C00, s5;
	s1 =	ssub.s32 $0x2, s1;
	s3 =	sor.u32 s4, s3  }
0xb: {  	_ =	strace $0x8000004A;
	s25 =	sshrl.u32 s1, $0x1;
	s6 =	sshll.u32 s3, $0x2  }
0xc: {  	s7 =	sshrl.u32 s3, $0x3;
	s3 =	sadd.s32 $0x4200, s5;
	s1 =	ssub.s32 s1, s25  }
0xd: {  	s8 =	sand.u32 $0x1E00, s6;
	s7 =	smul.u32 $0xC00, s7;
	s6 =	sor.u32 s4, s6  }
0xe: {  	s25 =	simm.s32 $0x3E00;
	s8 =	sor.u32 s4, s8;
	s6 =	sshrl.u32 s6, $0x3  }
0xf: {  	s8 =	sshrl.u32 s8, $0x3;
	s7 =	sshrl.u32 s7, $0x3;
	s10 =	sor.u32 $0x20, s6  }
0x10: {  	s6 =	sor.u32 $0x30, s6;
	s4 =	sadd.s32 s9, s8;
	s24 =	sadd.s32 s9, s10  }
0x11: {  	s6 =	sadd.s32 s9, s6;
	s26 =	sadd.s32 s7, s5;
	s5 =	sadd.s32 $0x4300, s5  }
0x12: {  	s10 =	smax.u32 s1, $0x1;
	s1 =	simm.s32 $0x1;
	[dreg:$0x3] =	wrdreg s24  }
0x13: {  	v2 =	vlaneseq.u32;
	s8 =	sadd.s32 $0x10, s4;
	[dreg:$0x4] =	wrdreg s6;
	s6 =	sadd.s32 $0x95400, s26  }
0x14: {  	vm0 =	vmmov $0xffff;
	vm1 =	vmmov $0xff;
	v1 =	vshrl.u32 v2, $0x3;
	s7 =	sadd.s32 $0xAD400, s26;
	s9 =	sadd.s32 $0xDD400, s26;
	s24 =	simm.s32 $0x3A00  }
0x15: {  	v0 =	vand.u32 $0x7, v2;
	v2 =	vor.u32 $0x8, v2;
	v1 =	vmul.u32 $0x8, v1;
	[dreg:$0x2] =	wrdreg s8;
	s8 =	sadd.s32 $0xC5400, s26;
	s26 =	simm.s32 $0x4600  }
.LBB2_1:
0x16: {  	[tilespmem:s2], [sflag:$0x2] =	stream.linear.gather [hbm4b:s4+s2], $0x40, $0x38;
	[tilespmem:$0x6200] =	vst v63  }
0x17: {  	_ =	swait.ge [sflag:s11], $0x40  }
0x18: {  	[sflag:s11] =	ssyncset.done $0x0  }
0x19: {  	s0 =	rddreg [dreg:$0x2];
	[sflag:s11] =	ssyncadd.s32 $0xFFFFFFC0  }
0x1a: {  	[tilespmem:s12], [sflag:$0x2] =	stream.linear.gather [hbm4b:s0+s2], $0x40, $0x38;
	[tilespmem:$0x6200] =	vst v63  }
0x1b: {  	_ =	swait.ge [sflag:s11], $0x40  }
0x1c: {  	[sflag:s11] =	ssyncset.done $0x0  }
0x1d: {  	s0 =	rddreg [dreg:$0x3];
	[sflag:s11] =	ssyncadd.s32 $0xFFFFFFC0  }
0x1e: {  	[tilespmem:s13], [sflag:$0x2] =	stream.linear.gather [hbm4b:s0+s2], $0x40, $0x38;
	[tilespmem:$0x6200] =	vst v63  }
0x1f: {  	_ =	swait.ge [sflag:s11], $0x40  }
0x20: {  	[sflag:s11] =	ssyncset.done $0x0  }
0x21: {  	s0 =	rddreg [dreg:$0x4];
	[sflag:s11] =	ssyncadd.s32 $0xFFFFFFC0  }
0x22: {  	[tilespmem:s14], [sflag:$0x2] =	stream.linear.gather [hbm4b:s0+s2], $0x40, $0x38;
	[tilespmem:$0x6200] =	vst v63  }
0x23: {  	_ =	swait.ge [sflag:s11], $0x40  }
0x24: {  	[sflag:s11] =	ssyncset.done $0x0  }
0x25: {  	[sflag:s11] =	ssyncadd.s32 $0xFFFFFFC0  }
0x26: {  	v3 =	vld [tilespmem:$0x0];
	_ =	sdelay $0x4  }
0x27: {  	v4 =	vshrl.u32 v3, $0x3  }
0x28: {  	v4 =	vmul.u32 $0x18, v4  }
0x29: {  	v3 =	vand.u32 $0x7, v3  }
0x2a: {  	v3 =	vor.u32 v3, v4  }
0x2b: {  	v4 =	vperm.xlane v3, v0;
	_ =	sdelay $0x1  }
0x2c: {  	v4 =	vadd.s32 v1, v4;
	_ =	sdelay $0x1  }
0x2d: {  	v3 =	vperm.xlane v3, v2;
	_ =	sdelay $0x1  }
0x2e: {  	v3 =	vadd.s32 v1, v3  }
0x2f: {  	[tilespmem:s15], [sflag:$0x1] =	stream.indirect_vreg.gather [hbm4b:s3+s2], $0x80, v4, vm0, $0xb8;
	[tilespmem:$0x6200] =	vst v63  }
0x30: {  	_ = 	snop  }
0x31: {  	[tilespmem:s16], [sflag:$0x1] =	stream.indirect_vreg.gather [hbm4b:s5+s2], $0x80, v4, vm1, $0xb8;
	[tilespmem:$0x6200] =	vst v63  }
0x32: {  	_ = 	snop  }
0x33: {  	[tilespmem:s17], [sflag:$0x1] =	stream.indirect_vreg.gather [hbm4b:s3+s2], $0x80, v3, vm0, $0xb8;
	[tilespmem:$0x6200] =	vst v63  }
0x34: {  	_ = 	snop  }
0x35: {  	[tilespmem:s18], [sflag:$0x1] =	stream.indirect_vreg.gather [hbm4b:s5+s2], $0x80, v3, vm1, $0xb8;
	[tilespmem:$0x6200] =	vst v63  }
0x36: {  	v3 =	vld [tilespmem:$0x10];
	_ =	sdelay $0x4  }
0x37: {  	v49 =	vshrl.u32 v3, $0x3  }
0x38: {  	v4 =	vmul.u32 $0x18, v49  }
0x39: {  	v3 =	vand.u32 $0x7, v3  }
0x3a: {  	v3 =	vor.u32 v3, v4  }
0x3b: {  	v4 =	vperm.xlane v3, v0;
	_ =	sdelay $0x1  }
0x3c: {  	v4 =	vadd.s32 v1, v4;
	_ =	sdelay $0x1  }
0x3d: {  	v3 =	vperm.xlane v3, v2;
	_ =	sdelay $0x1  }
0x3e: {  	v3 =	vadd.s32 v1, v3  }
0x3f: {  	[tilespmem:s19], [sflag:$0x1] =	stream.indirect_vreg.gather [hbm4b:s3+s2], $0x80, v4, vm0, $0xb8;
	[tilespmem:$0x6200] =	vst v63  }
0x40: {  	_ = 	snop  }
0x41: {  	[tilespmem:s20], [sflag:$0x1] =	stream.indirect_vreg.gather [hbm4b:s5+s2], $0x80, v4, vm1, $0xb8;
	[tilespmem:$0x6200] =	vst v63  }
0x42: {  	_ = 	snop  }
0x43: {  	[tilespmem:s21], [sflag:$0x1] =	stream.indirect_vreg.gather [hbm4b:s3+s2], $0x80, v3, vm0, $0xb8;
	[tilespmem:$0x6200] =	vst v63  }
0x44: {  	_ = 	snop  }
0x45: {  	[tilespmem:s22], [sflag:$0x1] =	stream.indirect_vreg.gather [hbm4b:s5+s2], $0x80, v3, vm1, $0xb8;
	[tilespmem:$0x6200] =	vst v63  }
0x46: {  	v3 =	vld [tilespmem:$0x20];
	_ =	sdelay $0x4  }
0x47: {  	v50 =	vshrl.u32 v3, $0x3  }
0x48: {  	v4 =	vmul.u32 $0x18, v50  }
0x49: {  	v3 =	vand.u32 $0x7, v3  }
0x4a: {  	v3 =	vor.u32 v3, v4  }
0x4b: {  	v4 =	vperm.xlane v3, v0;
	_ =	sdelay $0x1  }
0x4c: {  	v4 =	vadd.s32 v1, v4;
	_ =	sdelay $0x1  }
0x4d: {  	v3 =	vperm.xlane v3, v2;
	_ =	sdelay $0x1  }
0x4e: {  	v3 =	vadd.s32 v1, v3  }
0x4f: {  	[tilespmem:s23], [sflag:$0x1] =	stream.indirect_vreg.gather [hbm4b:s3+s2], $0x80, v4, vm0, $0xb8;
	[tilespmem:$0x6200] =	vst v63  }
0x50: {  	_ = 	snop  }
0x51: {  	[tilespmem:s24], [sflag:$0x1] =	stream.indirect_vreg.gather [hbm4b:s5+s2], $0x80, v4, vm1, $0xb8;
	[tilespmem:$0x6200] =	vst v63  }
0x52: {  	_ = 	snop  }
0x53: {  	[tilespmem:s25], [sflag:$0x1] =	stream.indirect_vreg.gather [hbm4b:s3+s2], $0x80, v3, vm0, $0xb8;
	[tilespmem:$0x6200] =	vst v63  }
0x54: {  	_ = 	snop  }
0x55: {  	[tilespmem:s26], [sflag:$0x1] =	stream.indirect_vreg.gather [hbm4b:s5+s2], $0x80, v3, vm1, $0xb8;
	[tilespmem:$0x6200] =	vst v63  }
0x56: {  	v3 =	vld [tilespmem:$0x30];
	_ =	sdelay $0x4  }
0x57: {  	v51 =	vshrl.u32 v3, $0x3  }
0x58: {  	v4 =	vmul.u32 $0x18, v51  }
0x59: {  	v3 =	vand.u32 $0x7, v3  }
0x5a: {  	v3 =	vor.u32 v3, v4  }
0x5b: {  	v4 =	vperm.xlane v3, v0;
	_ =	sdelay $0x1  }
0x5c: {  	v4 =	vadd.s32 v1, v4;
	_ =	sdelay $0x1  }
0x5d: {  	v3 =	vperm.xlane v3, v2;
	_ =	sdelay $0x1  }
0x5e: {  	v3 =	vadd.s32 v1, v3  }
0x5f: {  	[tilespmem:s28], [sflag:$0x1] =	stream.indirect_vreg.gather [hbm4b:s3+s2], $0x80, v4, vm0, $0xb8;
	[tilespmem:$0x6200] =	vst v63  }
0x60: {  	_ = 	snop  }
0x61: {  	[tilespmem:s29], [sflag:$0x1] =	stream.indirect_vreg.gather [hbm4b:s5+s2], $0x80, v4, vm1, $0xb8;
	[tilespmem:$0x6200] =	vst v63  }
0x62: {  	_ = 	snop  }
0x63: {  	[tilespmem:s30], [sflag:$0x1] =	stream.indirect_vreg.gather [hbm4b:s3+s2], $0x80, v3, vm0, $0xb8;
	[tilespmem:$0x6200] =	vst v63  }
0x64: {  	_ = 	snop  }
0x65: {  	[tilespmem:s31], [sflag:$0x1] =	stream.indirect_vreg.gather [hbm4b:s5+s2], $0x80, v3, vm1, $0xb8;
	[tilespmem:$0x6200] =	vst v63  }
0x66: {  	_ =	swait.ge [sflag:s1], $0x6000  }
0x67: {  	[sflag:s1] =	ssyncset.done $0x0  }
0x68: {  	[sflag:s1] =	ssyncadd.s32 $0xFFFFA000  }
0x69: {  	[hbm4b:s6+s2] =	stream.linear.scatter [tilespmem:s15], [sflag:$0x2], $0x6000, $0x38;
	[tilespmem:$0x6200] =	vst v63  }
0x6a: {  	_ =	swait.ge [sflag:s11], $0x6000  }
0x6b: {  	[sflag:s11] =	ssyncset.done $0x0  }
0x6c: {  	[sflag:s11] =	ssyncadd.s32 $0xFFFFA000  }
0x6d: {  	v3 =	vld [tilespmem:$0x80];
	_ =	sdelay $0x4  }
0x6e: {  	v52 =	vshrl.u32 v3, $0x3  }
0x6f: {  	v4 =	vmul.u32 $0x18, v52  }
0x70: {  	v3 =	vand.u32 $0x7, v3  }
0x71: {  	v3 =	vor.u32 v3, v4  }
0x72: {  	v4 =	vperm.xlane v3, v0;
	_ =	sdelay $0x1  }
0x73: {  	v4 =	vadd.s32 v1, v4;
	_ =	sdelay $0x1  }
0x74: {  	v3 =	vperm.xlane v3, v2;
	_ =	sdelay $0x1  }
0x75: {  	v3 =	vadd.s32 v1, v3  }
0x76: {  	[tilespmem:s15], [sflag:$0x1] =	stream.indirect_vreg.gather [hbm4b:s3+s2], $0x80, v4, vm0, $0xb8;
	[tilespmem:$0x6200] =	vst v63  }
0x77: {  	_ = 	snop  }
0x78: {  	[tilespmem:s16], [sflag:$0x1] =	stream.indirect_vreg.gather [hbm4b:s5+s2], $0x80, v4, vm1, $0xb8;
	[tilespmem:$0x6200] =	vst v63  }
0x79: {  	_ = 	snop  }
0x7a: {  	[tilespmem:s17], [sflag:$0x1] =	stream.indirect_vreg.gather [hbm4b:s3+s2], $0x80, v3, vm0, $0xb8;
	[tilespmem:$0x6200] =	vst v63  }
0x7b: {  	_ = 	snop  }
0x7c: {  	[tilespmem:s18], [sflag:$0x1] =	stream.indirect_vreg.gather [hbm4b:s5+s2], $0x80, v3, vm1, $0xb8;
	[tilespmem:$0x6200] =	vst v63  }
0x7d: {  	v3 =	vld [tilespmem:$0x90];
	_ =	sdelay $0x4  }
0x7e: {  	v53 =	vshrl.u32 v3, $0x3  }
0x7f: {  	v4 =	vmul.u32 $0x18, v53  }
0x80: {  	v3 =	vand.u32 $0x7, v3  }
0x81: {  	v3 =	vor.u32 v3, v4  }
0x82: {  	v4 =	vperm.xlane v3, v0;
	_ =	sdelay $0x1  }
0x83: {  	v4 =	vadd.s32 v1, v4;
	_ =	sdelay $0x1  }
0x84: {  	v3 =	vperm.xlane v3, v2;
	_ =	sdelay $0x1  }
0x85: {  	v3 =	vadd.s32 v1, v3  }
0x86: {  	[tilespmem:s19], [sflag:$0x1] =	stream.indirect_vreg.gather [hbm4b:s3+s2], $0x80, v4, vm0, $0xb8;
	[tilespmem:$0x6200] =	vst v63  }
0x87: {  	_ = 	snop  }
0x88: {  	[tilespmem:s20], [sflag:$0x1] =	stream.indirect_vreg.gather [hbm4b:s5+s2], $0x80, v4, vm1, $0xb8;
	[tilespmem:$0x6200] =	vst v63  }
0x89: {  	_ = 	snop  }
0x8a: {  	[tilespmem:s21], [sflag:$0x1] =	stream.indirect_vreg.gather [hbm4b:s3+s2], $0x80, v3, vm0, $0xb8;
	[tilespmem:$0x6200] =	vst v63  }
0x8b: {  	_ = 	snop  }
0x8c: {  	[tilespmem:s22], [sflag:$0x1] =	stream.indirect_vreg.gather [hbm4b:s5+s2], $0x80, v3, vm1, $0xb8;
	[tilespmem:$0x6200] =	vst v63  }
0x8d: {  	v3 =	vld [tilespmem:$0xA0];
	_ =	sdelay $0x4  }
0x8e: {  	v54 =	vshrl.u32 v3, $0x3  }
0x8f: {  	v4 =	vmul.u32 $0x18, v54  }
0x90: {  	v3 =	vand.u32 $0x7, v3  }
0x91: {  	v3 =	vor.u32 v3, v4  }
0x92: {  	v4 =	vperm.xlane v3, v0;
	_ =	sdelay $0x1  }
0x93: {  	v4 =	vadd.s32 v1, v4;
	_ =	sdelay $0x1  }
0x94: {  	v3 =	vperm.xlane v3, v2;
	_ =	sdelay $0x1  }
0x95: {  	v3 =	vadd.s32 v1, v3  }
0x96: {  	[tilespmem:s23], [sflag:$0x1] =	stream.indirect_vreg.gather [hbm4b:s3+s2], $0x80, v4, vm0, $0xb8;
	[tilespmem:$0x6200] =	vst v63  }
0x97: {  	_ = 	snop  }
0x98: {  	[tilespmem:s24], [sflag:$0x1] =	stream.indirect_vreg.gather [hbm4b:s5+s2], $0x80, v4, vm1, $0xb8;
	[tilespmem:$0x6200] =	vst v63  }
0x99: {  	_ = 	snop  }
0x9a: {  	[tilespmem:s25], [sflag:$0x1] =	stream.indirect_vreg.gather [hbm4b:s3+s2], $0x80, v3, vm0, $0xb8;
	[tilespmem:$0x6200] =	vst v63  }
0x9b: {  	_ = 	snop  }
0x9c: {  	[tilespmem:s26], [sflag:$0x1] =	stream.indirect_vreg.gather [hbm4b:s5+s2], $0x80, v3, vm1, $0xb8;
	[tilespmem:$0x6200] =	vst v63  }
0x9d: {  	v3 =	vld [tilespmem:$0xB0];
	_ =	sdelay $0x4  }
0x9e: {  	v55 =	vshrl.u32 v3, $0x3  }
0x9f: {  	v4 =	vmul.u32 $0x18, v55  }
0xa0: {  	v3 =	vand.u32 $0x7, v3  }
0xa1: {  	v3 =	vor.u32 v3, v4  }
0xa2: {  	v4 =	vperm.xlane v3, v0;
	_ =	sdelay $0x1  }
0xa3: {  	v4 =	vadd.s32 v1, v4;
	_ =	sdelay $0x1  }
0xa4: {  	v3 =	vperm.xlane v3, v2;
	_ =	sdelay $0x1  }
0xa5: {  	v3 =	vadd.s32 v1, v3  }
0xa6: {  	[tilespmem:s28], [sflag:$0x1] =	stream.indirect_vreg.gather [hbm4b:s3+s2], $0x80, v4, vm0, $0xb8;
	[tilespmem:$0x6200] =	vst v63  }
0xa7: {  	_ = 	snop  }
0xa8: {  	[tilespmem:s29], [sflag:$0x1] =	stream.indirect_vreg.gather [hbm4b:s5+s2], $0x80, v4, vm1, $0xb8;
	[tilespmem:$0x6200] =	vst v63  }
0xa9: {  	_ = 	snop  }
0xaa: {  	[tilespmem:s30], [sflag:$0x1] =	stream.indirect_vreg.gather [hbm4b:s3+s2], $0x80, v3, vm0, $0xb8;
	[tilespmem:$0x6200] =	vst v63  }
0xab: {  	_ = 	snop  }
0xac: {  	[tilespmem:s31], [sflag:$0x1] =	stream.indirect_vreg.gather [hbm4b:s5+s2], $0x80, v3, vm1, $0xb8;
	[tilespmem:$0x6200] =	vst v63  }
0xad: {  	_ =	swait.ge [sflag:s1], $0x6000  }
0xae: {  	[sflag:s1] =	ssyncset.done $0x0  }
0xaf: {  	[sflag:s1] =	ssyncadd.s32 $0xFFFFA000  }
0xb0: {  	[hbm4b:s7+s2] =	stream.linear.scatter [tilespmem:s15], [sflag:$0x2], $0x6000, $0x38;
	[tilespmem:$0x6200] =	vst v63  }
0xb1: {  	_ =	swait.ge [sflag:s11], $0x6000  }
0xb2: {  	[sflag:s11] =	ssyncset.done $0x0  }
0xb3: {  	[sflag:s11] =	ssyncadd.s32 $0xFFFFA000  }
0xb4: {  	v3 =	vld [tilespmem:$0x100];
	_ =	sdelay $0x4  }
0xb5: {  	v56 =	vshrl.u32 v3, $0x3  }
0xb6: {  	v4 =	vmul.u32 $0x18, v56  }
0xb7: {  	v3 =	vand.u32 $0x7, v3  }
0xb8: {  	v3 =	vor.u32 v3, v4  }
0xb9: {  	v4 =	vperm.xlane v3, v0;
	_ =	sdelay $0x1  }
0xba: {  	v4 =	vadd.s32 v1, v4;
	_ =	sdelay $0x1  }
0xbb: {  	v3 =	vperm.xlane v3, v2;
	_ =	sdelay $0x1  }
0xbc: {  	v3 =	vadd.s32 v1, v3  }
0xbd: {  	[tilespmem:s15], [sflag:$0x1] =	stream.indirect_vreg.gather [hbm4b:s3+s2], $0x80, v4, vm0, $0xb8;
	[tilespmem:$0x6200] =	vst v63  }
0xbe: {  	_ = 	snop  }
0xbf: {  	[tilespmem:s16], [sflag:$0x1] =	stream.indirect_vreg.gather [hbm4b:s5+s2], $0x80, v4, vm1, $0xb8;
	[tilespmem:$0x6200] =	vst v63  }
0xc0: {  	_ = 	snop  }
0xc1: {  	[tilespmem:s17], [sflag:$0x1] =	stream.indirect_vreg.gather [hbm4b:s3+s2], $0x80, v3, vm0, $0xb8;
	[tilespmem:$0x6200] =	vst v63  }
0xc2: {  	_ = 	snop  }
0xc3: {  	[tilespmem:s18], [sflag:$0x1] =	stream.indirect_vreg.gather [hbm4b:s5+s2], $0x80, v3, vm1, $0xb8;
	[tilespmem:$0x6200] =	vst v63  }
0xc4: {  	v3 =	vld [tilespmem:$0x110];
	_ =	sdelay $0x4  }
0xc5: {  	v57 =	vshrl.u32 v3, $0x3  }
0xc6: {  	v4 =	vmul.u32 $0x18, v57  }
0xc7: {  	v3 =	vand.u32 $0x7, v3  }
0xc8: {  	v3 =	vor.u32 v3, v4  }
0xc9: {  	v4 =	vperm.xlane v3, v0;
	_ =	sdelay $0x1  }
0xca: {  	v4 =	vadd.s32 v1, v4;
	_ =	sdelay $0x1  }
0xcb: {  	v3 =	vperm.xlane v3, v2;
	_ =	sdelay $0x1  }
0xcc: {  	v3 =	vadd.s32 v1, v3  }
0xcd: {  	[tilespmem:s19], [sflag:$0x1] =	stream.indirect_vreg.gather [hbm4b:s3+s2], $0x80, v4, vm0, $0xb8;
	[tilespmem:$0x6200] =	vst v63  }
0xce: {  	_ = 	snop  }
0xcf: {  	[tilespmem:s20], [sflag:$0x1] =	stream.indirect_vreg.gather [hbm4b:s5+s2], $0x80, v4, vm1, $0xb8;
	[tilespmem:$0x6200] =	vst v63  }
0xd0: {  	_ = 	snop  }
0xd1: {  	[tilespmem:s21], [sflag:$0x1] =	stream.indirect_vreg.gather [hbm4b:s3+s2], $0x80, v3, vm0, $0xb8;
	[tilespmem:$0x6200] =	vst v63  }
0xd2: {  	_ = 	snop  }
0xd3: {  	[tilespmem:s22], [sflag:$0x1] =	stream.indirect_vreg.gather [hbm4b:s5+s2], $0x80, v3, vm1, $0xb8;
	[tilespmem:$0x6200] =	vst v63  }
0xd4: {  	v3 =	vld [tilespmem:$0x120];
	_ =	sdelay $0x4  }
0xd5: {  	v58 =	vshrl.u32 v3, $0x3  }
0xd6: {  	v4 =	vmul.u32 $0x18, v58  }
0xd7: {  	v3 =	vand.u32 $0x7, v3  }
0xd8: {  	v3 =	vor.u32 v3, v4  }
0xd9: {  	v4 =	vperm.xlane v3, v0;
	_ =	sdelay $0x1  }
0xda: {  	v4 =	vadd.s32 v1, v4;
	_ =	sdelay $0x1  }
0xdb: {  	v3 =	vperm.xlane v3, v2;
	_ =	sdelay $0x1  }
0xdc: {  	v3 =	vadd.s32 v1, v3  }
0xdd: {  	[tilespmem:s23], [sflag:$0x1] =	stream.indirect_vreg.gather [hbm4b:s3+s2], $0x80, v4, vm0, $0xb8;
	[tilespmem:$0x6200] =	vst v63  }
0xde: {  	_ = 	snop  }
0xdf: {  	[tilespmem:s24], [sflag:$0x1] =	stream.indirect_vreg.gather [hbm4b:s5+s2], $0x80, v4, vm1, $0xb8;
	[tilespmem:$0x6200] =	vst v63  }
0xe0: {  	_ = 	snop  }
0xe1: {  	[tilespmem:s25], [sflag:$0x1] =	stream.indirect_vreg.gather [hbm4b:s3+s2], $0x80, v3, vm0, $0xb8;
	[tilespmem:$0x6200] =	vst v63  }
0xe2: {  	_ = 	snop  }
0xe3: {  	[tilespmem:s26], [sflag:$0x1] =	stream.indirect_vreg.gather [hbm4b:s5+s2], $0x80, v3, vm1, $0xb8;
	[tilespmem:$0x6200] =	vst v63  }
0xe4: {  	v3 =	vld [tilespmem:$0x130];
	_ =	sdelay $0x4  }
0xe5: {  	v59 =	vshrl.u32 v3, $0x3  }
0xe6: {  	v4 =	vmul.u32 $0x18, v59  }
0xe7: {  	v3 =	vand.u32 $0x7, v3  }
0xe8: {  	v3 =	vor.u32 v3, v4  }
0xe9: {  	v4 =	vperm.xlane v3, v0;
	_ =	sdelay $0x1  }
0xea: {  	v4 =	vadd.s32 v1, v4;
	_ =	sdelay $0x1  }
0xeb: {  	v3 =	vperm.xlane v3, v2;
	_ =	sdelay $0x1  }
0xec: {  	v3 =	vadd.s32 v1, v3  }
0xed: {  	[tilespmem:s28], [sflag:$0x1] =	stream.indirect_vreg.gather [hbm4b:s3+s2], $0x80, v4, vm0, $0xb8;
	[tilespmem:$0x6200] =	vst v63  }
0xee: {  	_ = 	snop  }
0xef: {  	[tilespmem:s29], [sflag:$0x1] =	stream.indirect_vreg.gather [hbm4b:s5+s2], $0x80, v4, vm1, $0xb8;
	[tilespmem:$0x6200] =	vst v63  }
0xf0: {  	_ = 	snop  }
0xf1: {  	[tilespmem:s30], [sflag:$0x1] =	stream.indirect_vreg.gather [hbm4b:s3+s2], $0x80, v3, vm0, $0xb8;
	[tilespmem:$0x6200] =	vst v63  }
0xf2: {  	_ = 	snop  }
0xf3: {  	[tilespmem:s31], [sflag:$0x1] =	stream.indirect_vreg.gather [hbm4b:s5+s2], $0x80, v3, vm1, $0xb8;
	[tilespmem:$0x6200] =	vst v63  }
0xf4: {  	_ =	swait.ge [sflag:s1], $0x6000  }
0xf5: {  	[sflag:s1] =	ssyncset.done $0x0  }
0xf6: {  	[sflag:s1] =	ssyncadd.s32 $0xFFFFA000  }
0xf7: {  	[hbm4b:s8+s2] =	stream.linear.scatter [tilespmem:s15], [sflag:$0x2], $0x6000, $0x38;
	[tilespmem:$0x6200] =	vst v63  }
0xf8: {  	_ =	swait.ge [sflag:s11], $0x6000  }
0xf9: {  	[sflag:s11] =	ssyncset.done $0x0  }
0xfa: {  	[sflag:s11] =	ssyncadd.s32 $0xFFFFA000  }
0xfb: {  	v3 =	vld [tilespmem:$0x180];
	_ =	sdelay $0x4  }
0xfc: {  	v60 =	vshrl.u32 v3, $0x3  }
0xfd: {  	v4 =	vmul.u32 $0x18, v60  }
0xfe: {  	v3 =	vand.u32 $0x7, v3  }
0xff: {  	v3 =	vor.u32 v3, v4  }
0x100: {  	v4 =	vperm.xlane v3, v0;
	_ =	sdelay $0x1  }
0x101: {  	v4 =	vadd.s32 v1, v4;
	_ =	sdelay $0x1  }
0x102: {  	v3 =	vperm.xlane v3, v2;
	_ =	sdelay $0x1  }
0x103: {  	v3 =	vadd.s32 v1, v3  }
0x104: {  	[tilespmem:s15], [sflag:$0x1] =	stream.indirect_vreg.gather [hbm4b:s3+s2], $0x80, v4, vm0, $0xb8;
	[tilespmem:$0x6200] =	vst v63  }
0x105: {  	_ = 	snop  }
0x106: {  	[tilespmem:s16], [sflag:$0x1] =	stream.indirect_vreg.gather [hbm4b:s5+s2], $0x80, v4, vm1, $0xb8;
	[tilespmem:$0x6200] =	vst v63  }
0x107: {  	_ = 	snop  }
0x108: {  	[tilespmem:s17], [sflag:$0x1] =	stream.indirect_vreg.gather [hbm4b:s3+s2], $0x80, v3, vm0, $0xb8;
	[tilespmem:$0x6200] =	vst v63  }
0x109: {  	_ = 	snop  }
0x10a: {  	[tilespmem:s18], [sflag:$0x1] =	stream.indirect_vreg.gather [hbm4b:s5+s2], $0x80, v3, vm1, $0xb8;
	[tilespmem:$0x6200] =	vst v63  }
0x10b: {  	v3 =	vld [tilespmem:$0x190];
	_ =	sdelay $0x4  }
0x10c: {  	v61 =	vshrl.u32 v3, $0x3  }
0x10d: {  	v4 =	vmul.u32 $0x18, v61  }
0x10e: {  	v3 =	vand.u32 $0x7, v3  }
0x10f: {  	v3 =	vor.u32 v3, v4  }
0x110: {  	v4 =	vperm.xlane v3, v0;
	_ =	sdelay $0x1  }
0x111: {  	v4 =	vadd.s32 v1, v4;
	_ =	sdelay $0x1  }
0x112: {  	v3 =	vperm.xlane v3, v2;
	_ =	sdelay $0x1  }
0x113: {  	v3 =	vadd.s32 v1, v3  }
0x114: {  	[tilespmem:s19], [sflag:$0x1] =	stream.indirect_vreg.gather [hbm4b:s3+s2], $0x80, v4, vm0, $0xb8;
	[tilespmem:$0x6200] =	vst v63  }
0x115: {  	_ = 	snop  }
0x116: {  	[tilespmem:s20], [sflag:$0x1] =	stream.indirect_vreg.gather [hbm4b:s5+s2], $0x80, v4, vm1, $0xb8;
	[tilespmem:$0x6200] =	vst v63  }
0x117: {  	_ = 	snop  }
0x118: {  	[tilespmem:s21], [sflag:$0x1] =	stream.indirect_vreg.gather [hbm4b:s3+s2], $0x80, v3, vm0, $0xb8;
	[tilespmem:$0x6200] =	vst v63  }
0x119: {  	_ = 	snop  }
0x11a: {  	[tilespmem:s22], [sflag:$0x1] =	stream.indirect_vreg.gather [hbm4b:s5+s2], $0x80, v3, vm1, $0xb8;
	[tilespmem:$0x6200] =	vst v63  }
0x11b: {  	v3 =	vld [tilespmem:$0x1A0];
	_ =	sdelay $0x4  }
0x11c: {  	v62 =	vshrl.u32 v3, $0x3  }
0x11d: {  	v4 =	vmul.u32 $0x18, v62  }
0x11e: {  	v3 =	vand.u32 $0x7, v3  }
0x11f: {  	v3 =	vor.u32 v3, v4  }
0x120: {  	v4 =	vperm.xlane v3, v0;
	_ =	sdelay $0x1  }
0x121: {  	v4 =	vadd.s32 v1, v4;
	_ =	sdelay $0x1  }
0x122: {  	v3 =	vperm.xlane v3, v2;
	_ =	sdelay $0x1  }
0x123: {  	v3 =	vadd.s32 v1, v3  }
0x124: {  	[tilespmem:s23], [sflag:$0x1] =	stream.indirect_vreg.gather [hbm4b:s3+s2], $0x80, v4, vm0, $0xb8;
	[tilespmem:$0x6200] =	vst v63  }
0x125: {  	_ = 	snop  }
0x126: {  	[tilespmem:s24], [sflag:$0x1] =	stream.indirect_vreg.gather [hbm4b:s5+s2], $0x80, v4, vm1, $0xb8;
	[tilespmem:$0x6200] =	vst v63  }
0x127: {  	_ = 	snop  }
0x128: {  	[tilespmem:s25], [sflag:$0x1] =	stream.indirect_vreg.gather [hbm4b:s3+s2], $0x80, v3, vm0, $0xb8;
	[tilespmem:$0x6200] =	vst v63  }
0x129: {  	_ = 	snop  }
0x12a: {  	[tilespmem:s26], [sflag:$0x1] =	stream.indirect_vreg.gather [hbm4b:s5+s2], $0x80, v3, vm1, $0xb8;
	[tilespmem:$0x6200] =	vst v63  }
0x12b: {  	v3 =	vld [tilespmem:$0x1B0];
	_ =	sdelay $0x4  }
0x12c: {  	v63 =	vshrl.u32 v3, $0x3  }
0x12d: {  	v4 =	vmul.u32 $0x18, v63  }
0x12e: {  	v3 =	vand.u32 $0x7, v3  }
0x12f: {  	v3 =	vor.u32 v3, v4  }
0x130: {  	v4 =	vperm.xlane v3, v0;
	_ =	sdelay $0x1  }
0x131: {  	v4 =	vadd.s32 v1, v4;
	_ =	sdelay $0x1  }
0x132: {  	v3 =	vperm.xlane v3, v2;
	_ =	sdelay $0x1  }
0x133: {  	v3 =	vadd.s32 v1, v3  }
0x134: {  	[tilespmem:s28], [sflag:$0x1] =	stream.indirect_vreg.gather [hbm4b:s3+s2], $0x80, v4, vm0, $0xb8;
	[tilespmem:$0x6200] =	vst v63  }
0x135: {  	_ = 	snop  }
0x136: {  	[tilespmem:s29], [sflag:$0x1] =	stream.indirect_vreg.gather [hbm4b:s5+s2], $0x80, v4, vm1, $0xb8;
	[tilespmem:$0x6200] =	vst v63  }
0x137: {  	_ = 	snop  }
0x138: {  	[tilespmem:s30], [sflag:$0x1] =	stream.indirect_vreg.gather [hbm4b:s3+s2], $0x80, v3, vm0, $0xb8;
	[tilespmem:$0x6200] =	vst v63  }
0x139: {  	_ = 	snop  }
0x13a: {  	[tilespmem:s31], [sflag:$0x1] =	stream.indirect_vreg.gather [hbm4b:s5+s2], $0x80, v3, vm1, $0xb8;
	[tilespmem:$0x6200] =	vst v63  }
0x13b: {  	_ =	swait.ge [sflag:s1], $0x6000  }
0x13c: {  	p0 =	sne.s32 s10, $0x1;
	[sflag:s1] =	ssyncset.done $0x0  }
.Ltmp0:
0x13d: {  	[sflag:s1] =	ssyncadd.s32 $0xFFFFA000;
	(pc) =	sbr.rel @p0 .LBB2_1-.Ltmp0, $4  }
0x13e: {  	[hbm4b:s9+s2] =	stream.linear.scatter [tilespmem:s15], [sflag:$0x2], $0x6000, $0x38;
	[tilespmem:$0x6200] =	vst v63  }
0x13f: {  	_ =	swait.ge [sflag:s11], $0x6000  }
0x140: {  	[sflag:s11] =	ssyncset.done $0x0  }
0x141: {  	s10 =	sadd.s32 $0xFFFFFFFF, s10;
	[sflag:s11] =	ssyncadd.s32 $0xFFFFA000  }
0x142: {  	_ =	sfence.sel $0x180000  }
0x143: {  	[bflag:$0x0] =	sbarrier.arrive $0xFFFF  }
0x144: {  	_ =	strace $0x9000004A  }
0x145: {  	s0 =	stileid.u32;
	[bflag:$0x2] =	sbarrier.arrive $0xFFFF  }
0x146: {  	p0 =	sne.s32 s0, $0x0;
	s0 =	rddreg [dreg:$0x1]  }
0x147: {  	s0 =	sadd.s32 @!p0 $0x100000, s0  }
0x148: {  	[sflag:s0] =	ssyncadd.tile.s32 @!p0 $0x1;
	_ =	shalt  }
.Lfunc_end2:
_tile_overlayer_lowered:
.L_overlay_start_2:
0x149: {  	(tag) =	ssettag $0x2  }
0x14a: {  	s0 =	rddreg [dreg:$0x0];
	s2 =	stileid.u32  }
0x14b: {  	s1 =	rddreg [dreg:$0x1];
	p0 =	sne.s32 s2, $0x0  }
0x14c: {  	s3 =	rddreg [dreg:$0x2];
	[bflag:$0x3] =	sbarrier.arrive $0xFFFF;
	s2 =	simm.s32 @!p0 $0x1C02  }
0x14d: {  	[timem:s3], [sflag:s2] =	dma.local @!p0 [hbm:s0], s1  }
0x14e: {  	s0 =	simm.s32 @!p0 $0x2  }
0x14f: {  	_ =	swait.ge @!p0 [sflag:s0], s1  }
0x150: {  	s1 =	ssub.s32 @!p0 $0x0, s1;
	[sflag:s0] =	ssyncset.done @!p0 $0x0  }
0x151: {  	[sflag:s0] =	ssyncadd.s32 @!p0 s1  }
0x152: {  	[bflag:$0x3] =	sbarrier.arrive $0xFFFF  }
0x153: {  	_ =	shalt  }

// kernel: kernel.9.cloned.1.call-start
scs
__scs_entry_jumppad:
0x0: {  	(pc) =	sbr.rel $0x88, $3  }
0x1: {  	(tag) =	ssettag $0x0;
	lr =	simm.s32 $0x1  }
0x2: {  	[smem:$0x3F8D] =	sst lr;
	_ =	strace $0xD0000000  }
0x3: {  	_ = 	snop  }
0x4: {  	_ = 	snop  }
0x5: {  	_ = 	snop  }
0x6: {  	_ = 	snop  }
0x7: {  	_ = 	snop  }
__scs_overlays_trampoline_lowered:
0x8: {  	[smem:$0x3F9C] =	sst s0  }
0x9: {  	[smem:$0x3F9D] =	sst s1  }
0xa: {  	[smem:$0x3F9E] =	sst s2  }
0xb: {  	[smem:$0x3F9F] =	sst s3  }
0xc: {  	[smem:$0x3FA0] =	sst s4  }
0xd: {  	[smem:$0x3FA1] =	sst s5  }
0xe: {  	[smem:$0x3FA2] =	sst s6  }
0xf: {  	[smem:$0x3FA3] =	sst s7  }
0x10: {  	[smem:$0x3FA4] =	sst s8  }
0x11: {  	[smem:$0x3FA5] =	sst s9;
	s0 =	simm.s32 @!p0 $0x0  }
0x12: {  	s1 =	sld [smem:$0x3F8B];
	s0 =	simm.s32 @p0 $0x1  }
0x13: {  	[smem:$0x3FA6] =	sst s0;
	s0 =	simm.s32 @!p1 $0x0  }
0x14: {  	s2 =	sld [smem:$0x3F8A];
	s0 =	simm.s32 @p1 $0x1  }
0x15: {  	[smem:$0x3FA7] =	sst s0;
	s0 =	simm.s32 @!p2 $0x0  }
0x16: {  	s3 =	sld [smem:$0x3FDB];
	s0 =	simm.s32 @p2 $0x1  }
0x17: {  	s4 =	simm.s32 $0x1BF5;
	[smem:$0x3FA9] =	sst s0  }
0x18: {  	s0 =	sld [smem:$0x3F8C];
	_ =	swait.ge [sflag:s4], $0x0  }
0x19: {  	s7 =	sld [smem:$0x3F8D]  }
0x1a: {  	s8 =	sadd.s32 $0xFFFFE003, lr  }
0x1b: {  	s9 =	sadd.s32 $0xFFFFFEF7, lr;
	s5 =	simm.s32 $0xFFFFFFFF;
	p2 =	slt.u32 s8, $0xFFFFF086  }
0x1c: {  	p1 =	slt.u32 s9, $0xF7A;
	s5 =	simm.s32 @!p2 $0x0  }
0x1d: {  	s5 =	simm.s32 @p1 $0x1;
	p0 =	seq.s32 s7, s2  }
0x1e: {  	s7 =	smul.u32 @!p0 $0xF7A, s2;
	p2 =	seq.s32 @!p0 s5, $0x0  }
0x1f: {  	s9 =	smul.u32 $0xF7A, s1;
	s8 =	simm.s32 @!p0 $0x1BF5;
	p2 =	por !p2, p0  }
0x20: {  	[sflag:s8] =	ssyncset.s32 @!p0 $0xFFFFF086;
	s6 =	sadd.s32 @!p0 s3, s7;
	s7 =	simm.s32 @!p0 $0x108  }
0x21: {  	s3 =	sadd.s32 s3, s9;
	s6 =	sadd.s32 @!p0 $0x88, s6;
	s7 =	simm.s32 @p2 $0x1082  }
0x22: {  	[simem:s7], [sflag:s8] =	dma.local @!p0 [hbm:s6], $0xF7A  }
0x23: {  	s9 =	sor.u32 $0xD0000000, s2;
	s6 =	simm.s32 $0x108;
	_ =	swait.ge @!p0 [sflag:s8], $0x0  }
0x24: {  	s3 =	sadd.s32 $0x88, s3;
	s6 =	simm.s32 @!p1 $0x1082;
	[sflag:s4] =	ssyncset.s32 $0xFFFFF086  }
0x25: {  	[simem:s6], [sflag:s4] =	dma.local [hbm:s3], $0xF7A  }
0x26: {  	[smem:$0x3F8D] =	sst s1;
	(tag) =	ssettag s2;
	_ =	strace s9  }
0x27: {  	s1 =	sld [smem:$0x3F9D]  }
0x28: {  	s2 =	sld [smem:$0x3F9E]  }
0x29: {  	s4 =	sld [smem:$0x3FA0]  }
0x2a: {  	p0 =	seq.s32 s5, $0x0;
	s5 =	sld [smem:$0x3FA1]  }
0x2b: {  	s6 =	sld [smem:$0x3FA2]  }
0x2c: {  	s7 =	sld [smem:$0x3FA3]  }
0x2d: {  	s3 =	simm.s32 $0x108;
	s8 =	sld [smem:$0x3FA4]  }
0x2e: {  	s3 =	simm.s32 @!p0 $0x1082;
	s9 =	sld [smem:$0x3FA5]  }
0x2f: {  	lr =	sadd.s32 s0, s3;
	s0 =	sld [smem:$0x3F9C]  }
0x30: {  	s3 =	sld [smem:$0x3F9F]  }
0x31: {  	[smem:$0x3FA8] =	sst s10  }
0x32: {  	s10 =	sld [smem:$0x3FA6];
	_ =	sdelay $0x3  }
0x33: {  	p0 =	seq.s32 s10, $0x1;
	s10 =	sld [smem:$0x3FA8];
	_ =	sdelay $0x3  }
0x34: {  	[smem:$0x3FA8] =	sst s10  }
0x35: {  	s10 =	sld [smem:$0x3FA7];
	_ =	sdelay $0x3  }
0x36: {  	p1 =	seq.s32 s10, $0x1;
	s10 =	sld [smem:$0x3FA8];
	_ =	sdelay $0x3  }
0x37: {  	[smem:$0x3FA8] =	sst s10  }
0x38: {  	s10 =	sld [smem:$0x3FA9]  }
0x39: {  	_ = 	snop;
	(pc) =	sbr.ind lr, $3  }
0x3a: {  	_ = 	snop  }
0x3b: {  	_ = 	snop  }
0x3c: {  	p2 =	seq.s32 s10, $0x1;
	s10 =	sld [smem:$0x3FA8]  }
0x3d: {  	_ =	shalt  }
0x3e: {  	_ =	shalt  }
0x3f: {  	_ =	shalt  }
0x40: {  	_ =	shalt  }
0x41: {  	_ =	shalt  }
0x42: {  	_ =	shalt  }
0x43: {  	_ =	shalt  }
0x44: {  	_ =	shalt  }
0x45: {  	_ =	shalt  }
0x46: {  	_ =	shalt  }
0x47: {  	_ =	shalt  }
0x48: {  	_ =	shalt  }
0x49: {  	_ =	shalt  }
0x4a: {  	_ =	shalt  }
0x4b: {  	_ =	shalt  }
0x4c: {  	_ =	shalt  }
0x4d: {  	_ =	shalt  }
0x4e: {  	_ =	shalt  }
0x4f: {  	_ =	shalt  }
0x50: {  	_ =	shalt  }
0x51: {  	_ =	shalt  }
0x52: {  	_ =	shalt  }
0x53: {  	_ =	shalt  }
0x54: {  	_ =	shalt  }
0x55: {  	_ =	shalt  }
0x56: {  	_ =	shalt  }
0x57: {  	_ =	shalt  }
0x58: {  	_ =	shalt  }
0x59: {  	_ =	shalt  }
0x5a: {  	_ =	shalt  }
0x5b: {  	_ =	shalt  }
0x5c: {  	_ =	shalt  }
0x5d: {  	_ =	shalt  }
0x5e: {  	_ =	shalt  }
0x5f: {  	_ =	shalt  }
0x60: {  	_ =	shalt  }
0x61: {  	_ =	shalt  }
0x62: {  	_ =	shalt  }
0x63: {  	_ =	shalt  }
0x64: {  	_ =	shalt  }
0x65: {  	_ =	shalt  }
0x66: {  	_ =	shalt  }
0x67: {  	_ =	shalt  }
0x68: {  	_ =	shalt  }
0x69: {  	_ =	shalt  }
0x6a: {  	_ =	shalt  }
0x6b: {  	_ =	shalt  }
0x6c: {  	_ =	shalt  }
0x6d: {  	_ =	shalt  }
0x6e: {  	_ =	shalt  }
0x6f: {  	_ =	shalt  }
0x70: {  	_ =	shalt  }
0x71: {  	_ =	shalt  }
0x72: {  	_ =	shalt  }
0x73: {  	_ =	shalt  }
0x74: {  	_ =	shalt  }
0x75: {  	_ =	shalt  }
0x76: {  	_ =	shalt  }
0x77: {  	_ =	shalt  }
0x78: {  	_ =	shalt  }
0x79: {  	_ =	shalt  }
0x7a: {  	_ =	shalt  }
0x7b: {  	_ =	shalt  }
0x7c: {  	_ =	shalt  }
0x7d: {  	_ =	shalt  }
0x7e: {  	_ =	shalt  }
0x7f: {  	_ =	shalt  }
0x80: {  	_ =	shalt  }
0x81: {  	_ =	shalt  }
0x82: {  	_ =	shalt  }
0x83: {  	_ =	shalt  }
0x84: {  	_ =	shalt  }
0x85: {  	_ =	shalt  }
0x86: {  	_ =	shalt  }
0x87: {  	_ =	shalt  }
.Lfunc_end0:
.L_simem_size_0:
called_computation_lowered:
.L_overlay_start_0:
0x88: {  	s2 =	sld [smem:$0x3FD9]  }
0x89: {  	s3 =	sld [smem:$0x3FFE];
	_ =	sdelay $0x1  }
0x8a: {  	s1 =	srdreg.scid  }
0x8b: {  	s0 =	sand.u32 $0x1, s1  }
0x8c: {  	s16 =	sshll.u32 s0, $0xA;
	s2 =	sadd.s32 s3, s2  }
0x8d: {  	s2 =	sadd.s32 s2, s16  }
0x8e: {  	[smem:$0x3FB4] =	sst s2  }
0x8f: {  	_ = 	snop  }
0x90: {  	(tm) =	ssettm $0x1  }
0x91: {  	s17 =	sld [smem:$0x3FFB];
	_ =	sdelay $0x3  }
0x92: {  	_ =	strace s17  }
0x93: {  	s2 =	sld [smem:$0x3FFC];
	_ =	sdelay $0x3  }
0x94: {  	_ =	strace s2  }
0x95: {  	s2 =	sld [smem:$0x3FFD];
	_ =	sdelay $0x3  }
0x96: {  	_ =	strace s2  }
0x97: {  	_ =	strace $0x8FFFFFFF  }
0x98: {  	s18 =	sld [smem:$0x3FDB];
	_ =	sdelay $0x1  }
0x99: {  	s19 =	simm.s32 $_scs_section_size  }
0x9a: {  	s4 =	simm.s32 $_size__tile_overlayer_lowered;
	s5 =	simm.s32 $_tile_overlayer_lowered  }
0x9b: {  	s22 =	simm.s32 $0x1BFF;
	s21 =	sshll.u32 s5, $0x1;
	s2 =	sadd.s32 s19, s18  }
0x9c: {  	s6 =	simm.s32 $0x0;
	s20 =	sshll.u32 s4, $0x1;
	s4 =	sadd.s32 s21, s2  }
0x9d: {  	[timem:s6], [sflag:s22] =	dma.local [hbm:s4], s20  }
0x9e: {  	_ =	swait.ge [sflag:s22], s20  }
0x9f: {  	s3 =	ssub.s32 $0x0, s20;
	[sflag:s22] =	ssyncset.done $0x0  }
0xa0: {  	[sflag:s22] =	ssyncadd.s32 s3;
	_ =	sdelay $0x1  }
0xa1: {  	s23 =	simm.s32 $0x1B8B  }
0xa2: {  	_ =	swait.ge [sflag:s23], $0x1  }
0xa3: {  	[sflag:s23] =	ssyncset.done $0x0  }
0xa4: {  	s25 =	simm.s32 $0x1B8E;
	s24 =	sld [smem:$0x3FFE];
	[sflag:s23] =	ssyncadd.s32 $0xFFFFFFFF  }
0xa5: {  	s26 =	simm.s32 $execute0_lowered;
	[smem:$0x3FD2] =	sst s25  }
0xa6: {  	s4 =	sshll.u32 s26, $0x1;
	_ =	strace $0x80000046;
	[dreg:$0x1] =	wrdreg $0xFFFFFFFF  }
0xa7: {  	s28 =	simm.s32 $_size_execute0_lowered;
	s2 =	sadd.s32 s2, s4;
	[dreg:$0x0] =	wrdreg $0x0  }
0xa8: {  	s4 =	sshll.u32 s28, $0x1;
	[dreg:$0x2] =	wrdreg s2  }
0xa9: {  	[dreg:$0x3] =	wrdreg s4  }
0xaa: {  	[dreg:$0x4] =	wrdreg $0xC0  }
0xab: {  	_ =	task [dreg:s6], $0x5FFFF  }
0xac: {  	[dreg:$0x1] =	wrdreg $0xFFFFFFFF  }
0xad: {  	[dreg:$0x0] =	wrdreg $0x60  }
0xae: {  	[dreg:$0x2] =	wrdreg s24  }
0xaf: {  	[dreg:$0x3] =	wrdreg $0x9  }
0xb0: {  	_ =	task.clear_ibuf [dreg:s6], $0x4FFFF;
	_ =	strace $0x90000046  }
0xb1: {  	s29 =	simm.s32 $0x9;
	_ =	strace $0x80000048  }
0xb2: {  	_ =	swait.ge [sflag:s29], $0x1  }
0xb3: {  	[sflag:s29] =	ssyncadd.s32 $0xFFFFFFFF  }
0xb4: {  	_ =	strace $0x90000048  }
0xb5: {  	_ =	sfence  }
0xb6: {  	s30 =	sld [smem:$0x0];
	_ =	sdelay $0x2  }
0xb7: {  	s31 =	sshll.u32 s1, $0xD;
	s1 =	sshrl.u32 s1, $0x2  }
0xb8: {  	s3 =	sand.u32 $0x4000, s31;
	s1 =	sadd.s32 s1, s30  }
0xb9: {  	s0 =	sor.u32 s3, s0;
	s1 =	sshll.u32 s1, $0x11  }
0xba: {  	s0 =	sor.u32 s1, s0  }
0xbb: {  	s0 =	sadd.s32 $0x8F2B, s0  }
0xbc: {  	[sflag:s0] =	ssyncadd.remote.s32 $0x1  }
0xbd: {  	_ =	sfence.sel $0xFFFF  }
0xbe: {  	[dreg:$0x0] =	wrdreg $0xFFFFFFFF;
	(pc) =	sbr.abs _section_cstart, $3  }
0xbf: {  	[dreg:$0x1] =	wrdreg $0xFFFFFFFF  }
0xc0: {  	_ =	task.clear_ibuf [dreg:s6], $0x2FFFF;
	_ =	strace $0x9FFFFFFF  }
0xc1: {  	(tm) =	ssettm $0x7FFFFFFF  }
tec
execute0_lowered:
.L_overlay_start_1:
0x0: {  	(tag) =	ssettag $0x1  }
0x1: {  	s0 =	srdreg.scid  }
0x2: {  	s2 =	stileid.u32;
	s1 =	rddreg [dreg:$0x0]  }
0x3: {  	s18 =	simm.s32 $0x2;
	s29 =	simm.s32 $0x0;
	s0 =	sand.u32 $0x1, s0  }
0x4: {  	s3 =	sshll.u32 s2, $0x1;
	s2 =	simm.s32 $0x0;
	s5 =	sadd.s32 $0x1C200, s1  }
0x5: {  	s7 =	sadd.s32 $0x94C00, s1;
	s8 =	sadd.s32 $0x95000, s1;
	s3 =	sor.u32 s0, s3  }
0x6: {  	v0 =	vlaneseq.u32;
	s12 =	sadd.s32 $0x1CA00, s1;
	[smem:$0x7FF] =	sst s2;
	s9 =	sshll.u32 s3, $0x6  }
0x7: {  	v1 =	vmul.u32 $0x8, v0;
	s0 =	ssub.s32 $0x2, s0;
	_ =	strace $0x80000047;
	[dreg:$0x2] =	wrdreg s5;
	v2 =	vmov s9  }
0x8: {  	s4 =	smul.u32 $0xC00, s3;
	s10 =	sshll.u32 s3, $0x8;
	[dreg:$0x3] =	wrdreg s12;
	v25 =	vshll.u32 v2, $0x3  }
0x9: {  	s21 =	sshrl.u32 s0, $0x1;
	p3 =	sne.s32 s3, $0x0;
	s11 =	sand.u32 $0x40, s9;
	v2 =	vor.u32 v1, v25  }
0xa: {  	v34 =	vimm.s32 $0x0;
	s6 =	sand.u32 $0x1E00, s10;
	s0 =	ssub.s32 s0, s21;
	s20 =	sadd.s32 s4, s1;
	v3 =	vor.u32 $0x1, v2  }
0xb: {  	vm0 =	vmxor vm0, vm0;
	v35 =	vimm.s32 $0x27FF;
	s13 =	sor.u32 s11, s6;
	s10 =	sor.u32 s10, s11;
	s0 =	smax.u32 s0, $0x1;
	[tilespmem:$0x1FF40] =	vst v3;
	v3 =	vor.u32 $0x2, v2  }
0xc: {  	v36 =	vimm.f32 $0.0e+00;
	v26 =	vor.u32 $0x180, v1;
	s22 =	sshrl.u32 s13, $0x3;
	s5 =	sadd.s32 $0x4200, s20;
	[dreg:$0xd] =	wrdreg s0;
	[tilespmem:$0x1FF50] =	vst v3;
	v3 =	vor.u32 $0x3, v2  }
0xd: {  	v16 =	vor.u32 $0x100, v1;
	v10 =	vor.u32 $0x80, v1;
	s10 =	sshrl.u32 s10, $0x3;
	s23 =	sadd.s32 s7, s22;
	[dreg:$0xc] =	wrdreg s5;
	[tilespmem:$0x1FF60] =	vst v3;
	v3 =	vor.u32 $0x4, v2  }
0xe: {  	v10 =	vor.u32 v10, v25;
	v16 =	vor.u32 v16, v25;
	s0 =	simm.s32 @!p3 $0x0;
	s25 =	sadd.s32 s8, s22;
	[dreg:$0x4] =	wrdreg s23;
	[tilespmem:$0x1FF70] =	vst v3;
	v3 =	vor.u32 $0x5, v2  }
0xf: {  	v25 =	vor.u32 v26, v25;
	s24 =	sor.u32 $0x10, s22;
	v17 =	vor.u32 $0x6, v10;
	s0 =	simm.s32 @p3 $0x1;
	[dreg:$0x5] =	wrdreg s25;
	[tilespmem:$0x1FF80] =	vst v3;
	v3 =	vor.u32 $0x6, v2  }
0x10: {  	s28 =	sor.u32 $0x20, s10;
	v18 =	vor.u32 $0x7, v10;
	v19 =	vor.u32 $0x1, v16;
	s26 =	sadd.s32 s7, s24;
	[smem:$0x7FD] =	sst s0;
	[tilespmem:$0x1FF90] =	vst v3;
	v3 =	vor.u32 $0x7, v2  }
0x11: {  	s10 =	sor.u32 $0x30, s10;
	v20 =	vor.u32 $0x2, v16;
	v21 =	vor.u32 $0x3, v16;
	s9 =	sadd.s32 s8, s24;
	[dreg:$0x6] =	wrdreg s26;
	[tilespmem:$0x1FFA0] =	vst v3;
	v3 =	vor.u32 $0x1, v10  }
.Ltmp0:
0x12: {  	v22 =	vor.u32 $0x4, v16;
	v23 =	vor.u32 $0x5, v16;
	s30 =	sadd.s32 s7, s28;
	[dreg:$0x7] =	wrdreg s9;
	[tilespmem:$0x1FFB0] =	vst v3;
	v3 =	vor.u32 $0x2, v10;
	(pc) =	sbr.rel .LBB2_1-.Ltmp0, $4  }
0x13: {  	s16 =	sadd.s32 $0x1CD00, s1;
	v24 =	vor.u32 $0x6, v16;
	v26 =	vor.u32 $0x7, v16;
	s7 =	sadd.s32 s7, s10;
	[dreg:$0x8] =	wrdreg s30;
	[tilespmem:$0x1FFC0] =	vst v3;
	v3 =	vor.u32 $0x3, v10  }
0x14: {  	s21 =	simm.s32 $0x4000;
	v27 =	vor.u32 $0x1, v25;
	v28 =	vor.u32 $0x2, v25;
	s31 =	sadd.s32 s8, s10;
	[dreg:$0xa] =	wrdreg s7;
	[tilespmem:$0x1FFD0] =	vst v3;
	v3 =	vor.u32 $0x4, v10  }
0x15: {  	s4 =	sadd.s32 $0x1CC00, s1;
	v29 =	vor.u32 $0x3, v25;
	v30 =	vor.u32 $0x4, v25;
	s9 =	sadd.s32 s8, s28;
	[dreg:$0xb] =	wrdreg s31;
	[tilespmem:$0x1FFE0] =	vst v3;
	v3 =	vor.u32 $0x5, v10  }
0x16: {  	s6 =	sshll.u32 s3, $0x2;
	s22 =	simm.s32 $0x4200;
	v31 =	vor.u32 $0x5, v25;
	v32 =	vor.u32 $0x6, v25;
	v33 =	vor.u32 $0x7, v25;
	[dreg:$0x9] =	wrdreg s9;
	[tilespmem:$0x1FFF0] =	vst v3  }
.LBB2_5:
0x17: {  	[tilespmem:$0x4000] =	vst v35  }
0x18: {  	[tilespmem:$0x4200] =	vst v36  }
0x19: {  	[tilespmem:$0x4010] =	vst v35  }
0x1a: {  	[tilespmem:$0x4210] =	vst v36  }
0x1b: {  	[tilespmem:$0x4020] =	vst v35  }
0x1c: {  	[tilespmem:$0x4220] =	vst v36  }
0x1d: {  	[tilespmem:$0x4030] =	vst v35  }
0x1e: {  	[tilespmem:$0x4230] =	vst v36  }
0x1f: {  	[tilespmem:$0x4080] =	vst v35  }
0x20: {  	[tilespmem:$0x4280] =	vst v36  }
0x21: {  	[tilespmem:$0x4090] =	vst v35  }
0x22: {  	[tilespmem:$0x4290] =	vst v36  }
0x23: {  	[tilespmem:$0x40A0] =	vst v35  }
0x24: {  	[tilespmem:$0x42A0] =	vst v36  }
0x25: {  	[tilespmem:$0x40B0] =	vst v35  }
0x26: {  	[tilespmem:$0x42B0] =	vst v36  }
0x27: {  	[tilespmem:$0x4100] =	vst v35  }
0x28: {  	[tilespmem:$0x4300] =	vst v36  }
0x29: {  	[tilespmem:$0x4110] =	vst v35  }
0x2a: {  	[tilespmem:$0x4310] =	vst v36  }
0x2b: {  	[tilespmem:$0x4120] =	vst v35  }
0x2c: {  	[tilespmem:$0x4320] =	vst v36  }
0x2d: {  	[tilespmem:$0x4130] =	vst v35  }
0x2e: {  	[tilespmem:$0x4330] =	vst v36  }
0x2f: {  	[tilespmem:$0x4180] =	vst v35  }
0x30: {  	[tilespmem:$0x4380] =	vst v36  }
0x31: {  	[tilespmem:$0x4190] =	vst v35  }
0x32: {  	[tilespmem:$0x4390] =	vst v36  }
0x33: {  	[tilespmem:$0x41A0] =	vst v35  }
0x34: {  	[tilespmem:$0x43A0] =	vst v36  }
0x35: {  	[tilespmem:$0x41B0] =	vst v35  }
0x36: {  	[tilespmem:$0x43B0] =	vst v36  }
0x37: {  	v3 =	vld.idx.msk [tilespmem:v2+s2+$0x0], $0xffff;
	_ =	sdelay $0x4  }
0x38: {  	vm1 =	vgt.f32 v3, $0.0e+00  }
0x39: {  	v4 =	vsel vm1, $0x1, v34  }
0x3a: {  	(xrf0) =	vadd.scan.msk.s32 $0xffff, v4;
	_ =	sdelay $0x3  }
0x3b: {  	v5 =	vbroadcast v37, $0xF  }
0x3c: {  	v6 =	vsel vm1, $0xFFFFFFFF, v34  }
0x3d: {  	v5 =	vadd.s32 v6, v5;
	v7, _, _ =	vpop (xrf0)  }
0x3e: {  	v5 =	vadd.s32 v7, v5  }
0x3f: {  	[tilespmem:v0+s21+$0x0] =	vst.idx.msk vm1, v5  }
0x40: {  	[tilespmem:v0+s22+$0x0] =	vst.idx.msk vm1, v3;
	v3 =	vld [tilespmem:$0x1FF40];
	_ =	sdelay $0x7  }
0x41: {  	v3 =	vld.idx.msk [tilespmem:v3+s2+$0x0], $0xffff;
	_ =	sdelay $0x4  }
0x42: {  	vm2 =	vgt.f32 v3, $0.0e+00  }
0x43: {  	v39 =	vsel vm2, $0x1, v34  }
0x44: {  	(xrf0) =	vadd.scan.msk.s32 $0xffff, v39;
	_ =	sdelay $0x1  }
0x45: {  	v40 =	vor.u32 $0x80, v0  }
0x46: {  	v6 =	vsel vm1, v40, v0;
	_ =	sdelay $0x1  }
0x47: {  	v8 =	vsel vm2, $0xFFFFFFFF, v34  }
0x48: {  	v8 =	vadd.s32 s1, v8;
	v9, _, _ =	vpop (xrf0)  }
0x49: {  	v8 =	vadd.s32 v9, v8  }
0x4a: {  	[tilespmem:v6+s21+$0x0] =	vst.idx.msk vm2, v8  }
0x4b: {  	[tilespmem:v6+s22+$0x0] =	vst.idx.msk vm2, v3;
	v3 =	vld [tilespmem:$0x1FF50];
	_ =	sdelay $0x7  }
0x4c: {  	v3 =	vld.idx.msk [tilespmem:v3+s2+$0x0], $0xffff;
	_ =	sdelay $0x4  }
0x4d: {  	vm1 =	vgt.f32 v3, $0.0e+00  }
0x4e: {  	v41 =	vsel vm1, $0x1, v34  }
0x4f: {  	(xrf0) =	vadd.scan.msk.s32 $0xffff, v41  }
0x50: {  	v4 =	vadd.s32 v4, v39  }
0x51: {  	v5 =	vshll.u32 v4, $0x7  }
0x52: {  	v5 =	vor.u32 v0, v5;
	_ =	sdelay $0x1  }
0x53: {  	v8 =	vsel vm1, $0xFFFFFFFF, v34  }
0x54: {  	v8 =	vadd.s32 s31, v8;
	v11, _, _ =	vpop (xrf0)  }
0x55: {  	v8 =	vadd.s32 v11, v8  }
0x56: {  	[tilespmem:v5+s21+$0x0] =	vst.idx.msk vm1, v8  }
0x57: {  	[tilespmem:v5+s22+$0x0] =	vst.idx.msk vm1, v3;
	v3 =	vld [tilespmem:$0x1FF60];
	_ =	sdelay $0x7  }
0x58: {  	v3 =	vld.idx.msk [tilespmem:v3+s2+$0x0], $0xffff;
	_ =	sdelay $0x4  }
0x59: {  	vm1 =	vgt.f32 v3, $0.0e+00  }
0x5a: {  	v42 =	vsel vm1, $0x1, v34  }
0x5b: {  	(xrf0) =	vadd.scan.msk.s32 $0xffff, v42  }
0x5c: {  	v4 =	vadd.s32 v41, v4  }
0x5d: {  	v6 =	vshll.u32 v4, $0x7  }
0x5e: {  	v6 =	vor.u32 v0, v6;
	_ =	sdelay $0x1  }
0x5f: {  	v8 =	vsel vm1, $0xFFFFFFFF, v34  }
0x60: {  	v8 =	vadd.s32 s17, v8;
	v12, _, _ =	vpop (xrf0)  }
0x61: {  	v8 =	vadd.s32 v12, v8  }
0x62: {  	[tilespmem:v6+s21+$0x0] =	vst.idx.msk vm1, v8  }
0x63: {  	[tilespmem:v6+s22+$0x0] =	vst.idx.msk vm1, v3;
	v3 =	vld [tilespmem:$0x1FF70];
	_ =	sdelay $0x7  }
0x64: {  	v3 =	vld.idx.msk [tilespmem:v3+s2+$0x0], $0xffff;
	_ =	sdelay $0x4  }
0x65: {  	vm1 =	vgt.f32 v3, $0.0e+00  }
0x66: {  	v43 =	vsel vm1, $0x1, v34  }
0x67: {  	(xrf0) =	vadd.scan.msk.s32 $0xffff, v43  }
0x68: {  	v4 =	vadd.s32 v42, v4  }
0x69: {  	v5 =	vshll.u32 v4, $0x7  }
0x6a: {  	v5 =	vor.u32 v0, v5;
	_ =	sdelay $0x1  }
0x6b: {  	v8 =	vsel vm1, $0xFFFFFFFF, v34  }
0x6c: {  	v8 =	vadd.s32 s15, v8;
	v13, _, _ =	vpop (xrf0)  }
0x6d: {  	v8 =	vadd.s32 v13, v8  }
0x6e: {  	[tilespmem:v5+s21+$0x0] =	vst.idx.msk vm1, v8  }
0x6f: {  	[tilespmem:v5+s22+$0x0] =	vst.idx.msk vm1, v3;
	v3 =	vld [tilespmem:$0x1FF80];
	_ =	sdelay $0x7  }
0x70: {  	v3 =	vld.idx.msk [tilespmem:v3+s2+$0x0], $0xffff;
	_ =	sdelay $0x4  }
0x71: {  	vm1 =	vgt.f32 v3, $0.0e+00  }
0x72: {  	v44 =	vsel vm1, $0x1, v34  }
0x73: {  	(xrf0) =	vadd.scan.msk.s32 $0xffff, v44  }
0x74: {  	v4 =	vadd.s32 v43, v4  }
0x75: {  	v6 =	vshll.u32 v4, $0x7  }
0x76: {  	v6 =	vor.u32 v0, v6;
	_ =	sdelay $0x1  }
0x77: {  	v8 =	vsel vm1, $0xFFFFFFFF, v34  }
0x78: {  	v8 =	vadd.s32 s14, v8;
	v14, _, _ =	vpop (xrf0)  }
0x79: {  	v8 =	vadd.s32 v14, v8  }
0x7a: {  	[tilespmem:v6+s21+$0x0] =	vst.idx.msk vm1, v8  }
0x7b: {  	[tilespmem:v6+s22+$0x0] =	vst.idx.msk vm1, v3;
	v3 =	vld [tilespmem:$0x1FF90];
	_ =	sdelay $0x7  }
0x7c: {  	v3 =	vld.idx.msk [tilespmem:v3+s2+$0x0], $0xffff;
	_ =	sdelay $0x4  }
0x7d: {  	vm1 =	vgt.f32 v3, $0.0e+00  }
0x7e: {  	v45 =	vsel vm1, $0x1, v34  }
0x7f: {  	(xrf0) =	vadd.scan.msk.s32 $0xffff, v45  }
0x80: {  	v4 =	vadd.s32 v44, v4  }
0x81: {  	v5 =	vshll.u32 v4, $0x7  }
0x82: {  	v5 =	vor.u32 v0, v5;
	_ =	sdelay $0x1  }
0x83: {  	v8 =	vsel vm1, $0xFFFFFFFF, v34  }
0x84: {  	v8 =	vadd.s32 s13, v8;
	v15, _, _ =	vpop (xrf0)  }
0x85: {  	v8 =	vadd.s32 v15, v8  }
0x86: {  	[tilespmem:v5+s21+$0x0] =	vst.idx.msk vm1, v8  }
0x87: {  	[tilespmem:v5+s22+$0x0] =	vst.idx.msk vm1, v3;
	v3 =	vld [tilespmem:$0x1FFA0];
	_ =	sdelay $0x7  }
0x88: {  	v3 =	vld.idx.msk [tilespmem:v3+s2+$0x0], $0xffff;
	_ =	sdelay $0x4  }
0x89: {  	vm1 =	vgt.f32 v3, $0.0e+00  }
0x8a: {  	v46 =	vsel vm1, $0x1, v34  }
0x8b: {  	(xrf0) =	vadd.scan.msk.s32 $0xffff, v46  }
0x8c: {  	v4 =	vadd.s32 v45, v4  }
0x8d: {  	v4 =	vshll.u32 v4, $0x7  }
0x8e: {  	v4 =	vor.u32 v0, v4;
	_ =	sdelay $0x1  }
0x8f: {  	v47 =	vsel vm1, $0xFFFFFFFF, v34  }
0x90: {  	(v2sf) =	vpush v7, $0xF;
	v5 =	vadd.s32 s12, v47;
	v48, _, _ =	vpop (xrf0)  }
0x91: {  	v5 =	vadd.s32 v48, v5  }
0x92: {  	[tilespmem:v4+s21+$0x0] =	vst.idx.msk vm1, v5  }
0x93: {  	[tilespmem:v4+s22+$0x0] =	vst.idx.msk vm1, v3  }
0x94: {  	v3 =	vld.idx.msk [tilespmem:v10+s2+$0x0], $0xffff;
	_ =	sdelay $0x4  }
0x95: {  	vm1 =	vgt.f32 v3, $0.0e+00  }
0x96: {  	v49 =	vsel vm1, $0x1, v34  }
0x97: {  	(xrf0) =	vadd.scan.msk.s32 $0xffff, v49;
	_ =	sdelay $0x2  }
0x98: {  	v50 =	vor.u32 $0x10, v0  }
0x99: {  	s3 =	rddreg [dreg:$0xf];
	s0 =	spop (v2sf)  }
0x9a: {  	s0 =	sadd.s32 s3, s0;
	v51 =	vsel vm1, $0xFFFFFFFF, v34  }
0x9b: {  	v7 =	vadd.s32 s0, v51;
	v8, _, _ =	vpop (xrf0)  }
0x9c: {  	v7 =	vadd.s32 v8, v7  }
0x9d: {  	[tilespmem:v50+s21+$0x0] =	vst.idx.msk vm1, v7  }
0x9e: {  	[tilespmem:v50+s22+$0x0] =	vst.idx.msk vm1, v3;
	v3 =	vld [tilespmem:$0x1FFB0];
	_ =	sdelay $0x3  }
0x9f: {  	(v2sf) =	vpush v9, $0xF;
	_ =	sdelay $0x3  }
0xa0: {  	v3 =	vld.idx.msk [tilespmem:v3+s2+$0x0], $0xffff;
	_ =	sdelay $0x4  }
0xa1: {  	vm2 =	vgt.f32 v3, $0.0e+00  }
0xa2: {  	v52 =	vsel vm2, $0x1, v34  }
0xa3: {  	(xrf0) =	vadd.scan.msk.s32 $0xffff, v52;
	_ =	sdelay $0x1  }
0xa4: {  	v9 =	vor.u32 $0x90, v0  }
0xa5: {  	v9 =	vsel vm1, v9, v50  }
0xa6: {  	s24 =	spop (v2sf)  }
0xa7: {  	s25 =	sadd.s32 s1, s24;
	v53 =	vsel vm2, $0xFFFFFFFF, v34  }
0xa8: {  	(v2sf) =	vpush v11, $0xF;
	v37 =	vadd.s32 s25, v53;
	v11, _, _ =	vpop (xrf0)  }
0xa9: {  	v37 =	vadd.s32 v11, v37  }
0xaa: {  	[tilespmem:v9+s21+$0x0] =	vst.idx.msk vm2, v37  }
0xab: {  	[tilespmem:v9+s22+$0x0] =	vst.idx.msk vm2, v3;
	v3 =	vld [tilespmem:$0x1FFC0];
	_ =	sdelay $0x7  }
0xac: {  	v3 =	vld.idx.msk [tilespmem:v3+s2+$0x0], $0xffff;
	_ =	sdelay $0x4  }
0xad: {  	vm1 =	vgt.f32 v3, $0.0e+00  }
0xae: {  	v9 =	vsel vm1, $0x1, v34  }
0xaf: {  	(xrf0) =	vadd.scan.msk.s32 $0xffff, v9  }
0xb0: {  	v4 =	vadd.s32 v49, v52  }
0xb1: {  	v7 =	vshll.u32 v4, $0x7  }
0xb2: {  	v7 =	vor.u32 v50, v7  }
0xb3: {  	s26 =	spop (v2sf)  }
0xb4: {  	s5 =	sadd.s32 s31, s26;
	v54 =	vsel vm1, $0xFFFFFFFF, v34  }
0xb5: {  	v37 =	vadd.s32 s5, v54;
	v55, _, _ =	vpop (xrf0)  }
0xb6: {  	v37 =	vadd.s32 v55, v37  }
0xb7: {  	[tilespmem:v7+s21+$0x0] =	vst.idx.msk vm1, v37  }
0xb8: {  	[tilespmem:v7+s22+$0x0] =	vst.idx.msk vm1, v3;
	v3 =	vld [tilespmem:$0x1FFD0];
	_ =	sdelay $0x3  }
0xb9: {  	(v2sf) =	vpush v12, $0xF;
	_ =	sdelay $0x3  }
0xba: {  	v3 =	vld.idx.msk [tilespmem:v3+s2+$0x0], $0xffff;
	_ =	sdelay $0x4  }
0xbb: {  	vm1 =	vgt.f32 v3, $0.0e+00  }
0xbc: {  	v56 =	vsel vm1, $0x1, v34  }
0xbd: {  	(xrf0) =	vadd.scan.msk.s32 $0xffff, v56  }
0xbe: {  	v4 =	vadd.s32 v9, v4  }
0xbf: {  	v9 =	vshll.u32 v4, $0x7  }
0xc0: {  	v9 =	vor.u32 v50, v9  }
0xc1: {  	s28 =	spop (v2sf)  }
0xc2: {  	s11 =	sadd.s32 s17, s28;
	v57 =	vsel vm1, $0xFFFFFFFF, v34  }
0xc3: {  	v37 =	vadd.s32 s11, v57;
	v58, _, _ =	vpop (xrf0)  }
0xc4: {  	v37 =	vadd.s32 v58, v37  }
0xc5: {  	[tilespmem:v9+s21+$0x0] =	vst.idx.msk vm1, v37  }
0xc6: {  	[tilespmem:v9+s22+$0x0] =	vst.idx.msk vm1, v3;
	v3 =	vld [tilespmem:$0x1FFE0];
	_ =	sdelay $0x3  }
0xc7: {  	(v2sf) =	vpush v13, $0xF;
	_ =	sdelay $0x3  }
0xc8: {  	v3 =	vld.idx.msk [tilespmem:v3+s2+$0x0], $0xffff;
	_ =	sdelay $0x4  }
0xc9: {  	vm1 =	vgt.f32 v3, $0.0e+00  }
0xca: {  	v9 =	vsel vm1, $0x1, v34  }
0xcb: {  	(xrf0) =	vadd.scan.msk.s32 $0xffff, v9  }
0xcc: {  	v4 =	vadd.s32 v56, v4  }
0xcd: {  	v7 =	vshll.u32 v4, $0x7  }
0xce: {  	v7 =	vor.u32 v50, v7  }
0xcf: {  	s30 =	spop (v2sf)  }
0xd0: {  	s31 =	sadd.s32 s15, s30;
	v59 =	vsel vm1, $0xFFFFFFFF, v34  }
0xd1: {  	v37 =	vadd.s32 s31, v59;
	v60, _, _ =	vpop (xrf0)  }
0xd2: {  	v37 =	vadd.s32 v60, v37  }
0xd3: {  	[tilespmem:v7+s21+$0x0] =	vst.idx.msk vm1, v37  }
0xd4: {  	[tilespmem:v7+s22+$0x0] =	vst.idx.msk vm1, v3;
	v3 =	vld [tilespmem:$0x1FFF0];
	_ =	sdelay $0x3  }
0xd5: {  	(v2sf) =	vpush v14, $0xF;
	_ =	sdelay $0x3  }
0xd6: {  	v3 =	vld.idx.msk [tilespmem:v3+s2+$0x0], $0xffff;
	_ =	sdelay $0x4  }
0xd7: {  	vm1 =	vgt.f32 v3, $0.0e+00  }
0xd8: {  	v61 =	vsel vm1, $0x1, v34  }
0xd9: {  	(xrf0) =	vadd.scan.msk.s32 $0xffff, v61  }
0xda: {  	v4 =	vadd.s32 v9, v4  }
0xdb: {  	v9 =	vshll.u32 v4, $0x7  }
0xdc: {  	v9 =	vor.u32 v50, v9  }
0xdd: {  	s7 =	spop (v2sf)  }
0xde: {  	s8 =	sadd.s32 s14, s7;
	v62 =	vsel vm1, $0xFFFFFFFF, v34  }
0xdf: {  	(v2sf) =	vpush v15, $0xF;
	v37 =	vadd.s32 s8, v62;
	v15, _, _ =	vpop (xrf0)  }
0xe0: {  	v37 =	vadd.s32 v15, v37  }
0xe1: {  	[tilespmem:v9+s21+$0x0] =	vst.idx.msk vm1, v37  }
0xe2: {  	[tilespmem:v9+s22+$0x0] =	vst.idx.msk vm1, v3  }
0xe3: {  	v3 =	vld.idx.msk [tilespmem:v17+s2+$0x0], $0xffff;
	_ =	sdelay $0x4  }
0xe4: {  	vm1 =	vgt.f32 v3, $0.0e+00  }
0xe5: {  	v9 =	vsel vm1, $0x1, v34  }
0xe6: {  	(xrf0) =	vadd.scan.msk.s32 $0xffff, v9  }
0xe7: {  	v4 =	vadd.s32 v61, v4  }
0xe8: {  	v7 =	vshll.u32 v4, $0x7  }
0xe9: {  	v7 =	vor.u32 v50, v7  }
0xea: {  	s9 =	spop (v2sf)  }
0xeb: {  	s10 =	sadd.s32 s13, s9;
	v63 =	vsel vm1, $0xFFFFFFFF, v34  }
0xec: {  	(v2sf) =	vpush v48, $0xF;
	v37 =	vadd.s32 s10, v63;
	v40, _, _ =	vpop (xrf0)  }
0xed: {  	v37 =	vadd.s32 v40, v37  }
0xee: {  	[tilespmem:v7+s21+$0x0] =	vst.idx.msk vm1, v37  }
0xef: {  	[tilespmem:v7+s22+$0x0] =	vst.idx.msk vm1, v3  }
0xf0: {  	v3 =	vld.idx.msk [tilespmem:v18+s2+$0x0], $0xffff;
	_ =	sdelay $0x4  }
0xf1: {  	vm1 =	vgt.f32 v3, $0.0e+00  }
0xf2: {  	v41 =	vsel vm1, $0x1, v34  }
0xf3: {  	(xrf0) =	vadd.scan.msk.s32 $0xffff, v41  }
0xf4: {  	v4 =	vadd.s32 v9, v4  }
0xf5: {  	v4 =	vshll.u32 v4, $0x7  }
0xf6: {  	v4 =	vor.u32 v50, v4  }
0xf7: {  	s17 =	spop (v2sf)  }
0xf8: {  	s19 =	sadd.s32 s12, s17;
	v42 =	vsel vm1, $0xFFFFFFFF, v34  }
0xf9: {  	(v2sf) =	vpush v8, $0xF;
	v5 =	vadd.s32 s19, v42;
	v7, _, _ =	vpop (xrf0)  }
0xfa: {  	v5 =	vadd.s32 v7, v5  }
0xfb: {  	[tilespmem:v4+s21+$0x0] =	vst.idx.msk vm1, v5  }
0xfc: {  	[tilespmem:v4+s22+$0x0] =	vst.idx.msk vm1, v3  }
0xfd: {  	v3 =	vld.idx.msk [tilespmem:v16+s2+$0x0], $0xffff;
	_ =	sdelay $0x4  }
0xfe: {  	vm1 =	vgt.f32 v3, $0.0e+00  }
0xff: {  	v43 =	vsel vm1, $0x1, v34  }
0x100: {  	(xrf0) =	vadd.scan.msk.s32 $0xffff, v43;
	_ =	sdelay $0x2  }
0x101: {  	v44 =	vor.u32 $0x20, v0  }
0x102: {  	s20 =	spop (v2sf)  }
0x103: {  	s0 =	sadd.s32 s0, s20;
	v8 =	vsel vm1, $0xFFFFFFFF, v34  }
0x104: {  	(v2sf) =	vpush v11, $0xF;
	v8 =	vadd.s32 s0, v8;
	v9, _, _ =	vpop (xrf0)  }
0x105: {  	v8 =	vadd.s32 v9, v8  }
0x106: {  	[tilespmem:v44+s21+$0x0] =	vst.idx.msk vm1, v8  }
0x107: {  	[tilespmem:v44+s22+$0x0] =	vst.idx.msk vm1, v3  }
0x108: {  	v3 =	vld.idx.msk [tilespmem:v19+s2+$0x0], $0xffff;
	_ =	sdelay $0x4  }
0x109: {  	vm2 =	vgt.f32 v3, $0.0e+00  }
0x10a: {  	v8 =	vsel vm2, $0x1, v34  }
0x10b: {  	(xrf0) =	vadd.scan.msk.s32 $0xffff, v8;
	_ =	sdelay $0x1  }
0x10c: {  	v11 =	vor.u32 $0xA0, v0  }
0x10d: {  	v11 =	vsel vm1, v11, v44  }
0x10e: {  	s23 =	spop (v2sf)  }
0x10f: {  	s1 =	sadd.s32 s25, s23;
	v45 =	vsel vm2, $0xFFFFFFFF, v34  }
0x110: {  	(v2sf) =	vpush v55, $0xF;
	v37 =	vadd.s32 s1, v45;
	v46, _, _ =	vpop (xrf0)  }
0x111: {  	v37 =	vadd.s32 v46, v37  }
0x112: {  	[tilespmem:v11+s21+$0x0] =	vst.idx.msk vm2, v37  }
0x113: {  	[tilespmem:v11+s22+$0x0] =	vst.idx.msk vm2, v3  }
0x114: {  	v3 =	vld.idx.msk [tilespmem:v20+s2+$0x0], $0xffff;
	_ =	sdelay $0x4  }
0x115: {  	vm1 =	vgt.f32 v3, $0.0e+00  }
0x116: {  	v11 =	vsel vm1, $0x1, v34  }
0x117: {  	(xrf0) =	vadd.scan.msk.s32 $0xffff, v11  }
0x118: {  	v4 =	vadd.s32 v43, v8  }
0x119: {  	v8 =	vshll.u32 v4, $0x7  }
0x11a: {  	v8 =	vor.u32 v44, v8  }
0x11b: {  	s24 =	spop (v2sf)  }
0x11c: {  	s5 =	sadd.s32 s5, s24;
	v47 =	vsel vm1, $0xFFFFFFFF, v34  }
0x11d: {  	(v2sf) =	vpush v58, $0xF;
	v37 =	vadd.s32 s5, v47;
	v48, _, _ =	vpop (xrf0)  }
0x11e: {  	v37 =	vadd.s32 v48, v37  }
0x11f: {  	[tilespmem:v8+s21+$0x0] =	vst.idx.msk vm1, v37  }
0x120: {  	[tilespmem:v8+s22+$0x0] =	vst.idx.msk vm1, v3  }
0x121: {  	v3 =	vld.idx.msk [tilespmem:v21+s2+$0x0], $0xffff;
	_ =	sdelay $0x4  }
0x122: {  	vm1 =	vgt.f32 v3, $0.0e+00  }
0x123: {  	v8 =	vsel vm1, $0x1, v34  }
0x124: {  	(xrf0) =	vadd.scan.msk.s32 $0xffff, v8  }
0x125: {  	v4 =	vadd.s32 v11, v4  }
0x126: {  	v11 =	vshll.u32 v4, $0x7  }
0x127: {  	v11 =	vor.u32 v44, v11  }
0x128: {  	s25 =	spop (v2sf)  }
0x129: {  	s11 =	sadd.s32 s11, s25;
	v49 =	vsel vm1, $0xFFFFFFFF, v34  }
0x12a: {  	(v2sf) =	vpush v60, $0xF;
	v37 =	vadd.s32 s11, v49;
	v50, _, _ =	vpop (xrf0)  }
0x12b: {  	v37 =	vadd.s32 v50, v37  }
0x12c: {  	[tilespmem:v11+s21+$0x0] =	vst.idx.msk vm1, v37  }
0x12d: {  	[tilespmem:v11+s22+$0x0] =	vst.idx.msk vm1, v3  }
0x12e: {  	v3 =	vld.idx.msk [tilespmem:v22+s2+$0x0], $0xffff;
	_ =	sdelay $0x4  }
0x12f: {  	vm1 =	vgt.f32 v3, $0.0e+00  }
0x130: {  	v11 =	vsel vm1, $0x1, v34  }
0x131: {  	(xrf0) =	vadd.scan.msk.s32 $0xffff, v11  }
0x132: {  	v4 =	vadd.s32 v8, v4  }
0x133: {  	v8 =	vshll.u32 v4, $0x7  }
0x134: {  	v8 =	vor.u32 v44, v8  }
0x135: {  	s26 =	spop (v2sf)  }
0x136: {  	s15 =	sadd.s32 s31, s26;
	v51 =	vsel vm1, $0xFFFFFFFF, v34  }
0x137: {  	(v2sf) =	vpush v15, $0xF;
	v37 =	vadd.s32 s15, v51;
	v15, _, _ =	vpop (xrf0)  }
0x138: {  	v37 =	vadd.s32 v15, v37  }
0x139: {  	[tilespmem:v8+s21+$0x0] =	vst.idx.msk vm1, v37  }
0x13a: {  	[tilespmem:v8+s22+$0x0] =	vst.idx.msk vm1, v3  }
0x13b: {  	v3 =	vld.idx.msk [tilespmem:v23+s2+$0x0], $0xffff;
	_ =	sdelay $0x4  }
0x13c: {  	vm1 =	vgt.f32 v3, $0.0e+00  }
0x13d: {  	v8 =	vsel vm1, $0x1, v34  }
0x13e: {  	(xrf0) =	vadd.scan.msk.s32 $0xffff, v8  }
0x13f: {  	v4 =	vadd.s32 v11, v4  }
0x140: {  	v11 =	vshll.u32 v4, $0x7  }
0x141: {  	v11 =	vor.u32 v44, v11  }
0x142: {  	s28 =	spop (v2sf)  }
0x143: {  	s14 =	sadd.s32 s8, s28;
	v52 =	vsel vm1, $0xFFFFFFFF, v34  }
0x144: {  	(v2sf) =	vpush v40, $0xF;
	v37 =	vadd.s32 s14, v52;
	v53, _, _ =	vpop (xrf0)  }
0x145: {  	v37 =	vadd.s32 v53, v37  }
0x146: {  	[tilespmem:v11+s21+$0x0] =	vst.idx.msk vm1, v37  }
0x147: {  	[tilespmem:v11+s22+$0x0] =	vst.idx.msk vm1, v3  }
0x148: {  	v3 =	vld.idx.msk [tilespmem:v24+s2+$0x0], $0xffff;
	_ =	sdelay $0x4  }
0x149: {  	vm1 =	vgt.f32 v3, $0.0e+00  }
0x14a: {  	v11 =	vsel vm1, $0x1, v34  }
0x14b: {  	(xrf0) =	vadd.scan.msk.s32 $0xffff, v11  }
0x14c: {  	v4 =	vadd.s32 v8, v4  }
0x14d: {  	v8 =	vshll.u32 v4, $0x7  }
0x14e: {  	v8 =	vor.u32 v44, v8  }
0x14f: {  	s30 =	spop (v2sf)  }
0x150: {  	s13 =	sadd.s32 s10, s30;
	v54 =	vsel vm1, $0xFFFFFFFF, v34  }
0x151: {  	(v2sf) =	vpush v7, $0xF;
	v37 =	vadd.s32 s13, v54;
	v55, _, _ =	vpop (xrf0)  }
0x152: {  	v37 =	vadd.s32 v55, v37  }
0x153: {  	[tilespmem:v8+s21+$0x0] =	vst.idx.msk vm1, v37  }
0x154: {  	[tilespmem:v8+s22+$0x0] =	vst.idx.msk vm1, v3  }
0x155: {  	v3 =	vld.idx.msk [tilespmem:v26+s2+$0x0], $0xffff;
	_ =	sdelay $0x4  }
0x156: {  	vm1 =	vgt.f32 v3, $0.0e+00  }
0x157: {  	v8 =	vsel vm1, $0x1, v34  }
0x158: {  	(xrf0) =	vadd.scan.msk.s32 $0xffff, v8  }
0x159: {  	v4 =	vadd.s32 v11, v4  }
0x15a: {  	v4 =	vshll.u32 v4, $0x7  }
0x15b: {  	v4 =	vor.u32 v44, v4  }
0x15c: {  	s31 =	spop (v2sf)  }
0x15d: {  	s12 =	sadd.s32 s19, s31;
	v56 =	vsel vm1, $0xFFFFFFFF, v34  }
0x15e: {  	(v2sf) =	vpush v9, $0xF;
	v5 =	vadd.s32 s12, v56;
	v8, _, _ =	vpop (xrf0)  }
0x15f: {  	v5 =	vadd.s32 v8, v5  }
0x160: {  	[tilespmem:v4+s21+$0x0] =	vst.idx.msk vm1, v5  }
0x161: {  	[tilespmem:v4+s22+$0x0] =	vst.idx.msk vm1, v3  }
0x162: {  	v3 =	vld.idx.msk [tilespmem:v25+s2+$0x0], $0xffff;
	_ =	sdelay $0x4  }
0x163: {  	vm1 =	vgt.f32 v3, $0.0e+00  }
0x164: {  	v57 =	vsel vm1, $0x1, v34  }
0x165: {  	(xrf0) =	vadd.scan.msk.s32 $0xffff, v57;
	_ =	sdelay $0x2  }
0x166: {  	v58 =	vor.u32 $0x30, v0  }
0x167: {  	s7 =	spop (v2sf)  }
0x168: {  	s0 =	sadd.s32 s0, s7;
	v9 =	vsel vm1, $0xFFFFFFFF, v34  }
0x169: {  	(v2sf) =	vpush v46, $0xF;
	v9 =	vadd.s32 s0, v9;
	v11, _, _ =	vpop (xrf0)  }
0x16a: {  	v9 =	vadd.s32 v11, v9  }
0x16b: {  	[tilespmem:v58+s21+$0x0] =	vst.idx.msk vm1, v9  }
0x16c: {  	[tilespmem:v58+s22+$0x0] =	vst.idx.msk vm1, v3  }
0x16d: {  	v3 =	vld.idx.msk [tilespmem:v27+s2+$0x0], $0xffff;
	_ =	sdelay $0x4  }
0x16e: {  	vm2 =	vgt.f32 v3, $0.0e+00  }
0x16f: {  	v9 =	vsel vm2, $0x1, v34  }
0x170: {  	(xrf0) =	vadd.scan.msk.s32 $0xffff, v9;
	_ =	sdelay $0x1  }
0x171: {  	v11 =	vor.u32 $0xB0, v0  }
0x172: {  	v11 =	vsel vm1, v11, v58  }
0x173: {  	s8 =	spop (v2sf)  }
0x174: {  	s0 =	sadd.s32 s1, s8;
	v59 =	vsel vm2, $0xFFFFFFFF, v34  }
0x175: {  	(v2sf) =	vpush v48, $0xF;
	v12 =	vadd.s32 s0, v59;
	v60, _, _ =	vpop (xrf0)  }
0x176: {  	v12 =	vadd.s32 v60, v12  }
0x177: {  	[tilespmem:v11+s21+$0x0] =	vst.idx.msk vm2, v12  }
0x178: {  	[tilespmem:v11+s22+$0x0] =	vst.idx.msk vm2, v3  }
0x179: {  	v3 =	vld.idx.msk [tilespmem:v28+s2+$0x0], $0xffff;
	_ =	sdelay $0x4  }
0x17a: {  	vm1 =	vgt.f32 v3, $0.0e+00  }
0x17b: {  	v11 =	vsel vm1, $0x1, v34  }
0x17c: {  	(xrf0) =	vadd.scan.msk.s32 $0xffff, v11  }
0x17d: {  	v4 =	vadd.s32 v57, v9  }
0x17e: {  	v9 =	vshll.u32 v4, $0x7  }
0x17f: {  	v9 =	vor.u32 v58, v9  }
0x180: {  	s9 =	spop (v2sf)  }
0x181: {  	s0 =	sadd.s32 s5, s9;
	v61 =	vsel vm1, $0xFFFFFFFF, v34  }
0x182: {  	(v2sf) =	vpush v50, $0xF;
	v12 =	vadd.s32 s0, v61;
	v62, _, _ =	vpop (xrf0)  }
0x183: {  	v12 =	vadd.s32 v62, v12  }
0x184: {  	[tilespmem:v9+s21+$0x0] =	vst.idx.msk vm1, v12  }
0x185: {  	[tilespmem:v9+s22+$0x0] =	vst.idx.msk vm1, v3  }
0x186: {  	v3 =	vld.idx.msk [tilespmem:v29+s2+$0x0], $0xffff;
	_ =	sdelay $0x4  }
0x187: {  	vm1 =	vgt.f32 v3, $0.0e+00  }
0x188: {  	v9 =	vsel vm1, $0x1, v34  }
0x189: {  	(xrf0) =	vadd.scan.msk.s32 $0xffff, v9  }
0x18a: {  	v4 =	vadd.s32 v11, v4  }
0x18b: {  	v11 =	vshll.u32 v4, $0x7  }
0x18c: {  	v11 =	vor.u32 v58, v11  }
0x18d: {  	s10 =	spop (v2sf)  }
0x18e: {  	s0 =	sadd.s32 s11, s10;
	v63 =	vsel vm1, $0xFFFFFFFF, v34  }
0x18f: {  	(v2sf) =	vpush v15, $0xF;
	v12 =	vadd.s32 s0, v63;
	v37, _, _ =	vpop (xrf0)  }
0x190: {  	v12 =	vadd.s32 v37, v12  }
0x191: {  	[tilespmem:v11+s21+$0x0] =	vst.idx.msk vm1, v12  }
0x192: {  	[tilespmem:v11+s22+$0x0] =	vst.idx.msk vm1, v3  }
0x193: {  	v3 =	vld.idx.msk [tilespmem:v30+s2+$0x0], $0xffff;
	_ =	sdelay $0x4  }
0x194: {  	vm1 =	vgt.f32 v3, $0.0e+00  }
0x195: {  	v11 =	vsel vm1, $0x1, v34  }
0x196: {  	(xrf0) =	vadd.scan.msk.s32 $0xffff, v11  }
0x197: {  	v4 =	vadd.s32 v9, v4  }
0x198: {  	v9 =	vshll.u32 v4, $0x7  }
0x199: {  	v9 =	vor.u32 v58, v9  }
0x19a: {  	s11 =	spop (v2sf)  }
0x19b: {  	s0 =	sadd.s32 s15, s11;
	v38 =	vsel vm1, $0xFFFFFFFF, v34  }
0x19c: {  	(v2sf) =	vpush v53, $0xF;
	v12 =	vadd.s32 s0, v38;
	v39, _, _ =	vpop (xrf0)  }
0x19d: {  	v6 =	vadd.s32 v39, v12  }
0x19e: {  	[tilespmem:v9+s21+$0x0] =	vst.idx.msk vm1, v6  }
0x19f: {  	[tilespmem:v9+s22+$0x0] =	vst.idx.msk vm1, v3  }
0x1a0: {  	v3 =	vld.idx.msk [tilespmem:v31+s2+$0x0], $0xffff;
	_ =	sdelay $0x4  }
0x1a1: {  	vm1 =	vgt.f32 v3, $0.0e+00  }
0x1a2: {  	v40 =	vsel vm1, $0x1, v34  }
0x1a3: {  	(xrf0) =	vadd.scan.msk.s32 $0xffff, v40  }
0x1a4: {  	v4 =	vadd.s32 v11, v4  }
0x1a5: {  	v9 =	vshll.u32 v4, $0x7  }
0x1a6: {  	v9 =	vor.u32 v58, v9  }
0x1a7: {  	s15 =	spop (v2sf)  }
0x1a8: {  	s0 =	sadd.s32 s14, s15;
	v11 =	vsel vm1, $0xFFFFFFFF, v34  }
0x1a9: {  	(v2sf) =	vpush v55, $0xF;
	v11 =	vadd.s32 s0, v11;
	v41, _, _ =	vpop (xrf0)  }
0x1aa: {  	v7 =	vadd.s32 v41, v11  }
0x1ab: {  	[tilespmem:v9+s21+$0x0] =	vst.idx.msk vm1, v7  }
0x1ac: {  	[tilespmem:v9+s22+$0x0] =	vst.idx.msk vm1, v3  }
0x1ad: {  	v3 =	vld.idx.msk [tilespmem:v32+s2+$0x0], $0xffff;
	_ =	sdelay $0x4  }
0x1ae: {  	vm1 =	vgt.f32 v3, $0.0e+00  }
0x1af: {  	v42 =	vsel vm1, $0x1, v34  }
0x1b0: {  	(xrf0) =	vadd.scan.msk.s32 $0xffff, v42  }
0x1b1: {  	v4 =	vadd.s32 v40, v4  }
0x1b2: {  	v6 =	vshll.u32 v4, $0x7  }
0x1b3: {  	v6 =	vor.u32 v58, v6  }
0x1b4: {  	s17 =	spop (v2sf)  }
0x1b5: {  	s0 =	sadd.s32 s13, s17;
	v9 =	vsel vm1, $0xFFFFFFFF, v34  }
0x1b6: {  	(v2sf) =	vpush v8, $0xF;
	v9 =	vadd.s32 s0, v9;
	v8, _, _ =	vpop (xrf0)  }
0x1b7: {  	v8 =	vadd.s32 v8, v9  }
0x1b8: {  	[tilespmem:v6+s21+$0x0] =	vst.idx.msk vm1, v8  }
0x1b9: {  	[tilespmem:v6+s22+$0x0] =	vst.idx.msk vm1, v3  }
0x1ba: {  	v3 =	vld.idx.msk [tilespmem:v33+s2+$0x0], $0xffff;
	_ =	sdelay $0x4  }
0x1bb: {  	vm1 =	vgt.f32 v3, $0.0e+00  }
0x1bc: {  	v43 =	vsel vm1, $0x1, v34  }
0x1bd: {  	(xrf0) =	vadd.scan.msk.s32 $0xffff, v43  }
0x1be: {  	v4 =	vadd.s32 v42, v4  }
0x1bf: {  	v4 =	vshll.u32 v4, $0x7  }
0x1c0: {  	v4 =	vor.u32 v58, v4  }
0x1c1: {  	s19 =	spop (v2sf)  }
0x1c2: {  	s0 =	sadd.s32 s12, s19;
	v44 =	vsel vm1, $0xFFFFFFFF, v34  }
0x1c3: {  	v5 =	vadd.s32 s0, v44;
	v6, _, _ =	vpop (xrf0)  }
0x1c4: {  	v5 =	vadd.s32 v6, v5  }
0x1c5: {  	[tilespmem:v4+s21+$0x0] =	vst.idx.msk vm1, v5  }
0x1c6: {  	s20 =	rddreg [dreg:$0x4];
	[tilespmem:v4+s22+$0x0] =	vst.idx.msk vm1, v3  }
0x1c7: {  	[hbm4b:s20+s2] =	stream.linear.scatter [tilespmem:s21], [sflag:$0x2], $0x40, $0x38;
	[tilespmem:$0xA480] =	vst v63  }
0x1c8: {  	_ =	swait.ge [sflag:s18], $0x40  }
0x1c9: {  	[sflag:s18] =	ssyncset.done $0x0  }
0x1ca: {  	s23 =	rddreg [dreg:$0x5];
	[sflag:s18] =	ssyncadd.s32 $0xFFFFFFC0  }
0x1cb: {  	[hbm4b:s23+s2] =	stream.linear.scatter [tilespmem:s22], [sflag:$0x2], $0x40, $0x38;
	[tilespmem:$0xA480] =	vst v63  }
0x1cc: {  	_ =	swait.ge [sflag:s18], $0x40  }
0x1cd: {  	[sflag:s18] =	ssyncset.done $0x0  }
0x1ce: {  	s25 =	simm.s32 $0x4080;
	s24 =	rddreg [dreg:$0x6];
	[sflag:s18] =	ssyncadd.s32 $0xFFFFFFC0  }
0x1cf: {  	[hbm4b:s24+s2] =	stream.linear.scatter [tilespmem:s25], [sflag:$0x2], $0x40, $0x38;
	[tilespmem:$0xA480] =	vst v63  }
0x1d0: {  	_ =	swait.ge [sflag:s18], $0x40  }
0x1d1: {  	[sflag:s18] =	ssyncset.done $0x0  }
0x1d2: {  	s28 =	simm.s32 $0x4280;
	s26 =	rddreg [dreg:$0x7];
	[sflag:s18] =	ssyncadd.s32 $0xFFFFFFC0  }
0x1d3: {  	[hbm4b:s26+s2] =	stream.linear.scatter [tilespmem:s28], [sflag:$0x2], $0x40, $0x38;
	[tilespmem:$0xA480] =	vst v63  }
0x1d4: {  	_ =	swait.ge [sflag:s18], $0x40  }
0x1d5: {  	[sflag:s18] =	ssyncset.done $0x0  }
0x1d6: {  	s31 =	simm.s32 $0x4100;
	s30 =	rddreg [dreg:$0x8];
	[sflag:s18] =	ssyncadd.s32 $0xFFFFFFC0  }
0x1d7: {  	[hbm4b:s30+s2] =	stream.linear.scatter [tilespmem:s31], [sflag:$0x2], $0x40, $0x38;
	[tilespmem:$0xA480] =	vst v63  }
0x1d8: {  	_ =	swait.ge [sflag:s18], $0x40  }
0x1d9: {  	[sflag:s18] =	ssyncset.done $0x0  }
0x1da: {  	s5 =	simm.s32 $0x4300;
	s3 =	rddreg [dreg:$0x9];
	[sflag:s18] =	ssyncadd.s32 $0xFFFFFFC0  }
0x1db: {  	[hbm4b:s3+s2] =	stream.linear.scatter [tilespmem:s5], [sflag:$0x2], $0x40, $0x38;
	[tilespmem:$0xA480] =	vst v63  }
0x1dc: {  	_ =	swait.ge [sflag:s18], $0x40  }
0x1dd: {  	[sflag:s18] =	ssyncset.done $0x0  }
0x1de: {  	s8 =	simm.s32 $0x4180;
	s7 =	rddreg [dreg:$0xa];
	[sflag:s18] =	ssyncadd.s32 $0xFFFFFFC0  }
0x1df: {  	[hbm4b:s7+s2] =	stream.linear.scatter [tilespmem:s8], [sflag:$0x2], $0x40, $0x38;
	[tilespmem:$0xA480] =	vst v63  }
0x1e0: {  	_ =	swait.ge [sflag:s18], $0x40  }
0x1e1: {  	[sflag:s18] =	ssyncset.done $0x0  }
0x1e2: {  	s10 =	simm.s32 $0x4380;
	s9 =	rddreg [dreg:$0xb];
	[sflag:s18] =	ssyncadd.s32 $0xFFFFFFC0  }
0x1e3: {  	[hbm4b:s9+s2] =	stream.linear.scatter [tilespmem:s10], [sflag:$0x2], $0x40, $0x38;
	[tilespmem:$0xA480] =	vst v63  }
0x1e4: {  	_ =	swait.ge [sflag:s18], $0x40  }
0x1e5: {  	[sflag:s18] =	ssyncset.done $0x0  }
0x1e6: {  	s12 =	simm.s32 $0x4480;
	s11 =	rddreg [dreg:$0xc];
	[sflag:s18] =	ssyncadd.s32 $0xFFFFFFC0  }
0x1e7: {  	[tilespmem:s12], [sflag:$0x2] =	stream.linear.gather [hbm4b:s11+s2], $0x6000, $0x38;
	[tilespmem:$0xA480] =	vst v63  }
0x1e8: {  	_ =	swait.ge [sflag:s18], $0x6000  }
0x1e9: {  	[sflag:s18] =	ssyncset.done $0x0  }
0x1ea: {  	[sflag:s18] =	ssyncadd.s32 $0xFFFFA000  }
0x1eb: {  	v3 =	vld [tilespmem:$0x4000];
	_ =	sdelay $0x4  }
0x1ec: {  	v45 =	vshrl.u32 v3, $0x3  }
0x1ed: {  	v4 =	vmul.u32 $0x18, v45  }
0x1ee: {  	v3 =	vand.u32 $0x7, v3  }
0x1ef: {  	v46 =	vand.u32 $0x7, v0;
	v47 =	vshrl.u32 v0, $0x3;
	v3 =	vor.u32 v3, v4  }
0x1f0: {  	v38 =	vmul.u32 $0x8, v47;
	v48 =	vperm.xlane v3, v46;
	_ =	sdelay $0x1  }
0x1f1: {  	v4 =	vadd.s32 v38, v48  }
0x1f2: {  	v39 =	vor.u32 $0x8, v0  }
0x1f3: {  	v3 =	vperm.xlane v3, v39;
	_ =	sdelay $0x1  }
0x1f4: {  	vm1 =	vmmov $0xffff;
	v3 =	vadd.s32 v38, v3  }
0x1f5: {  	[hbm4b:s4+s2] =	stream.indirect_vreg.scatter [tilespmem:s12], [sflag:$0x1], $0x80, v4, vm1, $0xb8;
	[tilespmem:$0xA480] =	vst v63  }
0x1f6: {  	vm2 =	vmmov $0xff;
	s13 =	simm.s32 $0x4C80  }
0x1f7: {  	[hbm4b:s16+s2] =	stream.indirect_vreg.scatter [tilespmem:s13], [sflag:$0x1], $0x80, v4, vm2, $0xb8;
	[tilespmem:$0xA480] =	vst v63  }
0x1f8: {  	s14 =	simm.s32 $0x5080  }
0x1f9: {  	[hbm4b:s4+s2] =	stream.indirect_vreg.scatter [tilespmem:s14], [sflag:$0x1], $0x80, v3, vm1, $0xb8;
	[tilespmem:$0xA480] =	vst v63  }
0x1fa: {  	s15 =	simm.s32 $0x5880  }
0x1fb: {  	[hbm4b:s16+s2] =	stream.indirect_vreg.scatter [tilespmem:s15], [sflag:$0x1], $0x80, v3, vm2, $0xb8;
	[tilespmem:$0xA480] =	vst v63  }
0x1fc: {  	v3 =	vld [tilespmem:$0x4010];
	_ =	sdelay $0x4  }
0x1fd: {  	v49 =	vshrl.u32 v3, $0x3  }
0x1fe: {  	v4 =	vmul.u32 $0x18, v49  }
0x1ff: {  	v3 =	vand.u32 $0x7, v3  }
0x200: {  	v3 =	vor.u32 v3, v4  }
0x201: {  	v4 =	vperm.xlane v3, v46;
	_ =	sdelay $0x1  }
0x202: {  	v4 =	vadd.s32 v38, v4;
	_ =	sdelay $0x1  }
0x203: {  	v3 =	vperm.xlane v3, v39;
	_ =	sdelay $0x1  }
0x204: {  	s7 =	simm.s32 $0x5C80;
	v3 =	vadd.s32 v38, v3  }
0x205: {  	[hbm4b:s4+s2] =	stream.indirect_vreg.scatter [tilespmem:s7], [sflag:$0x1], $0x80, v4, vm1, $0xb8;
	[tilespmem:$0xA480] =	vst v63  }
0x206: {  	s8 =	simm.s32 $0x6480  }
0x207: {  	[hbm4b:s16+s2] =	stream.indirect_vreg.scatter [tilespmem:s8], [sflag:$0x1], $0x80, v4, vm2, $0xb8;
	[tilespmem:$0xA480] =	vst v63  }
0x208: {  	s9 =	simm.s32 $0x6880  }
0x209: {  	[hbm4b:s4+s2] =	stream.indirect_vreg.scatter [tilespmem:s9], [sflag:$0x1], $0x80, v3, vm1, $0xb8;
	[tilespmem:$0xA480] =	vst v63  }
0x20a: {  	s10 =	simm.s32 $0x7080  }
0x20b: {  	[hbm4b:s16+s2] =	stream.indirect_vreg.scatter [tilespmem:s10], [sflag:$0x1], $0x80, v3, vm2, $0xb8;
	[tilespmem:$0xA480] =	vst v63  }
0x20c: {  	v3 =	vld [tilespmem:$0x4020];
	_ =	sdelay $0x4  }
0x20d: {  	v50 =	vshrl.u32 v3, $0x3  }
0x20e: {  	v4 =	vmul.u32 $0x18, v50  }
0x20f: {  	v3 =	vand.u32 $0x7, v3  }
0x210: {  	v3 =	vor.u32 v3, v4  }
0x211: {  	v4 =	vperm.xlane v3, v46;
	_ =	sdelay $0x1  }
0x212: {  	v4 =	vadd.s32 v38, v4;
	_ =	sdelay $0x1  }
0x213: {  	v3 =	vperm.xlane v3, v39;
	_ =	sdelay $0x1  }
0x214: {  	s17 =	simm.s32 $0x7480;
	v3 =	vadd.s32 v38, v3  }
0x215: {  	[hbm4b:s4+s2] =	stream.indirect_vreg.scatter [tilespmem:s17], [sflag:$0x1], $0x80, v4, vm1, $0xb8;
	[tilespmem:$0xA480] =	vst v63  }
0x216: {  	s23 =	simm.s32 $0x7C80  }
0x217: {  	[hbm4b:s16+s2] =	stream.indirect_vreg.scatter [tilespmem:s23], [sflag:$0x1], $0x80, v4, vm2, $0xb8;
	[tilespmem:$0xA480] =	vst v63  }
0x218: {  	s24 =	simm.s32 $0x8080  }
0x219: {  	[hbm4b:s4+s2] =	stream.indirect_vreg.scatter [tilespmem:s24], [sflag:$0x1], $0x80, v3, vm1, $0xb8;
	[tilespmem:$0xA480] =	vst v63  }
0x21a: {  	s25 =	simm.s32 $0x8880  }
0x21b: {  	[hbm4b:s16+s2] =	stream.indirect_vreg.scatter [tilespmem:s25], [sflag:$0x1], $0x80, v3, vm2, $0xb8;
	[tilespmem:$0xA480] =	vst v63  }
0x21c: {  	v3 =	vld [tilespmem:$0x4030];
	_ =	sdelay $0x4  }
0x21d: {  	v51 =	vshrl.u32 v3, $0x3  }
0x21e: {  	v4 =	vmul.u32 $0x18, v51  }
0x21f: {  	v3 =	vand.u32 $0x7, v3  }
0x220: {  	v3 =	vor.u32 v3, v4  }
0x221: {  	v4 =	vperm.xlane v3, v46;
	_ =	sdelay $0x1  }
0x222: {  	v4 =	vadd.s32 v38, v4;
	_ =	sdelay $0x1  }
0x223: {  	v3 =	vperm.xlane v3, v39;
	_ =	sdelay $0x1  }
0x224: {  	s26 =	simm.s32 $0x8C80;
	v3 =	vadd.s32 v38, v3  }
0x225: {  	[hbm4b:s4+s2] =	stream.indirect_vreg.scatter [tilespmem:s26], [sflag:$0x1], $0x80, v4, vm1, $0xb8;
	[tilespmem:$0xA480] =	vst v63  }
0x226: {  	s28 =	simm.s32 $0x9480  }
0x227: {  	[hbm4b:s16+s2] =	stream.indirect_vreg.scatter [tilespmem:s28], [sflag:$0x1], $0x80, v4, vm2, $0xb8;
	[tilespmem:$0xA480] =	vst v63  }
0x228: {  	s19 =	simm.s32 $0x9880  }
0x229: {  	[hbm4b:s4+s2] =	stream.indirect_vreg.scatter [tilespmem:s19], [sflag:$0x1], $0x80, v3, vm1, $0xb8;
	[tilespmem:$0xA480] =	vst v63  }
0x22a: {  	s20 =	simm.s32 $0xA080  }
0x22b: {  	[hbm4b:s16+s2] =	stream.indirect_vreg.scatter [tilespmem:s20], [sflag:$0x1], $0x80, v3, vm2, $0xb8;
	[tilespmem:$0xA480] =	vst v63  }
0x22c: {  	v3 =	vld [tilespmem:$0x4080];
	_ =	sdelay $0x4  }
0x22d: {  	v52 =	vshrl.u32 v3, $0x3  }
0x22e: {  	v4 =	vmul.u32 $0x18, v52  }
0x22f: {  	v3 =	vand.u32 $0x7, v3  }
0x230: {  	v3 =	vor.u32 v3, v4  }
0x231: {  	v4 =	vperm.xlane v3, v46;
	_ =	sdelay $0x1  }
0x232: {  	v4 =	vadd.s32 v38, v4;
	_ =	sdelay $0x1  }
0x233: {  	v3 =	vperm.xlane v3, v39;
	_ =	sdelay $0x1  }
0x234: {  	v3 =	vadd.s32 v38, v3  }
0x235: {  	[hbm4b:s4+s2] =	stream.indirect_vreg.scatter [tilespmem:s12], [sflag:$0x1], $0x80, v4, vm1, $0xb8;
	[tilespmem:$0xA480] =	vst v63  }
0x236: {  	_ = 	snop  }
0x237: {  	[hbm4b:s16+s2] =	stream.indirect_vreg.scatter [tilespmem:s13], [sflag:$0x1], $0x80, v4, vm2, $0xb8;
	[tilespmem:$0xA480] =	vst v63  }
0x238: {  	_ = 	snop  }
0x239: {  	[hbm4b:s4+s2] =	stream.indirect_vreg.scatter [tilespmem:s14], [sflag:$0x1], $0x80, v3, vm1, $0xb8;
	[tilespmem:$0xA480] =	vst v63  }
0x23a: {  	_ = 	snop  }
0x23b: {  	[hbm4b:s16+s2] =	stream.indirect_vreg.scatter [tilespmem:s15], [sflag:$0x1], $0x80, v3, vm2, $0xb8;
	[tilespmem:$0xA480] =	vst v63  }
0x23c: {  	v3 =	vld [tilespmem:$0x4090];
	_ =	sdelay $0x4  }
0x23d: {  	v53 =	vshrl.u32 v3, $0x3  }
0x23e: {  	v4 =	vmul.u32 $0x18, v53  }
0x23f: {  	v3 =	vand.u32 $0x7, v3  }
0x240: {  	v3 =	vor.u32 v3, v4  }
0x241: {  	v4 =	vperm.xlane v3, v46;
	_ =	sdelay $0x1  }
0x242: {  	v4 =	vadd.s32 v38, v4;
	_ =	sdelay $0x1  }
0x243: {  	v3 =	vperm.xlane v3, v39;
	_ =	sdelay $0x1  }
0x244: {  	v3 =	vadd.s32 v38, v3  }
0x245: {  	[hbm4b:s4+s2] =	stream.indirect_vreg.scatter [tilespmem:s7], [sflag:$0x1], $0x80, v4, vm1, $0xb8;
	[tilespmem:$0xA480] =	vst v63  }
0x246: {  	_ = 	snop  }
0x247: {  	[hbm4b:s16+s2] =	stream.indirect_vreg.scatter [tilespmem:s8], [sflag:$0x1], $0x80, v4, vm2, $0xb8;
	[tilespmem:$0xA480] =	vst v63  }
0x248: {  	_ = 	snop  }
0x249: {  	[hbm4b:s4+s2] =	stream.indirect_vreg.scatter [tilespmem:s9], [sflag:$0x1], $0x80, v3, vm1, $0xb8;
	[tilespmem:$0xA480] =	vst v63  }
0x24a: {  	_ = 	snop  }
0x24b: {  	[hbm4b:s16+s2] =	stream.indirect_vreg.scatter [tilespmem:s10], [sflag:$0x1], $0x80, v3, vm2, $0xb8;
	[tilespmem:$0xA480] =	vst v63  }
0x24c: {  	v3 =	vld [tilespmem:$0x40A0];
	_ =	sdelay $0x4  }
0x24d: {  	v54 =	vshrl.u32 v3, $0x3  }
0x24e: {  	v4 =	vmul.u32 $0x18, v54  }
0x24f: {  	v3 =	vand.u32 $0x7, v3  }
0x250: {  	v3 =	vor.u32 v3, v4  }
0x251: {  	v4 =	vperm.xlane v3, v46;
	_ =	sdelay $0x1  }
0x252: {  	v4 =	vadd.s32 v38, v4;
	_ =	sdelay $0x1  }
0x253: {  	v3 =	vperm.xlane v3, v39;
	_ =	sdelay $0x1  }
0x254: {  	v3 =	vadd.s32 v38, v3  }
0x255: {  	[hbm4b:s4+s2] =	stream.indirect_vreg.scatter [tilespmem:s17], [sflag:$0x1], $0x80, v4, vm1, $0xb8;
	[tilespmem:$0xA480] =	vst v63  }
0x256: {  	_ = 	snop  }
0x257: {  	[hbm4b:s16+s2] =	stream.indirect_vreg.scatter [tilespmem:s23], [sflag:$0x1], $0x80, v4, vm2, $0xb8;
	[tilespmem:$0xA480] =	vst v63  }
0x258: {  	_ = 	snop  }
0x259: {  	[hbm4b:s4+s2] =	stream.indirect_vreg.scatter [tilespmem:s24], [sflag:$0x1], $0x80, v3, vm1, $0xb8;
	[tilespmem:$0xA480] =	vst v63  }
0x25a: {  	_ = 	snop  }
0x25b: {  	[hbm4b:s16+s2] =	stream.indirect_vreg.scatter [tilespmem:s25], [sflag:$0x1], $0x80, v3, vm2, $0xb8;
	[tilespmem:$0xA480] =	vst v63  }
0x25c: {  	v3 =	vld [tilespmem:$0x40B0];
	_ =	sdelay $0x4  }
0x25d: {  	v55 =	vshrl.u32 v3, $0x3  }
0x25e: {  	v4 =	vmul.u32 $0x18, v55  }
0x25f: {  	v3 =	vand.u32 $0x7, v3  }
0x260: {  	v3 =	vor.u32 v3, v4  }
0x261: {  	v4 =	vperm.xlane v3, v46;
	_ =	sdelay $0x1  }
0x262: {  	v4 =	vadd.s32 v38, v4;
	_ =	sdelay $0x1  }
0x263: {  	v3 =	vperm.xlane v3, v39;
	_ =	sdelay $0x1  }
0x264: {  	v3 =	vadd.s32 v38, v3  }
0x265: {  	[hbm4b:s4+s2] =	stream.indirect_vreg.scatter [tilespmem:s26], [sflag:$0x1], $0x80, v4, vm1, $0xb8;
	[tilespmem:$0xA480] =	vst v63  }
0x266: {  	_ = 	snop  }
0x267: {  	[hbm4b:s16+s2] =	stream.indirect_vreg.scatter [tilespmem:s28], [sflag:$0x1], $0x80, v4, vm2, $0xb8;
	[tilespmem:$0xA480] =	vst v63  }
0x268: {  	_ = 	snop  }
0x269: {  	[hbm4b:s4+s2] =	stream.indirect_vreg.scatter [tilespmem:s19], [sflag:$0x1], $0x80, v3, vm1, $0xb8;
	[tilespmem:$0xA480] =	vst v63  }
0x26a: {  	_ = 	snop  }
0x26b: {  	[hbm4b:s16+s2] =	stream.indirect_vreg.scatter [tilespmem:s20], [sflag:$0x1], $0x80, v3, vm2, $0xb8;
	[tilespmem:$0xA480] =	vst v63  }
0x26c: {  	v3 =	vld [tilespmem:$0x4100];
	_ =	sdelay $0x4  }
0x26d: {  	v56 =	vshrl.u32 v3, $0x3  }
0x26e: {  	v4 =	vmul.u32 $0x18, v56  }
0x26f: {  	v3 =	vand.u32 $0x7, v3  }
0x270: {  	v3 =	vor.u32 v3, v4  }
0x271: {  	v4 =	vperm.xlane v3, v46;
	_ =	sdelay $0x1  }
0x272: {  	v4 =	vadd.s32 v38, v4;
	_ =	sdelay $0x1  }
0x273: {  	v3 =	vperm.xlane v3, v39;
	_ =	sdelay $0x1  }
0x274: {  	v3 =	vadd.s32 v38, v3  }
0x275: {  	[hbm4b:s4+s2] =	stream.indirect_vreg.scatter [tilespmem:s12], [sflag:$0x1], $0x80, v4, vm1, $0xb8;
	[tilespmem:$0xA480] =	vst v63  }
0x276: {  	_ = 	snop  }
0x277: {  	[hbm4b:s16+s2] =	stream.indirect_vreg.scatter [tilespmem:s13], [sflag:$0x1], $0x80, v4, vm2, $0xb8;
	[tilespmem:$0xA480] =	vst v63  }
0x278: {  	_ = 	snop  }
0x279: {  	[hbm4b:s4+s2] =	stream.indirect_vreg.scatter [tilespmem:s14], [sflag:$0x1], $0x80, v3, vm1, $0xb8;
	[tilespmem:$0xA480] =	vst v63  }
0x27a: {  	_ = 	snop  }
0x27b: {  	[hbm4b:s16+s2] =	stream.indirect_vreg.scatter [tilespmem:s15], [sflag:$0x1], $0x80, v3, vm2, $0xb8;
	[tilespmem:$0xA480] =	vst v63  }
0x27c: {  	v3 =	vld [tilespmem:$0x4110];
	_ =	sdelay $0x4  }
0x27d: {  	v57 =	vshrl.u32 v3, $0x3  }
0x27e: {  	v4 =	vmul.u32 $0x18, v57  }
0x27f: {  	v3 =	vand.u32 $0x7, v3  }
0x280: {  	v3 =	vor.u32 v3, v4  }
0x281: {  	v4 =	vperm.xlane v3, v46;
	_ =	sdelay $0x1  }
0x282: {  	v4 =	vadd.s32 v38, v4;
	_ =	sdelay $0x1  }
0x283: {  	v3 =	vperm.xlane v3, v39;
	_ =	sdelay $0x1  }
0x284: {  	v3 =	vadd.s32 v38, v3  }
0x285: {  	[hbm4b:s4+s2] =	stream.indirect_vreg.scatter [tilespmem:s7], [sflag:$0x1], $0x80, v4, vm1, $0xb8;
	[tilespmem:$0xA480] =	vst v63  }
0x286: {  	_ = 	snop  }
0x287: {  	[hbm4b:s16+s2] =	stream.indirect_vreg.scatter [tilespmem:s8], [sflag:$0x1], $0x80, v4, vm2, $0xb8;
	[tilespmem:$0xA480] =	vst v63  }
0x288: {  	_ = 	snop  }
0x289: {  	[hbm4b:s4+s2] =	stream.indirect_vreg.scatter [tilespmem:s9], [sflag:$0x1], $0x80, v3, vm1, $0xb8;
	[tilespmem:$0xA480] =	vst v63  }
0x28a: {  	_ = 	snop  }
0x28b: {  	[hbm4b:s16+s2] =	stream.indirect_vreg.scatter [tilespmem:s10], [sflag:$0x1], $0x80, v3, vm2, $0xb8;
	[tilespmem:$0xA480] =	vst v63  }
0x28c: {  	v3 =	vld [tilespmem:$0x4120];
	_ =	sdelay $0x4  }
0x28d: {  	v58 =	vshrl.u32 v3, $0x3  }
0x28e: {  	v4 =	vmul.u32 $0x18, v58  }
0x28f: {  	v3 =	vand.u32 $0x7, v3  }
0x290: {  	v3 =	vor.u32 v3, v4  }
0x291: {  	v4 =	vperm.xlane v3, v46;
	_ =	sdelay $0x1  }
0x292: {  	v4 =	vadd.s32 v38, v4;
	_ =	sdelay $0x1  }
0x293: {  	v3 =	vperm.xlane v3, v39;
	_ =	sdelay $0x1  }
0x294: {  	v3 =	vadd.s32 v38, v3  }
0x295: {  	[hbm4b:s4+s2] =	stream.indirect_vreg.scatter [tilespmem:s17], [sflag:$0x1], $0x80, v4, vm1, $0xb8;
	[tilespmem:$0xA480] =	vst v63  }
0x296: {  	_ = 	snop  }
0x297: {  	[hbm4b:s16+s2] =	stream.indirect_vreg.scatter [tilespmem:s23], [sflag:$0x1], $0x80, v4, vm2, $0xb8;
	[tilespmem:$0xA480] =	vst v63  }
0x298: {  	_ = 	snop  }
0x299: {  	[hbm4b:s4+s2] =	stream.indirect_vreg.scatter [tilespmem:s24], [sflag:$0x1], $0x80, v3, vm1, $0xb8;
	[tilespmem:$0xA480] =	vst v63  }
0x29a: {  	_ = 	snop  }
0x29b: {  	[hbm4b:s16+s2] =	stream.indirect_vreg.scatter [tilespmem:s25], [sflag:$0x1], $0x80, v3, vm2, $0xb8;
	[tilespmem:$0xA480] =	vst v63  }
0x29c: {  	v3 =	vld [tilespmem:$0x4130];
	_ =	sdelay $0x4  }
0x29d: {  	v59 =	vshrl.u32 v3, $0x3  }
0x29e: {  	v4 =	vmul.u32 $0x18, v59  }
0x29f: {  	v3 =	vand.u32 $0x7, v3  }
0x2a0: {  	v3 =	vor.u32 v3, v4  }
0x2a1: {  	v4 =	vperm.xlane v3, v46;
	_ =	sdelay $0x1  }
0x2a2: {  	v4 =	vadd.s32 v38, v4;
	_ =	sdelay $0x1  }
0x2a3: {  	v3 =	vperm.xlane v3, v39;
	_ =	sdelay $0x1  }
0x2a4: {  	v3 =	vadd.s32 v38, v3  }
0x2a5: {  	[hbm4b:s4+s2] =	stream.indirect_vreg.scatter [tilespmem:s26], [sflag:$0x1], $0x80, v4, vm1, $0xb8;
	[tilespmem:$0xA480] =	vst v63  }
0x2a6: {  	_ = 	snop  }
0x2a7: {  	[hbm4b:s16+s2] =	stream.indirect_vreg.scatter [tilespmem:s28], [sflag:$0x1], $0x80, v4, vm2, $0xb8;
	[tilespmem:$0xA480] =	vst v63  }
0x2a8: {  	_ = 	snop  }
0x2a9: {  	[hbm4b:s4+s2] =	stream.indirect_vreg.scatter [tilespmem:s19], [sflag:$0x1], $0x80, v3, vm1, $0xb8;
	[tilespmem:$0xA480] =	vst v63  }
0x2aa: {  	_ = 	snop  }
0x2ab: {  	[hbm4b:s16+s2] =	stream.indirect_vreg.scatter [tilespmem:s20], [sflag:$0x1], $0x80, v3, vm2, $0xb8;
	[tilespmem:$0xA480] =	vst v63  }
0x2ac: {  	v3 =	vld [tilespmem:$0x4180];
	_ =	sdelay $0x4  }
0x2ad: {  	v60 =	vshrl.u32 v3, $0x3  }
0x2ae: {  	v4 =	vmul.u32 $0x18, v60  }
0x2af: {  	v3 =	vand.u32 $0x7, v3  }
0x2b0: {  	v3 =	vor.u32 v3, v4  }
0x2b1: {  	v4 =	vperm.xlane v3, v46;
	_ =	sdelay $0x1  }
0x2b2: {  	v4 =	vadd.s32 v38, v4;
	_ =	sdelay $0x1  }
0x2b3: {  	v3 =	vperm.xlane v3, v39;
	_ =	sdelay $0x1  }
0x2b4: {  	v3 =	vadd.s32 v38, v3  }
0x2b5: {  	[hbm4b:s4+s2] =	stream.indirect_vreg.scatter [tilespmem:s12], [sflag:$0x1], $0x80, v4, vm1, $0xb8;
	[tilespmem:$0xA480] =	vst v63  }
0x2b6: {  	_ = 	snop  }
0x2b7: {  	[hbm4b:s16+s2] =	stream.indirect_vreg.scatter [tilespmem:s13], [sflag:$0x1], $0x80, v4, vm2, $0xb8;
	[tilespmem:$0xA480] =	vst v63  }
0x2b8: {  	_ = 	snop  }
0x2b9: {  	[hbm4b:s4+s2] =	stream.indirect_vreg.scatter [tilespmem:s14], [sflag:$0x1], $0x80, v3, vm1, $0xb8;
	[tilespmem:$0xA480] =	vst v63  }
0x2ba: {  	_ = 	snop  }
0x2bb: {  	[hbm4b:s16+s2] =	stream.indirect_vreg.scatter [tilespmem:s15], [sflag:$0x1], $0x80, v3, vm2, $0xb8;
	[tilespmem:$0xA480] =	vst v63  }
0x2bc: {  	v3 =	vld [tilespmem:$0x4190];
	_ =	sdelay $0x4  }
0x2bd: {  	v61 =	vshrl.u32 v3, $0x3  }
0x2be: {  	v4 =	vmul.u32 $0x18, v61  }
0x2bf: {  	v3 =	vand.u32 $0x7, v3  }
0x2c0: {  	v3 =	vor.u32 v3, v4  }
0x2c1: {  	v4 =	vperm.xlane v3, v46;
	_ =	sdelay $0x1  }
0x2c2: {  	v4 =	vadd.s32 v38, v4;
	_ =	sdelay $0x1  }
0x2c3: {  	v3 =	vperm.xlane v3, v39;
	_ =	sdelay $0x1  }
0x2c4: {  	v3 =	vadd.s32 v38, v3  }
0x2c5: {  	[hbm4b:s4+s2] =	stream.indirect_vreg.scatter [tilespmem:s7], [sflag:$0x1], $0x80, v4, vm1, $0xb8;
	[tilespmem:$0xA480] =	vst v63  }
0x2c6: {  	_ = 	snop  }
0x2c7: {  	[hbm4b:s16+s2] =	stream.indirect_vreg.scatter [tilespmem:s8], [sflag:$0x1], $0x80, v4, vm2, $0xb8;
	[tilespmem:$0xA480] =	vst v63  }
0x2c8: {  	_ = 	snop  }
0x2c9: {  	[hbm4b:s4+s2] =	stream.indirect_vreg.scatter [tilespmem:s9], [sflag:$0x1], $0x80, v3, vm1, $0xb8;
	[tilespmem:$0xA480] =	vst v63  }
0x2ca: {  	_ = 	snop  }
0x2cb: {  	[hbm4b:s16+s2] =	stream.indirect_vreg.scatter [tilespmem:s10], [sflag:$0x1], $0x80, v3, vm2, $0xb8;
	[tilespmem:$0xA480] =	vst v63  }
0x2cc: {  	v3 =	vld [tilespmem:$0x41A0];
	_ =	sdelay $0x4  }
0x2cd: {  	v62 =	vshrl.u32 v3, $0x3  }
0x2ce: {  	v4 =	vmul.u32 $0x18, v62  }
0x2cf: {  	v3 =	vand.u32 $0x7, v3  }
0x2d0: {  	v3 =	vor.u32 v3, v4  }
0x2d1: {  	v4 =	vperm.xlane v3, v46;
	_ =	sdelay $0x1  }
0x2d2: {  	v4 =	vadd.s32 v38, v4;
	_ =	sdelay $0x1  }
0x2d3: {  	v3 =	vperm.xlane v3, v39;
	_ =	sdelay $0x1  }
0x2d4: {  	v3 =	vadd.s32 v38, v3  }
0x2d5: {  	[hbm4b:s4+s2] =	stream.indirect_vreg.scatter [tilespmem:s17], [sflag:$0x1], $0x80, v4, vm1, $0xb8;
	[tilespmem:$0xA480] =	vst v63  }
0x2d6: {  	_ = 	snop  }
0x2d7: {  	[hbm4b:s16+s2] =	stream.indirect_vreg.scatter [tilespmem:s23], [sflag:$0x1], $0x80, v4, vm2, $0xb8;
	[tilespmem:$0xA480] =	vst v63  }
0x2d8: {  	_ = 	snop  }
0x2d9: {  	[hbm4b:s4+s2] =	stream.indirect_vreg.scatter [tilespmem:s24], [sflag:$0x1], $0x80, v3, vm1, $0xb8;
	[tilespmem:$0xA480] =	vst v63  }
0x2da: {  	_ = 	snop  }
0x2db: {  	[hbm4b:s16+s2] =	stream.indirect_vreg.scatter [tilespmem:s25], [sflag:$0x1], $0x80, v3, vm2, $0xb8;
	[tilespmem:$0xA480] =	vst v63  }
0x2dc: {  	v3 =	vld [tilespmem:$0x41B0];
	_ =	sdelay $0x4  }
0x2dd: {  	v63 =	vshrl.u32 v3, $0x3  }
0x2de: {  	v4 =	vmul.u32 $0x18, v63  }
0x2df: {  	v3 =	vand.u32 $0x7, v3  }
0x2e0: {  	v3 =	vor.u32 v3, v4  }
0x2e1: {  	v4 =	vperm.xlane v3, v46;
	_ =	sdelay $0x1  }
0x2e2: {  	v4 =	vadd.s32 v38, v4;
	_ =	sdelay $0x1  }
0x2e3: {  	v3 =	vperm.xlane v3, v39;
	_ =	sdelay $0x1  }
0x2e4: {  	v3 =	vadd.s32 v38, v3  }
0x2e5: {  	[hbm4b:s4+s2] =	stream.indirect_vreg.scatter [tilespmem:s26], [sflag:$0x1], $0x80, v4, vm1, $0xb8;
	[tilespmem:$0xA480] =	vst v63  }
0x2e6: {  	_ = 	snop  }
0x2e7: {  	[hbm4b:s16+s2] =	stream.indirect_vreg.scatter [tilespmem:s28], [sflag:$0x1], $0x80, v4, vm2, $0xb8;
	[tilespmem:$0xA480] =	vst v63  }
0x2e8: {  	_ = 	snop  }
0x2e9: {  	[hbm4b:s4+s2] =	stream.indirect_vreg.scatter [tilespmem:s19], [sflag:$0x1], $0x80, v3, vm1, $0xb8;
	[tilespmem:$0xA480] =	vst v63  }
0x2ea: {  	s30 =	simm.s32 $0x1  }
0x2eb: {  	[hbm4b:s16+s2] =	stream.indirect_vreg.scatter [tilespmem:s20], [sflag:$0x1], $0x80, v3, vm2, $0xb8;
	[tilespmem:$0xA480] =	vst v63  }
0x2ec: {  	_ =	swait.ge [sflag:s30], $0x6000  }
0x2ed: {  	[sflag:s30] =	ssyncset.done $0x0  }
0x2ee: {  	[sflag:s30] =	ssyncadd.s32 $0xFFFFA000  }
0x2ef: {  	_ =	swait.ge [sflag:s30], $0x6000  }
0x2f0: {  	[sflag:s30] =	ssyncset.done $0x0  }
0x2f1: {  	[sflag:s30] =	ssyncadd.s32 $0xFFFFA000  }
0x2f2: {  	_ =	swait.ge [sflag:s30], $0x6000  }
0x2f3: {  	[sflag:s30] =	ssyncset.done $0x0  }
0x2f4: {  	[sflag:s30] =	ssyncadd.s32 $0xFFFFA000  }
0x2f5: {  	_ =	swait.ge [sflag:s30], $0x6000  }
0x2f6: {  	s29 =	sadd.s32 $0x1, s29;
	s31 =	rddreg [dreg:$0xd]  }
0x2f7: {  	p0 =	sne.s32 s29, s31  }
.Ltmp1:
0x2f8: {  	_ = 	snop;
	(pc) =	sbr.rel @!p0 .LBB2_6-.Ltmp1, $3  }
0x2f9: {  	_ =	sdelay $0x1  }
0x2fa: {  	[sflag:s30] =	ssyncset.done $0x0  }
0x2fb: {  	[sflag:s30] =	ssyncadd.s32 $0xFFFFA000  }
.LBB2_1:
0x2fc: {  	v37 =	vmov s2  }
0x2fd: {  	[dreg:$0xe] =	wrdreg s29;
	v37 =	vshll.u32 v37, $0x3  }
0x2fe: {  	s0 =	rddreg [dreg:$0x2];
	v37 =	vor.u32 v1, v37  }
0x2ff: {  	[tilespmem:s2], [sflag:$0x2] =	stream.linear.gather [hbm4b:s0+s2], $0x4000, $0x38;
	v38 =	vor.u32 $0x7, v37;
	[tilespmem:$0xA480] =	vst v63  }
0x300: {  	_ =	swait.ge [sflag:s18], $0x4000;
	v39 =	vor.u32 $0x1, v37  }
0x301: {  	[sflag:s18] =	ssyncset.done $0x0;
	v40 =	vor.u32 $0x2, v37  }
0x302: {  	v41 =	vor.u32 $0x3, v37;
	[sflag:s18] =	ssyncadd.s32 $0xFFFFC000  }
0x303: {  	v43 =	vor.u32 $0x4, v37;
	v42 =	vld.idx.msk [tilespmem:v37+s2+$0x0], $0xffff  }
0x304: {  	v46 =	vor.u32 $0x5, v37;
	v38 =	vld.idx.msk [tilespmem:v38+s2+$0x0], $0xffff  }
0x305: {  	v50 =	vimm.s32 $0x0;
	v47 =	vor.u32 $0x6, v37;
	v39 =	vld.idx.msk [tilespmem:v39+s2+$0x0], $0xffff  }
0x306: {  	v51 =	vimm.s32 $0x0;
	v49 =	vimm.s32 $0x0;
	v44 =	vimm.s32 $0x0;
	v40 =	vld.idx.msk [tilespmem:v40+s2+$0x0], $0xffff  }
0x307: {  	p0 =	sgt.u32 s6, $0x0;
	s1 =	simm.s32 $0x10;
	v52 =	vimm.s32 $0x0;
	v54 =	vimm.s32 $0x0;
	v45 =	vimm.s32 $0x0;
	s0 =	simm.s32 $0x1;
	v41 =	vld.idx.msk [tilespmem:v41+s2+$0x0], $0xffff  }
0x308: {  	v53 =	vimm.s32 $0x0;
	v55 =	vimm.s32 $0x0;
	v61 =	vmov s1;
	s0 =	simm.s32 @!p0 $0x0;
	v59 =	vld.idx.msk [tilespmem:v43+s2+$0x0], $0xffff  }
0x309: {  	v37 =	vmov s0;
	v60 =	vld.idx.msk [tilespmem:v46+s2+$0x0], $0xffff;
	v43 =	vimm.s32 $0x0;
	v46 =	vimm.s32 $0x0  }
0x30a: {  	v58 =	vld.idx.msk [tilespmem:v47+s2+$0x0], $0xffff;
	v47 =	vimm.s32 $0x0;
	vm1 =	vgt.f32 v42, $0.0e+00;
	v42 =	vimm.s32 $0x0  }
0x30b: {  	v48 =	vsel vm1, $0x1, v34;
	vm2 =	vgt.f32 v38, $0.0e+00;
	vm3 =	vgt.f32 v39, $0.0e+00  }
0x30c: {  	v39 =	vimm.s32 $0x0;
	v38 =	vsel vm2, $0x1, v34;
	v63 =	vnsel vm2, $0x0, v37  }
0x30d: {  	v56 =	vsel vm3, $0x1, v34;
	vm2 =	vgt.f32 v40, $0.0e+00;
	v57 =	vnsel vm3, $0x0, v37  }
0x30e: {  	s3 =	simm.s32 $0x2;
	s0 =	simm.s32 $0x1;
	vm3 =	vgt.f32 v41, $0.0e+00;
	v41 =	vimm.s32 $0x0;
	v40 =	vadd.s32 v34, v63  }
.LBB2_2:
0x30f: {  	p0 =	sne.s32 s3, $0x7F;
	v61 =	vshll.u32 v61, $0x3;
	v62 =	vsel vm2, $0x1, v34;
	vm4 =	vgt.f32 v59, $0.0e+00  }
0x310: {  	v59 =	vor.u32 v1, v61;
	v61 =	vnsel vm2, $0x0, v37;
	vm2 =	vgt.f32 v60, $0.0e+00  }
0x311: {  	v60 =	vor.u32 $0x1, v59;
	v63 =	vor.u32 $0x2, v59;
	v3 =	vor.u32 $0x7, v59  }
0x312: {  	v4 =	vor.u32 $0x3, v59;
	v5 =	vor.u32 $0x4, v59;
	v6 =	vor.u32 $0x5, v59  }
0x313: {  	v8 =	vsel vm3, $0x1, v34;
	vm5 =	vgt.f32 v58, $0.0e+00;
	v7 =	vor.u32 $0x6, v59  }
0x314: {  	v58 =	vnsel vm3, $0x0, v37;
	v9 =	vsel vm4, $0x1, v34;
	v11 =	vnsel vm4, $0x0, v37  }
0x315: {  	v13 =	vnsel vm2, $0x0, v37;
	v14 =	vsel vm5, $0x1, v34;
	v12 =	vld.idx.msk [tilespmem:v59+s2+$0x0], $0xffff;
	v59 =	vsel vm2, $0x1, v34  }
0x316: {  	v15 =	vnsel vm1, $0x0, v37;
	v50 =	vadd.s32 v56, v50;
	v37 =	vnsel vm5, $0x0, v37;
	v3 =	vld.idx.msk [tilespmem:v3+s2+$0x0], $0xffff  }
0x317: {  	v51 =	vadd.s32 v51, v57;
	v49 =	vadd.s32 v62, v49;
	v44 =	vadd.s32 v44, v61;
	v56 =	vld.idx.msk [tilespmem:v60+s2+$0x0], $0xffff  }
0x318: {  	v52 =	vadd.s32 v8, v52;
	v42 =	vadd.s32 v42, v58;
	v54 =	vadd.s32 v9, v54;
	v57 =	vld.idx.msk [tilespmem:v63+s2+$0x0], $0xffff  }
0x319: {  	v45 =	vadd.s32 v45, v11;
	v43 =	vadd.s32 v43, v13;
	v53 =	vadd.s32 v59, v53;
	v4 =	vld.idx.msk [tilespmem:v4+s2+$0x0], $0xffff  }
0x31a: {  	p1 =	slt.u32 s0, s6;
	v39 =	vadd.s32 v38, v39;
	s0 =	smov.u32 s3;
	s5 =	simm.s32 $0x1;
	v46 =	vadd.s32 v14, v46;
	v41 =	vadd.s32 v41, v37;
	v59 =	vld.idx.msk [tilespmem:v5+s2+$0x0], $0xffff  }
.Ltmp2:
0x31b: {  	v55 =	vadd.s32 v48, v55;
	s5 =	simm.s32 @!p1 $0x0;
	v47 =	vadd.s32 v47, v15;
	vm1 =	vgt.f32 v12, $0.0e+00;
	v60 =	vld.idx.msk [tilespmem:v6+s2+$0x0], $0xffff;
	(pc) =	sbr.rel @p0 .LBB2_2-.Ltmp2, $4  }
0x31c: {  	v37 =	vmov s5;
	v48 =	vsel vm1, $0x1, v34;
	vm2 =	vgt.f32 v3, $0.0e+00;
	v58 =	vld.idx.msk [tilespmem:v7+s2+$0x0], $0xffff  }
0x31d: {  	vm3 =	vgt.f32 v56, $0.0e+00;
	v38 =	vsel vm2, $0x1, v34;
	v3 =	vnsel vm2, $0x0, v37  }
0x31e: {  	s1 =	sadd.s32 $0x10, s1;
	v56 =	vsel vm3, $0x1, v34;
	vm2 =	vgt.f32 v57, $0.0e+00;
	v40 =	vadd.s32 v40, v3  }
0x31f: {  	s3 =	sadd.s32 $0x1, s3;
	v61 =	vmov s1;
	v57 =	vnsel vm3, $0x0, v37;
	vm3 =	vgt.f32 v4, $0.0e+00  }
0x320: {  	v3 =	vshll.u32 v61, $0x3  }
0x321: {  	v3 =	vor.u32 v1, v3  }
0x322: {  	v4 =	vor.u32 $0x1, v3  }
0x323: {  	v6 =	vor.u32 $0x2, v3  }
0x324: {  	v5 =	vsel vm2, $0x1, v34;
	v8 =	vor.u32 $0x3, v3  }
0x325: {  	vm4 =	vgt.f32 v59, $0.0e+00;
	v7 =	vnsel vm2, $0x0, v37;
	v11 =	vor.u32 $0x4, v3  }
0x326: {  	v9 =	vor.u32 $0x7, v3;
	v12 =	vor.u32 $0x5, v3;
	v13 =	vor.u32 $0x6, v3;
	v3 =	vld.idx.msk [tilespmem:v3+s2+$0x0], $0xffff  }
0x327: {  	vm5 =	vgt.f32 v60, $0.0e+00;
	v14 =	vsel vm3, $0x1, v34;
	v15 =	vnsel vm3, $0x0, v37;
	v4 =	vld.idx.msk [tilespmem:v4+s2+$0x0], $0xffff  }
0x328: {  	v63 =	vnsel vm1, $0x0, v37;
	v50 =	vadd.s32 v56, v50;
	v51 =	vadd.s32 v51, v57;
	v6 =	vld.idx.msk [tilespmem:v6+s2+$0x0], $0xffff  }
0x329: {  	vm2 =	vgt.f32 v58, $0.0e+00;
	v58 =	vsel vm4, $0x1, v34;
	v59 =	vnsel vm4, $0x0, v37;
	v8 =	vld.idx.msk [tilespmem:v8+s2+$0x0], $0xffff  }
0x32a: {  	v60 =	vsel vm5, $0x1, v34;
	v5 =	vadd.s32 v5, v49;
	v14 =	vadd.s32 v14, v52;
	v11 =	vld.idx.msk [tilespmem:v11+s2+$0x0], $0xffff  }
0x32b: {  	v49 =	vadd.s32 v58, v54;
	v52 =	vadd.s32 v60, v53;
	v54 =	vld.idx.msk [tilespmem:v13+s2+$0x0], $0xffff;
	vm3 =	vgt.f32 v3, $0.0e+00  }
0x32c: {  	v58 =	vadd.s32 v48, v55;
	v3 =	vld.idx.msk [tilespmem:v12+s2+$0x0], $0xffff;
	v60 =	vsel vm3, $0x1, v34;
	vm1 =	vgt.f32 v4, $0.0e+00  }
0x32d: {  	p0 =	slt.u32 s0, s6;
	s0 =	simm.s32 $0x1;
	vm6 =	vgt.f32 v6, $0.0e+00;
	v55 =	vsel vm1, $0x1, v34;
	v12 =	vadd.s32 v60, v58  }
0x32e: {  	s0 =	simm.s32 @!p0 $0x0;
	vm14 =	vgt.f32 v8, $0.0e+00;
	v8 =	vsel vm6, $0x1, v34;
	v13 =	vadd.s32 v55, v50;
	(xrf0) =	vadd.scan.msk.s32 $0xffff, v12  }
0x32f: {  	v62 =	vsel vm2, $0x1, v34;
	v53 =	vmov s0;
	v5 =	vadd.s32 v8, v5;
	(xrf0) =	vadd.scan.msk.s32 $0xffff, v13  }
0x330: {  	vm15 =	vgt.f32 v11, $0.0e+00;
	v57 =	vnsel vm3, $0x0, v53;
	vm3 =	vgt.f32 v54, $0.0e+00;
	(xrf0) =	vadd.scan.msk.s32 $0xffff, v5  }
0x331: {  	v56 =	vnsel vm1, $0x0, v53;
	vm1 =	vgt.f32 v3, $0.0e+00;
	v3 =	vsel vm14, $0x1, v34  }
0x332: {  	v11 =	vnsel vm6, $0x0, v53;
	v8 =	vsel vm15, $0x1, v34;
	v3 =	vadd.s32 v3, v14  }
0x333: {  	v60 =	vadd.s32 v8, v49;
	v8 =	vsel vm3, $0x1, v34;
	(xrf0) =	vadd.scan.msk.s32 $0xffff, v3;
	v3 =	vadd.s32 v62, v46  }
0x334: {  	v3 =	vadd.s32 v8, v3;
	v8 =	vadd.s32 v45, v59;
	v45, _, _ =	vpop (xrf0)  }
0x335: {  	v62 =	vadd.s32 v44, v7;
	(v2sf) =	vpush v45, $0xF;
	v46, _, _ =	vpop (xrf0)  }
0x336: {  	(xrf0) =	vadd.scan.msk.s32 $0xffff, v60;
	v5 =	vadd.s32 v62, v11;
	(v2sf) =	vpush v46, $0xF;
	v11, _, _ =	vpop (xrf0)  }
0x337: {  	v58 =	vsel vm1, $0x1, v34;
	(v2sf) =	vpush v11, $0xF  }
0x338: {  	v4 =	vadd.s32 v58, v52  }
0x339: {  	(xrf0) =	vadd.scan.msk.s32 $0xffff, v4;
	v49, _, _ =	vpop (xrf0)  }
0x33a: {  	v14 =	vadd.s32 v47, v63;
	(v2sf) =	vpush v49, $0xF  }
0x33b: {  	v7 =	vadd.s32 v14, v57;
	(xrf0) =	vadd.scan.msk.s32 $0xffff, v3  }
0x33c: {  	v6 =	vadd.s32 v51, v56;
	(xrf0) =	vadd.scan.msk.s32 $0xffff, v7;
	v51, _, _ =	vpop (xrf0)  }
0x33d: {  	(v2sf) =	vpush v51, $0xF;
	_ =	sdelay $0x1  }
0x33e: {  	(xrf0) =	vadd.scan.msk.s32 $0xffff, v6;
	v52, _, _ =	vpop (xrf0)  }
0x33f: {  	(v2sf) =	vpush v52, $0xF  }
0x340: {  	v61 =	vnsel vm5, $0x0, v37;
	v47 =	vnsel vm14, $0x0, v53;
	v44 =	vadd.s32 v42, v15;
	(xrf0) =	vadd.scan.msk.s32 $0xffff, v5;
	v55, _, _ =	vpop (xrf0)  }
0x341: {  	v54 =	vnsel vm2, $0x0, v37;
	v4 =	vadd.s32 v44, v47;
	v37, _, _ =	vpop (xrf0);
	(v2sf) =	vpush v55, $0xF  }
0x342: {  	v48 =	vld.idx.msk [tilespmem:v9+s2+$0x0], $0xffff;
	v9 =	vnsel vm15, $0x0, v53;
	(xrf0) =	vadd.scan.msk.s32 $0xffff, v4;
	(v2sf) =	vpush v37, $0xF  }
0x343: {  	v8 =	vadd.s32 v8, v9;
	s25 =	spop (v2sf)  }
0x344: {  	v50 =	vnsel vm1, $0x0, v53;
	v3 =	vadd.s32 v43, v61;
	(xrf0) =	vadd.scan.msk.s32 $0xffff, v8;
	v56, _, _ =	vpop (xrf0);
	s5 =	spop (v2sf);
	s3 =	sadd.s32 $0xFF, s25  }
0x345: {  	v3 =	vadd.s32 v3, v50;
	(v2sf) =	vpush v56, $0xF;
	s28 =	spop (v2sf);
	s7 =	sshra.s32 s3, $0x1F;
	s8 =	sand.u32 $0xFF, s3  }
0x346: {  	v57 =	vnsel vm3, $0x0, v53;
	(xrf0) =	vadd.scan.msk.s32 $0xffff, v3;
	v3 =	vadd.s32 v41, v54;
	v58, _, _ =	vpop (xrf0);
	s9 =	sadd.s32 $0xFF, s5;
	p2 =	slt.s32 s3, $0x1;
	s7 =	sshrl.u32 s7, $0x18  }
0x347: {  	v3 =	vadd.s32 v3, v57;
	(v2sf) =	vpush v58, $0xF;
	p1 =	sne.s32 s8, $0x0;
	s10 =	sand.u32 $0xFF, s9;
	p4 =	slt.s32 s9, $0x1  }
0x348: {  	v61, _, _ =	vpop (xrf0);
	s11 =	sshra.s32 s9, $0x1F;
	s15 =	sadd.s32 $0xFF, s28;
	s23 =	spop (v2sf)  }
0x349: {  	vm1 =	vgt.f32 v48, $0.0e+00;
	(v2sf) =	vpush v61, $0xF;
	p0 =	por !p2, !p1;
	p2 =	sne.s32 s10, $0x0;
	s3 =	sadd.s32 s7, s3  }
0x34a: {  	v59 =	vnsel vm1, $0x0, v53;
	(xrf0) =	vadd.scan.msk.s32 $0xffff, v3;
	v3, _, _ =	vpop (xrf0);
	s10 =	simm.s32 $0x1;
	s8 =	sshrl.u32 s11, $0x18;
	s17 =	sand.u32 $0xFF, s15  }
0x34b: {  	v60 =	vadd.s32 v40, v59;
	(v2sf) =	vpush v3, $0xF;
	s11 =	sshra.s32 s15, $0x1F;
	p5 =	slt.s32 s15, $0x1;
	s24 =	spop (v2sf)  }
0x34c: {  	(xrf0) =	vadd.scan.msk.s32 $0xffff, v60;
	v62, _, _ =	vpop (xrf0);
	p1 =	por !p4, !p2;
	s3 =	sshra.s32 s3, $0x8;
	p0 =	por !p0, !p0  }
0x34d: {  	(v2sf) =	vpush v62, $0xF;
	s8 =	sadd.s32 s8, s9;
	s9 =	simm.s32 $0x1;
	p6 =	sne.s32 s17, $0x0  }
0x34e: {  	s11 =	sshrl.u32 s11, $0x18;
	s20 =	spop (v2sf);
	p1 =	por !p1, !p1  }
0x34f: {  	s10 =	simm.s32 @!p0 $0x0;
	s8 =	sshra.s32 s8, $0x8;
	p0 =	por !p5, !p6  }
0x350: {  	v3, _, _ =	vpop (xrf0);
	s0 =	spop (v2sf);
	s9 =	simm.s32 @!p1 $0x0;
	s10 =	ssub.s32 s3, s10  }
0x351: {  	(v2sf) =	vpush v3, $0xF;
	p0 =	por !p0, !p0;
	s1 =	spop (v2sf);
	s8 =	ssub.s32 s8, s9  }
0x352: {  	v3, _, _ =	vpop (xrf0);
	s3 =	sshll.u32 s10, $0x8;
	s9 =	sadd.s32 s11, s15;
	s11 =	simm.s32 $0x1  }
0x353: {  	(v2sf) =	vpush v3, $0xF;
	s15 =	sadd.s32 $0xFF, s23;
	s30 =	sadd.s32 $0xFF, s0;
	[dreg:$0xf] =	wrdreg s1  }
0x354: {  	s1 =	spop (v2sf);
	s10 =	sadd.s32 s10, s8;
	s9 =	sshra.s32 s9, $0x8  }
0x355: {  	s11 =	simm.s32 @!p0 $0x0;
	s19 =	sshra.s32 s15, $0x1F;
	s17 =	sand.u32 $0xFF, s15  }
0x356: {  	p2 =	slt.s32 s15, $0x1;
	s12 =	spop (v2sf);
	s8 =	sshll.u32 s10, $0x8  }
0x357: {  	s9 =	ssub.s32 s9, s11;
	s11 =	sshrl.u32 s19, $0x18;
	p4 =	sne.s32 s17, $0x0  }
0x358: {  	s1 =	sadd.s32 s3, s1;
	s13 =	spop (v2sf);
	s9 =	sadd.s32 s10, s9  }
0x359: {  	s17 =	sadd.s32 s11, s15;
	p0 =	por !p2, !p4;
	s11 =	simm.s32 $0x1  }
0x35a: {  	s15 =	sadd.s32 $0xFF, s24;
	s31 =	sadd.s32 s8, s12;
	s14 =	spop (v2sf)  }
0x35b: {  	p0 =	por !p0, !p0;
	s10 =	sshra.s32 s17, $0x8;
	s17 =	sand.u32 $0xFF, s15  }
0x35c: {  	s19 =	sshra.s32 s15, $0x1F;
	p5 =	slt.s32 s15, $0x1;
	s26 =	spop (v2sf)  }
0x35d: {  	s11 =	simm.s32 @!p0 $0x0;
	p6 =	sne.s32 s17, $0x0;
	s19 =	sshrl.u32 s19, $0x18  }
0x35e: {  	s17 =	sadd.s32 $0xFF, s20;
	s10 =	ssub.s32 s10, s11;
	p0 =	por !p5, !p6  }
0x35f: {  	s11 =	sadd.s32 s19, s15;
	s15 =	simm.s32 $0x1;
	p2 =	slt.s32 s17, $0x1  }
0x360: {  	p6 =	slt.s32 s30, $0x1;
	s29 =	spop (v2sf);
	p0 =	por !p0, !p0  }
0x361: {  	s11 =	sshra.s32 s11, $0x8;
	s19 =	sadd.s32 s9, s10;
	s15 =	simm.s32 @!p0 $0x0  }
0x362: {  	s7 =	spop (v2sf);
	s10 =	ssub.s32 s11, s15;
	s11 =	sand.u32 $0xFF, s17  }
0x363: {  	s15 =	sshra.s32 s17, $0x1F;
	p4 =	sne.s32 s11, $0x0;
	s11 =	sadd.s32 s19, s10  }
0x364: {  	s10 =	sshrl.u32 s15, $0x18;
	s15 =	simm.s32 $0x1;
	s19 =	sshll.u32 s19, $0x8  }
0x365: {  	p0 =	por !p2, !p4;
	s10 =	sadd.s32 s10, s17;
	s17 =	sand.u32 $0xFF, s30  }
0x366: {  	p0 =	por !p0, !p0;
	p5 =	sne.s32 s17, $0x0;
	s17 =	sshra.s32 s30, $0x1F  }
0x367: {  	s15 =	simm.s32 @!p0 $0x0;
	s17 =	sshrl.u32 s17, $0x18;
	p0 =	por !p6, !p5  }
0x368: {  	s10 =	sshra.s32 s10, $0x8;
	s17 =	sadd.s32 s17, s30;
	p0 =	por !p0, !p0  }
0x369: {  	s30 =	simm.s32 $0x1;
	s15 =	ssub.s32 s10, s15;
	s10 =	sshll.u32 s9, $0x8  }
.Ltmp3:
0x36a: {  	s17 =	sshrl.u32 s17, $0x8;
	s30 =	simm.s32 @!p0 $0x0;
	(pc) =	sbr.rel @p3 .LBB2_5-.Ltmp3, $4  }
0x36b: {  	s9 =	sadd.s32 s11, s15;
	s11 =	sshll.u32 s11, $0x8;
	s17 =	ssub.s32 s17, s30  }
0x36c: {  	s30 =	sshll.u32 s9, $0x8;
	s15 =	sadd.s32 s9, s17;
	s17 =	sadd.s32 s10, s13  }
0x36d: {  	v63 =	vsel vm1, $0x1, v34;
	v3 =	vadd.s32 v38, v39;
	s13 =	sadd.s32 s30, s29;
	s29 =	rddreg [dreg:$0xe];
	s9 =	sshll.u32 s15, $0x8  }
0x36e: {  	v38 =	vadd.s32 v63, v3;
	s15 =	sadd.s32 s19, s14;
	s14 =	sadd.s32 s11, s26;
	s12 =	sadd.s32 s9, s7  }
0x36f: {  	(xrf0) =	vadd.scan.msk.s32 $0xffff, v38;
	_ =	sdelay $0x4  }
0x370: {  	p0 =	sgt.s32 s25, $0x0;
	s25 =	simm.s32 $0x1  }
0x371: {  	p4 =	sgt.s32 s5, $0x0;
	s26 =	simm.s32 $0x1;
	p1 =	sgt.s32 s28, $0x0;
	v3, _, _ =	vpop (xrf0)  }
0x372: {  	s5 =	simm.s32 $0x1;
	s7 =	sshra.s32 s8, $0x8;
	p2 =	sgt.s32 s23, $0x0;
	(v2sf) =	vpush v3, $0xF  }
0x373: {  	v4 =	vadd.s32 $0x1, v0;
	s28 =	sshra.s32 s10, $0x8;
	s8 =	sshra.s32 s11, $0x8;
	s10 =	sshra.s32 s30, $0x8;
	v5 =	vmov s7  }
0x374: {  	s23 =	simm.s32 $0x1;
	s25 =	simm.s32 @!p0 $0x0;
	s26 =	simm.s32 @!p4 $0x0;
	v9 =	vmov s28;
	v40 =	vmov s8;
	v47 =	vmov s10  }
0x375: {  	s5 =	simm.s32 @!p1 $0x0;
	s23 =	simm.s32 @!p2 $0x0;
	s7 =	sshra.s32 s19, $0x8;
	v38 =	vmov s25;
	v6 =	vmov s26;
	vm2 =	vlt.s32 v5, v4  }
0x376: {  	p3 =	sgt.s32 s24, $0x0;
	v8 =	vmov s5;
	v12 =	vmov s23;
	v15 =	vmov s7  }
0x377: {  	s24 =	simm.s32 $0x1;
	p5 =	sgt.s32 s20, $0x0;
	s20 =	simm.s32 $0x1;
	v7 =	vsel vm2, $0x1, v34;
	v11 =	vnsel vm2, $0x0, v8;
	vm2 =	vlt.s32 v9, v4  }
0x378: {  	s24 =	simm.s32 @!p3 $0x0;
	s20 =	simm.s32 @!p5 $0x0;
	v13 =	vsel vm2, $0x1, v34;
	v14 =	vnsel vm2, $0x0, v12;
	vm2 =	vlt.s32 v15, v4  }
0x379: {  	s3 =	sshra.s32 s3, $0x8;
	v39 =	vmov s24;
	v45 =	vmov s20;
	v41 =	vsel vm2, $0x1, v34  }
0x37a: {  	v42 =	vnsel vm2, $0x0, v39;
	vm2 =	vlt.s32 v40, v4;
	v3 =	vmov s3  }
0x37b: {  	p6 =	sgt.s32 s0, $0x0;
	s0 =	simm.s32 $0x1;
	v48 =	vadd.s32 $0xFFFFFFFF, v38;
	v44 =	vsel vm2, $0x1, v34;
	vm1 =	vlt.s32 v3, v4  }
0x37c: {  	s0 =	simm.s32 @!p6 $0x0;
	v46 =	vnsel vm2, $0x0, v45;
	vm2 =	vlt.s32 v47, v4;
	v43 =	vnsel vm1, $0x0, v6  }
0x37d: {  	v49 =	vmov s0;
	v50 =	vsel vm2, $0x1, v34;
	v43 =	vadd.s32 v43, v48  }
0x37e: {  	s19 =	sshra.s32 s9, $0x8;
	v51 =	vnsel vm2, $0x0, v49;
	v52 =	vsel vm1, $0x1, v34;
	v11 =	vadd.s32 v11, v43  }
0x37f: {  	v52 =	vadd.s32 v7, v52;
	v43 =	vmov s19;
	v11 =	vadd.s32 v14, v11  }
0x380: {  	vm1 =	vlt.s32 v43, v4;
	v4 =	vadd.s32 v13, v52;
	v13 =	vadd.s32 $0x11, v0  }
0x381: {  	v53 =	vadd.s32 v42, v11;
	v4 =	vadd.s32 v41, v4;
	v55 =	vsel vm1, $0x1, v34;
	s11 =	spop (v2sf)  }
0x382: {  	s3 =	simm.s32 $0x1;
	vm2 =	vlt.s32 v5, v13;
	v7 =	vadd.s32 v46, v53;
	v4 =	vadd.s32 v44, v4;
	p0 =	sgt.s32 s11, $0x0  }
0x383: {  	v41 =	vsel vm2, $0x1, v34;
	v56 =	vnsel vm2, $0x0, v8;
	vm2 =	vlt.s32 v9, v13;
	s3 =	simm.s32 @!p0 $0x0  }
0x384: {  	v7 =	vadd.s32 v51, v7;
	v57 =	vsel vm2, $0x1, v34;
	v11 =	vmov s3  }
0x385: {  	v58 =	vnsel vm2, $0x0, v12;
	vm2 =	vlt.s32 v15, v13;
	v54 =	vnsel vm1, $0x0, v11  }
0x386: {  	v4 =	vadd.s32 v50, v4;
	v59 =	vsel vm2, $0x1, v34;
	v7 =	vadd.s32 v54, v7  }
0x387: {  	v60 =	vnsel vm2, $0x0, v39;
	vm2 =	vlt.s32 v40, v13;
	vm1 =	vgt.s32 v7, $0x0  }
0x388: {  	v62 =	vsel vm2, $0x1, v34;
	v7 =	vnsel vm1, $0x0, v7;
	vm1 =	vlt.s32 v3, v13  }
0x389: {  	v53 =	vnsel vm2, $0x0, v45;
	vm2 =	vlt.s32 v47, v13;
	v61 =	vnsel vm1, $0x0, v6  }
0x38a: {  	v4 =	vadd.s32 v55, v4;
	v63 =	vsel vm2, $0x1, v34;
	v14 =	vadd.s32 v61, v48  }
0x38b: {  	v55 =	vnsel vm2, $0x0, v49;
	v54 =	vsel vm1, $0x1, v34;
	v14 =	vadd.s32 v56, v14  }
0x38c: {  	vm1 =	vlt.s32 v43, v13;
	v41 =	vadd.s32 v41, v54;
	v14 =	vadd.s32 v58, v14  }
0x38d: {  	v51 =	vsel vm1, $0x1, v34;
	v54 =	vadd.s32 $0x21, v0;
	v14 =	vadd.s32 v60, v14  }
0x38e: {  	v46 =	vadd.s32 v57, v41;
	vm2 =	vlt.s32 v3, v54;
	v14 =	vadd.s32 v53, v14  }
0x38f: {  	v13 =	vadd.s32 v59, v46;
	v53 =	vnsel vm1, $0x0, v11;
	v14 =	vadd.s32 v55, v14  }
0x390: {  	v6 =	vnsel vm2, $0x0, v6;
	v13 =	vadd.s32 v62, v13;
	v14 =	vadd.s32 v53, v14  }
0x391: {  	v6 =	vadd.s32 v6, v48;
	v13 =	vadd.s32 v63, v13;
	vm1 =	vgt.s32 v14, $0x0  }
0x392: {  	v13 =	vadd.s32 v51, v13;
	v3 =	vnsel vm1, $0x0, v14;
	vm1 =	vlt.s32 v5, v54  }
0x393: {  	v5 =	vsel vm1, $0x1, v34;
	v8 =	vnsel vm1, $0x0, v8;
	vm1 =	vlt.s32 v9, v54  }
0x394: {  	v9 =	vsel vm1, $0x1, v34;
	v12 =	vnsel vm1, $0x0, v12;
	vm1 =	vlt.s32 v15, v54  }
0x395: {  	v15 =	vsel vm2, $0x1, v34;
	vm2 =	vlt.s32 v40, v54;
	v6 =	vadd.s32 v8, v6  }
0x396: {  	v55 =	vsel vm1, $0x1, v34;
	v39 =	vnsel vm1, $0x0, v39;
	v40 =	vsel vm2, $0x1, v34  }
0x397: {  	v5 =	vadd.s32 v5, v15;
	v15 =	vnsel vm2, $0x0, v45;
	vm1 =	vlt.s32 v47, v54  }
0x398: {  	v6 =	vadd.s32 v12, v6;
	vm2 =	veq.s32 v38, v0;
	v5 =	vadd.s32 v9, v5  }
0x399: {  	v9 =	vsel vm1, $0x1, v34;
	v56 =	vnsel vm1, $0x0, v49;
	vm1 =	vlt.s32 v43, v54  }
0x39a: {  	v6 =	vadd.s32 v39, v6;
	v5 =	vadd.s32 v55, v5;
	v57 =	vsel vm1, $0x1, v34  }
0x39b: {  	v8 =	vnsel vm1, $0x0, v11;
	vm1 =	vmmov vm0;
	v6 =	vadd.s32 v15, v6  }
0x39c: {  	s25 =	sadd.s32 s25, s26;
	v5 =	vadd.s32 v40, v5;
	vm1 =	vmneg @p4 vm1;
	v6 =	vadd.s32 v56, v6  }
0x39d: {  	v5 =	vadd.s32 v9, v5;
	vm1 =	vmand vm1, vm2;
	v9 =	vmov s25  }
0x39e: {  	vm2 =	vmmov vm0;
	v6 =	vadd.s32 v8, v6;
	v5 =	vadd.s32 v57, v5  }
0x39f: {  	s3 =	sadd.s32 s5, s25;
	v11 =	vsel vm1, $0x1, v34;
	vm1 =	veq.s32 v9, v0;
	vm2 =	vmneg @p1 vm2  }
0x3a0: {  	v9 =	vmov s3;
	vm1 =	vmand vm2, vm1;
	vm2 =	vmmov vm0  }
0x3a1: {  	s3 =	sadd.s32 s23, s3;
	v58 =	vsel vm1, $0x2, v34;
	vm1 =	veq.s32 v9, v0;
	vm2 =	vmneg @p2 vm2  }
0x3a2: {  	v8 =	vmov s3;
	vm1 =	vmand vm2, vm1;
	vm2 =	vmmov vm0  }
0x3a3: {  	s3 =	sadd.s32 s24, s3;
	v9 =	vsel vm1, $0x3, v34;
	vm1 =	veq.s32 v8, v0;
	vm2 =	vmneg @p3 vm2  }
0x3a4: {  	v8 =	vor.u32 v11, v58;
	v11 =	vmov s3;
	s3 =	sadd.s32 s20, s3;
	vm1 =	vmand vm2, vm1  }
0x3a5: {  	vm2 =	vmmov vm0;
	v8 =	vadd.s32 v9, v8;
	v9 =	vmov s3  }
0x3a6: {  	v59 =	vsel vm1, $0x4, v34;
	vm1 =	veq.s32 v11, v0;
	vm2 =	vmneg @p5 vm2  }
0x3a7: {  	vm1 =	vmand vm2, vm1;
	vm2 =	vmmov vm0;
	v61 =	vadd.s32 v59, v8  }
0x3a8: {  	[tilespmem:$0x4400] =	vst v4;
	s0 =	sadd.s32 s0, s3;
	v60 =	vsel vm1, $0x5, v34;
	vm1 =	veq.s32 v9, v0;
	vm2 =	vmneg @p6 vm2  }
0x3a9: {  	[tilespmem:$0x4430] =	vst v7;
	v8 =	vmov s0;
	vm1 =	vmand vm2, vm1;
	vm2 =	vmmov vm0  }
0x3aa: {  	[tilespmem:$0x4410] =	vst v13;
	v9 =	vsel vm1, $0x6, v34;
	vm1 =	veq.s32 v8, v0;
	vm2 =	vmneg @p0 vm2  }
0x3ab: {  	[tilespmem:$0x4440] =	vst v3;
	v3 =	vadd.s32 v60, v61;
	vm1 =	vmand vm2, vm1;
	vm2 =	vgt.s32 v6, $0x0  }
0x3ac: {  	[tilespmem:$0x4420] =	vst v5;
	v3 =	vadd.s32 v9, v3;
	v62 =	vnsel vm2, $0x0, v6;
	v63 =	vsel vm1, $0x7, v34  }
0x3ad: {  	s28 =	rddreg [dreg:$0x3];
	[tilespmem:$0x4450] =	vst v62;
	v3 =	vadd.s32 v63, v3  }
.Ltmp4:
0x3ae: {  	s30 =	simm.s32 $0x4400;
	s26 =	sld [smem:$0x7FD];
	[tilespmem:$0x4460] =	vst v3;
	(pc) =	sbr.rel .LBB2_5-.Ltmp4, $4  }
0x3af: {  	[hbm4b:s28+s2] =	stream.linear.scatter [tilespmem:s30], [sflag:$0x2], $0x80, $0x38;
	[tilespmem:$0xA480] =	vst v63  }
0x3b0: {  	_ =	swait.ge [sflag:s18], $0x80  }
0x3b1: {  	[sflag:s18] =	ssyncset.done $0x0  }
0x3b2: {  	p3 =	seq.s32 s26, $0x1;
	[sflag:s18] =	ssyncadd.s32 $0xFFFFFF80  }
.LBB2_6:
0x3b3: {  	_ =	sfence.sel $0x180000  }
0x3b4: {  	[bflag:$0x0] =	sbarrier.arrive $0xFFFF  }
0x3b5: {  	_ =	strace $0x90000047  }
0x3b6: {  	s0 =	stileid.u32;
	[bflag:$0x2] =	sbarrier.arrive $0xFFFF  }
0x3b7: {  	p0 =	sne.s32 s0, $0x0;
	s0 =	rddreg [dreg:$0x1]  }
0x3b8: {  	s0 =	sadd.s32 @!p0 $0x100000, s0  }
0x3b9: {  	[sflag:s0] =	ssyncadd.tile.s32 @!p0 $0x1;
	_ =	shalt  }
.Lfunc_end2:
_tile_overlayer_lowered:
.L_overlay_start_2:
0x3ba: {  	(tag) =	ssettag $0x2  }
0x3bb: {  	s0 =	rddreg [dreg:$0x0];
	s2 =	stileid.u32  }
0x3bc: {  	s1 =	rddreg [dreg:$0x1];
	p0 =	sne.s32 s2, $0x0  }
0x3bd: {  	s3 =	rddreg [dreg:$0x2];
	[bflag:$0x3] =	sbarrier.arrive $0xFFFF;
	s2 =	simm.s32 @!p0 $0x1C02  }
0x3be: {  	[timem:s3], [sflag:s2] =	dma.local @!p0 [hbm:s0], s1  }
0x3bf: {  	s0 =	simm.s32 @!p0 $0x2  }
0x3c0: {  	_ =	swait.ge @!p0 [sflag:s0], s1  }
0x3c1: {  	s1 =	ssub.s32 @!p0 $0x0, s1;
	[sflag:s0] =	ssyncset.done @!p0 $0x0  }
0x3c2: {  	[sflag:s0] =	ssyncadd.s32 @!p0 s1  }
0x3c3: {  	[bflag:$0x3] =	sbarrier.arrive $0xFFFF  }
0x3c4: {  	_ =	shalt  }

</sc_bundles>
